<compile_context>
chip_gen: v7x
topology: tpu7x:2x2x1
jax: 0.10.2.dev20260603
libtpu: 0.0.44.dev20260713+nightly
codegen_flags: <defaults>
</compile_context>

<pallas_src>
import functools

import jax
import jax.numpy as jnp
from jax import lax
from jax.experimental import pallas as pl
from jax.experimental.pallas import tpu as pltpu
from jax.experimental.pallas import tpu_sc as plsc

N = 10000
E = 320000
B = 64
HID = 128

NC = 2
NS = 16
CH = 120

NBUF = 3
E_PAD = 322560
EPS = E_PAD // NS
NCHUNK = EPS // CH
NB = NCHUNK // NBUF
NJ = 10008
RPS = 624
RLAST = N - 15 * RPS

NH = 10240
CPS = NH // NS

_PREC = None


@functools.cache
def _sc_kernels():
    mesh = plsc.VectorSubcoreMesh(core_axis_name="c", subcore_axis_name="s",
                                  num_cores=NC, num_subcores=NS)

    @functools.partial(
        pl.kernel,
        out_type=jax.ShapeDtypeStruct((NC, N, HID), jnp.float32),
        mesh=mesh,
        scratch_types=[
            pltpu.VMEM((NCHUNK, CH), jnp.int32),
            pltpu.VMEM((CH, HID), jnp.float32),
            pltpu.VMEM_SHARED((NJ, HID), jnp.float32),
            pltpu.SemaphoreType.DMA,
        ],
    )
    def deg_kernel(dst4, ones_hbm, out, idx_all, ones_v, acc_sh, sem):
        c = lax.axis_index("c")
        s = lax.axis_index("s")
        r0 = pl.multiple_of(s * RPS, 8)
        rl = pl.multiple_of((NS - 1) * RPS, 8)

        @pl.when(s < NS - 1)
        def _():
            pltpu.sync_copy(ones_hbm.at[pl.ds(r0, RPS)],
                            acc_sh.at[pl.ds(r0, RPS)])

        @pl.when(s == NS - 1)
        def _():
            pltpu.sync_copy(ones_hbm.at[pl.ds(rl, RLAST)],
                            acc_sh.at[pl.ds(rl, RLAST)])

        pltpu.sync_copy(ones_hbm.at[pl.ds(0, CH)], ones_v)
        pltpu.sync_copy(dst4.at[c, s], idx_all)
        plsc.subcore_barrier()

        def body(j, carry):
            for b in range(NBUF):
                i = j * NBUF + b
                pltpu.async_copy(ones_v, acc_sh.at[idx_all.at[i]], sem,
                                 add=True)
            for b in range(NBUF):
                pltpu.make_async_copy(ones_v, acc_sh.at[idx_all.at[j * NBUF]],
                                      sem).wait()
            return carry

        lax.fori_loop(0, NCHUNK // NBUF, body, 0)
        plsc.subcore_barrier()

        @pl.when(s < NS - 1)
        def _():
            pltpu.sync_copy(acc_sh.at[pl.ds(r0, RPS)],
                            out.at[c, pl.ds(r0, RPS)])

        @pl.when(s == NS - 1)
        def _():
            pltpu.sync_copy(acc_sh.at[pl.ds(rl, RLAST)],
                            out.at[c, pl.ds(rl, RLAST)])

    @functools.partial(
        pl.kernel,
        out_type=jax.ShapeDtypeStruct((NC, N, HID), jnp.float32),
        mesh=mesh,
        scratch_types=[
            pltpu.VMEM((2, NBUF, CH), jnp.int32),
            pltpu.VMEM((2, NBUF, CH), jnp.int32),
            pltpu.VMEM((NBUF, CH, HID), jnp.float32),
            pltpu.VMEM_SHARED((NJ, HID), jnp.float32),
            pltpu.SemaphoreType.DMA,
            pltpu.SemaphoreType.DMA,
            pltpu.SemaphoreType.DMA,
            pltpu.SemaphoreType.DMA,
            pltpu.SemaphoreType.DMA,
            pltpu.SemaphoreType.DMA,
        ],
    )
    def scatter_kernel(h_hbm, src_hbm, dst_hbm, out, srcb, dstb, bufs,
                       acc_sh, gsem0, gsem1, gsem2, ssem, isem0, isem1):
        c = lax.axis_index("c")
        s = lax.axis_index("s")
        gsems = [gsem0, gsem1, gsem2]
        r0 = pl.multiple_of(s * RPS, 8)
        rl = pl.multiple_of((NS - 1) * RPS, 8)

        @pl.when(s < NS - 1)
        def _():
            pltpu.sync_copy(h_hbm.at[pl.ds(c * N + r0, RPS)],
                            acc_sh.at[pl.ds(r0, RPS)])

        @pl.when(s == NS - 1)
        def _():
            pltpu.sync_copy(h_hbm.at[pl.ds(c * N + rl, RLAST)],
                            acc_sh.at[pl.ds(rl, RLAST)])

        plsc.subcore_barrier()

        isems = [isem0, isem1]

        def load_idx_batch(j, par):
            for b in range(NBUF):
                pltpu.async_copy(src_hbm.at[c, s, j * NBUF + b],
                                 srcb.at[par, b], isems[par])
                pltpu.async_copy(dst_hbm.at[c, s, j * NBUF + b],
                                 dstb.at[par, b], isems[par])

        def drain_idx_batch(par):
            for b in range(NBUF):
                pltpu.make_async_copy(src_hbm.at[c, s, b], srcb.at[par, b],
                                      isems[par]).wait()
                pltpu.make_async_copy(dst_hbm.at[c, s, b], dstb.at[par, b],
                                      isems[par]).wait()

        load_idx_batch(0, 0)
        drain_idx_batch(0)
        load_idx_batch(1, 1)

        def batch(j, par):
            for b in range(NBUF):
                pltpu.async_copy(h_hbm.at[srcb.at[par, b]], bufs.at[b],
                                 gsems[b])
            for b in range(NBUF):
                pltpu.make_async_copy(h_hbm.at[srcb.at[par, b]], bufs.at[b],
                                      gsems[b]).wait()
                pltpu.async_copy(bufs.at[b], acc_sh.at[dstb.at[par, b]], ssem,
                                 add=True)
            for b in range(NBUF):
                pltpu.make_async_copy(bufs.at[b], acc_sh.at[dstb.at[par, b]],
                                      ssem).wait()

        def body(j2, carry):
            j0 = j2 * 2
            batch(j0, 0)
            drain_idx_batch(1)

            @pl.when(j0 + 2 < NB)
            def _():
                load_idx_batch(j0 + 2, 0)

            batch(j0 + 1, 1)

            @pl.when(j0 + 3 < NB)
            def _():
                load_idx_batch(j0 + 3, 1)

            @pl.when(j0 + 2 < NB)
            def _():
                drain_idx_batch(0)

            return carry

        lax.fori_loop(0, NB // 2, body, 0)
        plsc.subcore_barrier()

        @pl.when(s < NS - 1)
        def _():
            pltpu.sync_copy(acc_sh.at[pl.ds(r0, RPS)], out.at[c, pl.ds(r0, RPS)])

        @pl.when(s == NS - 1)
        def _():
            pltpu.sync_copy(acc_sh.at[pl.ds(rl, RLAST)],
                            out.at[c, pl.ds(rl, RLAST)])

    return deg_kernel, scatter_kernel



BLK = 2000


def _prelu(x, a):
    return jnp.where(x >= 0.0, x, a * x)


def _enc_body(x_ref, wenc_ref, w1_ref, deg_ref, aact_ref, h1_ref):
    x = x_ref[0]
    enc = jnp.dot(x, wenc_ref[...], preferred_element_type=jnp.float32,
                  precision=_PREC)
    enc = _prelu(enc, aact_ref[0])
    dinv = lax.rsqrt(deg_ref[0, :, 0:1])
    h = jnp.dot(enc, w1_ref[0], preferred_element_type=jnp.float32,
                precision=_PREC)
    h1_ref[0] = h * dinv


def _enc_call(x, wenc, w1s, deg3, aact):
    return pl.pallas_call(
        _enc_body,
        grid=(2, N // BLK),
        in_specs=[
            pl.BlockSpec((1, BLK, HID), lambda g, i: (g, i, 0)),
            pl.BlockSpec((HID, HID), lambda g, i: (0, 0)),
            pl.BlockSpec((1, HID, HID), lambda g, i: (g, 0, 0)),
            pl.BlockSpec((1, BLK, HID), lambda g, i: (g, i, 0)),
            pl.BlockSpec(memory_space=pltpu.SMEM),
        ],
        out_specs=pl.BlockSpec((1, BLK, HID), lambda g, i: (g, i, 0)),
        out_shape=jax.ShapeDtypeStruct((2, N, HID), jnp.float32),
    )(x, wenc, w1s, deg3, aact)


def _mid_body(acc_ref, deg_ref, b_ref, av_ref, w2_ref, z1_ref, h2_ref):
    dinv = lax.rsqrt(deg_ref[0, :, 0:1])
    z = _prelu(acc_ref[0] * dinv + b_ref[0], av_ref[0])
    z1_ref[0] = z
    h2_ref[0] = jnp.dot(z, w2_ref[0], preferred_element_type=jnp.float32,
                        precision=_PREC) * dinv


def _mid_call(acc1, deg3, b1s, avs, w2s):
    return pl.pallas_call(
        _mid_body,
        grid=(2, N // BLK),
        in_specs=[
            pl.BlockSpec((1, BLK, HID), lambda g, i: (g, i, 0)),
            pl.BlockSpec((1, BLK, HID), lambda g, i: (g, i, 0)),
            pl.BlockSpec((1, 1, HID), lambda g, i: (g, 0, 0)),
            pl.BlockSpec((1, 1, HID), lambda g, i: (g, 0, 0)),
            pl.BlockSpec((1, HID, HID), lambda g, i: (g, 0, 0)),
        ],
        out_specs=[
            pl.BlockSpec((1, BLK, HID), lambda g, i: (g, i, 0)),
            pl.BlockSpec((1, BLK, HID), lambda g, i: (g, i, 0)),
        ],
        out_shape=[
            jax.ShapeDtypeStruct((2, N, HID), jnp.float32),
            jax.ShapeDtypeStruct((2, N, HID), jnp.float32),
        ],
    )(acc1, deg3, b1s, avs, w2s)


def _pool_body(acc_ref, deg_ref, b_ref, av_ref, z1_ref, batch_ref,
               z2_ref, g_ref):
    dinv = lax.rsqrt(deg_ref[0, :, 0:1])
    z2 = _prelu(acc_ref[0] * dinv + b_ref[0], av_ref[0])
    z2_ref[0] = z2
    bat = batch_ref[0]
    seg = lax.broadcasted_iota(jnp.int32, (B, N), 0)
    p = (bat == seg).astype(jnp.float32)
    cnt = jnp.maximum(jnp.sum(p, axis=1, keepdims=True), 1.0)
    s1 = jnp.dot(p, z1_ref[0], preferred_element_type=jnp.float32,
                 precision=_PREC)
    s2 = jnp.dot(p, z2, preferred_element_type=jnp.float32, precision=_PREC)
    g_ref[0] = jnp.concatenate([s1 / cnt, s2 / cnt], axis=1)


def _pool_call(acc2, deg3, b2s, avs, z1, batch3):
    return pl.pallas_call(
        _pool_body,
        grid=(2,),
        in_specs=[
            pl.BlockSpec((1, N, HID), lambda g: (g, 0, 0)),
            pl.BlockSpec((1, N, HID), lambda g: (g, 0, 0)),
            pl.BlockSpec((1, 1, HID), lambda g: (g, 0, 0)),
            pl.BlockSpec((1, 1, HID), lambda g: (g, 0, 0)),
            pl.BlockSpec((1, N, HID), lambda g: (g, 0, 0)),
            pl.BlockSpec((1, 1, N), lambda g: (g, 0, 0)),
        ],
        out_specs=[
            pl.BlockSpec((1, N, HID), lambda g: (g, 0, 0)),
            pl.BlockSpec((1, B, 2 * HID), lambda g: (g, 0, 0)),
        ],
        out_shape=[
            jax.ShapeDtypeStruct((2, N, HID), jnp.float32),
            jax.ShapeDtypeStruct((2, B, 2 * HID), jnp.float32),
        ],
    )(acc2, deg3, b2s, avs, z1, batch3)


def _mlp1_body(x_ref, w_ref, b_ref, a_ref, out_ref):
    x = x_ref[...]
    h = jnp.dot(x, w_ref[0], preferred_element_type=jnp.float32,
                precision=_PREC) + b_ref[0:1, :]
    h = _prelu(h, a_ref[0])
    h = jnp.dot(h, w_ref[1], preferred_element_type=jnp.float32,
                precision=_PREC) + b_ref[1:2, :]
    h = _prelu(h, a_ref[1])
    h = jnp.dot(h, w_ref[2], preferred_element_type=jnp.float32,
                precision=_PREC) + b_ref[2:3, :]
    h = _prelu(h, a_ref[2])
    skip = jnp.dot(x, w_ref[3], preferred_element_type=jnp.float32,
                   precision=_PREC) + b_ref[3:4, :]
    out_ref[...] = h + skip


def _mlp1_call(x, ws, bs, avals):
    return pl.pallas_call(
        _mlp1_body,
        grid=(2 * N // BLK,),
        in_specs=[
            pl.BlockSpec((BLK, HID), lambda i: (i, 0)),
            pl.BlockSpec((4, HID, HID), lambda i: (0, 0, 0)),
            pl.BlockSpec((4, HID), lambda i: (0, 0)),
            pl.BlockSpec(memory_space=pltpu.SMEM),
        ],
        out_specs=pl.BlockSpec((BLK, HID), lambda i: (i, 0)),
        out_shape=jax.ShapeDtypeStruct((2 * N, HID), jnp.float32),
    )(x, ws, bs, avals)


def _mlp2_body(x_ref, w1_ref, w23_ref, ws_ref, b_ref, a_ref, out_ref):
    x = x_ref[...]
    h = jnp.dot(x, w1_ref[...], preferred_element_type=jnp.float32,
                precision=_PREC) + b_ref[0:1, :]
    h = _prelu(h, a_ref[0])
    h = jnp.dot(h, w23_ref[0], preferred_element_type=jnp.float32,
                precision=_PREC) + b_ref[1:2, :]
    h = _prelu(h, a_ref[1])
    h = jnp.dot(h, w23_ref[1], preferred_element_type=jnp.float32,
                precision=_PREC) + b_ref[2:3, :]
    h = _prelu(h, a_ref[2])
    skip = jnp.dot(x, ws_ref[...], preferred_element_type=jnp.float32,
                   precision=_PREC) + b_ref[3:4, :]
    out_ref[...] = h + skip


def _mlp2_call(x, w1, w23, ws, bs, avals):
    return pl.pallas_call(
        _mlp2_body,
        in_specs=[
            pl.BlockSpec((2 * B, 2 * HID), lambda: (0, 0)),
            pl.BlockSpec((2 * HID, HID), lambda: (0, 0)),
            pl.BlockSpec((2, HID, HID), lambda: (0, 0, 0)),
            pl.BlockSpec((2 * HID, HID), lambda: (0, 0)),
            pl.BlockSpec((4, HID), lambda: (0, 0)),
            pl.BlockSpec(memory_space=pltpu.SMEM),
        ],
        out_specs=pl.BlockSpec((2 * B, HID), lambda: (0, 0)),
        out_shape=jax.ShapeDtypeStruct((2 * B, HID), jnp.float32),
    )(x, w1, w23, ws, bs, avals)



def kernel(local_x, global_x, local_edge_index, global_edge_index,
           local_batch, global_batch, params):
    p = params
    lei = local_edge_index.astype(jnp.int32)
    gei = global_edge_index.astype(jnp.int32)
    pad = E_PAD - E
    zpad = jnp.zeros((pad,), jnp.int32)
    npad = jnp.full((pad,), N, jnp.int32)
    src2 = jnp.stack([
        jnp.concatenate([lei[0], zpad]),
        jnp.concatenate([gei[0], zpad]) + N,
    ])
    dst2 = jnp.stack([
        jnp.concatenate([lei[1], npad]),
        jnp.concatenate([gei[1], npad]),
    ])
    src4 = src2.reshape(2, NS, NCHUNK, CH)
    dst4 = dst2.reshape(2, NS, NCHUNK, CH)

    x = jnp.stack([local_x, global_x])
    batch3 = jnp.stack([local_batch.astype(jnp.int32),
                        global_batch.astype(jnp.int32)]).reshape(2, 1, N)

    w1s = jnp.stack([p['gnn1']['layers'][0][0], p['gnn2']['layers'][0][0]])
    b1s = jnp.stack([p['gnn1']['layers'][0][1],
                     p['gnn2']['layers'][0][1]]).reshape(2, 1, HID)
    w2s = jnp.stack([p['gnn1']['layers'][1][0], p['gnn2']['layers'][1][0]])
    b2s = jnp.stack([p['gnn1']['layers'][1][1],
                     p['gnn2']['layers'][1][1]]).reshape(2, 1, HID)
    avs = jnp.stack([p['gnn1']['a'], p['gnn2']['a']]).reshape(2, 1, HID)
    aact = jnp.reshape(p['a_act'], (1,))

    deg_kernel, scatter_kernel = _sc_kernels()
    deg3 = deg_kernel(dst4, jnp.ones((NJ, HID), jnp.float32))

    h1 = _enc_call(x, p['W_enc'], w1s, deg3, aact)
    acc1 = scatter_kernel(h1.reshape(2 * N, HID), src4, dst4)
    z1, h2 = _mid_call(acc1, deg3, b1s, avs, w2s)
    acc2 = scatter_kernel(h2.reshape(2 * N, HID), src4, dst4)
    z2, g = _pool_call(acc2, deg3, b2s, avs, z1, batch3)

    m1 = p['mlp1']
    zout = _mlp1_call(
        z2.reshape(2 * N, HID),
        jnp.stack([m1['W1'], m1['W2'], m1['W3'], m1['Ws']]),
        jnp.stack([m1['b1'], m1['b2'], m1['b3'], m1['bs']]),
        jnp.stack([m1['a1'], m1['a2'], m1['a3']]),
    )
    m2 = p['mlp2']
    gout = _mlp2_call(
        g.reshape(2 * B, 2 * HID),
        m2['W1'],
        jnp.stack([m2['W2'], m2['W3']]),
        m2['Ws'],
        jnp.stack([m2['b1'], m2['b2'], m2['b3'], m2['bs']]),
        jnp.stack([m2['a1'], m2['a2'], m2['a3']]),
    )

    lz = zout[:N]
    gz = zout[N:]
    lg = gout[:B]
    gg = gout[B:]
    return (lz, lg, gz, gg)

# --- scband reference (transcript-rebuilt; emitter-appended) ---
"""Pipeline reference for scband-urban-sparse-13589276525123 (READ-ONLY COPY).

The authoritative reference and input builder live on the scoring server;
editing this copy changes nothing except your own understanding.
"""

import jax, jax.numpy as jnp
import numpy as np

N = 10000
E = 320000
B = 64
HID = 128
NUM_LAYERS = 2


def prelu(x, a):
    return jnp.where(x >= 0, x, a * x)


def gcn_conv(x, edge_index, W, b, n):
    src = edge_index[0]
    dst = edge_index[1]
    loops = jnp.arange(n, dtype=src.dtype)
    src = jnp.concatenate([src, loops])
    dst = jnp.concatenate([dst, loops])
    h = x @ W
    ones = jnp.ones(src.shape[0], dtype=h.dtype)
    deg = jax.ops.segment_sum(ones, dst, num_segments=n)
    dinv = jnp.where(deg > 0, deg ** -0.5, 0.0)
    norm = dinv[src] * dinv[dst]
    msg = h[src] * norm[:, None]
    out = jax.ops.segment_sum(msg, dst, num_segments=n)
    return out + b


def global_mean_pool(z, batch, nb):
    cnt = jax.ops.segment_sum(jnp.ones(z.shape[0], dtype=z.dtype), batch, num_segments=nb)
    s = jax.ops.segment_sum(z, batch, num_segments=nb)
    return s / jnp.clip(cnt, 1.0)[:, None]


def gconv(x, edge_index, batch, gp, n, nb):
    z = x
    zs = []
    for (W, b) in gp['layers']:
        z = gcn_conv(z, edge_index, W, b, n)
        z = prelu(z, gp['a'])
        zs.append(z)
    gs = [global_mean_pool(zz, batch, nb) for zz in zs]
    g = jnp.concatenate(gs, axis=1)
    return z, g


def mlp(x, p):
    h = prelu(x @ p['W1'] + p['b1'], p['a1'])
    h = prelu(h @ p['W2'] + p['b2'], p['a2'])
    h = prelu(h @ p['W3'] + p['b3'], p['a3'])
    return h + (x @ p['Ws'] + p['bs'])


def make_params(key):
    ks = iter(jax.random.split(key, 64))
    def lin(i, o):
        return (jax.random.normal(next(ks), (i, o), dtype=jnp.float32) / np.sqrt(i)).astype(jnp.float32)
    p = {}
    p['W_enc'] = lin(HID, HID)
    p['a_act'] = jnp.asarray(0.25, dtype=jnp.float32)
    for g in ['gnn1', 'gnn2']:
        p[g] = {
            'layers': [(lin(HID, HID), jnp.zeros((HID,), jnp.float32)) for _ in range(NUM_LAYERS)],
            'a': jnp.full((HID,), 0.25, dtype=jnp.float32),
        }
    def mlp_p(i, o):
        return {'W1': lin(i, o), 'b1': jnp.zeros((o,), jnp.float32), 'a1': jnp.asarray(0.25, jnp.float32),
                'W2': lin(o, o), 'b2': jnp.zeros((o,), jnp.float32), 'a2': jnp.asarray(0.25, jnp.float32),
                'W3': lin(o, o), 'b3': jnp.zeros((o,), jnp.float32), 'a3': jnp.asarray(0.25, jnp.float32),
                'Ws': lin(i, o), 'bs': jnp.zeros((o,), jnp.float32)}
    p['mlp1'] = mlp_p(HID, HID)
    p['mlp2'] = mlp_p(2 * HID, HID)
    return p


def setup_inputs(seed: int = 0) -> dict:
    key = jax.random.key(seed)
    k1, k2, k3, k4, k5, k6, k7 = jax.random.split(key, 7)
    local_x = jax.random.normal(k1, (N, HID), dtype=jnp.float32)
    global_x = jax.random.normal(k2, (N, HID), dtype=jnp.float32)
    local_edge_index = jax.random.randint(k3, (2, E), 0, N, dtype=jnp.int64)
    global_edge_index = jax.random.randint(k4, (2, E), 0, N, dtype=jnp.int64)
    local_batch = jnp.sort(jax.random.randint(k5, (N,), 0, B, dtype=jnp.int64))
    global_batch = jnp.sort(jax.random.randint(k6, (N,), 0, B, dtype=jnp.int64))
    params = make_params(k7)
    return {'local_x': local_x, 'global_x': global_x,
            'local_edge_index': local_edge_index, 'global_edge_index': global_edge_index,
            'local_batch': local_batch, 'global_batch': global_batch,
            'params': params}


def reference(local_x, global_x, local_edge_index, global_edge_index, local_batch, global_batch, params):
    # eval mode: drop_node is skipped
    lx = prelu(local_x @ params['W_enc'], params['a_act'])
    gx = prelu(global_x @ params['W_enc'], params['a_act'])
    lz, lg = gconv(lx, local_edge_index, local_batch, params['gnn1'], N, B)
    gz, gg = gconv(gx, global_edge_index, global_batch, params['gnn2'], N, B)
    lz = mlp(lz, params['mlp1'])
    gz = mlp(gz, params['mlp1'])
    lg = mlp(lg, params['mlp2'])
    gg = mlp(gg, params['mlp2'])
    return (lz, lg, gz, gg)

if __name__ == "__main__":
    import jax
    _d = setup_inputs()
    print(jax.jit(kernel)(*tuple(_d.values())))

</pallas_src>

<mosaic_0001>
#map = affine_map<(d0, d1) -> (0, 0)>
#map1 = affine_map<(d0, d1) -> (0, 0, 0, 0)>
#map2 = affine_map<(d0, d1) -> (0, 0, 0)>
module attributes {stable_mosaic.version = 14 : i64} {
  func.func @scatter_kernel(%arg0: i32, %arg1: i32, %arg2: memref<20000x128xf32, #tpu.memory_space<hbm>>, %arg3: memref<2x16x168x120xi32, #tpu.memory_space<hbm>>, %arg4: memref<2x16x168x120xi32, #tpu.memory_space<hbm>>, %arg5: memref<2x10000x128xf32, #tpu.memory_space<hbm>>, %arg6: memref<2x3x120xi32, #tpu.memory_space<vmem>>, %arg7: memref<2x3x120xi32, #tpu.memory_space<vmem>>, %arg8: memref<3x120x128xf32, #tpu.memory_space<vmem>>, %arg9: memref<10008x128xf32, #tpu.memory_space<vmem_shared>>, %arg10: memref<!tpu.dma_semaphore, #tpu.memory_space<semaphore_mem>>, %arg11: memref<!tpu.dma_semaphore, #tpu.memory_space<semaphore_mem>>, %arg12: memref<!tpu.dma_semaphore, #tpu.memory_space<semaphore_mem>>, %arg13: memref<!tpu.dma_semaphore, #tpu.memory_space<semaphore_mem>>, %arg14: memref<!tpu.dma_semaphore, #tpu.memory_space<semaphore_mem>>, %arg15: memref<!tpu.dma_semaphore, #tpu.memory_space<semaphore_mem>>) attributes {dimension_semantics = [#tpu.dimension_semantics<core_parallel>, #tpu.dimension_semantics<subcore_parallel>], iteration_bounds = array<i64: 2, 16>, scalar_prefetch = 0 : i64, scratch_operands = 10 : i64, tpu.core_type = #tpu.core_type<sc_vector_subcore>, window_params = [{transform_indices = #map}, {transform_indices = #map1}, {transform_indices = #map1}, {transform_indices = #map2}]} {
    %mul3A = arith.constant 624 : i32
    %mul3A_0 = arith.muli %arg1, %mul3A : i32
    %multiple_of3A = tpu.assume_multiple %mul3A_0, 8 : i32
    %multiple_of3A_1 = arith.constant 9360 : i32
    %multiple_of3A_2 = tpu.assume_multiple %multiple_of3A_1, 8 : i32
    %lt3A = arith.constant 15 : i32
    %lt3A_3 = arith.cmpi slt, %arg1, %lt3A : i32
    %convert_element_type3A = arith.extui %lt3A_3 : i1 to i32
    %cond3A = arith.constant 0 : i32
    %cond3A_4 = arith.cmpi ne, %convert_element_type3A, %cond3A : i32
    scf.if %cond3A_4 {
      %mul3A_293 = arith.constant 10000 : i32
      %mul3A_294 = arith.muli %arg0, %mul3A_293 : i32
      %add3A = arith.addi %mul3A_294, %multiple_of3A : i32
      "tpu.region"() ({
        %run_scoped3A = tpu.sem_alloc : memref<!tpu.dma_semaphore, #tpu.memory_space<semaphore_mem>>
        %dma_start3A_295 = arith.constant 0 : i32
        %dma_start3A_296 = tpu.memref_slice %arg9[%multiple_of3A, %dma_start3A_295] : memref<10008x128xf32, #tpu.memory_space<vmem_shared>> -> memref<624x128xf32, #tpu.memory_space<vmem_shared>>
        %dma_start3A_297 = arith.constant 0 : i32
        %dma_start3A_298 = tpu.memref_slice %arg2[%add3A, %dma_start3A_297] : memref<20000x128xf32, #tpu.memory_space<hbm>> -> memref<624x128xf32, #tpu.memory_space<hbm>>
        tpu.enqueue_dma source(%dma_start3A_298 : memref<624x128xf32, #tpu.memory_space<hbm>>) target(%dma_start3A_296 : memref<624x128xf32, #tpu.memory_space<vmem_shared>>) target_semaphore(%run_scoped3A : memref<!tpu.dma_semaphore, #tpu.memory_space<semaphore_mem>>)
        %dma_wait3A_299 = arith.constant 0 : i32
        %dma_wait3A_300 = tpu.memref_slice %arg9[%multiple_of3A, %dma_wait3A_299] : memref<10008x128xf32, #tpu.memory_space<vmem_shared>> -> memref<624x128xf32, #tpu.memory_space<vmem_shared>>
        %dma_wait3A_301 = arith.constant 0 : i32
        %dma_wait3A_302 = tpu.memref_slice %arg2[%add3A, %dma_wait3A_301] : memref<20000x128xf32, #tpu.memory_space<hbm>> -> memref<624x128xf32, #tpu.memory_space<hbm>>
        tpu.wait_dma2 semaphore(%run_scoped3A : memref<!tpu.dma_semaphore, #tpu.memory_space<semaphore_mem>>) src(%dma_wait3A_302 : memref<624x128xf32, #tpu.memory_space<hbm>>) dst(%dma_wait3A_300 : memref<624x128xf32, #tpu.memory_space<vmem_shared>>)
        tpu.yield
      }) : () -> ()
    } else {
    }
    %eq3A = arith.constant 15 : i32
    %eq3A_5 = arith.cmpi eq, %arg1, %eq3A : i32
    %convert_element_type3A_6 = arith.extui %eq3A_5 : i1 to i32
    %cond3A_7 = arith.constant 0 : i32
    %cond3A_8 = arith.cmpi ne, %convert_element_type3A_6, %cond3A_7 : i32
    scf.if %cond3A_8 {
      %mul3A_293 = arith.constant 10000 : i32
      %mul3A_294 = arith.muli %arg0, %mul3A_293 : i32
      %add3A = arith.addi %mul3A_294, %multiple_of3A_2 : i32
      "tpu.region"() ({
        %run_scoped3A = tpu.sem_alloc : memref<!tpu.dma_semaphore, #tpu.memory_space<semaphore_mem>>
        %dma_start3A_295 = arith.constant 0 : i32
        %dma_start3A_296 = tpu.memref_slice %arg9[%multiple_of3A_2, %dma_start3A_295] : memref<10008x128xf32, #tpu.memory_space<vmem_shared>> -> memref<640x128xf32, #tpu.memory_space<vmem_shared>>
        %dma_start3A_297 = arith.constant 0 : i32
        %dma_start3A_298 = tpu.memref_slice %arg2[%add3A, %dma_start3A_297] : memref<20000x128xf32, #tpu.memory_space<hbm>> -> memref<640x128xf32, #tpu.memory_space<hbm>>
        tpu.enqueue_dma source(%dma_start3A_298 : memref<640x128xf32, #tpu.memory_space<hbm>>) target(%dma_start3A_296 : memref<640x128xf32, #tpu.memory_space<vmem_shared>>) target_semaphore(%run_scoped3A : memref<!tpu.dma_semaphore, #tpu.memory_space<semaphore_mem>>)
        %dma_wait3A_299 = arith.constant 0 : i32
        %dma_wait3A_300 = tpu.memref_slice %arg9[%multiple_of3A_2, %dma_wait3A_299] : memref<10008x128xf32, #tpu.memory_space<vmem_shared>> -> memref<640x128xf32, #tpu.memory_space<vmem_shared>>
        %dma_wait3A_301 = arith.constant 0 : i32
        %dma_wait3A_302 = tpu.memref_slice %arg2[%add3A, %dma_wait3A_301] : memref<20000x128xf32, #tpu.memory_space<hbm>> -> memref<640x128xf32, #tpu.memory_space<hbm>>
        tpu.wait_dma2 semaphore(%run_scoped3A : memref<!tpu.dma_semaphore, #tpu.memory_space<semaphore_mem>>) src(%dma_wait3A_302 : memref<640x128xf32, #tpu.memory_space<hbm>>) dst(%dma_wait3A_300 : memref<640x128xf32, #tpu.memory_space<vmem_shared>>)
        tpu.yield
      }) : () -> ()
    } else {
    }
    %barrier3A = arith.constant 0 : index
    tpu.barrier barrier_id(%barrier3A)
    %dma_start3A = arith.constant 0 : i32
    %dma_start3A_9 = arith.constant 0 : i32
    %dma_start3A_10 = arith.constant 0 : i32
    %dma_start3A_11 = arith.constant 0 : i32
    %dma_start3A_12 = tpu.memref_slice %arg6[%dma_start3A_9, %dma_start3A_10, %dma_start3A_11] : memref<2x3x120xi32, #tpu.memory_space<vmem>> -> memref<1x1x120xi32, #tpu.memory_space<vmem>>
    %dma_start3A_13 = tpu.memref_squeeze %dma_start3A_12 : memref<1x1x120xi32, #tpu.memory_space<vmem>> -> memref<120xi32, #tpu.memory_space<vmem>>
    %dma_start3A_14 = arith.constant 0 : i32
    %dma_start3A_15 = tpu.memref_slice %arg3[%arg0, %arg1, %dma_start3A, %dma_start3A_14] : memref<2x16x168x120xi32, #tpu.memory_space<hbm>> -> memref<1x1x1x120xi32, #tpu.memory_space<hbm>>
    %dma_start3A_16 = tpu.memref_squeeze %dma_start3A_15 : memref<1x1x1x120xi32, #tpu.memory_space<hbm>> -> memref<120xi32, #tpu.memory_space<hbm>>
    %dma_start3A_17 = arith.constant 0 : i32
    %dma_start3A_18 = tpu.memref_slice %arg6[%dma_start3A_9, %dma_start3A_10, %dma_start3A_17] : memref<2x3x120xi32, #tpu.memory_space<vmem>> -> memref<1x1x120xi32, #tpu.memory_space<vmem>>
    %dma_start3A_19 = tpu.memref_squeeze %dma_start3A_18 : memref<1x1x120xi32, #tpu.memory_space<vmem>> -> memref<120xi32, #tpu.memory_space<vmem>>
    %dma_start3A_20 = arith.constant 0 : i32
    %dma_start3A_21 = tpu.memref_slice %arg3[%arg0, %arg1, %dma_start3A, %dma_start3A_20] : memref<2x16x168x120xi32, #tpu.memory_space<hbm>> -> memref<1x1x1x120xi32, #tpu.memory_space<hbm>>
    %dma_start3A_22 = tpu.memref_squeeze %dma_start3A_21 : memref<1x1x1x120xi32, #tpu.memory_space<hbm>> -> memref<120xi32, #tpu.memory_space<hbm>>
    tpu.enqueue_dma source(%dma_start3A_22 : memref<120xi32, #tpu.memory_space<hbm>>) target(%dma_start3A_19 : memref<120xi32, #tpu.memory_space<vmem>>) target_semaphore(%arg14 : memref<!tpu.dma_semaphore, #tpu.memory_space<semaphore_mem>>)
    %dma_start3A_23 = arith.constant 0 : i32
    %dma_start3A_24 = arith.constant 0 : i32
    %dma_start3A_25 = arith.constant 0 : i32
    %dma_start3A_26 = arith.constant 0 : i32
    %dma_start3A_27 = tpu.memref_slice %arg7[%dma_start3A_24, %dma_start3A_25, %dma_start3A_26] : memref<2x3x120xi32, #tpu.memory_space<vmem>> -> memref<1x1x120xi32, #tpu.memory_space<vmem>>
    %dma_start3A_28 = tpu.memref_squeeze %dma_start3A_27 : memref<1x1x120xi32, #tpu.memory_space<vmem>> -> memref<120xi32, #tpu.memory_space<vmem>>
    %dma_start3A_29 = arith.constant 0 : i32
    %dma_start3A_30 = tpu.memref_slice %arg4[%arg0, %arg1, %dma_start3A_23, %dma_start3A_29] : memref<2x16x168x120xi32, #tpu.memory_space<hbm>> -> memref<1x1x1x120xi32, #tpu.memory_space<hbm>>
    %dma_start3A_31 = tpu.memref_squeeze %dma_start3A_30 : memref<1x1x1x120xi32, #tpu.memory_space<hbm>> -> memref<120xi32, #tpu.memory_space<hbm>>
    %dma_start3A_32 = arith.constant 0 : i32
    %dma_start3A_33 = tpu.memref_slice %arg7[%dma_start3A_24, %dma_start3A_25, %dma_start3A_32] : memref<2x3x120xi32, #tpu.memory_space<vmem>> -> memref<1x1x120xi32, #tpu.memory_space<vmem>>
    %dma_start3A_34 = tpu.memref_squeeze %dma_start3A_33 : memref<1x1x120xi32, #tpu.memory_space<vmem>> -> memref<120xi32, #tpu.memory_space<vmem>>
    %dma_start3A_35 = arith.constant 0 : i32
    %dma_start3A_36 = tpu.memref_slice %arg4[%arg0, %arg1, %dma_start3A_23, %dma_start3A_35] : memref<2x16x168x120xi32, #tpu.memory_space<hbm>> -> memref<1x1x1x120xi32, #tpu.memory_space<hbm>>
    %dma_start3A_37 = tpu.memref_squeeze %dma_start3A_36 : memref<1x1x1x120xi32, #tpu.memory_space<hbm>> -> memref<120xi32, #tpu.memory_space<hbm>>
    tpu.enqueue_dma source(%dma_start3A_37 : memref<120xi32, #tpu.memory_space<hbm>>) target(%dma_start3A_34 : memref<120xi32, #tpu.memory_space<vmem>>) target_semaphore(%arg14 : memref<!tpu.dma_semaphore, #tpu.memory_space<semaphore_mem>>)
    %dma_start3A_38 = arith.constant 1 : i32
    %dma_start3A_39 = arith.constant 0 : i32
    %dma_start3A_40 = arith.constant 1 : i32
    %dma_start3A_41 = arith.constant 0 : i32
    %dma_start3A_42 = tpu.memref_slice %arg6[%dma_start3A_39, %dma_start3A_40, %dma_start3A_41] : memref<2x3x120xi32, #tpu.memory_space<vmem>> -> memref<1x1x120xi32, #tpu.memory_space<vmem>>
    %dma_start3A_43 = tpu.memref_squeeze %dma_start3A_42 : memref<1x1x120xi32, #tpu.memory_space<vmem>> -> memref<120xi32, #tpu.memory_space<vmem>>
    %dma_start3A_44 = arith.constant 0 : i32
    %dma_start3A_45 = tpu.memref_slice %arg3[%arg0, %arg1, %dma_start3A_38, %dma_start3A_44] : memref<2x16x168x120xi32, #tpu.memory_space<hbm>> -> memref<1x1x1x120xi32, #tpu.memory_space<hbm>>
    %dma_start3A_46 = tpu.memref_squeeze %dma_start3A_45 : memref<1x1x1x120xi32, #tpu.memory_space<hbm>> -> memref<120xi32, #tpu.memory_space<hbm>>
    %dma_start3A_47 = arith.constant 0 : i32
    %dma_start3A_48 = tpu.memref_slice %arg6[%dma_start3A_39, %dma_start3A_40, %dma_start3A_47] : memref<2x3x120xi32, #tpu.memory_space<vmem>> -> memref<1x1x120xi32, #tpu.memory_space<vmem>>
    %dma_start3A_49 = tpu.memref_squeeze %dma_start3A_48 : memref<1x1x120xi32, #tpu.memory_space<vmem>> -> memref<120xi32, #tpu.memory_space<vmem>>
    %dma_start3A_50 = arith.constant 0 : i32
    %dma_start3A_51 = tpu.memref_slice %arg3[%arg0, %arg1, %dma_start3A_38, %dma_start3A_50] : memref<2x16x168x120xi32, #tpu.memory_space<hbm>> -> memref<1x1x1x120xi32, #tpu.memory_space<hbm>>
    %dma_start3A_52 = tpu.memref_squeeze %dma_start3A_51 : memref<1x1x1x120xi32, #tpu.memory_space<hbm>> -> memref<120xi32, #tpu.memory_space<hbm>>
    tpu.enqueue_dma source(%dma_start3A_52 : memref<120xi32, #tpu.memory_space<hbm>>) target(%dma_start3A_49 : memref<120xi32, #tpu.memory_space<vmem>>) target_semaphore(%arg14 : memref<!tpu.dma_semaphore, #tpu.memory_space<semaphore_mem>>)
    %dma_start3A_53 = arith.constant 1 : i32
    %dma_start3A_54 = arith.constant 0 : i32
    %dma_start3A_55 = arith.constant 1 : i32
    %dma_start3A_56 = arith.constant 0 : i32
    %dma_start3A_57 = tpu.memref_slice %arg7[%dma_start3A_54, %dma_start3A_55, %dma_start3A_56] : memref<2x3x120xi32, #tpu.memory_space<vmem>> -> memref<1x1x120xi32, #tpu.memory_space<vmem>>
    %dma_start3A_58 = tpu.memref_squeeze %dma_start3A_57 : memref<1x1x120xi32, #tpu.memory_space<vmem>> -> memref<120xi32, #tpu.memory_space<vmem>>
    %dma_start3A_59 = arith.constant 0 : i32
    %dma_start3A_60 = tpu.memref_slice %arg4[%arg0, %arg1, %dma_start3A_53, %dma_start3A_59] : memref<2x16x168x120xi32, #tpu.memory_space<hbm>> -> memref<1x1x1x120xi32, #tpu.memory_space<hbm>>
    %dma_start3A_61 = tpu.memref_squeeze %dma_start3A_60 : memref<1x1x1x120xi32, #tpu.memory_space<hbm>> -> memref<120xi32, #tpu.memory_space<hbm>>
    %dma_start3A_62 = arith.constant 0 : i32
    %dma_start3A_63 = tpu.memref_slice %arg7[%dma_start3A_54, %dma_start3A_55, %dma_start3A_62] : memref<2x3x120xi32, #tpu.memory_space<vmem>> -> memref<1x1x120xi32, #tpu.memory_space<vmem>>
    %dma_start3A_64 = tpu.memref_squeeze %dma_start3A_63 : memref<1x1x120xi32, #tpu.memory_space<vmem>> -> memref<120xi32, #tpu.memory_space<vmem>>
    %dma_start3A_65 = arith.constant 0 : i32
    %dma_start3A_66 = tpu.memref_slice %arg4[%arg0, %arg1, %dma_start3A_53, %dma_start3A_65] : memref<2x16x168x120xi32, #tpu.memory_space<hbm>> -> memref<1x1x1x120xi32, #tpu.memory_space<hbm>>
    %dma_start3A_67 = tpu.memref_squeeze %dma_start3A_66 : memref<1x1x1x120xi32, #tpu.memory_space<hbm>> -> memref<120xi32, #tpu.memory_space<hbm>>
    tpu.enqueue_dma source(%dma_start3A_67 : memref<120xi32, #tpu.memory_space<hbm>>) target(%dma_start3A_64 : memref<120xi32, #tpu.memory_space<vmem>>) target_semaphore(%arg14 : memref<!tpu.dma_semaphore, #tpu.memory_space<semaphore_mem>>)
    %dma_start3A_68 = arith.constant 2 : i32
    %dma_start3A_69 = arith.constant 0 : i32
    %dma_start3A_70 = arith.constant 2 : i32
    %dma_start3A_71 = arith.constant 0 : i32
    %dma_start3A_72 = tpu.memref_slice %arg6[%dma_start3A_69, %dma_start3A_70, %dma_start3A_71] : memref<2x3x120xi32, #tpu.memory_space<vmem>> -> memref<1x1x120xi32, #tpu.memory_space<vmem>>
    %dma_start3A_73 = tpu.memref_squeeze %dma_start3A_72 : memref<1x1x120xi32, #tpu.memory_space<vmem>> -> memref<120xi32, #tpu.memory_space<vmem>>
    %dma_start3A_74 = arith.constant 0 : i32
    %dma_start3A_75 = tpu.memref_slice %arg3[%arg0, %arg1, %dma_start3A_68, %dma_start3A_74] : memref<2x16x168x120xi32, #tpu.memory_space<hbm>> -> memref<1x1x1x120xi32, #tpu.memory_space<hbm>>
    %dma_start3A_76 = tpu.memref_squeeze %dma_start3A_75 : memref<1x1x1x120xi32, #tpu.memory_space<hbm>> -> memref<120xi32, #tpu.memory_space<hbm>>
    %dma_start3A_77 = arith.constant 0 : i32
    %dma_start3A_78 = tpu.memref_slice %arg6[%dma_start3A_69, %dma_start3A_70, %dma_start3A_77] : memref<2x3x120xi32, #tpu.memory_space<vmem>> -> memref<1x1x120xi32, #tpu.memory_space<vmem>>
    %dma_start3A_79 = tpu.memref_squeeze %dma_start3A_78 : memref<1x1x120xi32, #tpu.memory_space<vmem>> -> memref<120xi32, #tpu.memory_space<vmem>>
    %dma_start3A_80 = arith.constant 0 : i32
    %dma_start3A_81 = tpu.memref_slice %arg3[%arg0, %arg1, %dma_start3A_68, %dma_start3A_80] : memref<2x16x168x120xi32, #tpu.memory_space<hbm>> -> memref<1x1x1x120xi32, #tpu.memory_space<hbm>>
    %dma_start3A_82 = tpu.memref_squeeze %dma_start3A_81 : memref<1x1x1x120xi32, #tpu.memory_space<hbm>> -> memref<120xi32, #tpu.memory_space<hbm>>
    tpu.enqueue_dma source(%dma_start3A_82 : memref<120xi32, #tpu.memory_space<hbm>>) target(%dma_start3A_79 : memref<120xi32, #tpu.memory_space<vmem>>) target_semaphore(%arg14 : memref<!tpu.dma_semaphore, #tpu.memory_space<semaphore_mem>>)
    %dma_start3A_83 = arith.constant 2 : i32
    %dma_start3A_84 = arith.constant 0 : i32
    %dma_start3A_85 = arith.constant 2 : i32
    %dma_start3A_86 = arith.constant 0 : i32
    %dma_start3A_87 = tpu.memref_slice %arg7[%dma_start3A_84, %dma_start3A_85, %dma_start3A_86] : memref<2x3x120xi32, #tpu.memory_space<vmem>> -> memref<1x1x120xi32, #tpu.memory_space<vmem>>
    %dma_start3A_88 = tpu.memref_squeeze %dma_start3A_87 : memref<1x1x120xi32, #tpu.memory_space<vmem>> -> memref<120xi32, #tpu.memory_space<vmem>>
    %dma_start3A_89 = arith.constant 0 : i32
    %dma_start3A_90 = tpu.memref_slice %arg4[%arg0, %arg1, %dma_start3A_83, %dma_start3A_89] : memref<2x16x168x120xi32, #tpu.memory_space<hbm>> -> memref<1x1x1x120xi32, #tpu.memory_space<hbm>>
    %dma_start3A_91 = tpu.memref_squeeze %dma_start3A_90 : memref<1x1x1x120xi32, #tpu.memory_space<hbm>> -> memref<120xi32, #tpu.memory_space<hbm>>
    %dma_start3A_92 = arith.constant 0 : i32
    %dma_start3A_93 = tpu.memref_slice %arg7[%dma_start3A_84, %dma_start3A_85, %dma_start3A_92] : memref<2x3x120xi32, #tpu.memory_space<vmem>> -> memref<1x1x120xi32, #tpu.memory_space<vmem>>
    %dma_start3A_94 = tpu.memref_squeeze %dma_start3A_93 : memref<1x1x120xi32, #tpu.memory_space<vmem>> -> memref<120xi32, #tpu.memory_space<vmem>>
    %dma_start3A_95 = arith.constant 0 : i32
    %dma_start3A_96 = tpu.memref_slice %arg4[%arg0, %arg1, %dma_start3A_83, %dma_start3A_95] : memref<2x16x168x120xi32, #tpu.memory_space<hbm>> -> memref<1x1x1x120xi32, #tpu.memory_space<hbm>>
    %dma_start3A_97 = tpu.memref_squeeze %dma_start3A_96 : memref<1x1x1x120xi32, #tpu.memory_space<hbm>> -> memref<120xi32, #tpu.memory_space<hbm>>
    tpu.enqueue_dma source(%dma_start3A_97 : memref<120xi32, #tpu.memory_space<hbm>>) target(%dma_start3A_94 : memref<120xi32, #tpu.memory_space<vmem>>) target_semaphore(%arg14 : memref<!tpu.dma_semaphore, #tpu.memory_space<semaphore_mem>>)
    %dma_wait3A = arith.constant 0 : i32
    %dma_wait3A_98 = arith.constant 0 : i32
    %dma_wait3A_99 = arith.constant 0 : i32
    %dma_wait3A_100 = arith.constant 0 : i32
    %dma_wait3A_101 = tpu.memref_slice %arg6[%dma_wait3A_98, %dma_wait3A_99, %dma_wait3A_100] : memref<2x3x120xi32, #tpu.memory_space<vmem>> -> memref<1x1x120xi32, #tpu.memory_space<vmem>>
    %dma_wait3A_102 = tpu.memref_squeeze %dma_wait3A_101 : memref<1x1x120xi32, #tpu.memory_space<vmem>> -> memref<120xi32, #tpu.memory_space<vmem>>
    %dma_wait3A_103 = arith.constant 0 : i32
    %dma_wait3A_104 = tpu.memref_slice %arg3[%arg0, %arg1, %dma_wait3A, %dma_wait3A_103] : memref<2x16x168x120xi32, #tpu.memory_space<hbm>> -> memref<1x1x1x120xi32, #tpu.memory_space<hbm>>
    %dma_wait3A_105 = tpu.memref_squeeze %dma_wait3A_104 : memref<1x1x1x120xi32, #tpu.memory_space<hbm>> -> memref<120xi32, #tpu.memory_space<hbm>>
    %dma_wait3A_106 = arith.constant 0 : i32
    %dma_wait3A_107 = tpu.memref_slice %arg6[%dma_wait3A_98, %dma_wait3A_99, %dma_wait3A_106] : memref<2x3x120xi32, #tpu.memory_space<vmem>> -> memref<1x1x120xi32, #tpu.memory_space<vmem>>
    %dma_wait3A_108 = tpu.memref_squeeze %dma_wait3A_107 : memref<1x1x120xi32, #tpu.memory_space<vmem>> -> memref<120xi32, #tpu.memory_space<vmem>>
    %dma_wait3A_109 = arith.constant 0 : i32
    %dma_wait3A_110 = tpu.memref_slice %arg3[%arg0, %arg1, %dma_wait3A, %dma_wait3A_109] : memref<2x16x168x120xi32, #tpu.memory_space<hbm>> -> memref<1x1x1x120xi32, #tpu.memory_space<hbm>>
    %dma_wait3A_111 = tpu.memref_squeeze %dma_wait3A_110 : memref<1x1x1x120xi32, #tpu.memory_space<hbm>> -> memref<120xi32, #tpu.memory_space<hbm>>
    tpu.wait_dma2 semaphore(%arg14 : memref<!tpu.dma_semaphore, #tpu.memory_space<semaphore_mem>>) src(%dma_wait3A_111 : memref<120xi32, #tpu.memory_space<hbm>>) dst(%dma_wait3A_108 : memref<120xi32, #tpu.memory_space<vmem>>)
    %dma_wait3A_112 = arith.constant 0 : i32
    %dma_wait3A_113 = arith.constant 0 : i32
    %dma_wait3A_114 = arith.constant 0 : i32
    %dma_wait3A_115 = arith.constant 0 : i32
    %dma_wait3A_116 = tpu.memref_slice %arg7[%dma_wait3A_113, %dma_wait3A_114, %dma_wait3A_115] : memref<2x3x120xi32, #tpu.memory_space<vmem>> -> memref<1x1x120xi32, #tpu.memory_space<vmem>>
    %dma_wait3A_117 = tpu.memref_squeeze %dma_wait3A_116 : memref<1x1x120xi32, #tpu.memory_space<vmem>> -> memref<120xi32, #tpu.memory_space<vmem>>
    %dma_wait3A_118 = arith.constant 0 : i32
    %dma_wait3A_119 = tpu.memref_slice %arg4[%arg0, %arg1, %dma_wait3A_112, %dma_wait3A_118] : memref<2x16x168x120xi32, #tpu.memory_space<hbm>> -> memref<1x1x1x120xi32, #tpu.memory_space<hbm>>
    %dma_wait3A_120 = tpu.memref_squeeze %dma_wait3A_119 : memref<1x1x1x120xi32, #tpu.memory_space<hbm>> -> memref<120xi32, #tpu.memory_space<hbm>>
    %dma_wait3A_121 = arith.constant 0 : i32
    %dma_wait3A_122 = tpu.memref_slice %arg7[%dma_wait3A_113, %dma_wait3A_114, %dma_wait3A_121] : memref<2x3x120xi32, #tpu.memory_space<vmem>> -> memref<1x1x120xi32, #tpu.memory_space<vmem>>
    %dma_wait3A_123 = tpu.memref_squeeze %dma_wait3A_122 : memref<1x1x120xi32, #tpu.memory_space<vmem>> -> memref<120xi32, #tpu.memory_space<vmem>>
    %dma_wait3A_124 = arith.constant 0 : i32
    %dma_wait3A_125 = tpu.memref_slice %arg4[%arg0, %arg1, %dma_wait3A_112, %dma_wait3A_124] : memref<2x16x168x120xi32, #tpu.memory_space<hbm>> -> memref<1x1x1x120xi32, #tpu.memory_space<hbm>>
    %dma_wait3A_126 = tpu.memref_squeeze %dma_wait3A_125 : memref<1x1x1x120xi32, #tpu.memory_space<hbm>> -> memref<120xi32, #tpu.memory_space<hbm>>
    tpu.wait_dma2 semaphore(%arg14 : memref<!tpu.dma_semaphore, #tpu.memory_space<semaphore_mem>>) src(%dma_wait3A_126 : memref<120xi32, #tpu.memory_space<hbm>>) dst(%dma_wait3A_123 : memref<120xi32, #tpu.memory_space<vmem>>)
    %dma_wait3A_127 = arith.constant 1 : i32
    %dma_wait3A_128 = arith.constant 0 : i32
    %dma_wait3A_129 = arith.constant 1 : i32
    %dma_wait3A_130 = arith.constant 0 : i32
    %dma_wait3A_131 = tpu.memref_slice %arg6[%dma_wait3A_128, %dma_wait3A_129, %dma_wait3A_130] : memref<2x3x120xi32, #tpu.memory_space<vmem>> -> memref<1x1x120xi32, #tpu.memory_space<vmem>>
    %dma_wait3A_132 = tpu.memref_squeeze %dma_wait3A_131 : memref<1x1x120xi32, #tpu.memory_space<vmem>> -> memref<120xi32, #tpu.memory_space<vmem>>
    %dma_wait3A_133 = arith.constant 0 : i32
    %dma_wait3A_134 = tpu.memref_slice %arg3[%arg0, %arg1, %dma_wait3A_127, %dma_wait3A_133] : memref<2x16x168x120xi32, #tpu.memory_space<hbm>> -> memref<1x1x1x120xi32, #tpu.memory_space<hbm>>
    %dma_wait3A_135 = tpu.memref_squeeze %dma_wait3A_134 : memref<1x1x1x120xi32, #tpu.memory_space<hbm>> -> memref<120xi32, #tpu.memory_space<hbm>>
    %dma_wait3A_136 = arith.constant 0 : i32
    %dma_wait3A_137 = tpu.memref_slice %arg6[%dma_wait3A_128, %dma_wait3A_129, %dma_wait3A_136] : memref<2x3x120xi32, #tpu.memory_space<vmem>> -> memref<1x1x120xi32, #tpu.memory_space<vmem>>
    %dma_wait3A_138 = tpu.memref_squeeze %dma_wait3A_137 : memref<1x1x120xi32, #tpu.memory_space<vmem>> -> memref<120xi32, #tpu.memory_space<vmem>>
    %dma_wait3A_139 = arith.constant 0 : i32
    %dma_wait3A_140 = tpu.memref_slice %arg3[%arg0, %arg1, %dma_wait3A_127, %dma_wait3A_139] : memref<2x16x168x120xi32, #tpu.memory_space<hbm>> -> memref<1x1x1x120xi32, #tpu.memory_space<hbm>>
    %dma_wait3A_141 = tpu.memref_squeeze %dma_wait3A_140 : memref<1x1x1x120xi32, #tpu.memory_space<hbm>> -> memref<120xi32, #tpu.memory_space<hbm>>
    tpu.wait_dma2 semaphore(%arg14 : memref<!tpu.dma_semaphore, #tpu.memory_space<semaphore_mem>>) src(%dma_wait3A_141 : memref<120xi32, #tpu.memory_space<hbm>>) dst(%dma_wait3A_138 : memref<120xi32, #tpu.memory_space<vmem>>)
    %dma_wait3A_142 = arith.constant 1 : i32
    %dma_wait3A_143 = arith.constant 0 : i32
    %dma_wait3A_144 = arith.constant 1 : i32
    %dma_wait3A_145 = arith.constant 0 : i32
    %dma_wait3A_146 = tpu.memref_slice %arg7[%dma_wait3A_143, %dma_wait3A_144, %dma_wait3A_145] : memref<2x3x120xi32, #tpu.memory_space<vmem>> -> memref<1x1x120xi32, #tpu.memory_space<vmem>>
    %dma_wait3A_147 = tpu.memref_squeeze %dma_wait3A_146 : memref<1x1x120xi32, #tpu.memory_space<vmem>> -> memref<120xi32, #tpu.memory_space<vmem>>
    %dma_wait3A_148 = arith.constant 0 : i32
    %dma_wait3A_149 = tpu.memref_slice %arg4[%arg0, %arg1, %dma_wait3A_142, %dma_wait3A_148] : memref<2x16x168x120xi32, #tpu.memory_space<hbm>> -> memref<1x1x1x120xi32, #tpu.memory_space<hbm>>
    %dma_wait3A_150 = tpu.memref_squeeze %dma_wait3A_149 : memref<1x1x1x120xi32, #tpu.memory_space<hbm>> -> memref<120xi32, #tpu.memory_space<hbm>>
    %dma_wait3A_151 = arith.constant 0 : i32
    %dma_wait3A_152 = tpu.memref_slice %arg7[%dma_wait3A_143, %dma_wait3A_144, %dma_wait3A_151] : memref<2x3x120xi32, #tpu.memory_space<vmem>> -> memref<1x1x120xi32, #tpu.memory_space<vmem>>
    %dma_wait3A_153 = tpu.memref_squeeze %dma_wait3A_152 : memref<1x1x120xi32, #tpu.memory_space<vmem>> -> memref<120xi32, #tpu.memory_space<vmem>>
    %dma_wait3A_154 = arith.constant 0 : i32
    %dma_wait3A_155 = tpu.memref_slice %arg4[%arg0, %arg1, %dma_wait3A_142, %dma_wait3A_154] : memref<2x16x168x120xi32, #tpu.memory_space<hbm>> -> memref<1x1x1x120xi32, #tpu.memory_space<hbm>>
    %dma_wait3A_156 = tpu.memref_squeeze %dma_wait3A_155 : memref<1x1x1x120xi32, #tpu.memory_space<hbm>> -> memref<120xi32, #tpu.memory_space<hbm>>
    tpu.wait_dma2 semaphore(%arg14 : memref<!tpu.dma_semaphore, #tpu.memory_space<semaphore_mem>>) src(%dma_wait3A_156 : memref<120xi32, #tpu.memory_space<hbm>>) dst(%dma_wait3A_153 : memref<120xi32, #tpu.memory_space<vmem>>)
    %dma_wait3A_157 = arith.constant 2 : i32
    %dma_wait3A_158 = arith.constant 0 : i32
    %dma_wait3A_159 = arith.constant 2 : i32
    %dma_wait3A_160 = arith.constant 0 : i32
    %dma_wait3A_161 = tpu.memref_slice %arg6[%dma_wait3A_158, %dma_wait3A_159, %dma_wait3A_160] : memref<2x3x120xi32, #tpu.memory_space<vmem>> -> memref<1x1x120xi32, #tpu.memory_space<vmem>>
    %dma_wait3A_162 = tpu.memref_squeeze %dma_wait3A_161 : memref<1x1x120xi32, #tpu.memory_space<vmem>> -> memref<120xi32, #tpu.memory_space<vmem>>
    %dma_wait3A_163 = arith.constant 0 : i32
    %dma_wait3A_164 = tpu.memref_slice %arg3[%arg0, %arg1, %dma_wait3A_157, %dma_wait3A_163] : memref<2x16x168x120xi32, #tpu.memory_space<hbm>> -> memref<1x1x1x120xi32, #tpu.memory_space<hbm>>
    %dma_wait3A_165 = tpu.memref_squeeze %dma_wait3A_164 : memref<1x1x1x120xi32, #tpu.memory_space<hbm>> -> memref<120xi32, #tpu.memory_space<hbm>>
    %dma_wait3A_166 = arith.constant 0 : i32
    %dma_wait3A_167 = tpu.memref_slice %arg6[%dma_wait3A_158, %dma_wait3A_159, %dma_wait3A_166] : memref<2x3x120xi32, #tpu.memory_space<vmem>> -> memref<1x1x120xi32, #tpu.memory_space<vmem>>
    %dma_wait3A_168 = tpu.memref_squeeze %dma_wait3A_167 : memref<1x1x120xi32, #tpu.memory_space<vmem>> -> memref<120xi32, #tpu.memory_space<vmem>>
    %dma_wait3A_169 = arith.constant 0 : i32
    %dma_wait3A_170 = tpu.memref_slice %arg3[%arg0, %arg1, %dma_wait3A_157, %dma_wait3A_169] : memref<2x16x168x120xi32, #tpu.memory_space<hbm>> -> memref<1x1x1x120xi32, #tpu.memory_space<hbm>>
    %dma_wait3A_171 = tpu.memref_squeeze %dma_wait3A_170 : memref<1x1x1x120xi32, #tpu.memory_space<hbm>> -> memref<120xi32, #tpu.memory_space<hbm>>
    tpu.wait_dma2 semaphore(%arg14 : memref<!tpu.dma_semaphore, #tpu.memory_space<semaphore_mem>>) src(%dma_wait3A_171 : memref<120xi32, #tpu.memory_space<hbm>>) dst(%dma_wait3A_168 : memref<120xi32, #tpu.memory_space<vmem>>)
    %dma_wait3A_172 = arith.constant 2 : i32
    %dma_wait3A_173 = arith.constant 0 : i32
    %dma_wait3A_174 = arith.constant 2 : i32
    %dma_wait3A_175 = arith.constant 0 : i32
    %dma_wait3A_176 = tpu.memref_slice %arg7[%dma_wait3A_173, %dma_wait3A_174, %dma_wait3A_175] : memref<2x3x120xi32, #tpu.memory_space<vmem>> -> memref<1x1x120xi32, #tpu.memory_space<vmem>>
    %dma_wait3A_177 = tpu.memref_squeeze %dma_wait3A_176 : memref<1x1x120xi32, #tpu.memory_space<vmem>> -> memref<120xi32, #tpu.memory_space<vmem>>
    %dma_wait3A_178 = arith.constant 0 : i32
    %dma_wait3A_179 = tpu.memref_slice %arg4[%arg0, %arg1, %dma_wait3A_172, %dma_wait3A_178] : memref<2x16x168x120xi32, #tpu.memory_space<hbm>> -> memref<1x1x1x120xi32, #tpu.memory_space<hbm>>
    %dma_wait3A_180 = tpu.memref_squeeze %dma_wait3A_179 : memref<1x1x1x120xi32, #tpu.memory_space<hbm>> -> memref<120xi32, #tpu.memory_space<hbm>>
    %dma_wait3A_181 = arith.constant 0 : i32
    %dma_wait3A_182 = tpu.memref_slice %arg7[%dma_wait3A_173, %dma_wait3A_174, %dma_wait3A_181] : memref<2x3x120xi32, #tpu.memory_space<vmem>> -> memref<1x1x120xi32, #tpu.memory_space<vmem>>
    %dma_wait3A_183 = tpu.memref_squeeze %dma_wait3A_182 : memref<1x1x120xi32, #tpu.memory_space<vmem>> -> memref<120xi32, #tpu.memory_space<vmem>>
    %dma_wait3A_184 = arith.constant 0 : i32
    %dma_wait3A_185 = tpu.memref_slice %arg4[%arg0, %arg1, %dma_wait3A_172, %dma_wait3A_184] : memref<2x16x168x120xi32, #tpu.memory_space<hbm>> -> memref<1x1x1x120xi32, #tpu.memory_space<hbm>>
    %dma_wait3A_186 = tpu.memref_squeeze %dma_wait3A_185 : memref<1x1x1x120xi32, #tpu.memory_space<hbm>> -> memref<120xi32, #tpu.memory_space<hbm>>
    tpu.wait_dma2 semaphore(%arg14 : memref<!tpu.dma_semaphore, #tpu.memory_space<semaphore_mem>>) src(%dma_wait3A_186 : memref<120xi32, #tpu.memory_space<hbm>>) dst(%dma_wait3A_183 : memref<120xi32, #tpu.memory_space<vmem>>)
    %dma_start3A_187 = arith.constant 3 : i32
    %dma_start3A_188 = arith.constant 1 : i32
    %dma_start3A_189 = arith.constant 0 : i32
    %dma_start3A_190 = arith.constant 0 : i32
    %dma_start3A_191 = tpu.memref_slice %arg6[%dma_start3A_188, %dma_start3A_189, %dma_start3A_190] : memref<2x3x120xi32, #tpu.memory_space<vmem>> -> memref<1x1x120xi32, #tpu.memory_space<vmem>>
    %dma_start3A_192 = tpu.memref_squeeze %dma_start3A_191 : memref<1x1x120xi32, #tpu.memory_space<vmem>> -> memref<120xi32, #tpu.memory_space<vmem>>
    %dma_start3A_193 = arith.constant 0 : i32
    %dma_start3A_194 = tpu.memref_slice %arg3[%arg0, %arg1, %dma_start3A_187, %dma_start3A_193] : memref<2x16x168x120xi32, #tpu.memory_space<hbm>> -> memref<1x1x1x120xi32, #tpu.memory_space<hbm>>
    %dma_start3A_195 = tpu.memref_squeeze %dma_start3A_194 : memref<1x1x1x120xi32, #tpu.memory_space<hbm>> -> memref<120xi32, #tpu.memory_space<hbm>>
    %dma_start3A_196 = arith.constant 0 : i32
    %dma_start3A_197 = tpu.memref_slice %arg6[%dma_start3A_188, %dma_start3A_189, %dma_start3A_196] : memref<2x3x120xi32, #tpu.memory_space<vmem>> -> memref<1x1x120xi32, #tpu.memory_space<vmem>>
    %dma_start3A_198 = tpu.memref_squeeze %dma_start3A_197 : memref<1x1x120xi32, #tpu.memory_space<vmem>> -> memref<120xi32, #tpu.memory_space<vmem>>
    %dma_start3A_199 = arith.constant 0 : i32
    %dma_start3A_200 = tpu.memref_slice %arg3[%arg0, %arg1, %dma_start3A_187, %dma_start3A_199] : memref<2x16x168x120xi32, #tpu.memory_space<hbm>> -> memref<1x1x1x120xi32, #tpu.memory_space<hbm>>
    %dma_start3A_201 = tpu.memref_squeeze %dma_start3A_200 : memref<1x1x1x120xi32, #tpu.memory_space<hbm>> -> memref<120xi32, #tpu.memory_space<hbm>>
    tpu.enqueue_dma source(%dma_start3A_201 : memref<120xi32, #tpu.memory_space<hbm>>) target(%dma_start3A_198 : memref<120xi32, #tpu.memory_space<vmem>>) target_semaphore(%arg15 : memref<!tpu.dma_semaphore, #tpu.memory_space<semaphore_mem>>)
    %dma_start3A_202 = arith.constant 3 : i32
    %dma_start3A_203 = arith.constant 1 : i32
    %dma_start3A_204 = arith.constant 0 : i32
    %dma_start3A_205 = arith.constant 0 : i32
    %dma_start3A_206 = tpu.memref_slice %arg7[%dma_start3A_203, %dma_start3A_204, %dma_start3A_205] : memref<2x3x120xi32, #tpu.memory_space<vmem>> -> memref<1x1x120xi32, #tpu.memory_space<vmem>>
    %dma_start3A_207 = tpu.memref_squeeze %dma_start3A_206 : memref<1x1x120xi32, #tpu.memory_space<vmem>> -> memref<120xi32, #tpu.memory_space<vmem>>
    %dma_start3A_208 = arith.constant 0 : i32
    %dma_start3A_209 = tpu.memref_slice %arg4[%arg0, %arg1, %dma_start3A_202, %dma_start3A_208] : memref<2x16x168x120xi32, #tpu.memory_space<hbm>> -> memref<1x1x1x120xi32, #tpu.memory_space<hbm>>
    %dma_start3A_210 = tpu.memref_squeeze %dma_start3A_209 : memref<1x1x1x120xi32, #tpu.memory_space<hbm>> -> memref<120xi32, #tpu.memory_space<hbm>>
    %dma_start3A_211 = arith.constant 0 : i32
    %dma_start3A_212 = tpu.memref_slice %arg7[%dma_start3A_203, %dma_start3A_204, %dma_start3A_211] : memref<2x3x120xi32, #tpu.memory_space<vmem>> -> memref<1x1x120xi32, #tpu.memory_space<vmem>>
    %dma_start3A_213 = tpu.memref_squeeze %dma_start3A_212 : memref<1x1x120xi32, #tpu.memory_space<vmem>> -> memref<120xi32, #tpu.memory_space<vmem>>
    %dma_start3A_214 = arith.constant 0 : i32
    %dma_start3A_215 = tpu.memref_slice %arg4[%arg0, %arg1, %dma_start3A_202, %dma_start3A_214] : memref<2x16x168x120xi32, #tpu.memory_space<hbm>> -> memref<1x1x1x120xi32, #tpu.memory_space<hbm>>
    %dma_start3A_216 = tpu.memref_squeeze %dma_start3A_215 : memref<1x1x1x120xi32, #tpu.memory_space<hbm>> -> memref<120xi32, #tpu.memory_space<hbm>>
    tpu.enqueue_dma source(%dma_start3A_216 : memref<120xi32, #tpu.memory_space<hbm>>) target(%dma_start3A_213 : memref<120xi32, #tpu.memory_space<vmem>>) target_semaphore(%arg15 : memref<!tpu.dma_semaphore, #tpu.memory_space<semaphore_mem>>)
    %dma_start3A_217 = arith.constant 4 : i32
    %dma_start3A_218 = arith.constant 1 : i32
    %dma_start3A_219 = arith.constant 1 : i32
    %dma_start3A_220 = arith.constant 0 : i32
    %dma_start3A_221 = tpu.memref_slice %arg6[%dma_start3A_218, %dma_start3A_219, %dma_start3A_220] : memref<2x3x120xi32, #tpu.memory_space<vmem>> -> memref<1x1x120xi32, #tpu.memory_space<vmem>>
    %dma_start3A_222 = tpu.memref_squeeze %dma_start3A_221 : memref<1x1x120xi32, #tpu.memory_space<vmem>> -> memref<120xi32, #tpu.memory_space<vmem>>
    %dma_start3A_223 = arith.constant 0 : i32
    %dma_start3A_224 = tpu.memref_slice %arg3[%arg0, %arg1, %dma_start3A_217, %dma_start3A_223] : memref<2x16x168x120xi32, #tpu.memory_space<hbm>> -> memref<1x1x1x120xi32, #tpu.memory_space<hbm>>
    %dma_start3A_225 = tpu.memref_squeeze %dma_start3A_224 : memref<1x1x1x120xi32, #tpu.memory_space<hbm>> -> memref<120xi32, #tpu.memory_space<hbm>>
    %dma_start3A_226 = arith.constant 0 : i32
    %dma_start3A_227 = tpu.memref_slice %arg6[%dma_start3A_218, %dma_start3A_219, %dma_start3A_226] : memref<2x3x120xi32, #tpu.memory_space<vmem>> -> memref<1x1x120xi32, #tpu.memory_space<vmem>>
    %dma_start3A_228 = tpu.memref_squeeze %dma_start3A_227 : memref<1x1x120xi32, #tpu.memory_space<vmem>> -> memref<120xi32, #tpu.memory_space<vmem>>
    %dma_start3A_229 = arith.constant 0 : i32
    %dma_start3A_230 = tpu.memref_slice %arg3[%arg0, %arg1, %dma_start3A_217, %dma_start3A_229] : memref<2x16x168x120xi32, #tpu.memory_space<hbm>> -> memref<1x1x1x120xi32, #tpu.memory_space<hbm>>
    %dma_start3A_231 = tpu.memref_squeeze %dma_start3A_230 : memref<1x1x1x120xi32, #tpu.memory_space<hbm>> -> memref<120xi32, #tpu.memory_space<hbm>>
    tpu.enqueue_dma source(%dma_start3A_231 : memref<120xi32, #tpu.memory_space<hbm>>) target(%dma_start3A_228 : memref<120xi32, #tpu.memory_space<vmem>>) target_semaphore(%arg15 : memref<!tpu.dma_semaphore, #tpu.memory_space<semaphore_mem>>)
    %dma_start3A_232 = arith.constant 4 : i32
    %dma_start3A_233 = arith.constant 1 : i32
    %dma_start3A_234 = arith.constant 1 : i32
    %dma_start3A_235 = arith.constant 0 : i32
    %dma_start3A_236 = tpu.memref_slice %arg7[%dma_start3A_233, %dma_start3A_234, %dma_start3A_235] : memref<2x3x120xi32, #tpu.memory_space<vmem>> -> memref<1x1x120xi32, #tpu.memory_space<vmem>>
    %dma_start3A_237 = tpu.memref_squeeze %dma_start3A_236 : memref<1x1x120xi32, #tpu.memory_space<vmem>> -> memref<120xi32, #tpu.memory_space<vmem>>
    %dma_start3A_238 = arith.constant 0 : i32
    %dma_start3A_239 = tpu.memref_slice %arg4[%arg0, %arg1, %dma_start3A_232, %dma_start3A_238] : memref<2x16x168x120xi32, #tpu.memory_space<hbm>> -> memref<1x1x1x120xi32, #tpu.memory_space<hbm>>
    %dma_start3A_240 = tpu.memref_squeeze %dma_start3A_239 : memref<1x1x1x120xi32, #tpu.memory_space<hbm>> -> memref<120xi32, #tpu.memory_space<hbm>>
    %dma_start3A_241 = arith.constant 0 : i32
    %dma_start3A_242 = tpu.memref_slice %arg7[%dma_start3A_233, %dma_start3A_234, %dma_start3A_241] : memref<2x3x120xi32, #tpu.memory_space<vmem>> -> memref<1x1x120xi32, #tpu.memory_space<vmem>>
    %dma_start3A_243 = tpu.memref_squeeze %dma_start3A_242 : memref<1x1x120xi32, #tpu.memory_space<vmem>> -> memref<120xi32, #tpu.memory_space<vmem>>
    %dma_start3A_244 = arith.constant 0 : i32
    %dma_start3A_245 = tpu.memref_slice %arg4[%arg0, %arg1, %dma_start3A_232, %dma_start3A_244] : memref<2x16x168x120xi32, #tpu.memory_space<hbm>> -> memref<1x1x1x120xi32, #tpu.memory_space<hbm>>
    %dma_start3A_246 = tpu.memref_squeeze %dma_start3A_245 : memref<1x1x1x120xi32, #tpu.memory_space<hbm>> -> memref<120xi32, #tpu.memory_space<hbm>>
    tpu.enqueue_dma source(%dma_start3A_246 : memref<120xi32, #tpu.memory_space<hbm>>) target(%dma_start3A_243 : memref<120xi32, #tpu.memory_space<vmem>>) target_semaphore(%arg15 : memref<!tpu.dma_semaphore, #tpu.memory_space<semaphore_mem>>)
    %dma_start3A_247 = arith.constant 5 : i32
    %dma_start3A_248 = arith.constant 1 : i32
    %dma_start3A_249 = arith.constant 2 : i32
    %dma_start3A_250 = arith.constant 0 : i32
    %dma_start3A_251 = tpu.memref_slice %arg6[%dma_start3A_248, %dma_start3A_249, %dma_start3A_250] : memref<2x3x120xi32, #tpu.memory_space<vmem>> -> memref<1x1x120xi32, #tpu.memory_space<vmem>>
    %dma_start3A_252 = tpu.memref_squeeze %dma_start3A_251 : memref<1x1x120xi32, #tpu.memory_space<vmem>> -> memref<120xi32, #tpu.memory_space<vmem>>
    %dma_start3A_253 = arith.constant 0 : i32
    %dma_start3A_254 = tpu.memref_slice %arg3[%arg0, %arg1, %dma_start3A_247, %dma_start3A_253] : memref<2x16x168x120xi32, #tpu.memory_space<hbm>> -> memref<1x1x1x120xi32, #tpu.memory_space<hbm>>
    %dma_start3A_255 = tpu.memref_squeeze %dma_start3A_254 : memref<1x1x1x120xi32, #tpu.memory_space<hbm>> -> memref<120xi32, #tpu.memory_space<hbm>>
    %dma_start3A_256 = arith.constant 0 : i32
    %dma_start3A_257 = tpu.memref_slice %arg6[%dma_start3A_248, %dma_start3A_249, %dma_start3A_256] : memref<2x3x120xi32, #tpu.memory_space<vmem>> -> memref<1x1x120xi32, #tpu.memory_space<vmem>>
    %dma_start3A_258 = tpu.memref_squeeze %dma_start3A_257 : memref<1x1x120xi32, #tpu.memory_space<vmem>> -> memref<120xi32, #tpu.memory_space<vmem>>
    %dma_start3A_259 = arith.constant 0 : i32
    %dma_start3A_260 = tpu.memref_slice %arg3[%arg0, %arg1, %dma_start3A_247, %dma_start3A_259] : memref<2x16x168x120xi32, #tpu.memory_space<hbm>> -> memref<1x1x1x120xi32, #tpu.memory_space<hbm>>
    %dma_start3A_261 = tpu.memref_squeeze %dma_start3A_260 : memref<1x1x1x120xi32, #tpu.memory_space<hbm>> -> memref<120xi32, #tpu.memory_space<hbm>>
    tpu.enqueue_dma source(%dma_start3A_261 : memref<120xi32, #tpu.memory_space<hbm>>) target(%dma_start3A_258 : memref<120xi32, #tpu.memory_space<vmem>>) target_semaphore(%arg15 : memref<!tpu.dma_semaphore, #tpu.memory_space<semaphore_mem>>)
    %dma_start3A_262 = arith.constant 5 : i32
    %dma_start3A_263 = arith.constant 1 : i32
    %dma_start3A_264 = arith.constant 2 : i32
    %dma_start3A_265 = arith.constant 0 : i32
    %dma_start3A_266 = tpu.memref_slice %arg7[%dma_start3A_263, %dma_start3A_264, %dma_start3A_265] : memref<2x3x120xi32, #tpu.memory_space<vmem>> -> memref<1x1x120xi32, #tpu.memory_space<vmem>>
    %dma_start3A_267 = tpu.memref_squeeze %dma_start3A_266 : memref<1x1x120xi32, #tpu.memory_space<vmem>> -> memref<120xi32, #tpu.memory_space<vmem>>
    %dma_start3A_268 = arith.constant 0 : i32
    %dma_start3A_269 = tpu.memref_slice %arg4[%arg0, %arg1, %dma_start3A_262, %dma_start3A_268] : memref<2x16x168x120xi32, #tpu.memory_space<hbm>> -> memref<1x1x1x120xi32, #tpu.memory_space<hbm>>
    %dma_start3A_270 = tpu.memref_squeeze %dma_start3A_269 : memref<1x1x1x120xi32, #tpu.memory_space<hbm>> -> memref<120xi32, #tpu.memory_space<hbm>>
    %dma_start3A_271 = arith.constant 0 : i32
    %dma_start3A_272 = tpu.memref_slice %arg7[%dma_start3A_263, %dma_start3A_264, %dma_start3A_271] : memref<2x3x120xi32, #tpu.memory_space<vmem>> -> memref<1x1x120xi32, #tpu.memory_space<vmem>>
    %dma_start3A_273 = tpu.memref_squeeze %dma_start3A_272 : memref<1x1x120xi32, #tpu.memory_space<vmem>> -> memref<120xi32, #tpu.memory_space<vmem>>
    %dma_start3A_274 = arith.constant 0 : i32
    %dma_start3A_275 = tpu.memref_slice %arg4[%arg0, %arg1, %dma_start3A_262, %dma_start3A_274] : memref<2x16x168x120xi32, #tpu.memory_space<hbm>> -> memref<1x1x1x120xi32, #tpu.memory_space<hbm>>
    %dma_start3A_276 = tpu.memref_squeeze %dma_start3A_275 : memref<1x1x1x120xi32, #tpu.memory_space<hbm>> -> memref<120xi32, #tpu.memory_space<hbm>>
    tpu.enqueue_dma source(%dma_start3A_276 : memref<120xi32, #tpu.memory_space<hbm>>) target(%dma_start3A_273 : memref<120xi32, #tpu.memory_space<vmem>>) target_semaphore(%arg15 : memref<!tpu.dma_semaphore, #tpu.memory_space<semaphore_mem>>)
    %scan3A = arith.constant 0 : i32
    %scan3A_277 = arith.constant 0 : i32
    %scan3A_278 = arith.constant 28 : i32
    %scan3A_279 = arith.addi %scan3A_277, %scan3A_278 : i32
    %scan3A_280 = arith.constant 1 : i32
    scf.for %scan3A_293 = %scan3A_277 to %scan3A_279 step %scan3A_280  : i32 {
      %mul3A_294 = arith.constant 2 : i32
      %mul3A_295 = arith.muli %scan3A_293, %mul3A_294 : i32
      %dma_start3A_296 = arith.constant 0 : i32
      %dma_start3A_297 = arith.constant 0 : i32
      %dma_start3A_298 = arith.constant 0 : i32
      %dma_start3A_299 = arith.constant 0 : i32
      %dma_start3A_300 = arith.constant 0 : i32
      %dma_start3A_301 = tpu.memref_slice %arg8[%dma_start3A_298, %dma_start3A_299, %dma_start3A_300] : memref<3x120x128xf32, #tpu.memory_space<vmem>> -> memref<1x120x128xf32, #tpu.memory_space<vmem>>
      %dma_start3A_302 = tpu.memref_squeeze %dma_start3A_301 : memref<1x120x128xf32, #tpu.memory_space<vmem>> -> memref<120x128xf32, #tpu.memory_space<vmem>>
      %dma_start3A_303 = arith.constant 0 : i32
      %dma_start3A_304 = tpu.memref_slice %arg6[%dma_start3A_296, %dma_start3A_297, %dma_start3A_303] : memref<2x3x120xi32, #tpu.memory_space<vmem>> -> memref<1x1x120xi32, #tpu.memory_space<vmem>>
      %dma_start3A_305 = tpu.memref_squeeze %dma_start3A_304 : memref<1x1x120xi32, #tpu.memory_space<vmem>> -> memref<120xi32, #tpu.memory_space<vmem>>
      %dma_start3A_306 = arith.constant 0 : i32
      %dma_start3A_307 = arith.constant 0 : i32
      %dma_start3A_308 = tpu.memref_slice %arg2[%dma_start3A_306, %dma_start3A_307] : memref<20000x128xf32, #tpu.memory_space<hbm>> -> memref<20000x128xf32, #tpu.memory_space<hbm>>
      tpu.enqueue_indirect_dma source(%dma_start3A_308 : memref<20000x128xf32, #tpu.memory_space<hbm>>) target(%dma_start3A_302 : memref<120x128xf32, #tpu.memory_space<vmem>>) offsets(%dma_start3A_305 : memref<120xi32, #tpu.memory_space<vmem>>) semaphore(%arg10 : memref<!tpu.dma_semaphore, #tpu.memory_space<semaphore_mem>>)
      %dma_start3A_309 = arith.constant 0 : i32
      %dma_start3A_310 = arith.constant 1 : i32
      %dma_start3A_311 = arith.constant 1 : i32
      %dma_start3A_312 = arith.constant 0 : i32
      %dma_start3A_313 = arith.constant 0 : i32
      %dma_start3A_314 = tpu.memref_slice %arg8[%dma_start3A_311, %dma_start3A_312, %dma_start3A_313] : memref<3x120x128xf32, #tpu.memory_space<vmem>> -> memref<1x120x128xf32, #tpu.memory_space<vmem>>
      %dma_start3A_315 = tpu.memref_squeeze %dma_start3A_314 : memref<1x120x128xf32, #tpu.memory_space<vmem>> -> memref<120x128xf32, #tpu.memory_space<vmem>>
      %dma_start3A_316 = arith.constant 0 : i32
      %dma_start3A_317 = tpu.memref_slice %arg6[%dma_start3A_309, %dma_start3A_310, %dma_start3A_316] : memref<2x3x120xi32, #tpu.memory_space<vmem>> -> memref<1x1x120xi32, #tpu.memory_space<vmem>>
      %dma_start3A_318 = tpu.memref_squeeze %dma_start3A_317 : memref<1x1x120xi32, #tpu.memory_space<vmem>> -> memref<120xi32, #tpu.memory_space<vmem>>
      %dma_start3A_319 = arith.constant 0 : i32
      %dma_start3A_320 = arith.constant 0 : i32
      %dma_start3A_321 = tpu.memref_slice %arg2[%dma_start3A_319, %dma_start3A_320] : memref<20000x128xf32, #tpu.memory_space<hbm>> -> memref<20000x128xf32, #tpu.memory_space<hbm>>
      tpu.enqueue_indirect_dma source(%dma_start3A_321 : memref<20000x128xf32, #tpu.memory_space<hbm>>) target(%dma_start3A_315 : memref<120x128xf32, #tpu.memory_space<vmem>>) offsets(%dma_start3A_318 : memref<120xi32, #tpu.memory_space<vmem>>) semaphore(%arg11 : memref<!tpu.dma_semaphore, #tpu.memory_space<semaphore_mem>>)
      %dma_start3A_322 = arith.constant 0 : i32
      %dma_start3A_323 = arith.constant 2 : i32
      %dma_start3A_324 = arith.constant 2 : i32
      %dma_start3A_325 = arith.constant 0 : i32
      %dma_start3A_326 = arith.constant 0 : i32
      %dma_start3A_327 = tpu.memref_slice %arg8[%dma_start3A_324, %dma_start3A_325, %dma_start3A_326] : memref<3x120x128xf32, #tpu.memory_space<vmem>> -> memref<1x120x128xf32, #tpu.memory_space<vmem>>
      %dma_start3A_328 = tpu.memref_squeeze %dma_start3A_327 : memref<1x120x128xf32, #tpu.memory_space<vmem>> -> memref<120x128xf32, #tpu.memory_space<vmem>>
      %dma_start3A_329 = arith.constant 0 : i32
      %dma_start3A_330 = tpu.memref_slice %arg6[%dma_start3A_322, %dma_start3A_323, %dma_start3A_329] : memref<2x3x120xi32, #tpu.memory_space<vmem>> -> memref<1x1x120xi32, #tpu.memory_space<vmem>>
      %dma_start3A_331 = tpu.memref_squeeze %dma_start3A_330 : memref<1x1x120xi32, #tpu.memory_space<vmem>> -> memref<120xi32, #tpu.memory_space<vmem>>
      %dma_start3A_332 = arith.constant 0 : i32
      %dma_start3A_333 = arith.constant 0 : i32
      %dma_start3A_334 = tpu.memref_slice %arg2[%dma_start3A_332, %dma_start3A_333] : memref<20000x128xf32, #tpu.memory_space<hbm>> -> memref<20000x128xf32, #tpu.memory_space<hbm>>
      tpu.enqueue_indirect_dma source(%dma_start3A_334 : memref<20000x128xf32, #tpu.memory_space<hbm>>) target(%dma_start3A_328 : memref<120x128xf32, #tpu.memory_space<vmem>>) offsets(%dma_start3A_331 : memref<120xi32, #tpu.memory_space<vmem>>) semaphore(%arg12 : memref<!tpu.dma_semaphore, #tpu.memory_space<semaphore_mem>>)
      %dma_wait3A_335 = arith.constant 0 : i32
      %dma_wait3A_336 = arith.constant 0 : i32
      %dma_wait3A_337 = arith.constant 0 : i32
      %dma_wait3A_338 = arith.constant 0 : i32
      %dma_wait3A_339 = arith.constant 0 : i32
      %dma_wait3A_340 = tpu.memref_slice %arg8[%dma_wait3A_337, %dma_wait3A_338, %dma_wait3A_339] : memref<3x120x128xf32, #tpu.memory_space<vmem>> -> memref<1x120x128xf32, #tpu.memory_space<vmem>>
      %dma_wait3A_341 = tpu.memref_squeeze %dma_wait3A_340 : memref<1x120x128xf32, #tpu.memory_space<vmem>> -> memref<120x128xf32, #tpu.memory_space<vmem>>
      %dma_wait3A_342 = arith.constant 0 : i32
      %dma_wait3A_343 = tpu.memref_slice %arg6[%dma_wait3A_335, %dma_wait3A_336, %dma_wait3A_342] : memref<2x3x120xi32, #tpu.memory_space<vmem>> -> memref<1x1x120xi32, #tpu.memory_space<vmem>>
      %dma_wait3A_344 = tpu.memref_squeeze %dma_wait3A_343 : memref<1x1x120xi32, #tpu.memory_space<vmem>> -> memref<120xi32, #tpu.memory_space<vmem>>
      %dma_wait3A_345 = arith.constant 0 : i32
      %dma_wait3A_346 = arith.constant 0 : i32
      %dma_wait3A_347 = tpu.memref_slice %arg2[%dma_wait3A_345, %dma_wait3A_346] : memref<20000x128xf32, #tpu.memory_space<hbm>> -> memref<20000x128xf32, #tpu.memory_space<hbm>>
      tpu.wait_indirect_dma semaphore(%arg10 : memref<!tpu.dma_semaphore, #tpu.memory_space<semaphore_mem>>) src(%dma_wait3A_347 : memref<20000x128xf32, #tpu.memory_space<hbm>>) dst(%dma_wait3A_341 : memref<120x128xf32, #tpu.memory_space<vmem>>)
      %dma_start3A_348 = arith.constant 0 : i32
      %dma_start3A_349 = arith.constant 0 : i32
      %dma_start3A_350 = arith.constant 0 : i32
      %dma_start3A_351 = arith.constant 0 : i32
      %dma_start3A_352 = arith.constant 0 : i32
      %dma_start3A_353 = tpu.memref_slice %arg8[%dma_start3A_348, %dma_start3A_351, %dma_start3A_352] : memref<3x120x128xf32, #tpu.memory_space<vmem>> -> memref<1x120x128xf32, #tpu.memory_space<vmem>>
      %dma_start3A_354 = tpu.memref_squeeze %dma_start3A_353 : memref<1x120x128xf32, #tpu.memory_space<vmem>> -> memref<120x128xf32, #tpu.memory_space<vmem>>
      %dma_start3A_355 = arith.constant 0 : i32
      %dma_start3A_356 = tpu.memref_slice %arg7[%dma_start3A_349, %dma_start3A_350, %dma_start3A_355] : memref<2x3x120xi32, #tpu.memory_space<vmem>> -> memref<1x1x120xi32, #tpu.memory_space<vmem>>
      %dma_start3A_357 = tpu.memref_squeeze %dma_start3A_356 : memref<1x1x120xi32, #tpu.memory_space<vmem>> -> memref<120xi32, #tpu.memory_space<vmem>>
      %dma_start3A_358 = arith.constant 0 : i32
      %dma_start3A_359 = arith.constant 0 : i32
      %dma_start3A_360 = tpu.memref_slice %arg9[%dma_start3A_358, %dma_start3A_359] : memref<10008x128xf32, #tpu.memory_space<vmem_shared>> -> memref<10008x128xf32, #tpu.memory_space<vmem_shared>>
      tpu.enqueue_indirect_dma source(%dma_start3A_354 : memref<120x128xf32, #tpu.memory_space<vmem>>) target(%dma_start3A_360 : memref<10008x128xf32, #tpu.memory_space<vmem_shared>>) offsets(%dma_start3A_357 : memref<120xi32, #tpu.memory_space<vmem>>) semaphore(%arg13 : memref<!tpu.dma_semaphore, #tpu.memory_space<semaphore_mem>>) {add = true}
      %dma_wait3A_361 = arith.constant 0 : i32
      %dma_wait3A_362 = arith.constant 1 : i32
      %dma_wait3A_363 = arith.constant 1 : i32
      %dma_wait3A_364 = arith.constant 0 : i32
      %dma_wait3A_365 = arith.constant 0 : i32
      %dma_wait3A_366 = tpu.memref_slice %arg8[%dma_wait3A_363, %dma_wait3A_364, %dma_wait3A_365] : memref<3x120x128xf32, #tpu.memory_space<vmem>> -> memref<1x120x128xf32, #tpu.memory_space<vmem>>
      %dma_wait3A_367 = tpu.memref_squeeze %dma_wait3A_366 : memref<1x120x128xf32, #tpu.memory_space<vmem>> -> memref<120x128xf32, #tpu.memory_space<vmem>>
      %dma_wait3A_368 = arith.constant 0 : i32
      %dma_wait3A_369 = tpu.memref_slice %arg6[%dma_wait3A_361, %dma_wait3A_362, %dma_wait3A_368] : memref<2x3x120xi32, #tpu.memory_space<vmem>> -> memref<1x1x120xi32, #tpu.memory_space<vmem>>
      %dma_wait3A_370 = tpu.memref_squeeze %dma_wait3A_369 : memref<1x1x120xi32, #tpu.memory_space<vmem>> -> memref<120xi32, #tpu.memory_space<vmem>>
      %dma_wait3A_371 = arith.constant 0 : i32
      %dma_wait3A_372 = arith.constant 0 : i32
      %dma_wait3A_373 = tpu.memref_slice %arg2[%dma_wait3A_371, %dma_wait3A_372] : memref<20000x128xf32, #tpu.memory_space<hbm>> -> memref<20000x128xf32, #tpu.memory_space<hbm>>
      tpu.wait_indirect_dma semaphore(%arg11 : memref<!tpu.dma_semaphore, #tpu.memory_space<semaphore_mem>>) src(%dma_wait3A_373 : memref<20000x128xf32, #tpu.memory_space<hbm>>) dst(%dma_wait3A_367 : memref<120x128xf32, #tpu.memory_space<vmem>>)
      %dma_start3A_374 = arith.constant 1 : i32
      %dma_start3A_375 = arith.constant 0 : i32
      %dma_start3A_376 = arith.constant 1 : i32
      %dma_start3A_377 = arith.constant 0 : i32
      %dma_start3A_378 = arith.constant 0 : i32
      %dma_start3A_379 = tpu.memref_slice %arg8[%dma_start3A_374, %dma_start3A_377, %dma_start3A_378] : memref<3x120x128xf32, #tpu.memory_space<vmem>> -> memref<1x120x128xf32, #tpu.memory_space<vmem>>
      %dma_start3A_380 = tpu.memref_squeeze %dma_start3A_379 : memref<1x120x128xf32, #tpu.memory_space<vmem>> -> memref<120x128xf32, #tpu.memory_space<vmem>>
      %dma_start3A_381 = arith.constant 0 : i32
      %dma_start3A_382 = tpu.memref_slice %arg7[%dma_start3A_375, %dma_start3A_376, %dma_start3A_381] : memref<2x3x120xi32, #tpu.memory_space<vmem>> -> memref<1x1x120xi32, #tpu.memory_space<vmem>>
      %dma_start3A_383 = tpu.memref_squeeze %dma_start3A_382 : memref<1x1x120xi32, #tpu.memory_space<vmem>> -> memref<120xi32, #tpu.memory_space<vmem>>
      %dma_start3A_384 = arith.constant 0 : i32
      %dma_start3A_385 = arith.constant 0 : i32
      %dma_start3A_386 = tpu.memref_slice %arg9[%dma_start3A_384, %dma_start3A_385] : memref<10008x128xf32, #tpu.memory_space<vmem_shared>> -> memref<10008x128xf32, #tpu.memory_space<vmem_shared>>
      tpu.enqueue_indirect_dma source(%dma_start3A_380 : memref<120x128xf32, #tpu.memory_space<vmem>>) target(%dma_start3A_386 : memref<10008x128xf32, #tpu.memory_space<vmem_shared>>) offsets(%dma_start3A_383 : memref<120xi32, #tpu.memory_space<vmem>>) semaphore(%arg13 : memref<!tpu.dma_semaphore, #tpu.memory_space<semaphore_mem>>) {add = true}
      %dma_wait3A_387 = arith.constant 0 : i32
      %dma_wait3A_388 = arith.constant 2 : i32
      %dma_wait3A_389 = arith.constant 2 : i32
      %dma_wait3A_390 = arith.constant 0 : i32
      %dma_wait3A_391 = arith.constant 0 : i32
      %dma_wait3A_392 = tpu.memref_slice %arg8[%dma_wait3A_389, %dma_wait3A_390, %dma_wait3A_391] : memref<3x120x128xf32, #tpu.memory_space<vmem>> -> memref<1x120x128xf32, #tpu.memory_space<vmem>>
      %dma_wait3A_393 = tpu.memref_squeeze %dma_wait3A_392 : memref<1x120x128xf32, #tpu.memory_space<vmem>> -> memref<120x128xf32, #tpu.memory_space<vmem>>
      %dma_wait3A_394 = arith.constant 0 : i32
      %dma_wait3A_395 = tpu.memref_slice %arg6[%dma_wait3A_387, %dma_wait3A_388, %dma_wait3A_394] : memref<2x3x120xi32, #tpu.memory_space<vmem>> -> memref<1x1x120xi32, #tpu.memory_space<vmem>>
      %dma_wait3A_396 = tpu.memref_squeeze %dma_wait3A_395 : memref<1x1x120xi32, #tpu.memory_space<vmem>> -> memref<120xi32, #tpu.memory_space<vmem>>
      %dma_wait3A_397 = arith.constant 0 : i32
      %dma_wait3A_398 = arith.constant 0 : i32
      %dma_wait3A_399 = tpu.memref_slice %arg2[%dma_wait3A_397, %dma_wait3A_398] : memref<20000x128xf32, #tpu.memory_space<hbm>> -> memref<20000x128xf32, #tpu.memory_space<hbm>>
      tpu.wait_indirect_dma semaphore(%arg12 : memref<!tpu.dma_semaphore, #tpu.memory_space<semaphore_mem>>) src(%dma_wait3A_399 : memref<20000x128xf32, #tpu.memory_space<hbm>>) dst(%dma_wait3A_393 : memref<120x128xf32, #tpu.memory_space<vmem>>)
      %dma_start3A_400 = arith.constant 2 : i32
      %dma_start3A_401 = arith.constant 0 : i32
      %dma_start3A_402 = arith.constant 2 : i32
      %dma_start3A_403 = arith.constant 0 : i32
      %dma_start3A_404 = arith.constant 0 : i32
      %dma_start3A_405 = tpu.memref_slice %arg8[%dma_start3A_400, %dma_start3A_403, %dma_start3A_404] : memref<3x120x128xf32, #tpu.memory_space<vmem>> -> memref<1x120x128xf32, #tpu.memory_space<vmem>>
      %dma_start3A_406 = tpu.memref_squeeze %dma_start3A_405 : memref<1x120x128xf32, #tpu.memory_space<vmem>> -> memref<120x128xf32, #tpu.memory_space<vmem>>
      %dma_start3A_407 = arith.constant 0 : i32
      %dma_start3A_408 = tpu.memref_slice %arg7[%dma_start3A_401, %dma_start3A_402, %dma_start3A_407] : memref<2x3x120xi32, #tpu.memory_space<vmem>> -> memref<1x1x120xi32, #tpu.memory_space<vmem>>
      %dma_start3A_409 = tpu.memref_squeeze %dma_start3A_408 : memref<1x1x120xi32, #tpu.memory_space<vmem>> -> memref<120xi32, #tpu.memory_space<vmem>>
      %dma_start3A_410 = arith.constant 0 : i32
      %dma_start3A_411 = arith.constant 0 : i32
      %dma_start3A_412 = tpu.memref_slice %arg9[%dma_start3A_410, %dma_start3A_411] : memref<10008x128xf32, #tpu.memory_space<vmem_shared>> -> memref<10008x128xf32, #tpu.memory_space<vmem_shared>>
      tpu.enqueue_indirect_dma source(%dma_start3A_406 : memref<120x128xf32, #tpu.memory_space<vmem>>) target(%dma_start3A_412 : memref<10008x128xf32, #tpu.memory_space<vmem_shared>>) offsets(%dma_start3A_409 : memref<120xi32, #tpu.memory_space<vmem>>) semaphore(%arg13 : memref<!tpu.dma_semaphore, #tpu.memory_space<semaphore_mem>>) {add = true}
      %dma_wait3A_413 = arith.constant 0 : i32
      %dma_wait3A_414 = arith.constant 0 : i32
      %dma_wait3A_415 = arith.constant 0 : i32
      %dma_wait3A_416 = arith.constant 0 : i32
      %dma_wait3A_417 = arith.constant 0 : i32
      %dma_wait3A_418 = tpu.memref_slice %arg8[%dma_wait3A_413, %dma_wait3A_416, %dma_wait3A_417] : memref<3x120x128xf32, #tpu.memory_space<vmem>> -> memref<1x120x128xf32, #tpu.memory_space<vmem>>
      %dma_wait3A_419 = tpu.memref_squeeze %dma_wait3A_418 : memref<1x120x128xf32, #tpu.memory_space<vmem>> -> memref<120x128xf32, #tpu.memory_space<vmem>>
      %dma_wait3A_420 = arith.constant 0 : i32
      %dma_wait3A_421 = tpu.memref_slice %arg7[%dma_wait3A_414, %dma_wait3A_415, %dma_wait3A_420] : memref<2x3x120xi32, #tpu.memory_space<vmem>> -> memref<1x1x120xi32, #tpu.memory_space<vmem>>
      %dma_wait3A_422 = tpu.memref_squeeze %dma_wait3A_421 : memref<1x1x120xi32, #tpu.memory_space<vmem>> -> memref<120xi32, #tpu.memory_space<vmem>>
      %dma_wait3A_423 = arith.constant 0 : i32
      %dma_wait3A_424 = arith.constant 0 : i32
      %dma_wait3A_425 = tpu.memref_slice %arg9[%dma_wait3A_423, %dma_wait3A_424] : memref<10008x128xf32, #tpu.memory_space<vmem_shared>> -> memref<10008x128xf32, #tpu.memory_space<vmem_shared>>
      tpu.wait_indirect_dma semaphore(%arg13 : memref<!tpu.dma_semaphore, #tpu.memory_space<semaphore_mem>>) src(%dma_wait3A_419 : memref<120x128xf32, #tpu.memory_space<vmem>>) dst(%dma_wait3A_425 : memref<10008x128xf32, #tpu.memory_space<vmem_shared>>)
      %dma_wait3A_426 = arith.constant 1 : i32
      %dma_wait3A_427 = arith.constant 0 : i32
      %dma_wait3A_428 = arith.constant 1 : i32
      %dma_wait3A_429 = arith.constant 0 : i32
      %dma_wait3A_430 = arith.constant 0 : i32
      %dma_wait3A_431 = tpu.memref_slice %arg8[%dma_wait3A_426, %dma_wait3A_429, %dma_wait3A_430] : memref<3x120x128xf32, #tpu.memory_space<vmem>> -> memref<1x120x128xf32, #tpu.memory_space<vmem>>
      %dma_wait3A_432 = tpu.memref_squeeze %dma_wait3A_431 : memref<1x120x128xf32, #tpu.memory_space<vmem>> -> memref<120x128xf32, #tpu.memory_space<vmem>>
      %dma_wait3A_433 = arith.constant 0 : i32
      %dma_wait3A_434 = tpu.memref_slice %arg7[%dma_wait3A_427, %dma_wait3A_428, %dma_wait3A_433] : memref<2x3x120xi32, #tpu.memory_space<vmem>> -> memref<1x1x120xi32, #tpu.memory_space<vmem>>
      %dma_wait3A_435 = tpu.memref_squeeze %dma_wait3A_434 : memref<1x1x120xi32, #tpu.memory_space<vmem>> -> memref<120xi32, #tpu.memory_space<vmem>>
      %dma_wait3A_436 = arith.constant 0 : i32
      %dma_wait3A_437 = arith.constant 0 : i32
      %dma_wait3A_438 = tpu.memref_slice %arg9[%dma_wait3A_436, %dma_wait3A_437] : memref<10008x128xf32, #tpu.memory_space<vmem_shared>> -> memref<10008x128xf32, #tpu.memory_space<vmem_shared>>
      tpu.wait_indirect_dma semaphore(%arg13 : memref<!tpu.dma_semaphore, #tpu.memory_space<semaphore_mem>>) src(%dma_wait3A_432 : memref<120x128xf32, #tpu.memory_space<vmem>>) dst(%dma_wait3A_438 : memref<10008x128xf32, #tpu.memory_space<vmem_shared>>)
      %dma_wait3A_439 = arith.constant 2 : i32
      %dma_wait3A_440 = arith.constant 0 : i32
      %dma_wait3A_441 = arith.constant 2 : i32
      %dma_wait3A_442 = arith.constant 0 : i32
      %dma_wait3A_443 = arith.constant 0 : i32
      %dma_wait3A_444 = tpu.memref_slice %arg8[%dma_wait3A_439, %dma_wait3A_442, %dma_wait3A_443] : memref<3x120x128xf32, #tpu.memory_space<vmem>> -> memref<1x120x128xf32, #tpu.memory_space<vmem>>
      %dma_wait3A_445 = tpu.memref_squeeze %dma_wait3A_444 : memref<1x120x128xf32, #tpu.memory_space<vmem>> -> memref<120x128xf32, #tpu.memory_space<vmem>>
      %dma_wait3A_446 = arith.constant 0 : i32
      %dma_wait3A_447 = tpu.memref_slice %arg7[%dma_wait3A_440, %dma_wait3A_441, %dma_wait3A_446] : memref<2x3x120xi32, #tpu.memory_space<vmem>> -> memref<1x1x120xi32, #tpu.memory_space<vmem>>
      %dma_wait3A_448 = tpu.memref_squeeze %dma_wait3A_447 : memref<1x1x120xi32, #tpu.memory_space<vmem>> -> memref<120xi32, #tpu.memory_space<vmem>>
      %dma_wait3A_449 = arith.constant 0 : i32
      %dma_wait3A_450 = arith.constant 0 : i32
      %dma_wait3A_451 = tpu.memref_slice %arg9[%dma_wait3A_449, %dma_wait3A_450] : memref<10008x128xf32, #tpu.memory_space<vmem_shared>> -> memref<10008x128xf32, #tpu.memory_space<vmem_shared>>
      tpu.wait_indirect_dma semaphore(%arg13 : memref<!tpu.dma_semaphore, #tpu.memory_space<semaphore_mem>>) src(%dma_wait3A_445 : memref<120x128xf32, #tpu.memory_space<vmem>>) dst(%dma_wait3A_451 : memref<10008x128xf32, #tpu.memory_space<vmem_shared>>)
      %dma_wait3A_452 = arith.constant 0 : i32
      %dma_wait3A_453 = arith.constant 1 : i32
      %dma_wait3A_454 = arith.constant 0 : i32
      %dma_wait3A_455 = arith.constant 0 : i32
      %dma_wait3A_456 = tpu.memref_slice %arg6[%dma_wait3A_453, %dma_wait3A_454, %dma_wait3A_455] : memref<2x3x120xi32, #tpu.memory_space<vmem>> -> memref<1x1x120xi32, #tpu.memory_space<vmem>>
      %dma_wait3A_457 = tpu.memref_squeeze %dma_wait3A_456 : memref<1x1x120xi32, #tpu.memory_space<vmem>> -> memref<120xi32, #tpu.memory_space<vmem>>
      %dma_wait3A_458 = arith.constant 0 : i32
      %dma_wait3A_459 = tpu.memref_slice %arg3[%arg0, %arg1, %dma_wait3A_452, %dma_wait3A_458] : memref<2x16x168x120xi32, #tpu.memory_space<hbm>> -> memref<1x1x1x120xi32, #tpu.memory_space<hbm>>
      %dma_wait3A_460 = tpu.memref_squeeze %dma_wait3A_459 : memref<1x1x1x120xi32, #tpu.memory_space<hbm>> -> memref<120xi32, #tpu.memory_space<hbm>>
      %dma_wait3A_461 = arith.constant 0 : i32
      %dma_wait3A_462 = tpu.memref_slice %arg6[%dma_wait3A_453, %dma_wait3A_454, %dma_wait3A_461] : memref<2x3x120xi32, #tpu.memory_space<vmem>> -> memref<1x1x120xi32, #tpu.memory_space<vmem>>
      %dma_wait3A_463 = tpu.memref_squeeze %dma_wait3A_462 : memref<1x1x120xi32, #tpu.memory_space<vmem>> -> memref<120xi32, #tpu.memory_space<vmem>>
      %dma_wait3A_464 = arith.constant 0 : i32
      %dma_wait3A_465 = tpu.memref_slice %arg3[%arg0, %arg1, %dma_wait3A_452, %dma_wait3A_464] : memref<2x16x168x120xi32, #tpu.memory_space<hbm>> -> memref<1x1x1x120xi32, #tpu.memory_space<hbm>>
      %dma_wait3A_466 = tpu.memref_squeeze %dma_wait3A_465 : memref<1x1x1x120xi32, #tpu.memory_space<hbm>> -> memref<120xi32, #tpu.memory_space<hbm>>
      tpu.wait_dma2 semaphore(%arg15 : memref<!tpu.dma_semaphore, #tpu.memory_space<semaphore_mem>>) src(%dma_wait3A_466 : memref<120xi32, #tpu.memory_space<hbm>>) dst(%dma_wait3A_463 : memref<120xi32, #tpu.memory_space<vmem>>)
      %dma_wait3A_467 = arith.constant 0 : i32
      %dma_wait3A_468 = arith.constant 1 : i32
      %dma_wait3A_469 = arith.constant 0 : i32
      %dma_wait3A_470 = arith.constant 0 : i32
      %dma_wait3A_471 = tpu.memref_slice %arg7[%dma_wait3A_468, %dma_wait3A_469, %dma_wait3A_470] : memref<2x3x120xi32, #tpu.memory_space<vmem>> -> memref<1x1x120xi32, #tpu.memory_space<vmem>>
      %dma_wait3A_472 = tpu.memref_squeeze %dma_wait3A_471 : memref<1x1x120xi32, #tpu.memory_space<vmem>> -> memref<120xi32, #tpu.memory_space<vmem>>
      %dma_wait3A_473 = arith.constant 0 : i32
      %dma_wait3A_474 = tpu.memref_slice %arg4[%arg0, %arg1, %dma_wait3A_467, %dma_wait3A_473] : memref<2x16x168x120xi32, #tpu.memory_space<hbm>> -> memref<1x1x1x120xi32, #tpu.memory_space<hbm>>
      %dma_wait3A_475 = tpu.memref_squeeze %dma_wait3A_474 : memref<1x1x1x120xi32, #tpu.memory_space<hbm>> -> memref<120xi32, #tpu.memory_space<hbm>>
      %dma_wait3A_476 = arith.constant 0 : i32
      %dma_wait3A_477 = tpu.memref_slice %arg7[%dma_wait3A_468, %dma_wait3A_469, %dma_wait3A_476] : memref<2x3x120xi32, #tpu.memory_space<vmem>> -> memref<1x1x120xi32, #tpu.memory_space<vmem>>
      %dma_wait3A_478 = tpu.memref_squeeze %dma_wait3A_477 : memref<1x1x120xi32, #tpu.memory_space<vmem>> -> memref<120xi32, #tpu.memory_space<vmem>>
      %dma_wait3A_479 = arith.constant 0 : i32
      %dma_wait3A_480 = tpu.memref_slice %arg4[%arg0, %arg1, %dma_wait3A_467, %dma_wait3A_479] : memref<2x16x168x120xi32, #tpu.memory_space<hbm>> -> memref<1x1x1x120xi32, #tpu.memory_space<hbm>>
      %dma_wait3A_481 = tpu.memref_squeeze %dma_wait3A_480 : memref<1x1x1x120xi32, #tpu.memory_space<hbm>> -> memref<120xi32, #tpu.memory_space<hbm>>
      tpu.wait_dma2 semaphore(%arg15 : memref<!tpu.dma_semaphore, #tpu.memory_space<semaphore_mem>>) src(%dma_wait3A_481 : memref<120xi32, #tpu.memory_space<hbm>>) dst(%dma_wait3A_478 : memref<120xi32, #tpu.memory_space<vmem>>)
      %dma_wait3A_482 = arith.constant 1 : i32
      %dma_wait3A_483 = arith.constant 1 : i32
      %dma_wait3A_484 = arith.constant 1 : i32
      %dma_wait3A_485 = arith.constant 0 : i32
      %dma_wait3A_486 = tpu.memref_slice %arg6[%dma_wait3A_483, %dma_wait3A_484, %dma_wait3A_485] : memref<2x3x120xi32, #tpu.memory_space<vmem>> -> memref<1x1x120xi32, #tpu.memory_space<vmem>>
      %dma_wait3A_487 = tpu.memref_squeeze %dma_wait3A_486 : memref<1x1x120xi32, #tpu.memory_space<vmem>> -> memref<120xi32, #tpu.memory_space<vmem>>
      %dma_wait3A_488 = arith.constant 0 : i32
      %dma_wait3A_489 = tpu.memref_slice %arg3[%arg0, %arg1, %dma_wait3A_482, %dma_wait3A_488] : memref<2x16x168x120xi32, #tpu.memory_space<hbm>> -> memref<1x1x1x120xi32, #tpu.memory_space<hbm>>
      %dma_wait3A_490 = tpu.memref_squeeze %dma_wait3A_489 : memref<1x1x1x120xi32, #tpu.memory_space<hbm>> -> memref<120xi32, #tpu.memory_space<hbm>>
      %dma_wait3A_491 = arith.constant 0 : i32
      %dma_wait3A_492 = tpu.memref_slice %arg6[%dma_wait3A_483, %dma_wait3A_484, %dma_wait3A_491] : memref<2x3x120xi32, #tpu.memory_space<vmem>> -> memref<1x1x120xi32, #tpu.memory_space<vmem>>
      %dma_wait3A_493 = tpu.memref_squeeze %dma_wait3A_492 : memref<1x1x120xi32, #tpu.memory_space<vmem>> -> memref<120xi32, #tpu.memory_space<vmem>>
      %dma_wait3A_494 = arith.constant 0 : i32
      %dma_wait3A_495 = tpu.memref_slice %arg3[%arg0, %arg1, %dma_wait3A_482, %dma_wait3A_494] : memref<2x16x168x120xi32, #tpu.memory_space<hbm>> -> memref<1x1x1x120xi32, #tpu.memory_space<hbm>>
      %dma_wait3A_496 = tpu.memref_squeeze %dma_wait3A_495 : memref<1x1x1x120xi32, #tpu.memory_space<hbm>> -> memref<120xi32, #tpu.memory_space<hbm>>
      tpu.wait_dma2 semaphore(%arg15 : memref<!tpu.dma_semaphore, #tpu.memory_space<semaphore_mem>>) src(%dma_wait3A_496 : memref<120xi32, #tpu.memory_space<hbm>>) dst(%dma_wait3A_493 : memref<120xi32, #tpu.memory_space<vmem>>)
      %dma_wait3A_497 = arith.constant 1 : i32
      %dma_wait3A_498 = arith.constant 1 : i32
      %dma_wait3A_499 = arith.constant 1 : i32
      %dma_wait3A_500 = arith.constant 0 : i32
      %dma_wait3A_501 = tpu.memref_slice %arg7[%dma_wait3A_498, %dma_wait3A_499, %dma_wait3A_500] : memref<2x3x120xi32, #tpu.memory_space<vmem>> -> memref<1x1x120xi32, #tpu.memory_space<vmem>>
      %dma_wait3A_502 = tpu.memref_squeeze %dma_wait3A_501 : memref<1x1x120xi32, #tpu.memory_space<vmem>> -> memref<120xi32, #tpu.memory_space<vmem>>
      %dma_wait3A_503 = arith.constant 0 : i32
      %dma_wait3A_504 = tpu.memref_slice %arg4[%arg0, %arg1, %dma_wait3A_497, %dma_wait3A_503] : memref<2x16x168x120xi32, #tpu.memory_space<hbm>> -> memref<1x1x1x120xi32, #tpu.memory_space<hbm>>
      %dma_wait3A_505 = tpu.memref_squeeze %dma_wait3A_504 : memref<1x1x1x120xi32, #tpu.memory_space<hbm>> -> memref<120xi32, #tpu.memory_space<hbm>>
      %dma_wait3A_506 = arith.constant 0 : i32
      %dma_wait3A_507 = tpu.memref_slice %arg7[%dma_wait3A_498, %dma_wait3A_499, %dma_wait3A_506] : memref<2x3x120xi32, #tpu.memory_space<vmem>> -> memref<1x1x120xi32, #tpu.memory_space<vmem>>
      %dma_wait3A_508 = tpu.memref_squeeze %dma_wait3A_507 : memref<1x1x120xi32, #tpu.memory_space<vmem>> -> memref<120xi32, #tpu.memory_space<vmem>>
      %dma_wait3A_509 = arith.constant 0 : i32
      %dma_wait3A_510 = tpu.memref_slice %arg4[%arg0, %arg1, %dma_wait3A_497, %dma_wait3A_509] : memref<2x16x168x120xi32, #tpu.memory_space<hbm>> -> memref<1x1x1x120xi32, #tpu.memory_space<hbm>>
      %dma_wait3A_511 = tpu.memref_squeeze %dma_wait3A_510 : memref<1x1x1x120xi32, #tpu.memory_space<hbm>> -> memref<120xi32, #tpu.memory_space<hbm>>
      tpu.wait_dma2 semaphore(%arg15 : memref<!tpu.dma_semaphore, #tpu.memory_space<semaphore_mem>>) src(%dma_wait3A_511 : memref<120xi32, #tpu.memory_space<hbm>>) dst(%dma_wait3A_508 : memref<120xi32, #tpu.memory_space<vmem>>)
      %dma_wait3A_512 = arith.constant 2 : i32
      %dma_wait3A_513 = arith.constant 1 : i32
      %dma_wait3A_514 = arith.constant 2 : i32
      %dma_wait3A_515 = arith.constant 0 : i32
      %dma_wait3A_516 = tpu.memref_slice %arg6[%dma_wait3A_513, %dma_wait3A_514, %dma_wait3A_515] : memref<2x3x120xi32, #tpu.memory_space<vmem>> -> memref<1x1x120xi32, #tpu.memory_space<vmem>>
      %dma_wait3A_517 = tpu.memref_squeeze %dma_wait3A_516 : memref<1x1x120xi32, #tpu.memory_space<vmem>> -> memref<120xi32, #tpu.memory_space<vmem>>
      %dma_wait3A_518 = arith.constant 0 : i32
      %dma_wait3A_519 = tpu.memref_slice %arg3[%arg0, %arg1, %dma_wait3A_512, %dma_wait3A_518] : memref<2x16x168x120xi32, #tpu.memory_space<hbm>> -> memref<1x1x1x120xi32, #tpu.memory_space<hbm>>
      %dma_wait3A_520 = tpu.memref_squeeze %dma_wait3A_519 : memref<1x1x1x120xi32, #tpu.memory_space<hbm>> -> memref<120xi32, #tpu.memory_space<hbm>>
      %dma_wait3A_521 = arith.constant 0 : i32
      %dma_wait3A_522 = tpu.memref_slice %arg6[%dma_wait3A_513, %dma_wait3A_514, %dma_wait3A_521] : memref<2x3x120xi32, #tpu.memory_space<vmem>> -> memref<1x1x120xi32, #tpu.memory_space<vmem>>
      %dma_wait3A_523 = tpu.memref_squeeze %dma_wait3A_522 : memref<1x1x120xi32, #tpu.memory_space<vmem>> -> memref<120xi32, #tpu.memory_space<vmem>>
      %dma_wait3A_524 = arith.constant 0 : i32
      %dma_wait3A_525 = tpu.memref_slice %arg3[%arg0, %arg1, %dma_wait3A_512, %dma_wait3A_524] : memref<2x16x168x120xi32, #tpu.memory_space<hbm>> -> memref<1x1x1x120xi32, #tpu.memory_space<hbm>>
      %dma_wait3A_526 = tpu.memref_squeeze %dma_wait3A_525 : memref<1x1x1x120xi32, #tpu.memory_space<hbm>> -> memref<120xi32, #tpu.memory_space<hbm>>
      tpu.wait_dma2 semaphore(%arg15 : memref<!tpu.dma_semaphore, #tpu.memory_space<semaphore_mem>>) src(%dma_wait3A_526 : memref<120xi32, #tpu.memory_space<hbm>>) dst(%dma_wait3A_523 : memref<120xi32, #tpu.memory_space<vmem>>)
      %dma_wait3A_527 = arith.constant 2 : i32
      %dma_wait3A_528 = arith.constant 1 : i32
      %dma_wait3A_529 = arith.constant 2 : i32
      %dma_wait3A_530 = arith.constant 0 : i32
      %dma_wait3A_531 = tpu.memref_slice %arg7[%dma_wait3A_528, %dma_wait3A_529, %dma_wait3A_530] : memref<2x3x120xi32, #tpu.memory_space<vmem>> -> memref<1x1x120xi32, #tpu.memory_space<vmem>>
      %dma_wait3A_532 = tpu.memref_squeeze %dma_wait3A_531 : memref<1x1x120xi32, #tpu.memory_space<vmem>> -> memref<120xi32, #tpu.memory_space<vmem>>
      %dma_wait3A_533 = arith.constant 0 : i32
      %dma_wait3A_534 = tpu.memref_slice %arg4[%arg0, %arg1, %dma_wait3A_527, %dma_wait3A_533] : memref<2x16x168x120xi32, #tpu.memory_space<hbm>> -> memref<1x1x1x120xi32, #tpu.memory_space<hbm>>
      %dma_wait3A_535 = tpu.memref_squeeze %dma_wait3A_534 : memref<1x1x1x120xi32, #tpu.memory_space<hbm>> -> memref<120xi32, #tpu.memory_space<hbm>>
      %dma_wait3A_536 = arith.constant 0 : i32
      %dma_wait3A_537 = tpu.memref_slice %arg7[%dma_wait3A_528, %dma_wait3A_529, %dma_wait3A_536] : memref<2x3x120xi32, #tpu.memory_space<vmem>> -> memref<1x1x120xi32, #tpu.memory_space<vmem>>
      %dma_wait3A_538 = tpu.memref_squeeze %dma_wait3A_537 : memref<1x1x120xi32, #tpu.memory_space<vmem>> -> memref<120xi32, #tpu.memory_space<vmem>>
      %dma_wait3A_539 = arith.constant 0 : i32
      %dma_wait3A_540 = tpu.memref_slice %arg4[%arg0, %arg1, %dma_wait3A_527, %dma_wait3A_539] : memref<2x16x168x120xi32, #tpu.memory_space<hbm>> -> memref<1x1x1x120xi32, #tpu.memory_space<hbm>>
      %dma_wait3A_541 = tpu.memref_squeeze %dma_wait3A_540 : memref<1x1x1x120xi32, #tpu.memory_space<hbm>> -> memref<120xi32, #tpu.memory_space<hbm>>
      tpu.wait_dma2 semaphore(%arg15 : memref<!tpu.dma_semaphore, #tpu.memory_space<semaphore_mem>>) src(%dma_wait3A_541 : memref<120xi32, #tpu.memory_space<hbm>>) dst(%dma_wait3A_538 : memref<120xi32, #tpu.memory_space<vmem>>)
      %add3A = arith.constant 2 : i32
      %add3A_542 = arith.addi %mul3A_295, %add3A : i32
      %lt3A_543 = arith.constant 56 : i32
      %lt3A_544 = arith.cmpi slt, %add3A_542, %lt3A_543 : i32
      %convert_element_type3A_545 = arith.extui %lt3A_544 : i1 to i32
      %cond3A_546 = arith.constant 0 : i32
      %cond3A_547 = arith.cmpi ne, %convert_element_type3A_545, %cond3A_546 : i32
      scf.if %cond3A_547 {
        %add3A_720 = arith.constant 2 : i32
        %add3A_721 = arith.addi %mul3A_295, %add3A_720 : i32
        %mul3A_722 = arith.constant 3 : i32
        %mul3A_723 = arith.muli %add3A_721, %mul3A_722 : i32
        %add3A_724 = arith.constant 0 : i32
        %add3A_725 = arith.addi %mul3A_723, %add3A_724 : i32
        %dma_start3A_726 = arith.constant 0 : i32
        %dma_start3A_727 = arith.constant 0 : i32
        %dma_start3A_728 = arith.constant 0 : i32
        %dma_start3A_729 = tpu.memref_slice %arg6[%dma_start3A_726, %dma_start3A_727, %dma_start3A_728] : memref<2x3x120xi32, #tpu.memory_space<vmem>> -> memref<1x1x120xi32, #tpu.memory_space<vmem>>
        %dma_start3A_730 = tpu.memref_squeeze %dma_start3A_729 : memref<1x1x120xi32, #tpu.memory_space<vmem>> -> memref<120xi32, #tpu.memory_space<vmem>>
        %dma_start3A_731 = arith.constant 0 : i32
        %dma_start3A_732 = tpu.memref_slice %arg3[%arg0, %arg1, %add3A_725, %dma_start3A_731] : memref<2x16x168x120xi32, #tpu.memory_space<hbm>> -> memref<1x1x1x120xi32, #tpu.memory_space<hbm>>
        %dma_start3A_733 = tpu.memref_squeeze %dma_start3A_732 : memref<1x1x1x120xi32, #tpu.memory_space<hbm>> -> memref<120xi32, #tpu.memory_space<hbm>>
        %dma_start3A_734 = arith.constant 0 : i32
        %dma_start3A_735 = tpu.memref_slice %arg6[%dma_start3A_726, %dma_start3A_727, %dma_start3A_734] : memref<2x3x120xi32, #tpu.memory_space<vmem>> -> memref<1x1x120xi32, #tpu.memory_space<vmem>>
        %dma_start3A_736 = tpu.memref_squeeze %dma_start3A_735 : memref<1x1x120xi32, #tpu.memory_space<vmem>> -> memref<120xi32, #tpu.memory_space<vmem>>
        %dma_start3A_737 = arith.constant 0 : i32
        %dma_start3A_738 = tpu.memref_slice %arg3[%arg0, %arg1, %add3A_725, %dma_start3A_737] : memref<2x16x168x120xi32, #tpu.memory_space<hbm>> -> memref<1x1x1x120xi32, #tpu.memory_space<hbm>>
        %dma_start3A_739 = tpu.memref_squeeze %dma_start3A_738 : memref<1x1x1x120xi32, #tpu.memory_space<hbm>> -> memref<120xi32, #tpu.memory_space<hbm>>
        tpu.enqueue_dma source(%dma_start3A_739 : memref<120xi32, #tpu.memory_space<hbm>>) target(%dma_start3A_736 : memref<120xi32, #tpu.memory_space<vmem>>) target_semaphore(%arg14 : memref<!tpu.dma_semaphore, #tpu.memory_space<semaphore_mem>>)
        %mul3A_740 = arith.constant 3 : i32
        %mul3A_741 = arith.muli %add3A_721, %mul3A_740 : i32
        %add3A_742 = arith.constant 0 : i32
        %add3A_743 = arith.addi %mul3A_741, %add3A_742 : i32
        %dma_start3A_744 = arith.constant 0 : i32
        %dma_start3A_745 = arith.constant 0 : i32
        %dma_start3A_746 = arith.constant 0 : i32
        %dma_start3A_747 = tpu.memref_slice %arg7[%dma_start3A_744, %dma_start3A_745, %dma_start3A_746] : memref<2x3x120xi32, #tpu.memory_space<vmem>> -> memref<1x1x120xi32, #tpu.memory_space<vmem>>
        %dma_start3A_748 = tpu.memref_squeeze %dma_start3A_747 : memref<1x1x120xi32, #tpu.memory_space<vmem>> -> memref<120xi32, #tpu.memory_space<vmem>>
        %dma_start3A_749 = arith.constant 0 : i32
        %dma_start3A_750 = tpu.memref_slice %arg4[%arg0, %arg1, %add3A_743, %dma_start3A_749] : memref<2x16x168x120xi32, #tpu.memory_space<hbm>> -> memref<1x1x1x120xi32, #tpu.memory_space<hbm>>
        %dma_start3A_751 = tpu.memref_squeeze %dma_start3A_750 : memref<1x1x1x120xi32, #tpu.memory_space<hbm>> -> memref<120xi32, #tpu.memory_space<hbm>>
        %dma_start3A_752 = arith.constant 0 : i32
        %dma_start3A_753 = tpu.memref_slice %arg7[%dma_start3A_744, %dma_start3A_745, %dma_start3A_752] : memref<2x3x120xi32, #tpu.memory_space<vmem>> -> memref<1x1x120xi32, #tpu.memory_space<vmem>>
        %dma_start3A_754 = tpu.memref_squeeze %dma_start3A_753 : memref<1x1x120xi32, #tpu.memory_space<vmem>> -> memref<120xi32, #tpu.memory_space<vmem>>
        %dma_start3A_755 = arith.constant 0 : i32
        %dma_start3A_756 = tpu.memref_slice %arg4[%arg0, %arg1, %add3A_743, %dma_start3A_755] : memref<2x16x168x120xi32, #tpu.memory_space<hbm>> -> memref<1x1x1x120xi32, #tpu.memory_space<hbm>>
        %dma_start3A_757 = tpu.memref_squeeze %dma_start3A_756 : memref<1x1x1x120xi32, #tpu.memory_space<hbm>> -> memref<120xi32, #tpu.memory_space<hbm>>
        tpu.enqueue_dma source(%dma_start3A_757 : memref<120xi32, #tpu.memory_space<hbm>>) target(%dma_start3A_754 : memref<120xi32, #tpu.memory_space<vmem>>) target_semaphore(%arg14 : memref<!tpu.dma_semaphore, #tpu.memory_space<semaphore_mem>>)
        %mul3A_758 = arith.constant 3 : i32
        %mul3A_759 = arith.muli %add3A_721, %mul3A_758 : i32
        %add3A_760 = arith.constant 1 : i32
        %add3A_761 = arith.addi %mul3A_759, %add3A_760 : i32
        %dma_start3A_762 = arith.constant 0 : i32
        %dma_start3A_763 = arith.constant 1 : i32
        %dma_start3A_764 = arith.constant 0 : i32
        %dma_start3A_765 = tpu.memref_slice %arg6[%dma_start3A_762, %dma_start3A_763, %dma_start3A_764] : memref<2x3x120xi32, #tpu.memory_space<vmem>> -> memref<1x1x120xi32, #tpu.memory_space<vmem>>
        %dma_start3A_766 = tpu.memref_squeeze %dma_start3A_765 : memref<1x1x120xi32, #tpu.memory_space<vmem>> -> memref<120xi32, #tpu.memory_space<vmem>>
        %dma_start3A_767 = arith.constant 0 : i32
        %dma_start3A_768 = tpu.memref_slice %arg3[%arg0, %arg1, %add3A_761, %dma_start3A_767] : memref<2x16x168x120xi32, #tpu.memory_space<hbm>> -> memref<1x1x1x120xi32, #tpu.memory_space<hbm>>
        %dma_start3A_769 = tpu.memref_squeeze %dma_start3A_768 : memref<1x1x1x120xi32, #tpu.memory_space<hbm>> -> memref<120xi32, #tpu.memory_space<hbm>>
        %dma_start3A_770 = arith.constant 0 : i32
        %dma_start3A_771 = tpu.memref_slice %arg6[%dma_start3A_762, %dma_start3A_763, %dma_start3A_770] : memref<2x3x120xi32, #tpu.memory_space<vmem>> -> memref<1x1x120xi32, #tpu.memory_space<vmem>>
        %dma_start3A_772 = tpu.memref_squeeze %dma_start3A_771 : memref<1x1x120xi32, #tpu.memory_space<vmem>> -> memref<120xi32, #tpu.memory_space<vmem>>
        %dma_start3A_773 = arith.constant 0 : i32
        %dma_start3A_774 = tpu.memref_slice %arg3[%arg0, %arg1, %add3A_761, %dma_start3A_773] : memref<2x16x168x120xi32, #tpu.memory_space<hbm>> -> memref<1x1x1x120xi32, #tpu.memory_space<hbm>>
        %dma_start3A_775 = tpu.memref_squeeze %dma_start3A_774 : memref<1x1x1x120xi32, #tpu.memory_space<hbm>> -> memref<120xi32, #tpu.memory_space<hbm>>
        tpu.enqueue_dma source(%dma_start3A_775 : memref<120xi32, #tpu.memory_space<hbm>>) target(%dma_start3A_772 : memref<120xi32, #tpu.memory_space<vmem>>) target_semaphore(%arg14 : memref<!tpu.dma_semaphore, #tpu.memory_space<semaphore_mem>>)
        %mul3A_776 = arith.constant 3 : i32
        %mul3A_777 = arith.muli %add3A_721, %mul3A_776 : i32
        %add3A_778 = arith.constant 1 : i32
        %add3A_779 = arith.addi %mul3A_777, %add3A_778 : i32
        %dma_start3A_780 = arith.constant 0 : i32
        %dma_start3A_781 = arith.constant 1 : i32
        %dma_start3A_782 = arith.constant 0 : i32
        %dma_start3A_783 = tpu.memref_slice %arg7[%dma_start3A_780, %dma_start3A_781, %dma_start3A_782] : memref<2x3x120xi32, #tpu.memory_space<vmem>> -> memref<1x1x120xi32, #tpu.memory_space<vmem>>
        %dma_start3A_784 = tpu.memref_squeeze %dma_start3A_783 : memref<1x1x120xi32, #tpu.memory_space<vmem>> -> memref<120xi32, #tpu.memory_space<vmem>>
        %dma_start3A_785 = arith.constant 0 : i32
        %dma_start3A_786 = tpu.memref_slice %arg4[%arg0, %arg1, %add3A_779, %dma_start3A_785] : memref<2x16x168x120xi32, #tpu.memory_space<hbm>> -> memref<1x1x1x120xi32, #tpu.memory_space<hbm>>
        %dma_start3A_787 = tpu.memref_squeeze %dma_start3A_786 : memref<1x1x1x120xi32, #tpu.memory_space<hbm>> -> memref<120xi32, #tpu.memory_space<hbm>>
        %dma_start3A_788 = arith.constant 0 : i32
        %dma_start3A_789 = tpu.memref_slice %arg7[%dma_start3A_780, %dma_start3A_781, %dma_start3A_788] : memref<2x3x120xi32, #tpu.memory_space<vmem>> -> memref<1x1x120xi32, #tpu.memory_space<vmem>>
        %dma_start3A_790 = tpu.memref_squeeze %dma_start3A_789 : memref<1x1x120xi32, #tpu.memory_space<vmem>> -> memref<120xi32, #tpu.memory_space<vmem>>
        %dma_start3A_791 = arith.constant 0 : i32
        %dma_start3A_792 = tpu.memref_slice %arg4[%arg0, %arg1, %add3A_779, %dma_start3A_791] : memref<2x16x168x120xi32, #tpu.memory_space<hbm>> -> memref<1x1x1x120xi32, #tpu.memory_space<hbm>>
        %dma_start3A_793 = tpu.memref_squeeze %dma_start3A_792 : memref<1x1x1x120xi32, #tpu.memory_space<hbm>> -> memref<120xi32, #tpu.memory_space<hbm>>
        tpu.enqueue_dma source(%dma_start3A_793 : memref<120xi32, #tpu.memory_space<hbm>>) target(%dma_start3A_790 : memref<120xi32, #tpu.memory_space<vmem>>) target_semaphore(%arg14 : memref<!tpu.dma_semaphore, #tpu.memory_space<semaphore_mem>>)
        %mul3A_794 = arith.constant 3 : i32
        %mul3A_795 = arith.muli %add3A_721, %mul3A_794 : i32
        %add3A_796 = arith.constant 2 : i32
        %add3A_797 = arith.addi %mul3A_795, %add3A_796 : i32
        %dma_start3A_798 = arith.constant 0 : i32
        %dma_start3A_799 = arith.constant 2 : i32
        %dma_start3A_800 = arith.constant 0 : i32
        %dma_start3A_801 = tpu.memref_slice %arg6[%dma_start3A_798, %dma_start3A_799, %dma_start3A_800] : memref<2x3x120xi32, #tpu.memory_space<vmem>> -> memref<1x1x120xi32, #tpu.memory_space<vmem>>
        %dma_start3A_802 = tpu.memref_squeeze %dma_start3A_801 : memref<1x1x120xi32, #tpu.memory_space<vmem>> -> memref<120xi32, #tpu.memory_space<vmem>>
        %dma_start3A_803 = arith.constant 0 : i32
        %dma_start3A_804 = tpu.memref_slice %arg3[%arg0, %arg1, %add3A_797, %dma_start3A_803] : memref<2x16x168x120xi32, #tpu.memory_space<hbm>> -> memref<1x1x1x120xi32, #tpu.memory_space<hbm>>
        %dma_start3A_805 = tpu.memref_squeeze %dma_start3A_804 : memref<1x1x1x120xi32, #tpu.memory_space<hbm>> -> memref<120xi32, #tpu.memory_space<hbm>>
        %dma_start3A_806 = arith.constant 0 : i32
        %dma_start3A_807 = tpu.memref_slice %arg6[%dma_start3A_798, %dma_start3A_799, %dma_start3A_806] : memref<2x3x120xi32, #tpu.memory_space<vmem>> -> memref<1x1x120xi32, #tpu.memory_space<vmem>>
        %dma_start3A_808 = tpu.memref_squeeze %dma_start3A_807 : memref<1x1x120xi32, #tpu.memory_space<vmem>> -> memref<120xi32, #tpu.memory_space<vmem>>
        %dma_start3A_809 = arith.constant 0 : i32
        %dma_start3A_810 = tpu.memref_slice %arg3[%arg0, %arg1, %add3A_797, %dma_start3A_809] : memref<2x16x168x120xi32, #tpu.memory_space<hbm>> -> memref<1x1x1x120xi32, #tpu.memory_space<hbm>>
        %dma_start3A_811 = tpu.memref_squeeze %dma_start3A_810 : memref<1x1x1x120xi32, #tpu.memory_space<hbm>> -> memref<120xi32, #tpu.memory_space<hbm>>
        tpu.enqueue_dma source(%dma_start3A_811 : memref<120xi32, #tpu.memory_space<hbm>>) target(%dma_start3A_808 : memref<120xi32, #tpu.memory_space<vmem>>) target_semaphore(%arg14 : memref<!tpu.dma_semaphore, #tpu.memory_space<semaphore_mem>>)
        %mul3A_812 = arith.constant 3 : i32
        %mul3A_813 = arith.muli %add3A_721, %mul3A_812 : i32
        %add3A_814 = arith.constant 2 : i32
        %add3A_815 = arith.addi %mul3A_813, %add3A_814 : i32
        %dma_start3A_816 = arith.constant 0 : i32
        %dma_start3A_817 = arith.constant 2 : i32
        %dma_start3A_818 = arith.constant 0 : i32
        %dma_start3A_819 = tpu.memref_slice %arg7[%dma_start3A_816, %dma_start3A_817, %dma_start3A_818] : memref<2x3x120xi32, #tpu.memory_space<vmem>> -> memref<1x1x120xi32, #tpu.memory_space<vmem>>
        %dma_start3A_820 = tpu.memref_squeeze %dma_start3A_819 : memref<1x1x120xi32, #tpu.memory_space<vmem>> -> memref<120xi32, #tpu.memory_space<vmem>>
        %dma_start3A_821 = arith.constant 0 : i32
        %dma_start3A_822 = tpu.memref_slice %arg4[%arg0, %arg1, %add3A_815, %dma_start3A_821] : memref<2x16x168x120xi32, #tpu.memory_space<hbm>> -> memref<1x1x1x120xi32, #tpu.memory_space<hbm>>
        %dma_start3A_823 = tpu.memref_squeeze %dma_start3A_822 : memref<1x1x1x120xi32, #tpu.memory_space<hbm>> -> memref<120xi32, #tpu.memory_space<hbm>>
        %dma_start3A_824 = arith.constant 0 : i32
        %dma_start3A_825 = tpu.memref_slice %arg7[%dma_start3A_816, %dma_start3A_817, %dma_start3A_824] : memref<2x3x120xi32, #tpu.memory_space<vmem>> -> memref<1x1x120xi32, #tpu.memory_space<vmem>>
        %dma_start3A_826 = tpu.memref_squeeze %dma_start3A_825 : memref<1x1x120xi32, #tpu.memory_space<vmem>> -> memref<120xi32, #tpu.memory_space<vmem>>
        %dma_start3A_827 = arith.constant 0 : i32
        %dma_start3A_828 = tpu.memref_slice %arg4[%arg0, %arg1, %add3A_815, %dma_start3A_827] : memref<2x16x168x120xi32, #tpu.memory_space<hbm>> -> memref<1x1x1x120xi32, #tpu.memory_space<hbm>>
        %dma_start3A_829 = tpu.memref_squeeze %dma_start3A_828 : memref<1x1x1x120xi32, #tpu.memory_space<hbm>> -> memref<120xi32, #tpu.memory_space<hbm>>
        tpu.enqueue_dma source(%dma_start3A_829 : memref<120xi32, #tpu.memory_space<hbm>>) target(%dma_start3A_826 : memref<120xi32, #tpu.memory_space<vmem>>) target_semaphore(%arg14 : memref<!tpu.dma_semaphore, #tpu.memory_space<semaphore_mem>>)
      } else {
      }
      %add3A_548 = arith.constant 1 : i32
      %add3A_549 = arith.addi %mul3A_295, %add3A_548 : i32
      %dma_start3A_550 = arith.constant 1 : i32
      %dma_start3A_551 = arith.constant 0 : i32
      %dma_start3A_552 = arith.constant 0 : i32
      %dma_start3A_553 = arith.constant 0 : i32
      %dma_start3A_554 = arith.constant 0 : i32
      %dma_start3A_555 = tpu.memref_slice %arg8[%dma_start3A_552, %dma_start3A_553, %dma_start3A_554] : memref<3x120x128xf32, #tpu.memory_space<vmem>> -> memref<1x120x128xf32, #tpu.memory_space<vmem>>
      %dma_start3A_556 = tpu.memref_squeeze %dma_start3A_555 : memref<1x120x128xf32, #tpu.memory_space<vmem>> -> memref<120x128xf32, #tpu.memory_space<vmem>>
      %dma_start3A_557 = arith.constant 0 : i32
      %dma_start3A_558 = tpu.memref_slice %arg6[%dma_start3A_550, %dma_start3A_551, %dma_start3A_557] : memref<2x3x120xi32, #tpu.memory_space<vmem>> -> memref<1x1x120xi32, #tpu.memory_space<vmem>>
      %dma_start3A_559 = tpu.memref_squeeze %dma_start3A_558 : memref<1x1x120xi32, #tpu.memory_space<vmem>> -> memref<120xi32, #tpu.memory_space<vmem>>
      %dma_start3A_560 = arith.constant 0 : i32
      %dma_start3A_561 = arith.constant 0 : i32
      %dma_start3A_562 = tpu.memref_slice %arg2[%dma_start3A_560, %dma_start3A_561] : memref<20000x128xf32, #tpu.memory_space<hbm>> -> memref<20000x128xf32, #tpu.memory_space<hbm>>
      tpu.enqueue_indirect_dma source(%dma_start3A_562 : memref<20000x128xf32, #tpu.memory_space<hbm>>) target(%dma_start3A_556 : memref<120x128xf32, #tpu.memory_space<vmem>>) offsets(%dma_start3A_559 : memref<120xi32, #tpu.memory_space<vmem>>) semaphore(%arg10 : memref<!tpu.dma_semaphore, #tpu.memory_space<semaphore_mem>>)
      %dma_start3A_563 = arith.constant 1 : i32
      %dma_start3A_564 = arith.constant 1 : i32
      %dma_start3A_565 = arith.constant 1 : i32
      %dma_start3A_566 = arith.constant 0 : i32
      %dma_start3A_567 = arith.constant 0 : i32
      %dma_start3A_568 = tpu.memref_slice %arg8[%dma_start3A_565, %dma_start3A_566, %dma_start3A_567] : memref<3x120x128xf32, #tpu.memory_space<vmem>> -> memref<1x120x128xf32, #tpu.memory_space<vmem>>
      %dma_start3A_569 = tpu.memref_squeeze %dma_start3A_568 : memref<1x120x128xf32, #tpu.memory_space<vmem>> -> memref<120x128xf32, #tpu.memory_space<vmem>>
      %dma_start3A_570 = arith.constant 0 : i32
      %dma_start3A_571 = tpu.memref_slice %arg6[%dma_start3A_563, %dma_start3A_564, %dma_start3A_570] : memref<2x3x120xi32, #tpu.memory_space<vmem>> -> memref<1x1x120xi32, #tpu.memory_space<vmem>>
      %dma_start3A_572 = tpu.memref_squeeze %dma_start3A_571 : memref<1x1x120xi32, #tpu.memory_space<vmem>> -> memref<120xi32, #tpu.memory_space<vmem>>
      %dma_start3A_573 = arith.constant 0 : i32
      %dma_start3A_574 = arith.constant 0 : i32
      %dma_start3A_575 = tpu.memref_slice %arg2[%dma_start3A_573, %dma_start3A_574] : memref<20000x128xf32, #tpu.memory_space<hbm>> -> memref<20000x128xf32, #tpu.memory_space<hbm>>
      tpu.enqueue_indirect_dma source(%dma_start3A_575 : memref<20000x128xf32, #tpu.memory_space<hbm>>) target(%dma_start3A_569 : memref<120x128xf32, #tpu.memory_space<vmem>>) offsets(%dma_start3A_572 : memref<120xi32, #tpu.memory_space<vmem>>) semaphore(%arg11 : memref<!tpu.dma_semaphore, #tpu.memory_space<semaphore_mem>>)
      %dma_start3A_576 = arith.constant 1 : i32
      %dma_start3A_577 = arith.constant 2 : i32
      %dma_start3A_578 = arith.constant 2 : i32
      %dma_start3A_579 = arith.constant 0 : i32
      %dma_start3A_580 = arith.constant 0 : i32
      %dma_start3A_581 = tpu.memref_slice %arg8[%dma_start3A_578, %dma_start3A_579, %dma_start3A_580] : memref<3x120x128xf32, #tpu.memory_space<vmem>> -> memref<1x120x128xf32, #tpu.memory_space<vmem>>
      %dma_start3A_582 = tpu.memref_squeeze %dma_start3A_581 : memref<1x120x128xf32, #tpu.memory_space<vmem>> -> memref<120x128xf32, #tpu.memory_space<vmem>>
      %dma_start3A_583 = arith.constant 0 : i32
      %dma_start3A_584 = tpu.memref_slice %arg6[%dma_start3A_576, %dma_start3A_577, %dma_start3A_583] : memref<2x3x120xi32, #tpu.memory_space<vmem>> -> memref<1x1x120xi32, #tpu.memory_space<vmem>>
      %dma_start3A_585 = tpu.memref_squeeze %dma_start3A_584 : memref<1x1x120xi32, #tpu.memory_space<vmem>> -> memref<120xi32, #tpu.memory_space<vmem>>
      %dma_start3A_586 = arith.constant 0 : i32
      %dma_start3A_587 = arith.constant 0 : i32
      %dma_start3A_588 = tpu.memref_slice %arg2[%dma_start3A_586, %dma_start3A_587] : memref<20000x128xf32, #tpu.memory_space<hbm>> -> memref<20000x128xf32, #tpu.memory_space<hbm>>
      tpu.enqueue_indirect_dma source(%dma_start3A_588 : memref<20000x128xf32, #tpu.memory_space<hbm>>) target(%dma_start3A_582 : memref<120x128xf32, #tpu.memory_space<vmem>>) offsets(%dma_start3A_585 : memref<120xi32, #tpu.memory_space<vmem>>) semaphore(%arg12 : memref<!tpu.dma_semaphore, #tpu.memory_space<semaphore_mem>>)
      %dma_wait3A_589 = arith.constant 1 : i32
      %dma_wait3A_590 = arith.constant 0 : i32
      %dma_wait3A_591 = arith.constant 0 : i32
      %dma_wait3A_592 = arith.constant 0 : i32
      %dma_wait3A_593 = arith.constant 0 : i32
      %dma_wait3A_594 = tpu.memref_slice %arg8[%dma_wait3A_591, %dma_wait3A_592, %dma_wait3A_593] : memref<3x120x128xf32, #tpu.memory_space<vmem>> -> memref<1x120x128xf32, #tpu.memory_space<vmem>>
      %dma_wait3A_595 = tpu.memref_squeeze %dma_wait3A_594 : memref<1x120x128xf32, #tpu.memory_space<vmem>> -> memref<120x128xf32, #tpu.memory_space<vmem>>
      %dma_wait3A_596 = arith.constant 0 : i32
      %dma_wait3A_597 = tpu.memref_slice %arg6[%dma_wait3A_589, %dma_wait3A_590, %dma_wait3A_596] : memref<2x3x120xi32, #tpu.memory_space<vmem>> -> memref<1x1x120xi32, #tpu.memory_space<vmem>>
      %dma_wait3A_598 = tpu.memref_squeeze %dma_wait3A_597 : memref<1x1x120xi32, #tpu.memory_space<vmem>> -> memref<120xi32, #tpu.memory_space<vmem>>
      %dma_wait3A_599 = arith.constant 0 : i32
      %dma_wait3A_600 = arith.constant 0 : i32
      %dma_wait3A_601 = tpu.memref_slice %arg2[%dma_wait3A_599, %dma_wait3A_600] : memref<20000x128xf32, #tpu.memory_space<hbm>> -> memref<20000x128xf32, #tpu.memory_space<hbm>>
      tpu.wait_indirect_dma semaphore(%arg10 : memref<!tpu.dma_semaphore, #tpu.memory_space<semaphore_mem>>) src(%dma_wait3A_601 : memref<20000x128xf32, #tpu.memory_space<hbm>>) dst(%dma_wait3A_595 : memref<120x128xf32, #tpu.memory_space<vmem>>)
      %dma_start3A_602 = arith.constant 0 : i32
      %dma_start3A_603 = arith.constant 1 : i32
      %dma_start3A_604 = arith.constant 0 : i32
      %dma_start3A_605 = arith.constant 0 : i32
      %dma_start3A_606 = arith.constant 0 : i32
      %dma_start3A_607 = tpu.memref_slice %arg8[%dma_start3A_602, %dma_start3A_605, %dma_start3A_606] : memref<3x120x128xf32, #tpu.memory_space<vmem>> -> memref<1x120x128xf32, #tpu.memory_space<vmem>>
      %dma_start3A_608 = tpu.memref_squeeze %dma_start3A_607 : memref<1x120x128xf32, #tpu.memory_space<vmem>> -> memref<120x128xf32, #tpu.memory_space<vmem>>
      %dma_start3A_609 = arith.constant 0 : i32
      %dma_start3A_610 = tpu.memref_slice %arg7[%dma_start3A_603, %dma_start3A_604, %dma_start3A_609] : memref<2x3x120xi32, #tpu.memory_space<vmem>> -> memref<1x1x120xi32, #tpu.memory_space<vmem>>
      %dma_start3A_611 = tpu.memref_squeeze %dma_start3A_610 : memref<1x1x120xi32, #tpu.memory_space<vmem>> -> memref<120xi32, #tpu.memory_space<vmem>>
      %dma_start3A_612 = arith.constant 0 : i32
      %dma_start3A_613 = arith.constant 0 : i32
      %dma_start3A_614 = tpu.memref_slice %arg9[%dma_start3A_612, %dma_start3A_613] : memref<10008x128xf32, #tpu.memory_space<vmem_shared>> -> memref<10008x128xf32, #tpu.memory_space<vmem_shared>>
      tpu.enqueue_indirect_dma source(%dma_start3A_608 : memref<120x128xf32, #tpu.memory_space<vmem>>) target(%dma_start3A_614 : memref<10008x128xf32, #tpu.memory_space<vmem_shared>>) offsets(%dma_start3A_611 : memref<120xi32, #tpu.memory_space<vmem>>) semaphore(%arg13 : memref<!tpu.dma_semaphore, #tpu.memory_space<semaphore_mem>>) {add = true}
      %dma_wait3A_615 = arith.constant 1 : i32
      %dma_wait3A_616 = arith.constant 1 : i32
      %dma_wait3A_617 = arith.constant 1 : i32
      %dma_wait3A_618 = arith.constant 0 : i32
      %dma_wait3A_619 = arith.constant 0 : i32
      %dma_wait3A_620 = tpu.memref_slice %arg8[%dma_wait3A_617, %dma_wait3A_618, %dma_wait3A_619] : memref<3x120x128xf32, #tpu.memory_space<vmem>> -> memref<1x120x128xf32, #tpu.memory_space<vmem>>
      %dma_wait3A_621 = tpu.memref_squeeze %dma_wait3A_620 : memref<1x120x128xf32, #tpu.memory_space<vmem>> -> memref<120x128xf32, #tpu.memory_space<vmem>>
      %dma_wait3A_622 = arith.constant 0 : i32
      %dma_wait3A_623 = tpu.memref_slice %arg6[%dma_wait3A_615, %dma_wait3A_616, %dma_wait3A_622] : memref<2x3x120xi32, #tpu.memory_space<vmem>> -> memref<1x1x120xi32, #tpu.memory_space<vmem>>
      %dma_wait3A_624 = tpu.memref_squeeze %dma_wait3A_623 : memref<1x1x120xi32, #tpu.memory_space<vmem>> -> memref<120xi32, #tpu.memory_space<vmem>>
      %dma_wait3A_625 = arith.constant 0 : i32
      %dma_wait3A_626 = arith.constant 0 : i32
      %dma_wait3A_627 = tpu.memref_slice %arg2[%dma_wait3A_625, %dma_wait3A_626] : memref<20000x128xf32, #tpu.memory_space<hbm>> -> memref<20000x128xf32, #tpu.memory_space<hbm>>
      tpu.wait_indirect_dma semaphore(%arg11 : memref<!tpu.dma_semaphore, #tpu.memory_space<semaphore_mem>>) src(%dma_wait3A_627 : memref<20000x128xf32, #tpu.memory_space<hbm>>) dst(%dma_wait3A_621 : memref<120x128xf32, #tpu.memory_space<vmem>>)
      %dma_start3A_628 = arith.constant 1 : i32
      %dma_start3A_629 = arith.constant 1 : i32
      %dma_start3A_630 = arith.constant 1 : i32
      %dma_start3A_631 = arith.constant 0 : i32
      %dma_start3A_632 = arith.constant 0 : i32
      %dma_start3A_633 = tpu.memref_slice %arg8[%dma_start3A_628, %dma_start3A_631, %dma_start3A_632] : memref<3x120x128xf32, #tpu.memory_space<vmem>> -> memref<1x120x128xf32, #tpu.memory_space<vmem>>
      %dma_start3A_634 = tpu.memref_squeeze %dma_start3A_633 : memref<1x120x128xf32, #tpu.memory_space<vmem>> -> memref<120x128xf32, #tpu.memory_space<vmem>>
      %dma_start3A_635 = arith.constant 0 : i32
      %dma_start3A_636 = tpu.memref_slice %arg7[%dma_start3A_629, %dma_start3A_630, %dma_start3A_635] : memref<2x3x120xi32, #tpu.memory_space<vmem>> -> memref<1x1x120xi32, #tpu.memory_space<vmem>>
      %dma_start3A_637 = tpu.memref_squeeze %dma_start3A_636 : memref<1x1x120xi32, #tpu.memory_space<vmem>> -> memref<120xi32, #tpu.memory_space<vmem>>
      %dma_start3A_638 = arith.constant 0 : i32
      %dma_start3A_639 = arith.constant 0 : i32
      %dma_start3A_640 = tpu.memref_slice %arg9[%dma_start3A_638, %dma_start3A_639] : memref<10008x128xf32, #tpu.memory_space<vmem_shared>> -> memref<10008x128xf32, #tpu.memory_space<vmem_shared>>
      tpu.enqueue_indirect_dma source(%dma_start3A_634 : memref<120x128xf32, #tpu.memory_space<vmem>>) target(%dma_start3A_640 : memref<10008x128xf32, #tpu.memory_space<vmem_shared>>) offsets(%dma_start3A_637 : memref<120xi32, #tpu.memory_space<vmem>>) semaphore(%arg13 : memref<!tpu.dma_semaphore, #tpu.memory_space<semaphore_mem>>) {add = true}
      %dma_wait3A_641 = arith.constant 1 : i32
      %dma_wait3A_642 = arith.constant 2 : i32
      %dma_wait3A_643 = arith.constant 2 : i32
      %dma_wait3A_644 = arith.constant 0 : i32
      %dma_wait3A_645 = arith.constant 0 : i32
      %dma_wait3A_646 = tpu.memref_slice %arg8[%dma_wait3A_643, %dma_wait3A_644, %dma_wait3A_645] : memref<3x120x128xf32, #tpu.memory_space<vmem>> -> memref<1x120x128xf32, #tpu.memory_space<vmem>>
      %dma_wait3A_647 = tpu.memref_squeeze %dma_wait3A_646 : memref<1x120x128xf32, #tpu.memory_space<vmem>> -> memref<120x128xf32, #tpu.memory_space<vmem>>
      %dma_wait3A_648 = arith.constant 0 : i32
      %dma_wait3A_649 = tpu.memref_slice %arg6[%dma_wait3A_641, %dma_wait3A_642, %dma_wait3A_648] : memref<2x3x120xi32, #tpu.memory_space<vmem>> -> memref<1x1x120xi32, #tpu.memory_space<vmem>>
      %dma_wait3A_650 = tpu.memref_squeeze %dma_wait3A_649 : memref<1x1x120xi32, #tpu.memory_space<vmem>> -> memref<120xi32, #tpu.memory_space<vmem>>
      %dma_wait3A_651 = arith.constant 0 : i32
      %dma_wait3A_652 = arith.constant 0 : i32
      %dma_wait3A_653 = tpu.memref_slice %arg2[%dma_wait3A_651, %dma_wait3A_652] : memref<20000x128xf32, #tpu.memory_space<hbm>> -> memref<20000x128xf32, #tpu.memory_space<hbm>>
      tpu.wait_indirect_dma semaphore(%arg12 : memref<!tpu.dma_semaphore, #tpu.memory_space<semaphore_mem>>) src(%dma_wait3A_653 : memref<20000x128xf32, #tpu.memory_space<hbm>>) dst(%dma_wait3A_647 : memref<120x128xf32, #tpu.memory_space<vmem>>)
      %dma_start3A_654 = arith.constant 2 : i32
      %dma_start3A_655 = arith.constant 1 : i32
      %dma_start3A_656 = arith.constant 2 : i32
      %dma_start3A_657 = arith.constant 0 : i32
      %dma_start3A_658 = arith.constant 0 : i32
      %dma_start3A_659 = tpu.memref_slice %arg8[%dma_start3A_654, %dma_start3A_657, %dma_start3A_658] : memref<3x120x128xf32, #tpu.memory_space<vmem>> -> memref<1x120x128xf32, #tpu.memory_space<vmem>>
      %dma_start3A_660 = tpu.memref_squeeze %dma_start3A_659 : memref<1x120x128xf32, #tpu.memory_space<vmem>> -> memref<120x128xf32, #tpu.memory_space<vmem>>
      %dma_start3A_661 = arith.constant 0 : i32
      %dma_start3A_662 = tpu.memref_slice %arg7[%dma_start3A_655, %dma_start3A_656, %dma_start3A_661] : memref<2x3x120xi32, #tpu.memory_space<vmem>> -> memref<1x1x120xi32, #tpu.memory_space<vmem>>
      %dma_start3A_663 = tpu.memref_squeeze %dma_start3A_662 : memref<1x1x120xi32, #tpu.memory_space<vmem>> -> memref<120xi32, #tpu.memory_space<vmem>>
      %dma_start3A_664 = arith.constant 0 : i32
      %dma_start3A_665 = arith.constant 0 : i32
      %dma_start3A_666 = tpu.memref_slice %arg9[%dma_start3A_664, %dma_start3A_665] : memref<10008x128xf32, #tpu.memory_space<vmem_shared>> -> memref<10008x128xf32, #tpu.memory_space<vmem_shared>>
      tpu.enqueue_indirect_dma source(%dma_start3A_660 : memref<120x128xf32, #tpu.memory_space<vmem>>) target(%dma_start3A_666 : memref<10008x128xf32, #tpu.memory_space<vmem_shared>>) offsets(%dma_start3A_663 : memref<120xi32, #tpu.memory_space<vmem>>) semaphore(%arg13 : memref<!tpu.dma_semaphore, #tpu.memory_space<semaphore_mem>>) {add = true}
      %dma_wait3A_667 = arith.constant 0 : i32
      %dma_wait3A_668 = arith.constant 1 : i32
      %dma_wait3A_669 = arith.constant 0 : i32
      %dma_wait3A_670 = arith.constant 0 : i32
      %dma_wait3A_671 = arith.constant 0 : i32
      %dma_wait3A_672 = tpu.memref_slice %arg8[%dma_wait3A_667, %dma_wait3A_670, %dma_wait3A_671] : memref<3x120x128xf32, #tpu.memory_space<vmem>> -> memref<1x120x128xf32, #tpu.memory_space<vmem>>
      %dma_wait3A_673 = tpu.memref_squeeze %dma_wait3A_672 : memref<1x120x128xf32, #tpu.memory_space<vmem>> -> memref<120x128xf32, #tpu.memory_space<vmem>>
      %dma_wait3A_674 = arith.constant 0 : i32
      %dma_wait3A_675 = tpu.memref_slice %arg7[%dma_wait3A_668, %dma_wait3A_669, %dma_wait3A_674] : memref<2x3x120xi32, #tpu.memory_space<vmem>> -> memref<1x1x120xi32, #tpu.memory_space<vmem>>
      %dma_wait3A_676 = tpu.memref_squeeze %dma_wait3A_675 : memref<1x1x120xi32, #tpu.memory_space<vmem>> -> memref<120xi32, #tpu.memory_space<vmem>>
      %dma_wait3A_677 = arith.constant 0 : i32
      %dma_wait3A_678 = arith.constant 0 : i32
      %dma_wait3A_679 = tpu.memref_slice %arg9[%dma_wait3A_677, %dma_wait3A_678] : memref<10008x128xf32, #tpu.memory_space<vmem_shared>> -> memref<10008x128xf32, #tpu.memory_space<vmem_shared>>
      tpu.wait_indirect_dma semaphore(%arg13 : memref<!tpu.dma_semaphore, #tpu.memory_space<semaphore_mem>>) src(%dma_wait3A_673 : memref<120x128xf32, #tpu.memory_space<vmem>>) dst(%dma_wait3A_679 : memref<10008x128xf32, #tpu.memory_space<vmem_shared>>)
      %dma_wait3A_680 = arith.constant 1 : i32
      %dma_wait3A_681 = arith.constant 1 : i32
      %dma_wait3A_682 = arith.constant 1 : i32
      %dma_wait3A_683 = arith.constant 0 : i32
      %dma_wait3A_684 = arith.constant 0 : i32
      %dma_wait3A_685 = tpu.memref_slice %arg8[%dma_wait3A_680, %dma_wait3A_683, %dma_wait3A_684] : memref<3x120x128xf32, #tpu.memory_space<vmem>> -> memref<1x120x128xf32, #tpu.memory_space<vmem>>
      %dma_wait3A_686 = tpu.memref_squeeze %dma_wait3A_685 : memref<1x120x128xf32, #tpu.memory_space<vmem>> -> memref<120x128xf32, #tpu.memory_space<vmem>>
      %dma_wait3A_687 = arith.constant 0 : i32
      %dma_wait3A_688 = tpu.memref_slice %arg7[%dma_wait3A_681, %dma_wait3A_682, %dma_wait3A_687] : memref<2x3x120xi32, #tpu.memory_space<vmem>> -> memref<1x1x120xi32, #tpu.memory_space<vmem>>
      %dma_wait3A_689 = tpu.memref_squeeze %dma_wait3A_688 : memref<1x1x120xi32, #tpu.memory_space<vmem>> -> memref<120xi32, #tpu.memory_space<vmem>>
      %dma_wait3A_690 = arith.constant 0 : i32
      %dma_wait3A_691 = arith.constant 0 : i32
      %dma_wait3A_692 = tpu.memref_slice %arg9[%dma_wait3A_690, %dma_wait3A_691] : memref<10008x128xf32, #tpu.memory_space<vmem_shared>> -> memref<10008x128xf32, #tpu.memory_space<vmem_shared>>
      tpu.wait_indirect_dma semaphore(%arg13 : memref<!tpu.dma_semaphore, #tpu.memory_space<semaphore_mem>>) src(%dma_wait3A_686 : memref<120x128xf32, #tpu.memory_space<vmem>>) dst(%dma_wait3A_692 : memref<10008x128xf32, #tpu.memory_space<vmem_shared>>)
      %dma_wait3A_693 = arith.constant 2 : i32
      %dma_wait3A_694 = arith.constant 1 : i32
      %dma_wait3A_695 = arith.constant 2 : i32
      %dma_wait3A_696 = arith.constant 0 : i32
      %dma_wait3A_697 = arith.constant 0 : i32
      %dma_wait3A_698 = tpu.memref_slice %arg8[%dma_wait3A_693, %dma_wait3A_696, %dma_wait3A_697] : memref<3x120x128xf32, #tpu.memory_space<vmem>> -> memref<1x120x128xf32, #tpu.memory_space<vmem>>
      %dma_wait3A_699 = tpu.memref_squeeze %dma_wait3A_698 : memref<1x120x128xf32, #tpu.memory_space<vmem>> -> memref<120x128xf32, #tpu.memory_space<vmem>>
      %dma_wait3A_700 = arith.constant 0 : i32
      %dma_wait3A_701 = tpu.memref_slice %arg7[%dma_wait3A_694, %dma_wait3A_695, %dma_wait3A_700] : memref<2x3x120xi32, #tpu.memory_space<vmem>> -> memref<1x1x120xi32, #tpu.memory_space<vmem>>
      %dma_wait3A_702 = tpu.memref_squeeze %dma_wait3A_701 : memref<1x1x120xi32, #tpu.memory_space<vmem>> -> memref<120xi32, #tpu.memory_space<vmem>>
      %dma_wait3A_703 = arith.constant 0 : i32
      %dma_wait3A_704 = arith.constant 0 : i32
      %dma_wait3A_705 = tpu.memref_slice %arg9[%dma_wait3A_703, %dma_wait3A_704] : memref<10008x128xf32, #tpu.memory_space<vmem_shared>> -> memref<10008x128xf32, #tpu.memory_space<vmem_shared>>
      tpu.wait_indirect_dma semaphore(%arg13 : memref<!tpu.dma_semaphore, #tpu.memory_space<semaphore_mem>>) src(%dma_wait3A_699 : memref<120x128xf32, #tpu.memory_space<vmem>>) dst(%dma_wait3A_705 : memref<10008x128xf32, #tpu.memory_space<vmem_shared>>)
      %add3A_706 = arith.constant 3 : i32
      %add3A_707 = arith.addi %mul3A_295, %add3A_706 : i32
      %lt3A_708 = arith.constant 56 : i32
      %lt3A_709 = arith.cmpi slt, %add3A_707, %lt3A_708 : i32
      %convert_element_type3A_710 = arith.extui %lt3A_709 : i1 to i32
      %cond3A_711 = arith.constant 0 : i32
      %cond3A_712 = arith.cmpi ne, %convert_element_type3A_710, %cond3A_711 : i32
      scf.if %cond3A_712 {
        %add3A_720 = arith.constant 3 : i32
        %add3A_721 = arith.addi %mul3A_295, %add3A_720 : i32
        %mul3A_722 = arith.constant 3 : i32
        %mul3A_723 = arith.muli %add3A_721, %mul3A_722 : i32
        %add3A_724 = arith.constant 0 : i32
        %add3A_725 = arith.addi %mul3A_723, %add3A_724 : i32
        %dma_start3A_726 = arith.constant 1 : i32
        %dma_start3A_727 = arith.constant 0 : i32
        %dma_start3A_728 = arith.constant 0 : i32
        %dma_start3A_729 = tpu.memref_slice %arg6[%dma_start3A_726, %dma_start3A_727, %dma_start3A_728] : memref<2x3x120xi32, #tpu.memory_space<vmem>> -> memref<1x1x120xi32, #tpu.memory_space<vmem>>
        %dma_start3A_730 = tpu.memref_squeeze %dma_start3A_729 : memref<1x1x120xi32, #tpu.memory_space<vmem>> -> memref<120xi32, #tpu.memory_space<vmem>>
        %dma_start3A_731 = arith.constant 0 : i32
        %dma_start3A_732 = tpu.memref_slice %arg3[%arg0, %arg1, %add3A_725, %dma_start3A_731] : memref<2x16x168x120xi32, #tpu.memory_space<hbm>> -> memref<1x1x1x120xi32, #tpu.memory_space<hbm>>
        %dma_start3A_733 = tpu.memref_squeeze %dma_start3A_732 : memref<1x1x1x120xi32, #tpu.memory_space<hbm>> -> memref<120xi32, #tpu.memory_space<hbm>>
        %dma_start3A_734 = arith.constant 0 : i32
        %dma_start3A_735 = tpu.memref_slice %arg6[%dma_start3A_726, %dma_start3A_727, %dma_start3A_734] : memref<2x3x120xi32, #tpu.memory_space<vmem>> -> memref<1x1x120xi32, #tpu.memory_space<vmem>>
        %dma_start3A_736 = tpu.memref_squeeze %dma_start3A_735 : memref<1x1x120xi32, #tpu.memory_space<vmem>> -> memref<120xi32, #tpu.memory_space<vmem>>
        %dma_start3A_737 = arith.constant 0 : i32
        %dma_start3A_738 = tpu.memref_slice %arg3[%arg0, %arg1, %add3A_725, %dma_start3A_737] : memref<2x16x168x120xi32, #tpu.memory_space<hbm>> -> memref<1x1x1x120xi32, #tpu.memory_space<hbm>>
        %dma_start3A_739 = tpu.memref_squeeze %dma_start3A_738 : memref<1x1x1x120xi32, #tpu.memory_space<hbm>> -> memref<120xi32, #tpu.memory_space<hbm>>
        tpu.enqueue_dma source(%dma_start3A_739 : memref<120xi32, #tpu.memory_space<hbm>>) target(%dma_start3A_736 : memref<120xi32, #tpu.memory_space<vmem>>) target_semaphore(%arg15 : memref<!tpu.dma_semaphore, #tpu.memory_space<semaphore_mem>>)
        %mul3A_740 = arith.constant 3 : i32
        %mul3A_741 = arith.muli %add3A_721, %mul3A_740 : i32
        %add3A_742 = arith.constant 0 : i32
        %add3A_743 = arith.addi %mul3A_741, %add3A_742 : i32
        %dma_start3A_744 = arith.constant 1 : i32
        %dma_start3A_745 = arith.constant 0 : i32
        %dma_start3A_746 = arith.constant 0 : i32
        %dma_start3A_747 = tpu.memref_slice %arg7[%dma_start3A_744, %dma_start3A_745, %dma_start3A_746] : memref<2x3x120xi32, #tpu.memory_space<vmem>> -> memref<1x1x120xi32, #tpu.memory_space<vmem>>
        %dma_start3A_748 = tpu.memref_squeeze %dma_start3A_747 : memref<1x1x120xi32, #tpu.memory_space<vmem>> -> memref<120xi32, #tpu.memory_space<vmem>>
        %dma_start3A_749 = arith.constant 0 : i32
        %dma_start3A_750 = tpu.memref_slice %arg4[%arg0, %arg1, %add3A_743, %dma_start3A_749] : memref<2x16x168x120xi32, #tpu.memory_space<hbm>> -> memref<1x1x1x120xi32, #tpu.memory_space<hbm>>
        %dma_start3A_751 = tpu.memref_squeeze %dma_start3A_750 : memref<1x1x1x120xi32, #tpu.memory_space<hbm>> -> memref<120xi32, #tpu.memory_space<hbm>>
        %dma_start3A_752 = arith.constant 0 : i32
        %dma_start3A_753 = tpu.memref_slice %arg7[%dma_start3A_744, %dma_start3A_745, %dma_start3A_752] : memref<2x3x120xi32, #tpu.memory_space<vmem>> -> memref<1x1x120xi32, #tpu.memory_space<vmem>>
        %dma_start3A_754 = tpu.memref_squeeze %dma_start3A_753 : memref<1x1x120xi32, #tpu.memory_space<vmem>> -> memref<120xi32, #tpu.memory_space<vmem>>
        %dma_start3A_755 = arith.constant 0 : i32
        %dma_start3A_756 = tpu.memref_slice %arg4[%arg0, %arg1, %add3A_743, %dma_start3A_755] : memref<2x16x168x120xi32, #tpu.memory_space<hbm>> -> memref<1x1x1x120xi32, #tpu.memory_space<hbm>>
        %dma_start3A_757 = tpu.memref_squeeze %dma_start3A_756 : memref<1x1x1x120xi32, #tpu.memory_space<hbm>> -> memref<120xi32, #tpu.memory_space<hbm>>
        tpu.enqueue_dma source(%dma_start3A_757 : memref<120xi32, #tpu.memory_space<hbm>>) target(%dma_start3A_754 : memref<120xi32, #tpu.memory_space<vmem>>) target_semaphore(%arg15 : memref<!tpu.dma_semaphore, #tpu.memory_space<semaphore_mem>>)
        %mul3A_758 = arith.constant 3 : i32
        %mul3A_759 = arith.muli %add3A_721, %mul3A_758 : i32
        %add3A_760 = arith.constant 1 : i32
        %add3A_761 = arith.addi %mul3A_759, %add3A_760 : i32
        %dma_start3A_762 = arith.constant 1 : i32
        %dma_start3A_763 = arith.constant 1 : i32
        %dma_start3A_764 = arith.constant 0 : i32
        %dma_start3A_765 = tpu.memref_slice %arg6[%dma_start3A_762, %dma_start3A_763, %dma_start3A_764] : memref<2x3x120xi32, #tpu.memory_space<vmem>> -> memref<1x1x120xi32, #tpu.memory_space<vmem>>
        %dma_start3A_766 = tpu.memref_squeeze %dma_start3A_765 : memref<1x1x120xi32, #tpu.memory_space<vmem>> -> memref<120xi32, #tpu.memory_space<vmem>>
        %dma_start3A_767 = arith.constant 0 : i32
        %dma_start3A_768 = tpu.memref_slice %arg3[%arg0, %arg1, %add3A_761, %dma_start3A_767] : memref<2x16x168x120xi32, #tpu.memory_space<hbm>> -> memref<1x1x1x120xi32, #tpu.memory_space<hbm>>
        %dma_start3A_769 = tpu.memref_squeeze %dma_start3A_768 : memref<1x1x1x120xi32, #tpu.memory_space<hbm>> -> memref<120xi32, #tpu.memory_space<hbm>>
        %dma_start3A_770 = arith.constant 0 : i32
        %dma_start3A_771 = tpu.memref_slice %arg6[%dma_start3A_762, %dma_start3A_763, %dma_start3A_770] : memref<2x3x120xi32, #tpu.memory_space<vmem>> -> memref<1x1x120xi32, #tpu.memory_space<vmem>>
        %dma_start3A_772 = tpu.memref_squeeze %dma_start3A_771 : memref<1x1x120xi32, #tpu.memory_space<vmem>> -> memref<120xi32, #tpu.memory_space<vmem>>
        %dma_start3A_773 = arith.constant 0 : i32
        %dma_start3A_774 = tpu.memref_slice %arg3[%arg0, %arg1, %add3A_761, %dma_start3A_773] : memref<2x16x168x120xi32, #tpu.memory_space<hbm>> -> memref<1x1x1x120xi32, #tpu.memory_space<hbm>>
        %dma_start3A_775 = tpu.memref_squeeze %dma_start3A_774 : memref<1x1x1x120xi32, #tpu.memory_space<hbm>> -> memref<120xi32, #tpu.memory_space<hbm>>
        tpu.enqueue_dma source(%dma_start3A_775 : memref<120xi32, #tpu.memory_space<hbm>>) target(%dma_start3A_772 : memref<120xi32, #tpu.memory_space<vmem>>) target_semaphore(%arg15 : memref<!tpu.dma_semaphore, #tpu.memory_space<semaphore_mem>>)
        %mul3A_776 = arith.constant 3 : i32
        %mul3A_777 = arith.muli %add3A_721, %mul3A_776 : i32
        %add3A_778 = arith.constant 1 : i32
        %add3A_779 = arith.addi %mul3A_777, %add3A_778 : i32
        %dma_start3A_780 = arith.constant 1 : i32
        %dma_start3A_781 = arith.constant 1 : i32
        %dma_start3A_782 = arith.constant 0 : i32
        %dma_start3A_783 = tpu.memref_slice %arg7[%dma_start3A_780, %dma_start3A_781, %dma_start3A_782] : memref<2x3x120xi32, #tpu.memory_space<vmem>> -> memref<1x1x120xi32, #tpu.memory_space<vmem>>
        %dma_start3A_784 = tpu.memref_squeeze %dma_start3A_783 : memref<1x1x120xi32, #tpu.memory_space<vmem>> -> memref<120xi32, #tpu.memory_space<vmem>>
        %dma_start3A_785 = arith.constant 0 : i32
        %dma_start3A_786 = tpu.memref_slice %arg4[%arg0, %arg1, %add3A_779, %dma_start3A_785] : memref<2x16x168x120xi32, #tpu.memory_space<hbm>> -> memref<1x1x1x120xi32, #tpu.memory_space<hbm>>
        %dma_start3A_787 = tpu.memref_squeeze %dma_start3A_786 : memref<1x1x1x120xi32, #tpu.memory_space<hbm>> -> memref<120xi32, #tpu.memory_space<hbm>>
        %dma_start3A_788 = arith.constant 0 : i32
        %dma_start3A_789 = tpu.memref_slice %arg7[%dma_start3A_780, %dma_start3A_781, %dma_start3A_788] : memref<2x3x120xi32, #tpu.memory_space<vmem>> -> memref<1x1x120xi32, #tpu.memory_space<vmem>>
        %dma_start3A_790 = tpu.memref_squeeze %dma_start3A_789 : memref<1x1x120xi32, #tpu.memory_space<vmem>> -> memref<120xi32, #tpu.memory_space<vmem>>
        %dma_start3A_791 = arith.constant 0 : i32
        %dma_start3A_792 = tpu.memref_slice %arg4[%arg0, %arg1, %add3A_779, %dma_start3A_791] : memref<2x16x168x120xi32, #tpu.memory_space<hbm>> -> memref<1x1x1x120xi32, #tpu.memory_space<hbm>>
        %dma_start3A_793 = tpu.memref_squeeze %dma_start3A_792 : memref<1x1x1x120xi32, #tpu.memory_space<hbm>> -> memref<120xi32, #tpu.memory_space<hbm>>
        tpu.enqueue_dma source(%dma_start3A_793 : memref<120xi32, #tpu.memory_space<hbm>>) target(%dma_start3A_790 : memref<120xi32, #tpu.memory_space<vmem>>) target_semaphore(%arg15 : memref<!tpu.dma_semaphore, #tpu.memory_space<semaphore_mem>>)
        %mul3A_794 = arith.constant 3 : i32
        %mul3A_795 = arith.muli %add3A_721, %mul3A_794 : i32
        %add3A_796 = arith.constant 2 : i32
        %add3A_797 = arith.addi %mul3A_795, %add3A_796 : i32
        %dma_start3A_798 = arith.constant 1 : i32
        %dma_start3A_799 = arith.constant 2 : i32
        %dma_start3A_800 = arith.constant 0 : i32
        %dma_start3A_801 = tpu.memref_slice %arg6[%dma_start3A_798, %dma_start3A_799, %dma_start3A_800] : memref<2x3x120xi32, #tpu.memory_space<vmem>> -> memref<1x1x120xi32, #tpu.memory_space<vmem>>
        %dma_start3A_802 = tpu.memref_squeeze %dma_start3A_801 : memref<1x1x120xi32, #tpu.memory_space<vmem>> -> memref<120xi32, #tpu.memory_space<vmem>>
        %dma_start3A_803 = arith.constant 0 : i32
        %dma_start3A_804 = tpu.memref_slice %arg3[%arg0, %arg1, %add3A_797, %dma_start3A_803] : memref<2x16x168x120xi32, #tpu.memory_space<hbm>> -> memref<1x1x1x120xi32, #tpu.memory_space<hbm>>
        %dma_start3A_805 = tpu.memref_squeeze %dma_start3A_804 : memref<1x1x1x120xi32, #tpu.memory_space<hbm>> -> memref<120xi32, #tpu.memory_space<hbm>>
        %dma_start3A_806 = arith.constant 0 : i32
        %dma_start3A_807 = tpu.memref_slice %arg6[%dma_start3A_798, %dma_start3A_799, %dma_start3A_806] : memref<2x3x120xi32, #tpu.memory_space<vmem>> -> memref<1x1x120xi32, #tpu.memory_space<vmem>>
        %dma_start3A_808 = tpu.memref_squeeze %dma_start3A_807 : memref<1x1x120xi32, #tpu.memory_space<vmem>> -> memref<120xi32, #tpu.memory_space<vmem>>
        %dma_start3A_809 = arith.constant 0 : i32
        %dma_start3A_810 = tpu.memref_slice %arg3[%arg0, %arg1, %add3A_797, %dma_start3A_809] : memref<2x16x168x120xi32, #tpu.memory_space<hbm>> -> memref<1x1x1x120xi32, #tpu.memory_space<hbm>>
        %dma_start3A_811 = tpu.memref_squeeze %dma_start3A_810 : memref<1x1x1x120xi32, #tpu.memory_space<hbm>> -> memref<120xi32, #tpu.memory_space<hbm>>
        tpu.enqueue_dma source(%dma_start3A_811 : memref<120xi32, #tpu.memory_space<hbm>>) target(%dma_start3A_808 : memref<120xi32, #tpu.memory_space<vmem>>) target_semaphore(%arg15 : memref<!tpu.dma_semaphore, #tpu.memory_space<semaphore_mem>>)
        %mul3A_812 = arith.constant 3 : i32
        %mul3A_813 = arith.muli %add3A_721, %mul3A_812 : i32
        %add3A_814 = arith.constant 2 : i32
        %add3A_815 = arith.addi %mul3A_813, %add3A_814 : i32
        %dma_start3A_816 = arith.constant 1 : i32
        %dma_start3A_817 = arith.constant 2 : i32
        %dma_start3A_818 = arith.constant 0 : i32
        %dma_start3A_819 = tpu.memref_slice %arg7[%dma_start3A_816, %dma_start3A_817, %dma_start3A_818] : memref<2x3x120xi32, #tpu.memory_space<vmem>> -> memref<1x1x120xi32, #tpu.memory_space<vmem>>
        %dma_start3A_820 = tpu.memref_squeeze %dma_start3A_819 : memref<1x1x120xi32, #tpu.memory_space<vmem>> -> memref<120xi32, #tpu.memory_space<vmem>>
        %dma_start3A_821 = arith.constant 0 : i32
        %dma_start3A_822 = tpu.memref_slice %arg4[%arg0, %arg1, %add3A_815, %dma_start3A_821] : memref<2x16x168x120xi32, #tpu.memory_space<hbm>> -> memref<1x1x1x120xi32, #tpu.memory_space<hbm>>
        %dma_start3A_823 = tpu.memref_squeeze %dma_start3A_822 : memref<1x1x1x120xi32, #tpu.memory_space<hbm>> -> memref<120xi32, #tpu.memory_space<hbm>>
        %dma_start3A_824 = arith.constant 0 : i32
        %dma_start3A_825 = tpu.memref_slice %arg7[%dma_start3A_816, %dma_start3A_817, %dma_start3A_824] : memref<2x3x120xi32, #tpu.memory_space<vmem>> -> memref<1x1x120xi32, #tpu.memory_space<vmem>>
        %dma_start3A_826 = tpu.memref_squeeze %dma_start3A_825 : memref<1x1x120xi32, #tpu.memory_space<vmem>> -> memref<120xi32, #tpu.memory_space<vmem>>
        %dma_start3A_827 = arith.constant 0 : i32
        %dma_start3A_828 = tpu.memref_slice %arg4[%arg0, %arg1, %add3A_815, %dma_start3A_827] : memref<2x16x168x120xi32, #tpu.memory_space<hbm>> -> memref<1x1x1x120xi32, #tpu.memory_space<hbm>>
        %dma_start3A_829 = tpu.memref_squeeze %dma_start3A_828 : memref<1x1x1x120xi32, #tpu.memory_space<hbm>> -> memref<120xi32, #tpu.memory_space<hbm>>
        tpu.enqueue_dma source(%dma_start3A_829 : memref<120xi32, #tpu.memory_space<hbm>>) target(%dma_start3A_826 : memref<120xi32, #tpu.memory_space<vmem>>) target_semaphore(%arg15 : memref<!tpu.dma_semaphore, #tpu.memory_space<semaphore_mem>>)
      } else {
      }
      %add3A_713 = arith.constant 2 : i32
      %add3A_714 = arith.addi %mul3A_295, %add3A_713 : i32
      %lt3A_715 = arith.constant 56 : i32
      %lt3A_716 = arith.cmpi slt, %add3A_714, %lt3A_715 : i32
      %convert_element_type3A_717 = arith.extui %lt3A_716 : i1 to i32
      %cond3A_718 = arith.constant 0 : i32
      %cond3A_719 = arith.cmpi ne, %convert_element_type3A_717, %cond3A_718 : i32
      scf.if %cond3A_719 {
        %dma_wait3A_720 = arith.constant 0 : i32
        %dma_wait3A_721 = arith.constant 0 : i32
        %dma_wait3A_722 = arith.constant 0 : i32
        %dma_wait3A_723 = arith.constant 0 : i32
        %dma_wait3A_724 = tpu.memref_slice %arg6[%dma_wait3A_721, %dma_wait3A_722, %dma_wait3A_723] : memref<2x3x120xi32, #tpu.memory_space<vmem>> -> memref<1x1x120xi32, #tpu.memory_space<vmem>>
        %dma_wait3A_725 = tpu.memref_squeeze %dma_wait3A_724 : memref<1x1x120xi32, #tpu.memory_space<vmem>> -> memref<120xi32, #tpu.memory_space<vmem>>
        %dma_wait3A_726 = arith.constant 0 : i32
        %dma_wait3A_727 = tpu.memref_slice %arg3[%arg0, %arg1, %dma_wait3A_720, %dma_wait3A_726] : memref<2x16x168x120xi32, #tpu.memory_space<hbm>> -> memref<1x1x1x120xi32, #tpu.memory_space<hbm>>
        %dma_wait3A_728 = tpu.memref_squeeze %dma_wait3A_727 : memref<1x1x1x120xi32, #tpu.memory_space<hbm>> -> memref<120xi32, #tpu.memory_space<hbm>>
        %dma_wait3A_729 = arith.constant 0 : i32
        %dma_wait3A_730 = tpu.memref_slice %arg6[%dma_wait3A_721, %dma_wait3A_722, %dma_wait3A_729] : memref<2x3x120xi32, #tpu.memory_space<vmem>> -> memref<1x1x120xi32, #tpu.memory_space<vmem>>
        %dma_wait3A_731 = tpu.memref_squeeze %dma_wait3A_730 : memref<1x1x120xi32, #tpu.memory_space<vmem>> -> memref<120xi32, #tpu.memory_space<vmem>>
        %dma_wait3A_732 = arith.constant 0 : i32
        %dma_wait3A_733 = tpu.memref_slice %arg3[%arg0, %arg1, %dma_wait3A_720, %dma_wait3A_732] : memref<2x16x168x120xi32, #tpu.memory_space<hbm>> -> memref<1x1x1x120xi32, #tpu.memory_space<hbm>>
        %dma_wait3A_734 = tpu.memref_squeeze %dma_wait3A_733 : memref<1x1x1x120xi32, #tpu.memory_space<hbm>> -> memref<120xi32, #tpu.memory_space<hbm>>
        tpu.wait_dma2 semaphore(%arg14 : memref<!tpu.dma_semaphore, #tpu.memory_space<semaphore_mem>>) src(%dma_wait3A_734 : memref<120xi32, #tpu.memory_space<hbm>>) dst(%dma_wait3A_731 : memref<120xi32, #tpu.memory_space<vmem>>)
        %dma_wait3A_735 = arith.constant 0 : i32
        %dma_wait3A_736 = arith.constant 0 : i32
        %dma_wait3A_737 = arith.constant 0 : i32
        %dma_wait3A_738 = arith.constant 0 : i32
        %dma_wait3A_739 = tpu.memref_slice %arg7[%dma_wait3A_736, %dma_wait3A_737, %dma_wait3A_738] : memref<2x3x120xi32, #tpu.memory_space<vmem>> -> memref<1x1x120xi32, #tpu.memory_space<vmem>>
        %dma_wait3A_740 = tpu.memref_squeeze %dma_wait3A_739 : memref<1x1x120xi32, #tpu.memory_space<vmem>> -> memref<120xi32, #tpu.memory_space<vmem>>
        %dma_wait3A_741 = arith.constant 0 : i32
        %dma_wait3A_742 = tpu.memref_slice %arg4[%arg0, %arg1, %dma_wait3A_735, %dma_wait3A_741] : memref<2x16x168x120xi32, #tpu.memory_space<hbm>> -> memref<1x1x1x120xi32, #tpu.memory_space<hbm>>
        %dma_wait3A_743 = tpu.memref_squeeze %dma_wait3A_742 : memref<1x1x1x120xi32, #tpu.memory_space<hbm>> -> memref<120xi32, #tpu.memory_space<hbm>>
        %dma_wait3A_744 = arith.constant 0 : i32
        %dma_wait3A_745 = tpu.memref_slice %arg7[%dma_wait3A_736, %dma_wait3A_737, %dma_wait3A_744] : memref<2x3x120xi32, #tpu.memory_space<vmem>> -> memref<1x1x120xi32, #tpu.memory_space<vmem>>
        %dma_wait3A_746 = tpu.memref_squeeze %dma_wait3A_745 : memref<1x1x120xi32, #tpu.memory_space<vmem>> -> memref<120xi32, #tpu.memory_space<vmem>>
        %dma_wait3A_747 = arith.constant 0 : i32
        %dma_wait3A_748 = tpu.memref_slice %arg4[%arg0, %arg1, %dma_wait3A_735, %dma_wait3A_747] : memref<2x16x168x120xi32, #tpu.memory_space<hbm>> -> memref<1x1x1x120xi32, #tpu.memory_space<hbm>>
        %dma_wait3A_749 = tpu.memref_squeeze %dma_wait3A_748 : memref<1x1x1x120xi32, #tpu.memory_space<hbm>> -> memref<120xi32, #tpu.memory_space<hbm>>
        tpu.wait_dma2 semaphore(%arg14 : memref<!tpu.dma_semaphore, #tpu.memory_space<semaphore_mem>>) src(%dma_wait3A_749 : memref<120xi32, #tpu.memory_space<hbm>>) dst(%dma_wait3A_746 : memref<120xi32, #tpu.memory_space<vmem>>)
        %dma_wait3A_750 = arith.constant 1 : i32
        %dma_wait3A_751 = arith.constant 0 : i32
        %dma_wait3A_752 = arith.constant 1 : i32
        %dma_wait3A_753 = arith.constant 0 : i32
        %dma_wait3A_754 = tpu.memref_slice %arg6[%dma_wait3A_751, %dma_wait3A_752, %dma_wait3A_753] : memref<2x3x120xi32, #tpu.memory_space<vmem>> -> memref<1x1x120xi32, #tpu.memory_space<vmem>>
        %dma_wait3A_755 = tpu.memref_squeeze %dma_wait3A_754 : memref<1x1x120xi32, #tpu.memory_space<vmem>> -> memref<120xi32, #tpu.memory_space<vmem>>
        %dma_wait3A_756 = arith.constant 0 : i32
        %dma_wait3A_757 = tpu.memref_slice %arg3[%arg0, %arg1, %dma_wait3A_750, %dma_wait3A_756] : memref<2x16x168x120xi32, #tpu.memory_space<hbm>> -> memref<1x1x1x120xi32, #tpu.memory_space<hbm>>
        %dma_wait3A_758 = tpu.memref_squeeze %dma_wait3A_757 : memref<1x1x1x120xi32, #tpu.memory_space<hbm>> -> memref<120xi32, #tpu.memory_space<hbm>>
        %dma_wait3A_759 = arith.constant 0 : i32
        %dma_wait3A_760 = tpu.memref_slice %arg6[%dma_wait3A_751, %dma_wait3A_752, %dma_wait3A_759] : memref<2x3x120xi32, #tpu.memory_space<vmem>> -> memref<1x1x120xi32, #tpu.memory_space<vmem>>
        %dma_wait3A_761 = tpu.memref_squeeze %dma_wait3A_760 : memref<1x1x120xi32, #tpu.memory_space<vmem>> -> memref<120xi32, #tpu.memory_space<vmem>>
        %dma_wait3A_762 = arith.constant 0 : i32
        %dma_wait3A_763 = tpu.memref_slice %arg3[%arg0, %arg1, %dma_wait3A_750, %dma_wait3A_762] : memref<2x16x168x120xi32, #tpu.memory_space<hbm>> -> memref<1x1x1x120xi32, #tpu.memory_space<hbm>>
        %dma_wait3A_764 = tpu.memref_squeeze %dma_wait3A_763 : memref<1x1x1x120xi32, #tpu.memory_space<hbm>> -> memref<120xi32, #tpu.memory_space<hbm>>
        tpu.wait_dma2 semaphore(%arg14 : memref<!tpu.dma_semaphore, #tpu.memory_space<semaphore_mem>>) src(%dma_wait3A_764 : memref<120xi32, #tpu.memory_space<hbm>>) dst(%dma_wait3A_761 : memref<120xi32, #tpu.memory_space<vmem>>)
        %dma_wait3A_765 = arith.constant 1 : i32
        %dma_wait3A_766 = arith.constant 0 : i32
        %dma_wait3A_767 = arith.constant 1 : i32
        %dma_wait3A_768 = arith.constant 0 : i32
        %dma_wait3A_769 = tpu.memref_slice %arg7[%dma_wait3A_766, %dma_wait3A_767, %dma_wait3A_768] : memref<2x3x120xi32, #tpu.memory_space<vmem>> -> memref<1x1x120xi32, #tpu.memory_space<vmem>>
        %dma_wait3A_770 = tpu.memref_squeeze %dma_wait3A_769 : memref<1x1x120xi32, #tpu.memory_space<vmem>> -> memref<120xi32, #tpu.memory_space<vmem>>
        %dma_wait3A_771 = arith.constant 0 : i32
        %dma_wait3A_772 = tpu.memref_slice %arg4[%arg0, %arg1, %dma_wait3A_765, %dma_wait3A_771] : memref<2x16x168x120xi32, #tpu.memory_space<hbm>> -> memref<1x1x1x120xi32, #tpu.memory_space<hbm>>
        %dma_wait3A_773 = tpu.memref_squeeze %dma_wait3A_772 : memref<1x1x1x120xi32, #tpu.memory_space<hbm>> -> memref<120xi32, #tpu.memory_space<hbm>>
        %dma_wait3A_774 = arith.constant 0 : i32
        %dma_wait3A_775 = tpu.memref_slice %arg7[%dma_wait3A_766, %dma_wait3A_767, %dma_wait3A_774] : memref<2x3x120xi32, #tpu.memory_space<vmem>> -> memref<1x1x120xi32, #tpu.memory_space<vmem>>
        %dma_wait3A_776 = tpu.memref_squeeze %dma_wait3A_775 : memref<1x1x120xi32, #tpu.memory_space<vmem>> -> memref<120xi32, #tpu.memory_space<vmem>>
        %dma_wait3A_777 = arith.constant 0 : i32
        %dma_wait3A_778 = tpu.memref_slice %arg4[%arg0, %arg1, %dma_wait3A_765, %dma_wait3A_777] : memref<2x16x168x120xi32, #tpu.memory_space<hbm>> -> memref<1x1x1x120xi32, #tpu.memory_space<hbm>>
        %dma_wait3A_779 = tpu.memref_squeeze %dma_wait3A_778 : memref<1x1x1x120xi32, #tpu.memory_space<hbm>> -> memref<120xi32, #tpu.memory_space<hbm>>
        tpu.wait_dma2 semaphore(%arg14 : memref<!tpu.dma_semaphore, #tpu.memory_space<semaphore_mem>>) src(%dma_wait3A_779 : memref<120xi32, #tpu.memory_space<hbm>>) dst(%dma_wait3A_776 : memref<120xi32, #tpu.memory_space<vmem>>)
        %dma_wait3A_780 = arith.constant 2 : i32
        %dma_wait3A_781 = arith.constant 0 : i32
        %dma_wait3A_782 = arith.constant 2 : i32
        %dma_wait3A_783 = arith.constant 0 : i32
        %dma_wait3A_784 = tpu.memref_slice %arg6[%dma_wait3A_781, %dma_wait3A_782, %dma_wait3A_783] : memref<2x3x120xi32, #tpu.memory_space<vmem>> -> memref<1x1x120xi32, #tpu.memory_space<vmem>>
        %dma_wait3A_785 = tpu.memref_squeeze %dma_wait3A_784 : memref<1x1x120xi32, #tpu.memory_space<vmem>> -> memref<120xi32, #tpu.memory_space<vmem>>
        %dma_wait3A_786 = arith.constant 0 : i32
        %dma_wait3A_787 = tpu.memref_slice %arg3[%arg0, %arg1, %dma_wait3A_780, %dma_wait3A_786] : memref<2x16x168x120xi32, #tpu.memory_space<hbm>> -> memref<1x1x1x120xi32, #tpu.memory_space<hbm>>
        %dma_wait3A_788 = tpu.memref_squeeze %dma_wait3A_787 : memref<1x1x1x120xi32, #tpu.memory_space<hbm>> -> memref<120xi32, #tpu.memory_space<hbm>>
        %dma_wait3A_789 = arith.constant 0 : i32
        %dma_wait3A_790 = tpu.memref_slice %arg6[%dma_wait3A_781, %dma_wait3A_782, %dma_wait3A_789] : memref<2x3x120xi32, #tpu.memory_space<vmem>> -> memref<1x1x120xi32, #tpu.memory_space<vmem>>
        %dma_wait3A_791 = tpu.memref_squeeze %dma_wait3A_790 : memref<1x1x120xi32, #tpu.memory_space<vmem>> -> memref<120xi32, #tpu.memory_space<vmem>>
        %dma_wait3A_792 = arith.constant 0 : i32
        %dma_wait3A_793 = tpu.memref_slice %arg3[%arg0, %arg1, %dma_wait3A_780, %dma_wait3A_792] : memref<2x16x168x120xi32, #tpu.memory_space<hbm>> -> memref<1x1x1x120xi32, #tpu.memory_space<hbm>>
        %dma_wait3A_794 = tpu.memref_squeeze %dma_wait3A_793 : memref<1x1x1x120xi32, #tpu.memory_space<hbm>> -> memref<120xi32, #tpu.memory_space<hbm>>
        tpu.wait_dma2 semaphore(%arg14 : memref<!tpu.dma_semaphore, #tpu.memory_space<semaphore_mem>>) src(%dma_wait3A_794 : memref<120xi32, #tpu.memory_space<hbm>>) dst(%dma_wait3A_791 : memref<120xi32, #tpu.memory_space<vmem>>)
        %dma_wait3A_795 = arith.constant 2 : i32
        %dma_wait3A_796 = arith.constant 0 : i32
        %dma_wait3A_797 = arith.constant 2 : i32
        %dma_wait3A_798 = arith.constant 0 : i32
        %dma_wait3A_799 = tpu.memref_slice %arg7[%dma_wait3A_796, %dma_wait3A_797, %dma_wait3A_798] : memref<2x3x120xi32, #tpu.memory_space<vmem>> -> memref<1x1x120xi32, #tpu.memory_space<vmem>>
        %dma_wait3A_800 = tpu.memref_squeeze %dma_wait3A_799 : memref<1x1x120xi32, #tpu.memory_space<vmem>> -> memref<120xi32, #tpu.memory_space<vmem>>
        %dma_wait3A_801 = arith.constant 0 : i32
        %dma_wait3A_802 = tpu.memref_slice %arg4[%arg0, %arg1, %dma_wait3A_795, %dma_wait3A_801] : memref<2x16x168x120xi32, #tpu.memory_space<hbm>> -> memref<1x1x1x120xi32, #tpu.memory_space<hbm>>
        %dma_wait3A_803 = tpu.memref_squeeze %dma_wait3A_802 : memref<1x1x1x120xi32, #tpu.memory_space<hbm>> -> memref<120xi32, #tpu.memory_space<hbm>>
        %dma_wait3A_804 = arith.constant 0 : i32
        %dma_wait3A_805 = tpu.memref_slice %arg7[%dma_wait3A_796, %dma_wait3A_797, %dma_wait3A_804] : memref<2x3x120xi32, #tpu.memory_space<vmem>> -> memref<1x1x120xi32, #tpu.memory_space<vmem>>
        %dma_wait3A_806 = tpu.memref_squeeze %dma_wait3A_805 : memref<1x1x120xi32, #tpu.memory_space<vmem>> -> memref<120xi32, #tpu.memory_space<vmem>>
        %dma_wait3A_807 = arith.constant 0 : i32
        %dma_wait3A_808 = tpu.memref_slice %arg4[%arg0, %arg1, %dma_wait3A_795, %dma_wait3A_807] : memref<2x16x168x120xi32, #tpu.memory_space<hbm>> -> memref<1x1x1x120xi32, #tpu.memory_space<hbm>>
        %dma_wait3A_809 = tpu.memref_squeeze %dma_wait3A_808 : memref<1x1x1x120xi32, #tpu.memory_space<hbm>> -> memref<120xi32, #tpu.memory_space<hbm>>
        tpu.wait_dma2 semaphore(%arg14 : memref<!tpu.dma_semaphore, #tpu.memory_space<semaphore_mem>>) src(%dma_wait3A_809 : memref<120xi32, #tpu.memory_space<hbm>>) dst(%dma_wait3A_806 : memref<120xi32, #tpu.memory_space<vmem>>)
      } else {
      }
    }
    %scan3A_281 = arith.constant 28 : i32
    %barrier3A_282 = arith.constant 0 : index
    tpu.barrier barrier_id(%barrier3A_282)
    %lt3A_283 = arith.constant 15 : i32
    %lt3A_284 = arith.cmpi slt, %arg1, %lt3A_283 : i32
    %convert_element_type3A_285 = arith.extui %lt3A_284 : i1 to i32
    %cond3A_286 = arith.constant 0 : i32
    %cond3A_287 = arith.cmpi ne, %convert_element_type3A_285, %cond3A_286 : i32
    scf.if %cond3A_287 {
      "tpu.region"() ({
        %run_scoped3A = tpu.sem_alloc : memref<!tpu.dma_semaphore, #tpu.memory_space<semaphore_mem>>
        %dma_start3A_293 = arith.constant 0 : i32
        %dma_start3A_294 = tpu.memref_slice %arg5[%arg0, %multiple_of3A, %dma_start3A_293] : memref<2x10000x128xf32, #tpu.memory_space<hbm>> -> memref<1x624x128xf32, #tpu.memory_space<hbm>>
        %dma_start3A_295 = tpu.memref_squeeze %dma_start3A_294 : memref<1x624x128xf32, #tpu.memory_space<hbm>> -> memref<624x128xf32, #tpu.memory_space<hbm>>
        %dma_start3A_296 = arith.constant 0 : i32
        %dma_start3A_297 = tpu.memref_slice %arg9[%multiple_of3A, %dma_start3A_296] : memref<10008x128xf32, #tpu.memory_space<vmem_shared>> -> memref<624x128xf32, #tpu.memory_space<vmem_shared>>
        tpu.enqueue_dma source(%dma_start3A_297 : memref<624x128xf32, #tpu.memory_space<vmem_shared>>) target(%dma_start3A_295 : memref<624x128xf32, #tpu.memory_space<hbm>>) target_semaphore(%run_scoped3A : memref<!tpu.dma_semaphore, #tpu.memory_space<semaphore_mem>>)
        %dma_wait3A_298 = arith.constant 0 : i32
        %dma_wait3A_299 = tpu.memref_slice %arg5[%arg0, %multiple_of3A, %dma_wait3A_298] : memref<2x10000x128xf32, #tpu.memory_space<hbm>> -> memref<1x624x128xf32, #tpu.memory_space<hbm>>
        %dma_wait3A_300 = tpu.memref_squeeze %dma_wait3A_299 : memref<1x624x128xf32, #tpu.memory_space<hbm>> -> memref<624x128xf32, #tpu.memory_space<hbm>>
        %dma_wait3A_301 = arith.constant 0 : i32
        %dma_wait3A_302 = tpu.memref_slice %arg9[%multiple_of3A, %dma_wait3A_301] : memref<10008x128xf32, #tpu.memory_space<vmem_shared>> -> memref<624x128xf32, #tpu.memory_space<vmem_shared>>
        tpu.wait_dma2 semaphore(%run_scoped3A : memref<!tpu.dma_semaphore, #tpu.memory_space<semaphore_mem>>) src(%dma_wait3A_302 : memref<624x128xf32, #tpu.memory_space<vmem_shared>>) dst(%dma_wait3A_300 : memref<624x128xf32, #tpu.memory_space<hbm>>)
        tpu.yield
      }) : () -> ()
    } else {
    }
    %eq3A_288 = arith.constant 15 : i32
    %eq3A_289 = arith.cmpi eq, %arg1, %eq3A_288 : i32
    %convert_element_type3A_290 = arith.extui %eq3A_289 : i1 to i32
    %cond3A_291 = arith.constant 0 : i32
    %cond3A_292 = arith.cmpi ne, %convert_element_type3A_290, %cond3A_291 : i32
    scf.if %cond3A_292 {
      "tpu.region"() ({
        %run_scoped3A = tpu.sem_alloc : memref<!tpu.dma_semaphore, #tpu.memory_space<semaphore_mem>>
        %dma_start3A_293 = arith.constant 0 : i32
        %dma_start3A_294 = tpu.memref_slice %arg5[%arg0, %multiple_of3A_2, %dma_start3A_293] : memref<2x10000x128xf32, #tpu.memory_space<hbm>> -> memref<1x640x128xf32, #tpu.memory_space<hbm>>
        %dma_start3A_295 = tpu.memref_squeeze %dma_start3A_294 : memref<1x640x128xf32, #tpu.memory_space<hbm>> -> memref<640x128xf32, #tpu.memory_space<hbm>>
        %dma_start3A_296 = arith.constant 0 : i32
        %dma_start3A_297 = tpu.memref_slice %arg9[%multiple_of3A_2, %dma_start3A_296] : memref<10008x128xf32, #tpu.memory_space<vmem_shared>> -> memref<640x128xf32, #tpu.memory_space<vmem_shared>>
        tpu.enqueue_dma source(%dma_start3A_297 : memref<640x128xf32, #tpu.memory_space<vmem_shared>>) target(%dma_start3A_295 : memref<640x128xf32, #tpu.memory_space<hbm>>) target_semaphore(%run_scoped3A : memref<!tpu.dma_semaphore, #tpu.memory_space<semaphore_mem>>)
        %dma_wait3A_298 = arith.constant 0 : i32
        %dma_wait3A_299 = tpu.memref_slice %arg5[%arg0, %multiple_of3A_2, %dma_wait3A_298] : memref<2x10000x128xf32, #tpu.memory_space<hbm>> -> memref<1x640x128xf32, #tpu.memory_space<hbm>>
        %dma_wait3A_300 = tpu.memref_squeeze %dma_wait3A_299 : memref<1x640x128xf32, #tpu.memory_space<hbm>> -> memref<640x128xf32, #tpu.memory_space<hbm>>
        %dma_wait3A_301 = arith.constant 0 : i32
        %dma_wait3A_302 = tpu.memref_slice %arg9[%multiple_of3A_2, %dma_wait3A_301] : memref<10008x128xf32, #tpu.memory_space<vmem_shared>> -> memref<640x128xf32, #tpu.memory_space<vmem_shared>>
        tpu.wait_dma2 semaphore(%run_scoped3A : memref<!tpu.dma_semaphore, #tpu.memory_space<semaphore_mem>>) src(%dma_wait3A_302 : memref<640x128xf32, #tpu.memory_space<vmem_shared>>) dst(%dma_wait3A_300 : memref<640x128xf32, #tpu.memory_space<hbm>>)
        tpu.yield
      }) : () -> ()
    } else {
    }
    return
  }
}

#map = affine_map<(d0, d1) -> (0, 0, 0, 0)>
#map1 = affine_map<(d0, d1) -> (0, 0)>
#map2 = affine_map<(d0, d1) -> (0, 0, 0)>
module attributes {stable_mosaic.version = 14 : i64} {
  func.func @deg_kernel(%arg0: i32, %arg1: i32, %arg2: memref<2x16x168x120xi32, #tpu.memory_space<hbm>>, %arg3: memref<10008x128xf32, #tpu.memory_space<hbm>>, %arg4: memref<2x10000x128xf32, #tpu.memory_space<hbm>>, %arg5: memref<168x120xi32, #tpu.memory_space<vmem>>, %arg6: memref<120x128xf32, #tpu.memory_space<vmem>>, %arg7: memref<10008x128xf32, #tpu.memory_space<vmem_shared>>, %arg8: memref<!tpu.dma_semaphore, #tpu.memory_space<semaphore_mem>>) attributes {dimension_semantics = [#tpu.dimension_semantics<core_parallel>, #tpu.dimension_semantics<subcore_parallel>], iteration_bounds = array<i64: 2, 16>, scalar_prefetch = 0 : i64, scratch_operands = 4 : i64, tpu.core_type = #tpu.core_type<sc_vector_subcore>, window_params = [{transform_indices = #map}, {transform_indices = #map1}, {transform_indices = #map2}]} {
    %mul3A = arith.constant 624 : i32
    %mul3A_0 = arith.muli %arg1, %mul3A : i32
    %multiple_of3A = tpu.assume_multiple %mul3A_0, 8 : i32
    %multiple_of3A_1 = arith.constant 9360 : i32
    %multiple_of3A_2 = tpu.assume_multiple %multiple_of3A_1, 8 : i32
    %lt3A = arith.constant 15 : i32
    %lt3A_3 = arith.cmpi slt, %arg1, %lt3A : i32
    %convert_element_type3A = arith.extui %lt3A_3 : i1 to i32
    %cond3A = arith.constant 0 : i32
    %cond3A_4 = arith.cmpi ne, %convert_element_type3A, %cond3A : i32
    scf.if %cond3A_4 {
      "tpu.region"() ({
        %run_scoped3A = tpu.sem_alloc : memref<!tpu.dma_semaphore, #tpu.memory_space<semaphore_mem>>
        %dma_start3A = arith.constant 0 : i32
        %dma_start3A_25 = tpu.memref_slice %arg7[%multiple_of3A, %dma_start3A] : memref<10008x128xf32, #tpu.memory_space<vmem_shared>> -> memref<624x128xf32, #tpu.memory_space<vmem_shared>>
        %dma_start3A_26 = arith.constant 0 : i32
        %dma_start3A_27 = tpu.memref_slice %arg3[%multiple_of3A, %dma_start3A_26] : memref<10008x128xf32, #tpu.memory_space<hbm>> -> memref<624x128xf32, #tpu.memory_space<hbm>>
        tpu.enqueue_dma source(%dma_start3A_27 : memref<624x128xf32, #tpu.memory_space<hbm>>) target(%dma_start3A_25 : memref<624x128xf32, #tpu.memory_space<vmem_shared>>) target_semaphore(%run_scoped3A : memref<!tpu.dma_semaphore, #tpu.memory_space<semaphore_mem>>)
        %dma_wait3A = arith.constant 0 : i32
        %dma_wait3A_28 = tpu.memref_slice %arg7[%multiple_of3A, %dma_wait3A] : memref<10008x128xf32, #tpu.memory_space<vmem_shared>> -> memref<624x128xf32, #tpu.memory_space<vmem_shared>>
        %dma_wait3A_29 = arith.constant 0 : i32
        %dma_wait3A_30 = tpu.memref_slice %arg3[%multiple_of3A, %dma_wait3A_29] : memref<10008x128xf32, #tpu.memory_space<hbm>> -> memref<624x128xf32, #tpu.memory_space<hbm>>
        tpu.wait_dma2 semaphore(%run_scoped3A : memref<!tpu.dma_semaphore, #tpu.memory_space<semaphore_mem>>) src(%dma_wait3A_30 : memref<624x128xf32, #tpu.memory_space<hbm>>) dst(%dma_wait3A_28 : memref<624x128xf32, #tpu.memory_space<vmem_shared>>)
        tpu.yield
      }) : () -> ()
    } else {
    }
    %eq3A = arith.constant 15 : i32
    %eq3A_5 = arith.cmpi eq, %arg1, %eq3A : i32
    %convert_element_type3A_6 = arith.extui %eq3A_5 : i1 to i32
    %cond3A_7 = arith.constant 0 : i32
    %cond3A_8 = arith.cmpi ne, %convert_element_type3A_6, %cond3A_7 : i32
    scf.if %cond3A_8 {
      "tpu.region"() ({
        %run_scoped3A = tpu.sem_alloc : memref<!tpu.dma_semaphore, #tpu.memory_space<semaphore_mem>>
        %dma_start3A = arith.constant 0 : i32
        %dma_start3A_25 = tpu.memref_slice %arg7[%multiple_of3A_2, %dma_start3A] : memref<10008x128xf32, #tpu.memory_space<vmem_shared>> -> memref<640x128xf32, #tpu.memory_space<vmem_shared>>
        %dma_start3A_26 = arith.constant 0 : i32
        %dma_start3A_27 = tpu.memref_slice %arg3[%multiple_of3A_2, %dma_start3A_26] : memref<10008x128xf32, #tpu.memory_space<hbm>> -> memref<640x128xf32, #tpu.memory_space<hbm>>
        tpu.enqueue_dma source(%dma_start3A_27 : memref<640x128xf32, #tpu.memory_space<hbm>>) target(%dma_start3A_25 : memref<640x128xf32, #tpu.memory_space<vmem_shared>>) target_semaphore(%run_scoped3A : memref<!tpu.dma_semaphore, #tpu.memory_space<semaphore_mem>>)
        %dma_wait3A = arith.constant 0 : i32
        %dma_wait3A_28 = tpu.memref_slice %arg7[%multiple_of3A_2, %dma_wait3A] : memref<10008x128xf32, #tpu.memory_space<vmem_shared>> -> memref<640x128xf32, #tpu.memory_space<vmem_shared>>
        %dma_wait3A_29 = arith.constant 0 : i32
        %dma_wait3A_30 = tpu.memref_slice %arg3[%multiple_of3A_2, %dma_wait3A_29] : memref<10008x128xf32, #tpu.memory_space<hbm>> -> memref<640x128xf32, #tpu.memory_space<hbm>>
        tpu.wait_dma2 semaphore(%run_scoped3A : memref<!tpu.dma_semaphore, #tpu.memory_space<semaphore_mem>>) src(%dma_wait3A_30 : memref<640x128xf32, #tpu.memory_space<hbm>>) dst(%dma_wait3A_28 : memref<640x128xf32, #tpu.memory_space<vmem_shared>>)
        tpu.yield
      }) : () -> ()
    } else {
    }
    "tpu.region"() ({
      %run_scoped3A = tpu.sem_alloc : memref<!tpu.dma_semaphore, #tpu.memory_space<semaphore_mem>>
      %dma_start3A = arith.constant 0 : i32
      %dma_start3A_25 = arith.constant 0 : i32
      %dma_start3A_26 = tpu.memref_slice %arg3[%dma_start3A, %dma_start3A_25] : memref<10008x128xf32, #tpu.memory_space<hbm>> -> memref<120x128xf32, #tpu.memory_space<hbm>>
      %dma_start3A_27 = arith.constant 0 : i32
      %dma_start3A_28 = arith.constant 0 : i32
      %dma_start3A_29 = tpu.memref_slice %arg3[%dma_start3A_27, %dma_start3A_28] : memref<10008x128xf32, #tpu.memory_space<hbm>> -> memref<120x128xf32, #tpu.memory_space<hbm>>
      tpu.enqueue_dma source(%dma_start3A_29 : memref<120x128xf32, #tpu.memory_space<hbm>>) target(%arg6 : memref<120x128xf32, #tpu.memory_space<vmem>>) target_semaphore(%run_scoped3A : memref<!tpu.dma_semaphore, #tpu.memory_space<semaphore_mem>>)
      %dma_wait3A = arith.constant 0 : i32
      %dma_wait3A_30 = arith.constant 0 : i32
      %dma_wait3A_31 = tpu.memref_slice %arg3[%dma_wait3A, %dma_wait3A_30] : memref<10008x128xf32, #tpu.memory_space<hbm>> -> memref<120x128xf32, #tpu.memory_space<hbm>>
      %dma_wait3A_32 = arith.constant 0 : i32
      %dma_wait3A_33 = arith.constant 0 : i32
      %dma_wait3A_34 = tpu.memref_slice %arg3[%dma_wait3A_32, %dma_wait3A_33] : memref<10008x128xf32, #tpu.memory_space<hbm>> -> memref<120x128xf32, #tpu.memory_space<hbm>>
      tpu.wait_dma2 semaphore(%run_scoped3A : memref<!tpu.dma_semaphore, #tpu.memory_space<semaphore_mem>>) src(%dma_wait3A_34 : memref<120x128xf32, #tpu.memory_space<hbm>>) dst(%arg6 : memref<120x128xf32, #tpu.memory_space<vmem>>)
      tpu.yield
    }) : () -> ()
    "tpu.region"() ({
      %run_scoped3A = tpu.sem_alloc : memref<!tpu.dma_semaphore, #tpu.memory_space<semaphore_mem>>
      %dma_start3A = arith.constant 0 : i32
      %dma_start3A_25 = arith.constant 0 : i32
      %dma_start3A_26 = tpu.memref_slice %arg2[%arg0, %arg1, %dma_start3A, %dma_start3A_25] : memref<2x16x168x120xi32, #tpu.memory_space<hbm>> -> memref<1x1x168x120xi32, #tpu.memory_space<hbm>>
      %dma_start3A_27 = tpu.memref_squeeze %dma_start3A_26 : memref<1x1x168x120xi32, #tpu.memory_space<hbm>> -> memref<168x120xi32, #tpu.memory_space<hbm>>
      %dma_start3A_28 = arith.constant 0 : i32
      %dma_start3A_29 = arith.constant 0 : i32
      %dma_start3A_30 = tpu.memref_slice %arg2[%arg0, %arg1, %dma_start3A_28, %dma_start3A_29] : memref<2x16x168x120xi32, #tpu.memory_space<hbm>> -> memref<1x1x168x120xi32, #tpu.memory_space<hbm>>
      %dma_start3A_31 = tpu.memref_squeeze %dma_start3A_30 : memref<1x1x168x120xi32, #tpu.memory_space<hbm>> -> memref<168x120xi32, #tpu.memory_space<hbm>>
      tpu.enqueue_dma source(%dma_start3A_31 : memref<168x120xi32, #tpu.memory_space<hbm>>) target(%arg5 : memref<168x120xi32, #tpu.memory_space<vmem>>) target_semaphore(%run_scoped3A : memref<!tpu.dma_semaphore, #tpu.memory_space<semaphore_mem>>)
      %dma_wait3A = arith.constant 0 : i32
      %dma_wait3A_32 = arith.constant 0 : i32
      %dma_wait3A_33 = tpu.memref_slice %arg2[%arg0, %arg1, %dma_wait3A, %dma_wait3A_32] : memref<2x16x168x120xi32, #tpu.memory_space<hbm>> -> memref<1x1x168x120xi32, #tpu.memory_space<hbm>>
      %dma_wait3A_34 = tpu.memref_squeeze %dma_wait3A_33 : memref<1x1x168x120xi32, #tpu.memory_space<hbm>> -> memref<168x120xi32, #tpu.memory_space<hbm>>
      %dma_wait3A_35 = arith.constant 0 : i32
      %dma_wait3A_36 = arith.constant 0 : i32
      %dma_wait3A_37 = tpu.memref_slice %arg2[%arg0, %arg1, %dma_wait3A_35, %dma_wait3A_36] : memref<2x16x168x120xi32, #tpu.memory_space<hbm>> -> memref<1x1x168x120xi32, #tpu.memory_space<hbm>>
      %dma_wait3A_38 = tpu.memref_squeeze %dma_wait3A_37 : memref<1x1x168x120xi32, #tpu.memory_space<hbm>> -> memref<168x120xi32, #tpu.memory_space<hbm>>
      tpu.wait_dma2 semaphore(%run_scoped3A : memref<!tpu.dma_semaphore, #tpu.memory_space<semaphore_mem>>) src(%dma_wait3A_38 : memref<168x120xi32, #tpu.memory_space<hbm>>) dst(%arg5 : memref<168x120xi32, #tpu.memory_space<vmem>>)
      tpu.yield
    }) : () -> ()
    %barrier3A = arith.constant 0 : index
    tpu.barrier barrier_id(%barrier3A)
    %scan3A = arith.constant 0 : i32
    %scan3A_9 = arith.constant 0 : i32
    %scan3A_10 = arith.constant 56 : i32
    %scan3A_11 = arith.addi %scan3A_9, %scan3A_10 : i32
    %scan3A_12 = arith.constant 1 : i32
    scf.for %scan3A_25 = %scan3A_9 to %scan3A_11 step %scan3A_12  : i32 {
      %mul3A_26 = arith.constant 3 : i32
      %mul3A_27 = arith.muli %scan3A_25, %mul3A_26 : i32
      %add3A = arith.constant 0 : i32
      %add3A_28 = arith.addi %mul3A_27, %add3A : i32
      %dma_start3A = arith.constant 0 : i32
      %dma_start3A_29 = tpu.memref_slice %arg5[%add3A_28, %dma_start3A] : memref<168x120xi32, #tpu.memory_space<vmem>> -> memref<1x120xi32, #tpu.memory_space<vmem>>
      %dma_start3A_30 = tpu.memref_squeeze %dma_start3A_29 : memref<1x120xi32, #tpu.memory_space<vmem>> -> memref<120xi32, #tpu.memory_space<vmem>>
      %dma_start3A_31 = arith.constant 0 : i32
      %dma_start3A_32 = arith.constant 0 : i32
      %dma_start3A_33 = tpu.memref_slice %arg7[%dma_start3A_31, %dma_start3A_32] : memref<10008x128xf32, #tpu.memory_space<vmem_shared>> -> memref<10008x128xf32, #tpu.memory_space<vmem_shared>>
      tpu.enqueue_indirect_dma source(%arg6 : memref<120x128xf32, #tpu.memory_space<vmem>>) target(%dma_start3A_33 : memref<10008x128xf32, #tpu.memory_space<vmem_shared>>) offsets(%dma_start3A_30 : memref<120xi32, #tpu.memory_space<vmem>>) semaphore(%arg8 : memref<!tpu.dma_semaphore, #tpu.memory_space<semaphore_mem>>) {add = true}
      %mul3A_34 = arith.constant 3 : i32
      %mul3A_35 = arith.muli %scan3A_25, %mul3A_34 : i32
      %add3A_36 = arith.constant 1 : i32
      %add3A_37 = arith.addi %mul3A_35, %add3A_36 : i32
      %dma_start3A_38 = arith.constant 0 : i32
      %dma_start3A_39 = tpu.memref_slice %arg5[%add3A_37, %dma_start3A_38] : memref<168x120xi32, #tpu.memory_space<vmem>> -> memref<1x120xi32, #tpu.memory_space<vmem>>
      %dma_start3A_40 = tpu.memref_squeeze %dma_start3A_39 : memref<1x120xi32, #tpu.memory_space<vmem>> -> memref<120xi32, #tpu.memory_space<vmem>>
      %dma_start3A_41 = arith.constant 0 : i32
      %dma_start3A_42 = arith.constant 0 : i32
      %dma_start3A_43 = tpu.memref_slice %arg7[%dma_start3A_41, %dma_start3A_42] : memref<10008x128xf32, #tpu.memory_space<vmem_shared>> -> memref<10008x128xf32, #tpu.memory_space<vmem_shared>>
      tpu.enqueue_indirect_dma source(%arg6 : memref<120x128xf32, #tpu.memory_space<vmem>>) target(%dma_start3A_43 : memref<10008x128xf32, #tpu.memory_space<vmem_shared>>) offsets(%dma_start3A_40 : memref<120xi32, #tpu.memory_space<vmem>>) semaphore(%arg8 : memref<!tpu.dma_semaphore, #tpu.memory_space<semaphore_mem>>) {add = true}
      %mul3A_44 = arith.constant 3 : i32
      %mul3A_45 = arith.muli %scan3A_25, %mul3A_44 : i32
      %add3A_46 = arith.constant 2 : i32
      %add3A_47 = arith.addi %mul3A_45, %add3A_46 : i32
      %dma_start3A_48 = arith.constant 0 : i32
      %dma_start3A_49 = tpu.memref_slice %arg5[%add3A_47, %dma_start3A_48] : memref<168x120xi32, #tpu.memory_space<vmem>> -> memref<1x120xi32, #tpu.memory_space<vmem>>
      %dma_start3A_50 = tpu.memref_squeeze %dma_start3A_49 : memref<1x120xi32, #tpu.memory_space<vmem>> -> memref<120xi32, #tpu.memory_space<vmem>>
      %dma_start3A_51 = arith.constant 0 : i32
      %dma_start3A_52 = arith.constant 0 : i32
      %dma_start3A_53 = tpu.memref_slice %arg7[%dma_start3A_51, %dma_start3A_52] : memref<10008x128xf32, #tpu.memory_space<vmem_shared>> -> memref<10008x128xf32, #tpu.memory_space<vmem_shared>>
      tpu.enqueue_indirect_dma source(%arg6 : memref<120x128xf32, #tpu.memory_space<vmem>>) target(%dma_start3A_53 : memref<10008x128xf32, #tpu.memory_space<vmem_shared>>) offsets(%dma_start3A_50 : memref<120xi32, #tpu.memory_space<vmem>>) semaphore(%arg8 : memref<!tpu.dma_semaphore, #tpu.memory_space<semaphore_mem>>) {add = true}
      %mul3A_54 = arith.constant 3 : i32
      %mul3A_55 = arith.muli %scan3A_25, %mul3A_54 : i32
      %dma_wait3A = arith.constant 0 : i32
      %dma_wait3A_56 = tpu.memref_slice %arg5[%mul3A_55, %dma_wait3A] : memref<168x120xi32, #tpu.memory_space<vmem>> -> memref<1x120xi32, #tpu.memory_space<vmem>>
      %dma_wait3A_57 = tpu.memref_squeeze %dma_wait3A_56 : memref<1x120xi32, #tpu.memory_space<vmem>> -> memref<120xi32, #tpu.memory_space<vmem>>
      %dma_wait3A_58 = arith.constant 0 : i32
      %dma_wait3A_59 = arith.constant 0 : i32
      %dma_wait3A_60 = tpu.memref_slice %arg7[%dma_wait3A_58, %dma_wait3A_59] : memref<10008x128xf32, #tpu.memory_space<vmem_shared>> -> memref<10008x128xf32, #tpu.memory_space<vmem_shared>>
      tpu.wait_indirect_dma semaphore(%arg8 : memref<!tpu.dma_semaphore, #tpu.memory_space<semaphore_mem>>) src(%arg6 : memref<120x128xf32, #tpu.memory_space<vmem>>) dst(%dma_wait3A_60 : memref<10008x128xf32, #tpu.memory_space<vmem_shared>>)
      %mul3A_61 = arith.constant 3 : i32
      %mul3A_62 = arith.muli %scan3A_25, %mul3A_61 : i32
      %dma_wait3A_63 = arith.constant 0 : i32
      %dma_wait3A_64 = tpu.memref_slice %arg5[%mul3A_62, %dma_wait3A_63] : memref<168x120xi32, #tpu.memory_space<vmem>> -> memref<1x120xi32, #tpu.memory_space<vmem>>
      %dma_wait3A_65 = tpu.memref_squeeze %dma_wait3A_64 : memref<1x120xi32, #tpu.memory_space<vmem>> -> memref<120xi32, #tpu.memory_space<vmem>>
      %dma_wait3A_66 = arith.constant 0 : i32
      %dma_wait3A_67 = arith.constant 0 : i32
      %dma_wait3A_68 = tpu.memref_slice %arg7[%dma_wait3A_66, %dma_wait3A_67] : memref<10008x128xf32, #tpu.memory_space<vmem_shared>> -> memref<10008x128xf32, #tpu.memory_space<vmem_shared>>
      tpu.wait_indirect_dma semaphore(%arg8 : memref<!tpu.dma_semaphore, #tpu.memory_space<semaphore_mem>>) src(%arg6 : memref<120x128xf32, #tpu.memory_space<vmem>>) dst(%dma_wait3A_68 : memref<10008x128xf32, #tpu.memory_space<vmem_shared>>)
      %mul3A_69 = arith.constant 3 : i32
      %mul3A_70 = arith.muli %scan3A_25, %mul3A_69 : i32
      %dma_wait3A_71 = arith.constant 0 : i32
      %dma_wait3A_72 = tpu.memref_slice %arg5[%mul3A_70, %dma_wait3A_71] : memref<168x120xi32, #tpu.memory_space<vmem>> -> memref<1x120xi32, #tpu.memory_space<vmem>>
      %dma_wait3A_73 = tpu.memref_squeeze %dma_wait3A_72 : memref<1x120xi32, #tpu.memory_space<vmem>> -> memref<120xi32, #tpu.memory_space<vmem>>
      %dma_wait3A_74 = arith.constant 0 : i32
      %dma_wait3A_75 = arith.constant 0 : i32
      %dma_wait3A_76 = tpu.memref_slice %arg7[%dma_wait3A_74, %dma_wait3A_75] : memref<10008x128xf32, #tpu.memory_space<vmem_shared>> -> memref<10008x128xf32, #tpu.memory_space<vmem_shared>>
      tpu.wait_indirect_dma semaphore(%arg8 : memref<!tpu.dma_semaphore, #tpu.memory_space<semaphore_mem>>) src(%arg6 : memref<120x128xf32, #tpu.memory_space<vmem>>) dst(%dma_wait3A_76 : memref<10008x128xf32, #tpu.memory_space<vmem_shared>>)
    }
    %scan3A_13 = arith.constant 56 : i32
    %barrier3A_14 = arith.constant 0 : index
    tpu.barrier barrier_id(%barrier3A_14)
    %lt3A_15 = arith.constant 15 : i32
    %lt3A_16 = arith.cmpi slt, %arg1, %lt3A_15 : i32
    %convert_element_type3A_17 = arith.extui %lt3A_16 : i1 to i32
    %cond3A_18 = arith.constant 0 : i32
    %cond3A_19 = arith.cmpi ne, %convert_element_type3A_17, %cond3A_18 : i32
    scf.if %cond3A_19 {
      "tpu.region"() ({
        %run_scoped3A = tpu.sem_alloc : memref<!tpu.dma_semaphore, #tpu.memory_space<semaphore_mem>>
        %dma_start3A = arith.constant 0 : i32
        %dma_start3A_25 = tpu.memref_slice %arg4[%arg0, %multiple_of3A, %dma_start3A] : memref<2x10000x128xf32, #tpu.memory_space<hbm>> -> memref<1x624x128xf32, #tpu.memory_space<hbm>>
        %dma_start3A_26 = tpu.memref_squeeze %dma_start3A_25 : memref<1x624x128xf32, #tpu.memory_space<hbm>> -> memref<624x128xf32, #tpu.memory_space<hbm>>
        %dma_start3A_27 = arith.constant 0 : i32
        %dma_start3A_28 = tpu.memref_slice %arg7[%multiple_of3A, %dma_start3A_27] : memref<10008x128xf32, #tpu.memory_space<vmem_shared>> -> memref<624x128xf32, #tpu.memory_space<vmem_shared>>
        tpu.enqueue_dma source(%dma_start3A_28 : memref<624x128xf32, #tpu.memory_space<vmem_shared>>) target(%dma_start3A_26 : memref<624x128xf32, #tpu.memory_space<hbm>>) target_semaphore(%run_scoped3A : memref<!tpu.dma_semaphore, #tpu.memory_space<semaphore_mem>>)
        %dma_wait3A = arith.constant 0 : i32
        %dma_wait3A_29 = tpu.memref_slice %arg4[%arg0, %multiple_of3A, %dma_wait3A] : memref<2x10000x128xf32, #tpu.memory_space<hbm>> -> memref<1x624x128xf32, #tpu.memory_space<hbm>>
        %dma_wait3A_30 = tpu.memref_squeeze %dma_wait3A_29 : memref<1x624x128xf32, #tpu.memory_space<hbm>> -> memref<624x128xf32, #tpu.memory_space<hbm>>
        %dma_wait3A_31 = arith.constant 0 : i32
        %dma_wait3A_32 = tpu.memref_slice %arg7[%multiple_of3A, %dma_wait3A_31] : memref<10008x128xf32, #tpu.memory_space<vmem_shared>> -> memref<624x128xf32, #tpu.memory_space<vmem_shared>>
        tpu.wait_dma2 semaphore(%run_scoped3A : memref<!tpu.dma_semaphore, #tpu.memory_space<semaphore_mem>>) src(%dma_wait3A_32 : memref<624x128xf32, #tpu.memory_space<vmem_shared>>) dst(%dma_wait3A_30 : memref<624x128xf32, #tpu.memory_space<hbm>>)
        tpu.yield
      }) : () -> ()
    } else {
    }
    %eq3A_20 = arith.constant 15 : i32
    %eq3A_21 = arith.cmpi eq, %arg1, %eq3A_20 : i32
    %convert_element_type3A_22 = arith.extui %eq3A_21 : i1 to i32
    %cond3A_23 = arith.constant 0 : i32
    %cond3A_24 = arith.cmpi ne, %convert_element_type3A_22, %cond3A_23 : i32
    scf.if %cond3A_24 {
      "tpu.region"() ({
        %run_scoped3A = tpu.sem_alloc : memref<!tpu.dma_semaphore, #tpu.memory_space<semaphore_mem>>
        %dma_start3A = arith.constant 0 : i32
        %dma_start3A_25 = tpu.memref_slice %arg4[%arg0, %multiple_of3A_2, %dma_start3A] : memref<2x10000x128xf32, #tpu.memory_space<hbm>> -> memref<1x640x128xf32, #tpu.memory_space<hbm>>
        %dma_start3A_26 = tpu.memref_squeeze %dma_start3A_25 : memref<1x640x128xf32, #tpu.memory_space<hbm>> -> memref<640x128xf32, #tpu.memory_space<hbm>>
        %dma_start3A_27 = arith.constant 0 : i32
        %dma_start3A_28 = tpu.memref_slice %arg7[%multiple_of3A_2, %dma_start3A_27] : memref<10008x128xf32, #tpu.memory_space<vmem_shared>> -> memref<640x128xf32, #tpu.memory_space<vmem_shared>>
        tpu.enqueue_dma source(%dma_start3A_28 : memref<640x128xf32, #tpu.memory_space<vmem_shared>>) target(%dma_start3A_26 : memref<640x128xf32, #tpu.memory_space<hbm>>) target_semaphore(%run_scoped3A : memref<!tpu.dma_semaphore, #tpu.memory_space<semaphore_mem>>)
        %dma_wait3A = arith.constant 0 : i32
        %dma_wait3A_29 = tpu.memref_slice %arg4[%arg0, %multiple_of3A_2, %dma_wait3A] : memref<2x10000x128xf32, #tpu.memory_space<hbm>> -> memref<1x640x128xf32, #tpu.memory_space<hbm>>
        %dma_wait3A_30 = tpu.memref_squeeze %dma_wait3A_29 : memref<1x640x128xf32, #tpu.memory_space<hbm>> -> memref<640x128xf32, #tpu.memory_space<hbm>>
        %dma_wait3A_31 = arith.constant 0 : i32
        %dma_wait3A_32 = tpu.memref_slice %arg7[%multiple_of3A_2, %dma_wait3A_31] : memref<10008x128xf32, #tpu.memory_space<vmem_shared>> -> memref<640x128xf32, #tpu.memory_space<vmem_shared>>
        tpu.wait_dma2 semaphore(%run_scoped3A : memref<!tpu.dma_semaphore, #tpu.memory_space<semaphore_mem>>) src(%dma_wait3A_32 : memref<640x128xf32, #tpu.memory_space<vmem_shared>>) dst(%dma_wait3A_30 : memref<640x128xf32, #tpu.memory_space<hbm>>)
        tpu.yield
      }) : () -> ()
    } else {
    }
    return
  }
}

#map = affine_map<(d0, d1) -> (0, 0)>
#map1 = affine_map<(d0, d1) -> (0, 0, 0, 0)>
#map2 = affine_map<(d0, d1) -> (0, 0, 0)>
module attributes {stable_mosaic.version = 14 : i64} {
  func.func @scatter_kernel(%arg0: i32, %arg1: i32, %arg2: memref<20000x128xf32, #tpu.memory_space<hbm>>, %arg3: memref<2x16x168x120xi32, #tpu.memory_space<hbm>>, %arg4: memref<2x16x168x120xi32, #tpu.memory_space<hbm>>, %arg5: memref<2x10000x128xf32, #tpu.memory_space<hbm>>, %arg6: memref<2x3x120xi32, #tpu.memory_space<vmem>>, %arg7: memref<2x3x120xi32, #tpu.memory_space<vmem>>, %arg8: memref<3x120x128xf32, #tpu.memory_space<vmem>>, %arg9: memref<10008x128xf32, #tpu.memory_space<vmem_shared>>, %arg10: memref<!tpu.dma_semaphore, #tpu.memory_space<semaphore_mem>>, %arg11: memref<!tpu.dma_semaphore, #tpu.memory_space<semaphore_mem>>, %arg12: memref<!tpu.dma_semaphore, #tpu.memory_space<semaphore_mem>>, %arg13: memref<!tpu.dma_semaphore, #tpu.memory_space<semaphore_mem>>, %arg14: memref<!tpu.dma_semaphore, #tpu.memory_space<semaphore_mem>>, %arg15: memref<!tpu.dma_semaphore, #tpu.memory_space<semaphore_mem>>) attributes {dimension_semantics = [#tpu.dimension_semantics<core_parallel>, #tpu.dimension_semantics<subcore_parallel>], iteration_bounds = array<i64: 2, 16>, scalar_prefetch = 0 : i64, scratch_operands = 10 : i64, tpu.core_type = #tpu.core_type<sc_vector_subcore>, window_params = [{transform_indices = #map}, {transform_indices = #map1}, {transform_indices = #map1}, {transform_indices = #map2}]} {
    %mul3A = arith.constant 624 : i32
    %mul3A_0 = arith.muli %arg1, %mul3A : i32
    %multiple_of3A = tpu.assume_multiple %mul3A_0, 8 : i32
    %multiple_of3A_1 = arith.constant 9360 : i32
    %multiple_of3A_2 = tpu.assume_multiple %multiple_of3A_1, 8 : i32
    %lt3A = arith.constant 15 : i32
    %lt3A_3 = arith.cmpi slt, %arg1, %lt3A : i32
    %convert_element_type3A = arith.extui %lt3A_3 : i1 to i32
    %cond3A = arith.constant 0 : i32
    %cond3A_4 = arith.cmpi ne, %convert_element_type3A, %cond3A : i32
    scf.if %cond3A_4 {
      %mul3A_293 = arith.constant 10000 : i32
      %mul3A_294 = arith.muli %arg0, %mul3A_293 : i32
      %add3A = arith.addi %mul3A_294, %multiple_of3A : i32
      "tpu.region"() ({
        %run_scoped3A = tpu.sem_alloc : memref<!tpu.dma_semaphore, #tpu.memory_space<semaphore_mem>>
        %dma_start3A_295 = arith.constant 0 : i32
        %dma_start3A_296 = tpu.memref_slice %arg9[%multiple_of3A, %dma_start3A_295] : memref<10008x128xf32, #tpu.memory_space<vmem_shared>> -> memref<624x128xf32, #tpu.memory_space<vmem_shared>>
        %dma_start3A_297 = arith.constant 0 : i32
        %dma_start3A_298 = tpu.memref_slice %arg2[%add3A, %dma_start3A_297] : memref<20000x128xf32, #tpu.memory_space<hbm>> -> memref<624x128xf32, #tpu.memory_space<hbm>>
        tpu.enqueue_dma source(%dma_start3A_298 : memref<624x128xf32, #tpu.memory_space<hbm>>) target(%dma_start3A_296 : memref<624x128xf32, #tpu.memory_space<vmem_shared>>) target_semaphore(%run_scoped3A : memref<!tpu.dma_semaphore, #tpu.memory_space<semaphore_mem>>)
        %dma_wait3A_299 = arith.constant 0 : i32
        %dma_wait3A_300 = tpu.memref_slice %arg9[%multiple_of3A, %dma_wait3A_299] : memref<10008x128xf32, #tpu.memory_space<vmem_shared>> -> memref<624x128xf32, #tpu.memory_space<vmem_shared>>
        %dma_wait3A_301 = arith.constant 0 : i32
        %dma_wait3A_302 = tpu.memref_slice %arg2[%add3A, %dma_wait3A_301] : memref<20000x128xf32, #tpu.memory_space<hbm>> -> memref<624x128xf32, #tpu.memory_space<hbm>>
        tpu.wait_dma2 semaphore(%run_scoped3A : memref<!tpu.dma_semaphore, #tpu.memory_space<semaphore_mem>>) src(%dma_wait3A_302 : memref<624x128xf32, #tpu.memory_space<hbm>>) dst(%dma_wait3A_300 : memref<624x128xf32, #tpu.memory_space<vmem_shared>>)
        tpu.yield
      }) : () -> ()
    } else {
    }
    %eq3A = arith.constant 15 : i32
    %eq3A_5 = arith.cmpi eq, %arg1, %eq3A : i32
    %convert_element_type3A_6 = arith.extui %eq3A_5 : i1 to i32
    %cond3A_7 = arith.constant 0 : i32
    %cond3A_8 = arith.cmpi ne, %convert_element_type3A_6, %cond3A_7 : i32
    scf.if %cond3A_8 {
      %mul3A_293 = arith.constant 10000 : i32
      %mul3A_294 = arith.muli %arg0, %mul3A_293 : i32
      %add3A = arith.addi %mul3A_294, %multiple_of3A_2 : i32
      "tpu.region"() ({
        %run_scoped3A = tpu.sem_alloc : memref<!tpu.dma_semaphore, #tpu.memory_space<semaphore_mem>>
        %dma_start3A_295 = arith.constant 0 : i32
        %dma_start3A_296 = tpu.memref_slice %arg9[%multiple_of3A_2, %dma_start3A_295] : memref<10008x128xf32, #tpu.memory_space<vmem_shared>> -> memref<640x128xf32, #tpu.memory_space<vmem_shared>>
        %dma_start3A_297 = arith.constant 0 : i32
        %dma_start3A_298 = tpu.memref_slice %arg2[%add3A, %dma_start3A_297] : memref<20000x128xf32, #tpu.memory_space<hbm>> -> memref<640x128xf32, #tpu.memory_space<hbm>>
        tpu.enqueue_dma source(%dma_start3A_298 : memref<640x128xf32, #tpu.memory_space<hbm>>) target(%dma_start3A_296 : memref<640x128xf32, #tpu.memory_space<vmem_shared>>) target_semaphore(%run_scoped3A : memref<!tpu.dma_semaphore, #tpu.memory_space<semaphore_mem>>)
        %dma_wait3A_299 = arith.constant 0 : i32
        %dma_wait3A_300 = tpu.memref_slice %arg9[%multiple_of3A_2, %dma_wait3A_299] : memref<10008x128xf32, #tpu.memory_space<vmem_shared>> -> memref<640x128xf32, #tpu.memory_space<vmem_shared>>
        %dma_wait3A_301 = arith.constant 0 : i32
        %dma_wait3A_302 = tpu.memref_slice %arg2[%add3A, %dma_wait3A_301] : memref<20000x128xf32, #tpu.memory_space<hbm>> -> memref<640x128xf32, #tpu.memory_space<hbm>>
        tpu.wait_dma2 semaphore(%run_scoped3A : memref<!tpu.dma_semaphore, #tpu.memory_space<semaphore_mem>>) src(%dma_wait3A_302 : memref<640x128xf32, #tpu.memory_space<hbm>>) dst(%dma_wait3A_300 : memref<640x128xf32, #tpu.memory_space<vmem_shared>>)
        tpu.yield
      }) : () -> ()
    } else {
    }
    %barrier3A = arith.constant 0 : index
    tpu.barrier barrier_id(%barrier3A)
    %dma_start3A = arith.constant 0 : i32
    %dma_start3A_9 = arith.constant 0 : i32
    %dma_start3A_10 = arith.constant 0 : i32
    %dma_start3A_11 = arith.constant 0 : i32
    %dma_start3A_12 = tpu.memref_slice %arg6[%dma_start3A_9, %dma_start3A_10, %dma_start3A_11] : memref<2x3x120xi32, #tpu.memory_space<vmem>> -> memref<1x1x120xi32, #tpu.memory_space<vmem>>
    %dma_start3A_13 = tpu.memref_squeeze %dma_start3A_12 : memref<1x1x120xi32, #tpu.memory_space<vmem>> -> memref<120xi32, #tpu.memory_space<vmem>>
    %dma_start3A_14 = arith.constant 0 : i32
    %dma_start3A_15 = tpu.memref_slice %arg3[%arg0, %arg1, %dma_start3A, %dma_start3A_14] : memref<2x16x168x120xi32, #tpu.memory_space<hbm>> -> memref<1x1x1x120xi32, #tpu.memory_space<hbm>>
    %dma_start3A_16 = tpu.memref_squeeze %dma_start3A_15 : memref<1x1x1x120xi32, #tpu.memory_space<hbm>> -> memref<120xi32, #tpu.memory_space<hbm>>
    %dma_start3A_17 = arith.constant 0 : i32
    %dma_start3A_18 = tpu.memref_slice %arg6[%dma_start3A_9, %dma_start3A_10, %dma_start3A_17] : memref<2x3x120xi32, #tpu.memory_space<vmem>> -> memref<1x1x120xi32, #tpu.memory_space<vmem>>
    %dma_start3A_19 = tpu.memref_squeeze %dma_start3A_18 : memref<1x1x120xi32, #tpu.memory_space<vmem>> -> memref<120xi32, #tpu.memory_space<vmem>>
    %dma_start3A_20 = arith.constant 0 : i32
    %dma_start3A_21 = tpu.memref_slice %arg3[%arg0, %arg1, %dma_start3A, %dma_start3A_20] : memref<2x16x168x120xi32, #tpu.memory_space<hbm>> -> memref<1x1x1x120xi32, #tpu.memory_space<hbm>>
    %dma_start3A_22 = tpu.memref_squeeze %dma_start3A_21 : memref<1x1x1x120xi32, #tpu.memory_space<hbm>> -> memref<120xi32, #tpu.memory_space<hbm>>
    tpu.enqueue_dma source(%dma_start3A_22 : memref<120xi32, #tpu.memory_space<hbm>>) target(%dma_start3A_19 : memref<120xi32, #tpu.memory_space<vmem>>) target_semaphore(%arg14 : memref<!tpu.dma_semaphore, #tpu.memory_space<semaphore_mem>>)
    %dma_start3A_23 = arith.constant 0 : i32
    %dma_start3A_24 = arith.constant 0 : i32
    %dma_start3A_25 = arith.constant 0 : i32
    %dma_start3A_26 = arith.constant 0 : i32
    %dma_start3A_27 = tpu.memref_slice %arg7[%dma_start3A_24, %dma_start3A_25, %dma_start3A_26] : memref<2x3x120xi32, #tpu.memory_space<vmem>> -> memref<1x1x120xi32, #tpu.memory_space<vmem>>
    %dma_start3A_28 = tpu.memref_squeeze %dma_start3A_27 : memref<1x1x120xi32, #tpu.memory_space<vmem>> -> memref<120xi32, #tpu.memory_space<vmem>>
    %dma_start3A_29 = arith.constant 0 : i32
    %dma_start3A_30 = tpu.memref_slice %arg4[%arg0, %arg1, %dma_start3A_23, %dma_start3A_29] : memref<2x16x168x120xi32, #tpu.memory_space<hbm>> -> memref<1x1x1x120xi32, #tpu.memory_space<hbm>>
    %dma_start3A_31 = tpu.memref_squeeze %dma_start3A_30 : memref<1x1x1x120xi32, #tpu.memory_space<hbm>> -> memref<120xi32, #tpu.memory_space<hbm>>
    %dma_start3A_32 = arith.constant 0 : i32
    %dma_start3A_33 = tpu.memref_slice %arg7[%dma_start3A_24, %dma_start3A_25, %dma_start3A_32] : memref<2x3x120xi32, #tpu.memory_space<vmem>> -> memref<1x1x120xi32, #tpu.memory_space<vmem>>
    %dma_start3A_34 = tpu.memref_squeeze %dma_start3A_33 : memref<1x1x120xi32, #tpu.memory_space<vmem>> -> memref<120xi32, #tpu.memory_space<vmem>>
    %dma_start3A_35 = arith.constant 0 : i32
    %dma_start3A_36 = tpu.memref_slice %arg4[%arg0, %arg1, %dma_start3A_23, %dma_start3A_35] : memref<2x16x168x120xi32, #tpu.memory_space<hbm>> -> memref<1x1x1x120xi32, #tpu.memory_space<hbm>>
    %dma_start3A_37 = tpu.memref_squeeze %dma_start3A_36 : memref<1x1x1x120xi32, #tpu.memory_space<hbm>> -> memref<120xi32, #tpu.memory_space<hbm>>
    tpu.enqueue_dma source(%dma_start3A_37 : memref<120xi32, #tpu.memory_space<hbm>>) target(%dma_start3A_34 : memref<120xi32, #tpu.memory_space<vmem>>) target_semaphore(%arg14 : memref<!tpu.dma_semaphore, #tpu.memory_space<semaphore_mem>>)
    %dma_start3A_38 = arith.constant 1 : i32
    %dma_start3A_39 = arith.constant 0 : i32
    %dma_start3A_40 = arith.constant 1 : i32
    %dma_start3A_41 = arith.constant 0 : i32
    %dma_start3A_42 = tpu.memref_slice %arg6[%dma_start3A_39, %dma_start3A_40, %dma_start3A_41] : memref<2x3x120xi32, #tpu.memory_space<vmem>> -> memref<1x1x120xi32, #tpu.memory_space<vmem>>
    %dma_start3A_43 = tpu.memref_squeeze %dma_start3A_42 : memref<1x1x120xi32, #tpu.memory_space<vmem>> -> memref<120xi32, #tpu.memory_space<vmem>>
    %dma_start3A_44 = arith.constant 0 : i32
    %dma_start3A_45 = tpu.memref_slice %arg3[%arg0, %arg1, %dma_start3A_38, %dma_start3A_44] : memref<2x16x168x120xi32, #tpu.memory_space<hbm>> -> memref<1x1x1x120xi32, #tpu.memory_space<hbm>>
    %dma_start3A_46 = tpu.memref_squeeze %dma_start3A_45 : memref<1x1x1x120xi32, #tpu.memory_space<hbm>> -> memref<120xi32, #tpu.memory_space<hbm>>
    %dma_start3A_47 = arith.constant 0 : i32
    %dma_start3A_48 = tpu.memref_slice %arg6[%dma_start3A_39, %dma_start3A_40, %dma_start3A_47] : memref<2x3x120xi32, #tpu.memory_space<vmem>> -> memref<1x1x120xi32, #tpu.memory_space<vmem>>
    %dma_start3A_49 = tpu.memref_squeeze %dma_start3A_48 : memref<1x1x120xi32, #tpu.memory_space<vmem>> -> memref<120xi32, #tpu.memory_space<vmem>>
    %dma_start3A_50 = arith.constant 0 : i32
    %dma_start3A_51 = tpu.memref_slice %arg3[%arg0, %arg1, %dma_start3A_38, %dma_start3A_50] : memref<2x16x168x120xi32, #tpu.memory_space<hbm>> -> memref<1x1x1x120xi32, #tpu.memory_space<hbm>>
    %dma_start3A_52 = tpu.memref_squeeze %dma_start3A_51 : memref<1x1x1x120xi32, #tpu.memory_space<hbm>> -> memref<120xi32, #tpu.memory_space<hbm>>
    tpu.enqueue_dma source(%dma_start3A_52 : memref<120xi32, #tpu.memory_space<hbm>>) target(%dma_start3A_49 : memref<120xi32, #tpu.memory_space<vmem>>) target_semaphore(%arg14 : memref<!tpu.dma_semaphore, #tpu.memory_space<semaphore_mem>>)
    %dma_start3A_53 = arith.constant 1 : i32
    %dma_start3A_54 = arith.constant 0 : i32
    %dma_start3A_55 = arith.constant 1 : i32
    %dma_start3A_56 = arith.constant 0 : i32
    %dma_start3A_57 = tpu.memref_slice %arg7[%dma_start3A_54, %dma_start3A_55, %dma_start3A_56] : memref<2x3x120xi32, #tpu.memory_space<vmem>> -> memref<1x1x120xi32, #tpu.memory_space<vmem>>
    %dma_start3A_58 = tpu.memref_squeeze %dma_start3A_57 : memref<1x1x120xi32, #tpu.memory_space<vmem>> -> memref<120xi32, #tpu.memory_space<vmem>>
    %dma_start3A_59 = arith.constant 0 : i32
    %dma_start3A_60 = tpu.memref_slice %arg4[%arg0, %arg1, %dma_start3A_53, %dma_start3A_59] : memref<2x16x168x120xi32, #tpu.memory_space<hbm>> -> memref<1x1x1x120xi32, #tpu.memory_space<hbm>>
    %dma_start3A_61 = tpu.memref_squeeze %dma_start3A_60 : memref<1x1x1x120xi32, #tpu.memory_space<hbm>> -> memref<120xi32, #tpu.memory_space<hbm>>
    %dma_start3A_62 = arith.constant 0 : i32
    %dma_start3A_63 = tpu.memref_slice %arg7[%dma_start3A_54, %dma_start3A_55, %dma_start3A_62] : memref<2x3x120xi32, #tpu.memory_space<vmem>> -> memref<1x1x120xi32, #tpu.memory_space<vmem>>
    %dma_start3A_64 = tpu.memref_squeeze %dma_start3A_63 : memref<1x1x120xi32, #tpu.memory_space<vmem>> -> memref<120xi32, #tpu.memory_space<vmem>>
    %dma_start3A_65 = arith.constant 0 : i32
    %dma_start3A_66 = tpu.memref_slice %arg4[%arg0, %arg1, %dma_start3A_53, %dma_start3A_65] : memref<2x16x168x120xi32, #tpu.memory_space<hbm>> -> memref<1x1x1x120xi32, #tpu.memory_space<hbm>>
    %dma_start3A_67 = tpu.memref_squeeze %dma_start3A_66 : memref<1x1x1x120xi32, #tpu.memory_space<hbm>> -> memref<120xi32, #tpu.memory_space<hbm>>
    tpu.enqueue_dma source(%dma_start3A_67 : memref<120xi32, #tpu.memory_space<hbm>>) target(%dma_start3A_64 : memref<120xi32, #tpu.memory_space<vmem>>) target_semaphore(%arg14 : memref<!tpu.dma_semaphore, #tpu.memory_space<semaphore_mem>>)
    %dma_start3A_68 = arith.constant 2 : i32
    %dma_start3A_69 = arith.constant 0 : i32
    %dma_start3A_70 = arith.constant 2 : i32
    %dma_start3A_71 = arith.constant 0 : i32
    %dma_start3A_72 = tpu.memref_slice %arg6[%dma_start3A_69, %dma_start3A_70, %dma_start3A_71] : memref<2x3x120xi32, #tpu.memory_space<vmem>> -> memref<1x1x120xi32, #tpu.memory_space<vmem>>
    %dma_start3A_73 = tpu.memref_squeeze %dma_start3A_72 : memref<1x1x120xi32, #tpu.memory_space<vmem>> -> memref<120xi32, #tpu.memory_space<vmem>>
    %dma_start3A_74 = arith.constant 0 : i32
    %dma_start3A_75 = tpu.memref_slice %arg3[%arg0, %arg1, %dma_start3A_68, %dma_start3A_74] : memref<2x16x168x120xi32, #tpu.memory_space<hbm>> -> memref<1x1x1x120xi32, #tpu.memory_space<hbm>>
    %dma_start3A_76 = tpu.memref_squeeze %dma_start3A_75 : memref<1x1x1x120xi32, #tpu.memory_space<hbm>> -> memref<120xi32, #tpu.memory_space<hbm>>
    %dma_start3A_77 = arith.constant 0 : i32
    %dma_start3A_78 = tpu.memref_slice %arg6[%dma_start3A_69, %dma_start3A_70, %dma_start3A_77] : memref<2x3x120xi32, #tpu.memory_space<vmem>> -> memref<1x1x120xi32, #tpu.memory_space<vmem>>
    %dma_start3A_79 = tpu.memref_squeeze %dma_start3A_78 : memref<1x1x120xi32, #tpu.memory_space<vmem>> -> memref<120xi32, #tpu.memory_space<vmem>>
    %dma_start3A_80 = arith.constant 0 : i32
    %dma_start3A_81 = tpu.memref_slice %arg3[%arg0, %arg1, %dma_start3A_68, %dma_start3A_80] : memref<2x16x168x120xi32, #tpu.memory_space<hbm>> -> memref<1x1x1x120xi32, #tpu.memory_space<hbm>>
    %dma_start3A_82 = tpu.memref_squeeze %dma_start3A_81 : memref<1x1x1x120xi32, #tpu.memory_space<hbm>> -> memref<120xi32, #tpu.memory_space<hbm>>
    tpu.enqueue_dma source(%dma_start3A_82 : memref<120xi32, #tpu.memory_space<hbm>>) target(%dma_start3A_79 : memref<120xi32, #tpu.memory_space<vmem>>) target_semaphore(%arg14 : memref<!tpu.dma_semaphore, #tpu.memory_space<semaphore_mem>>)
    %dma_start3A_83 = arith.constant 2 : i32
    %dma_start3A_84 = arith.constant 0 : i32
    %dma_start3A_85 = arith.constant 2 : i32
    %dma_start3A_86 = arith.constant 0 : i32
    %dma_start3A_87 = tpu.memref_slice %arg7[%dma_start3A_84, %dma_start3A_85, %dma_start3A_86] : memref<2x3x120xi32, #tpu.memory_space<vmem>> -> memref<1x1x120xi32, #tpu.memory_space<vmem>>
    %dma_start3A_88 = tpu.memref_squeeze %dma_start3A_87 : memref<1x1x120xi32, #tpu.memory_space<vmem>> -> memref<120xi32, #tpu.memory_space<vmem>>
    %dma_start3A_89 = arith.constant 0 : i32
    %dma_start3A_90 = tpu.memref_slice %arg4[%arg0, %arg1, %dma_start3A_83, %dma_start3A_89] : memref<2x16x168x120xi32, #tpu.memory_space<hbm>> -> memref<1x1x1x120xi32, #tpu.memory_space<hbm>>
    %dma_start3A_91 = tpu.memref_squeeze %dma_start3A_90 : memref<1x1x1x120xi32, #tpu.memory_space<hbm>> -> memref<120xi32, #tpu.memory_space<hbm>>
    %dma_start3A_92 = arith.constant 0 : i32
    %dma_start3A_93 = tpu.memref_slice %arg7[%dma_start3A_84, %dma_start3A_85, %dma_start3A_92] : memref<2x3x120xi32, #tpu.memory_space<vmem>> -> memref<1x1x120xi32, #tpu.memory_space<vmem>>
    %dma_start3A_94 = tpu.memref_squeeze %dma_start3A_93 : memref<1x1x120xi32, #tpu.memory_space<vmem>> -> memref<120xi32, #tpu.memory_space<vmem>>
    %dma_start3A_95 = arith.constant 0 : i32
    %dma_start3A_96 = tpu.memref_slice %arg4[%arg0, %arg1, %dma_start3A_83, %dma_start3A_95] : memref<2x16x168x120xi32, #tpu.memory_space<hbm>> -> memref<1x1x1x120xi32, #tpu.memory_space<hbm>>
    %dma_start3A_97 = tpu.memref_squeeze %dma_start3A_96 : memref<1x1x1x120xi32, #tpu.memory_space<hbm>> -> memref<120xi32, #tpu.memory_space<hbm>>
    tpu.enqueue_dma source(%dma_start3A_97 : memref<120xi32, #tpu.memory_space<hbm>>) target(%dma_start3A_94 : memref<120xi32, #tpu.memory_space<vmem>>) target_semaphore(%arg14 : memref<!tpu.dma_semaphore, #tpu.memory_space<semaphore_mem>>)
    %dma_wait3A = arith.constant 0 : i32
    %dma_wait3A_98 = arith.constant 0 : i32
    %dma_wait3A_99 = arith.constant 0 : i32
    %dma_wait3A_100 = arith.constant 0 : i32
    %dma_wait3A_101 = tpu.memref_slice %arg6[%dma_wait3A_98, %dma_wait3A_99, %dma_wait3A_100] : memref<2x3x120xi32, #tpu.memory_space<vmem>> -> memref<1x1x120xi32, #tpu.memory_space<vmem>>
    %dma_wait3A_102 = tpu.memref_squeeze %dma_wait3A_101 : memref<1x1x120xi32, #tpu.memory_space<vmem>> -> memref<120xi32, #tpu.memory_space<vmem>>
    %dma_wait3A_103 = arith.constant 0 : i32
    %dma_wait3A_104 = tpu.memref_slice %arg3[%arg0, %arg1, %dma_wait3A, %dma_wait3A_103] : memref<2x16x168x120xi32, #tpu.memory_space<hbm>> -> memref<1x1x1x120xi32, #tpu.memory_space<hbm>>
    %dma_wait3A_105 = tpu.memref_squeeze %dma_wait3A_104 : memref<1x1x1x120xi32, #tpu.memory_space<hbm>> -> memref<120xi32, #tpu.memory_space<hbm>>
    %dma_wait3A_106 = arith.constant 0 : i32
    %dma_wait3A_107 = tpu.memref_slice %arg6[%dma_wait3A_98, %dma_wait3A_99, %dma_wait3A_106] : memref<2x3x120xi32, #tpu.memory_space<vmem>> -> memref<1x1x120xi32, #tpu.memory_space<vmem>>
    %dma_wait3A_108 = tpu.memref_squeeze %dma_wait3A_107 : memref<1x1x120xi32, #tpu.memory_space<vmem>> -> memref<120xi32, #tpu.memory_space<vmem>>
    %dma_wait3A_109 = arith.constant 0 : i32
    %dma_wait3A_110 = tpu.memref_slice %arg3[%arg0, %arg1, %dma_wait3A, %dma_wait3A_109] : memref<2x16x168x120xi32, #tpu.memory_space<hbm>> -> memref<1x1x1x120xi32, #tpu.memory_space<hbm>>
    %dma_wait3A_111 = tpu.memref_squeeze %dma_wait3A_110 : memref<1x1x1x120xi32, #tpu.memory_space<hbm>> -> memref<120xi32, #tpu.memory_space<hbm>>
    tpu.wait_dma2 semaphore(%arg14 : memref<!tpu.dma_semaphore, #tpu.memory_space<semaphore_mem>>) src(%dma_wait3A_111 : memref<120xi32, #tpu.memory_space<hbm>>) dst(%dma_wait3A_108 : memref<120xi32, #tpu.memory_space<vmem>>)
    %dma_wait3A_112 = arith.constant 0 : i32
    %dma_wait3A_113 = arith.constant 0 : i32
    %dma_wait3A_114 = arith.constant 0 : i32
    %dma_wait3A_115 = arith.constant 0 : i32
    %dma_wait3A_116 = tpu.memref_slice %arg7[%dma_wait3A_113, %dma_wait3A_114, %dma_wait3A_115] : memref<2x3x120xi32, #tpu.memory_space<vmem>> -> memref<1x1x120xi32, #tpu.memory_space<vmem>>
    %dma_wait3A_117 = tpu.memref_squeeze %dma_wait3A_116 : memref<1x1x120xi32, #tpu.memory_space<vmem>> -> memref<120xi32, #tpu.memory_space<vmem>>
    %dma_wait3A_118 = arith.constant 0 : i32
    %dma_wait3A_119 = tpu.memref_slice %arg4[%arg0, %arg1, %dma_wait3A_112, %dma_wait3A_118] : memref<2x16x168x120xi32, #tpu.memory_space<hbm>> -> memref<1x1x1x120xi32, #tpu.memory_space<hbm>>
    %dma_wait3A_120 = tpu.memref_squeeze %dma_wait3A_119 : memref<1x1x1x120xi32, #tpu.memory_space<hbm>> -> memref<120xi32, #tpu.memory_space<hbm>>
    %dma_wait3A_121 = arith.constant 0 : i32
    %dma_wait3A_122 = tpu.memref_slice %arg7[%dma_wait3A_113, %dma_wait3A_114, %dma_wait3A_121] : memref<2x3x120xi32, #tpu.memory_space<vmem>> -> memref<1x1x120xi32, #tpu.memory_space<vmem>>
    %dma_wait3A_123 = tpu.memref_squeeze %dma_wait3A_122 : memref<1x1x120xi32, #tpu.memory_space<vmem>> -> memref<120xi32, #tpu.memory_space<vmem>>
    %dma_wait3A_124 = arith.constant 0 : i32
    %dma_wait3A_125 = tpu.memref_slice %arg4[%arg0, %arg1, %dma_wait3A_112, %dma_wait3A_124] : memref<2x16x168x120xi32, #tpu.memory_space<hbm>> -> memref<1x1x1x120xi32, #tpu.memory_space<hbm>>
    %dma_wait3A_126 = tpu.memref_squeeze %dma_wait3A_125 : memref<1x1x1x120xi32, #tpu.memory_space<hbm>> -> memref<120xi32, #tpu.memory_space<hbm>>
    tpu.wait_dma2 semaphore(%arg14 : memref<!tpu.dma_semaphore, #tpu.memory_space<semaphore_mem>>) src(%dma_wait3A_126 : memref<120xi32, #tpu.memory_space<hbm>>) dst(%dma_wait3A_123 : memref<120xi32, #tpu.memory_space<vmem>>)
    %dma_wait3A_127 = arith.constant 1 : i32
    %dma_wait3A_128 = arith.constant 0 : i32
    %dma_wait3A_129 = arith.constant 1 : i32
    %dma_wait3A_130 = arith.constant 0 : i32
    %dma_wait3A_131 = tpu.memref_slice %arg6[%dma_wait3A_128, %dma_wait3A_129, %dma_wait3A_130] : memref<2x3x120xi32, #tpu.memory_space<vmem>> -> memref<1x1x120xi32, #tpu.memory_space<vmem>>
    %dma_wait3A_132 = tpu.memref_squeeze %dma_wait3A_131 : memref<1x1x120xi32, #tpu.memory_space<vmem>> -> memref<120xi32, #tpu.memory_space<vmem>>
    %dma_wait3A_133 = arith.constant 0 : i32
    %dma_wait3A_134 = tpu.memref_slice %arg3[%arg0, %arg1, %dma_wait3A_127, %dma_wait3A_133] : memref<2x16x168x120xi32, #tpu.memory_space<hbm>> -> memref<1x1x1x120xi32, #tpu.memory_space<hbm>>
    %dma_wait3A_135 = tpu.memref_squeeze %dma_wait3A_134 : memref<1x1x1x120xi32, #tpu.memory_space<hbm>> -> memref<120xi32, #tpu.memory_space<hbm>>
    %dma_wait3A_136 = arith.constant 0 : i32
    %dma_wait3A_137 = tpu.memref_slice %arg6[%dma_wait3A_128, %dma_wait3A_129, %dma_wait3A_136] : memref<2x3x120xi32, #tpu.memory_space<vmem>> -> memref<1x1x120xi32, #tpu.memory_space<vmem>>
    %dma_wait3A_138 = tpu.memref_squeeze %dma_wait3A_137 : memref<1x1x120xi32, #tpu.memory_space<vmem>> -> memref<120xi32, #tpu.memory_space<vmem>>
    %dma_wait3A_139 = arith.constant 0 : i32
    %dma_wait3A_140 = tpu.memref_slice %arg3[%arg0, %arg1, %dma_wait3A_127, %dma_wait3A_139] : memref<2x16x168x120xi32, #tpu.memory_space<hbm>> -> memref<1x1x1x120xi32, #tpu.memory_space<hbm>>
    %dma_wait3A_141 = tpu.memref_squeeze %dma_wait3A_140 : memref<1x1x1x120xi32, #tpu.memory_space<hbm>> -> memref<120xi32, #tpu.memory_space<hbm>>
    tpu.wait_dma2 semaphore(%arg14 : memref<!tpu.dma_semaphore, #tpu.memory_space<semaphore_mem>>) src(%dma_wait3A_141 : memref<120xi32, #tpu.memory_space<hbm>>) dst(%dma_wait3A_138 : memref<120xi32, #tpu.memory_space<vmem>>)
    %dma_wait3A_142 = arith.constant 1 : i32
    %dma_wait3A_143 = arith.constant 0 : i32
    %dma_wait3A_144 = arith.constant 1 : i32
    %dma_wait3A_145 = arith.constant 0 : i32
    %dma_wait3A_146 = tpu.memref_slice %arg7[%dma_wait3A_143, %dma_wait3A_144, %dma_wait3A_145] : memref<2x3x120xi32, #tpu.memory_space<vmem>> -> memref<1x1x120xi32, #tpu.memory_space<vmem>>
    %dma_wait3A_147 = tpu.memref_squeeze %dma_wait3A_146 : memref<1x1x120xi32, #tpu.memory_space<vmem>> -> memref<120xi32, #tpu.memory_space<vmem>>
    %dma_wait3A_148 = arith.constant 0 : i32
    %dma_wait3A_149 = tpu.memref_slice %arg4[%arg0, %arg1, %dma_wait3A_142, %dma_wait3A_148] : memref<2x16x168x120xi32, #tpu.memory_space<hbm>> -> memref<1x1x1x120xi32, #tpu.memory_space<hbm>>
    %dma_wait3A_150 = tpu.memref_squeeze %dma_wait3A_149 : memref<1x1x1x120xi32, #tpu.memory_space<hbm>> -> memref<120xi32, #tpu.memory_space<hbm>>
    %dma_wait3A_151 = arith.constant 0 : i32
    %dma_wait3A_152 = tpu.memref_slice %arg7[%dma_wait3A_143, %dma_wait3A_144, %dma_wait3A_151] : memref<2x3x120xi32, #tpu.memory_space<vmem>> -> memref<1x1x120xi32, #tpu.memory_space<vmem>>
    %dma_wait3A_153 = tpu.memref_squeeze %dma_wait3A_152 : memref<1x1x120xi32, #tpu.memory_space<vmem>> -> memref<120xi32, #tpu.memory_space<vmem>>
    %dma_wait3A_154 = arith.constant 0 : i32
    %dma_wait3A_155 = tpu.memref_slice %arg4[%arg0, %arg1, %dma_wait3A_142, %dma_wait3A_154] : memref<2x16x168x120xi32, #tpu.memory_space<hbm>> -> memref<1x1x1x120xi32, #tpu.memory_space<hbm>>
    %dma_wait3A_156 = tpu.memref_squeeze %dma_wait3A_155 : memref<1x1x1x120xi32, #tpu.memory_space<hbm>> -> memref<120xi32, #tpu.memory_space<hbm>>
    tpu.wait_dma2 semaphore(%arg14 : memref<!tpu.dma_semaphore, #tpu.memory_space<semaphore_mem>>) src(%dma_wait3A_156 : memref<120xi32, #tpu.memory_space<hbm>>) dst(%dma_wait3A_153 : memref<120xi32, #tpu.memory_space<vmem>>)
    %dma_wait3A_157 = arith.constant 2 : i32
    %dma_wait3A_158 = arith.constant 0 : i32
    %dma_wait3A_159 = arith.constant 2 : i32
    %dma_wait3A_160 = arith.constant 0 : i32
    %dma_wait3A_161 = tpu.memref_slice %arg6[%dma_wait3A_158, %dma_wait3A_159, %dma_wait3A_160] : memref<2x3x120xi32, #tpu.memory_space<vmem>> -> memref<1x1x120xi32, #tpu.memory_space<vmem>>
    %dma_wait3A_162 = tpu.memref_squeeze %dma_wait3A_161 : memref<1x1x120xi32, #tpu.memory_space<vmem>> -> memref<120xi32, #tpu.memory_space<vmem>>
    %dma_wait3A_163 = arith.constant 0 : i32
    %dma_wait3A_164 = tpu.memref_slice %arg3[%arg0, %arg1, %dma_wait3A_157, %dma_wait3A_163] : memref<2x16x168x120xi32, #tpu.memory_space<hbm>> -> memref<1x1x1x120xi32, #tpu.memory_space<hbm>>
    %dma_wait3A_165 = tpu.memref_squeeze %dma_wait3A_164 : memref<1x1x1x120xi32, #tpu.memory_space<hbm>> -> memref<120xi32, #tpu.memory_space<hbm>>
    %dma_wait3A_166 = arith.constant 0 : i32
    %dma_wait3A_167 = tpu.memref_slice %arg6[%dma_wait3A_158, %dma_wait3A_159, %dma_wait3A_166] : memref<2x3x120xi32, #tpu.memory_space<vmem>> -> memref<1x1x120xi32, #tpu.memory_space<vmem>>
    %dma_wait3A_168 = tpu.memref_squeeze %dma_wait3A_167 : memref<1x1x120xi32, #tpu.memory_space<vmem>> -> memref<120xi32, #tpu.memory_space<vmem>>
    %dma_wait3A_169 = arith.constant 0 : i32
    %dma_wait3A_170 = tpu.memref_slice %arg3[%arg0, %arg1, %dma_wait3A_157, %dma_wait3A_169] : memref<2x16x168x120xi32, #tpu.memory_space<hbm>> -> memref<1x1x1x120xi32, #tpu.memory_space<hbm>>
    %dma_wait3A_171 = tpu.memref_squeeze %dma_wait3A_170 : memref<1x1x1x120xi32, #tpu.memory_space<hbm>> -> memref<120xi32, #tpu.memory_space<hbm>>
    tpu.wait_dma2 semaphore(%arg14 : memref<!tpu.dma_semaphore, #tpu.memory_space<semaphore_mem>>) src(%dma_wait3A_171 : memref<120xi32, #tpu.memory_space<hbm>>) dst(%dma_wait3A_168 : memref<120xi32, #tpu.memory_space<vmem>>)
    %dma_wait3A_172 = arith.constant 2 : i32
    %dma_wait3A_173 = arith.constant 0 : i32
    %dma_wait3A_174 = arith.constant 2 : i32
    %dma_wait3A_175 = arith.constant 0 : i32
    %dma_wait3A_176 = tpu.memref_slice %arg7[%dma_wait3A_173, %dma_wait3A_174, %dma_wait3A_175] : memref<2x3x120xi32, #tpu.memory_space<vmem>> -> memref<1x1x120xi32, #tpu.memory_space<vmem>>
    %dma_wait3A_177 = tpu.memref_squeeze %dma_wait3A_176 : memref<1x1x120xi32, #tpu.memory_space<vmem>> -> memref<120xi32, #tpu.memory_space<vmem>>
    %dma_wait3A_178 = arith.constant 0 : i32
    %dma_wait3A_179 = tpu.memref_slice %arg4[%arg0, %arg1, %dma_wait3A_172, %dma_wait3A_178] : memref<2x16x168x120xi32, #tpu.memory_space<hbm>> -> memref<1x1x1x120xi32, #tpu.memory_space<hbm>>
    %dma_wait3A_180 = tpu.memref_squeeze %dma_wait3A_179 : memref<1x1x1x120xi32, #tpu.memory_space<hbm>> -> memref<120xi32, #tpu.memory_space<hbm>>
    %dma_wait3A_181 = arith.constant 0 : i32
    %dma_wait3A_182 = tpu.memref_slice %arg7[%dma_wait3A_173, %dma_wait3A_174, %dma_wait3A_181] : memref<2x3x120xi32, #tpu.memory_space<vmem>> -> memref<1x1x120xi32, #tpu.memory_space<vmem>>
    %dma_wait3A_183 = tpu.memref_squeeze %dma_wait3A_182 : memref<1x1x120xi32, #tpu.memory_space<vmem>> -> memref<120xi32, #tpu.memory_space<vmem>>
    %dma_wait3A_184 = arith.constant 0 : i32
    %dma_wait3A_185 = tpu.memref_slice %arg4[%arg0, %arg1, %dma_wait3A_172, %dma_wait3A_184] : memref<2x16x168x120xi32, #tpu.memory_space<hbm>> -> memref<1x1x1x120xi32, #tpu.memory_space<hbm>>
    %dma_wait3A_186 = tpu.memref_squeeze %dma_wait3A_185 : memref<1x1x1x120xi32, #tpu.memory_space<hbm>> -> memref<120xi32, #tpu.memory_space<hbm>>
    tpu.wait_dma2 semaphore(%arg14 : memref<!tpu.dma_semaphore, #tpu.memory_space<semaphore_mem>>) src(%dma_wait3A_186 : memref<120xi32, #tpu.memory_space<hbm>>) dst(%dma_wait3A_183 : memref<120xi32, #tpu.memory_space<vmem>>)
    %dma_start3A_187 = arith.constant 3 : i32
    %dma_start3A_188 = arith.constant 1 : i32
    %dma_start3A_189 = arith.constant 0 : i32
    %dma_start3A_190 = arith.constant 0 : i32
    %dma_start3A_191 = tpu.memref_slice %arg6[%dma_start3A_188, %dma_start3A_189, %dma_start3A_190] : memref<2x3x120xi32, #tpu.memory_space<vmem>> -> memref<1x1x120xi32, #tpu.memory_space<vmem>>
    %dma_start3A_192 = tpu.memref_squeeze %dma_start3A_191 : memref<1x1x120xi32, #tpu.memory_space<vmem>> -> memref<120xi32, #tpu.memory_space<vmem>>
    %dma_start3A_193 = arith.constant 0 : i32
    %dma_start3A_194 = tpu.memref_slice %arg3[%arg0, %arg1, %dma_start3A_187, %dma_start3A_193] : memref<2x16x168x120xi32, #tpu.memory_space<hbm>> -> memref<1x1x1x120xi32, #tpu.memory_space<hbm>>
    %dma_start3A_195 = tpu.memref_squeeze %dma_start3A_194 : memref<1x1x1x120xi32, #tpu.memory_space<hbm>> -> memref<120xi32, #tpu.memory_space<hbm>>
    %dma_start3A_196 = arith.constant 0 : i32
    %dma_start3A_197 = tpu.memref_slice %arg6[%dma_start3A_188, %dma_start3A_189, %dma_start3A_196] : memref<2x3x120xi32, #tpu.memory_space<vmem>> -> memref<1x1x120xi32, #tpu.memory_space<vmem>>
    %dma_start3A_198 = tpu.memref_squeeze %dma_start3A_197 : memref<1x1x120xi32, #tpu.memory_space<vmem>> -> memref<120xi32, #tpu.memory_space<vmem>>
    %dma_start3A_199 = arith.constant 0 : i32
    %dma_start3A_200 = tpu.memref_slice %arg3[%arg0, %arg1, %dma_start3A_187, %dma_start3A_199] : memref<2x16x168x120xi32, #tpu.memory_space<hbm>> -> memref<1x1x1x120xi32, #tpu.memory_space<hbm>>
    %dma_start3A_201 = tpu.memref_squeeze %dma_start3A_200 : memref<1x1x1x120xi32, #tpu.memory_space<hbm>> -> memref<120xi32, #tpu.memory_space<hbm>>
    tpu.enqueue_dma source(%dma_start3A_201 : memref<120xi32, #tpu.memory_space<hbm>>) target(%dma_start3A_198 : memref<120xi32, #tpu.memory_space<vmem>>) target_semaphore(%arg15 : memref<!tpu.dma_semaphore, #tpu.memory_space<semaphore_mem>>)
    %dma_start3A_202 = arith.constant 3 : i32
    %dma_start3A_203 = arith.constant 1 : i32
    %dma_start3A_204 = arith.constant 0 : i32
    %dma_start3A_205 = arith.constant 0 : i32
    %dma_start3A_206 = tpu.memref_slice %arg7[%dma_start3A_203, %dma_start3A_204, %dma_start3A_205] : memref<2x3x120xi32, #tpu.memory_space<vmem>> -> memref<1x1x120xi32, #tpu.memory_space<vmem>>
    %dma_start3A_207 = tpu.memref_squeeze %dma_start3A_206 : memref<1x1x120xi32, #tpu.memory_space<vmem>> -> memref<120xi32, #tpu.memory_space<vmem>>
    %dma_start3A_208 = arith.constant 0 : i32
    %dma_start3A_209 = tpu.memref_slice %arg4[%arg0, %arg1, %dma_start3A_202, %dma_start3A_208] : memref<2x16x168x120xi32, #tpu.memory_space<hbm>> -> memref<1x1x1x120xi32, #tpu.memory_space<hbm>>
    %dma_start3A_210 = tpu.memref_squeeze %dma_start3A_209 : memref<1x1x1x120xi32, #tpu.memory_space<hbm>> -> memref<120xi32, #tpu.memory_space<hbm>>
    %dma_start3A_211 = arith.constant 0 : i32
    %dma_start3A_212 = tpu.memref_slice %arg7[%dma_start3A_203, %dma_start3A_204, %dma_start3A_211] : memref<2x3x120xi32, #tpu.memory_space<vmem>> -> memref<1x1x120xi32, #tpu.memory_space<vmem>>
    %dma_start3A_213 = tpu.memref_squeeze %dma_start3A_212 : memref<1x1x120xi32, #tpu.memory_space<vmem>> -> memref<120xi32, #tpu.memory_space<vmem>>
    %dma_start3A_214 = arith.constant 0 : i32
    %dma_start3A_215 = tpu.memref_slice %arg4[%arg0, %arg1, %dma_start3A_202, %dma_start3A_214] : memref<2x16x168x120xi32, #tpu.memory_space<hbm>> -> memref<1x1x1x120xi32, #tpu.memory_space<hbm>>
    %dma_start3A_216 = tpu.memref_squeeze %dma_start3A_215 : memref<1x1x1x120xi32, #tpu.memory_space<hbm>> -> memref<120xi32, #tpu.memory_space<hbm>>
    tpu.enqueue_dma source(%dma_start3A_216 : memref<120xi32, #tpu.memory_space<hbm>>) target(%dma_start3A_213 : memref<120xi32, #tpu.memory_space<vmem>>) target_semaphore(%arg15 : memref<!tpu.dma_semaphore, #tpu.memory_space<semaphore_mem>>)
    %dma_start3A_217 = arith.constant 4 : i32
    %dma_start3A_218 = arith.constant 1 : i32
    %dma_start3A_219 = arith.constant 1 : i32
    %dma_start3A_220 = arith.constant 0 : i32
    %dma_start3A_221 = tpu.memref_slice %arg6[%dma_start3A_218, %dma_start3A_219, %dma_start3A_220] : memref<2x3x120xi32, #tpu.memory_space<vmem>> -> memref<1x1x120xi32, #tpu.memory_space<vmem>>
    %dma_start3A_222 = tpu.memref_squeeze %dma_start3A_221 : memref<1x1x120xi32, #tpu.memory_space<vmem>> -> memref<120xi32, #tpu.memory_space<vmem>>
    %dma_start3A_223 = arith.constant 0 : i32
    %dma_start3A_224 = tpu.memref_slice %arg3[%arg0, %arg1, %dma_start3A_217, %dma_start3A_223] : memref<2x16x168x120xi32, #tpu.memory_space<hbm>> -> memref<1x1x1x120xi32, #tpu.memory_space<hbm>>
    %dma_start3A_225 = tpu.memref_squeeze %dma_start3A_224 : memref<1x1x1x120xi32, #tpu.memory_space<hbm>> -> memref<120xi32, #tpu.memory_space<hbm>>
    %dma_start3A_226 = arith.constant 0 : i32
    %dma_start3A_227 = tpu.memref_slice %arg6[%dma_start3A_218, %dma_start3A_219, %dma_start3A_226] : memref<2x3x120xi32, #tpu.memory_space<vmem>> -> memref<1x1x120xi32, #tpu.memory_space<vmem>>
    %dma_start3A_228 = tpu.memref_squeeze %dma_start3A_227 : memref<1x1x120xi32, #tpu.memory_space<vmem>> -> memref<120xi32, #tpu.memory_space<vmem>>
    %dma_start3A_229 = arith.constant 0 : i32
    %dma_start3A_230 = tpu.memref_slice %arg3[%arg0, %arg1, %dma_start3A_217, %dma_start3A_229] : memref<2x16x168x120xi32, #tpu.memory_space<hbm>> -> memref<1x1x1x120xi32, #tpu.memory_space<hbm>>
    %dma_start3A_231 = tpu.memref_squeeze %dma_start3A_230 : memref<1x1x1x120xi32, #tpu.memory_space<hbm>> -> memref<120xi32, #tpu.memory_space<hbm>>
    tpu.enqueue_dma source(%dma_start3A_231 : memref<120xi32, #tpu.memory_space<hbm>>) target(%dma_start3A_228 : memref<120xi32, #tpu.memory_space<vmem>>) target_semaphore(%arg15 : memref<!tpu.dma_semaphore, #tpu.memory_space<semaphore_mem>>)
    %dma_start3A_232 = arith.constant 4 : i32
    %dma_start3A_233 = arith.constant 1 : i32
    %dma_start3A_234 = arith.constant 1 : i32
    %dma_start3A_235 = arith.constant 0 : i32
    %dma_start3A_236 = tpu.memref_slice %arg7[%dma_start3A_233, %dma_start3A_234, %dma_start3A_235] : memref<2x3x120xi32, #tpu.memory_space<vmem>> -> memref<1x1x120xi32, #tpu.memory_space<vmem>>
    %dma_start3A_237 = tpu.memref_squeeze %dma_start3A_236 : memref<1x1x120xi32, #tpu.memory_space<vmem>> -> memref<120xi32, #tpu.memory_space<vmem>>
    %dma_start3A_238 = arith.constant 0 : i32
    %dma_start3A_239 = tpu.memref_slice %arg4[%arg0, %arg1, %dma_start3A_232, %dma_start3A_238] : memref<2x16x168x120xi32, #tpu.memory_space<hbm>> -> memref<1x1x1x120xi32, #tpu.memory_space<hbm>>
    %dma_start3A_240 = tpu.memref_squeeze %dma_start3A_239 : memref<1x1x1x120xi32, #tpu.memory_space<hbm>> -> memref<120xi32, #tpu.memory_space<hbm>>
    %dma_start3A_241 = arith.constant 0 : i32
    %dma_start3A_242 = tpu.memref_slice %arg7[%dma_start3A_233, %dma_start3A_234, %dma_start3A_241] : memref<2x3x120xi32, #tpu.memory_space<vmem>> -> memref<1x1x120xi32, #tpu.memory_space<vmem>>
    %dma_start3A_243 = tpu.memref_squeeze %dma_start3A_242 : memref<1x1x120xi32, #tpu.memory_space<vmem>> -> memref<120xi32, #tpu.memory_space<vmem>>
    %dma_start3A_244 = arith.constant 0 : i32
    %dma_start3A_245 = tpu.memref_slice %arg4[%arg0, %arg1, %dma_start3A_232, %dma_start3A_244] : memref<2x16x168x120xi32, #tpu.memory_space<hbm>> -> memref<1x1x1x120xi32, #tpu.memory_space<hbm>>
    %dma_start3A_246 = tpu.memref_squeeze %dma_start3A_245 : memref<1x1x1x120xi32, #tpu.memory_space<hbm>> -> memref<120xi32, #tpu.memory_space<hbm>>
    tpu.enqueue_dma source(%dma_start3A_246 : memref<120xi32, #tpu.memory_space<hbm>>) target(%dma_start3A_243 : memref<120xi32, #tpu.memory_space<vmem>>) target_semaphore(%arg15 : memref<!tpu.dma_semaphore, #tpu.memory_space<semaphore_mem>>)
    %dma_start3A_247 = arith.constant 5 : i32
    %dma_start3A_248 = arith.constant 1 : i32
    %dma_start3A_249 = arith.constant 2 : i32
    %dma_start3A_250 = arith.constant 0 : i32
    %dma_start3A_251 = tpu.memref_slice %arg6[%dma_start3A_248, %dma_start3A_249, %dma_start3A_250] : memref<2x3x120xi32, #tpu.memory_space<vmem>> -> memref<1x1x120xi32, #tpu.memory_space<vmem>>
    %dma_start3A_252 = tpu.memref_squeeze %dma_start3A_251 : memref<1x1x120xi32, #tpu.memory_space<vmem>> -> memref<120xi32, #tpu.memory_space<vmem>>
    %dma_start3A_253 = arith.constant 0 : i32
    %dma_start3A_254 = tpu.memref_slice %arg3[%arg0, %arg1, %dma_start3A_247, %dma_start3A_253] : memref<2x16x168x120xi32, #tpu.memory_space<hbm>> -> memref<1x1x1x120xi32, #tpu.memory_space<hbm>>
    %dma_start3A_255 = tpu.memref_squeeze %dma_start3A_254 : memref<1x1x1x120xi32, #tpu.memory_space<hbm>> -> memref<120xi32, #tpu.memory_space<hbm>>
    %dma_start3A_256 = arith.constant 0 : i32
    %dma_start3A_257 = tpu.memref_slice %arg6[%dma_start3A_248, %dma_start3A_249, %dma_start3A_256] : memref<2x3x120xi32, #tpu.memory_space<vmem>> -> memref<1x1x120xi32, #tpu.memory_space<vmem>>
    %dma_start3A_258 = tpu.memref_squeeze %dma_start3A_257 : memref<1x1x120xi32, #tpu.memory_space<vmem>> -> memref<120xi32, #tpu.memory_space<vmem>>
    %dma_start3A_259 = arith.constant 0 : i32
    %dma_start3A_260 = tpu.memref_slice %arg3[%arg0, %arg1, %dma_start3A_247, %dma_start3A_259] : memref<2x16x168x120xi32, #tpu.memory_space<hbm>> -> memref<1x1x1x120xi32, #tpu.memory_space<hbm>>
    %dma_start3A_261 = tpu.memref_squeeze %dma_start3A_260 : memref<1x1x1x120xi32, #tpu.memory_space<hbm>> -> memref<120xi32, #tpu.memory_space<hbm>>
    tpu.enqueue_dma source(%dma_start3A_261 : memref<120xi32, #tpu.memory_space<hbm>>) target(%dma_start3A_258 : memref<120xi32, #tpu.memory_space<vmem>>) target_semaphore(%arg15 : memref<!tpu.dma_semaphore, #tpu.memory_space<semaphore_mem>>)
    %dma_start3A_262 = arith.constant 5 : i32
    %dma_start3A_263 = arith.constant 1 : i32
    %dma_start3A_264 = arith.constant 2 : i32
    %dma_start3A_265 = arith.constant 0 : i32
    %dma_start3A_266 = tpu.memref_slice %arg7[%dma_start3A_263, %dma_start3A_264, %dma_start3A_265] : memref<2x3x120xi32, #tpu.memory_space<vmem>> -> memref<1x1x120xi32, #tpu.memory_space<vmem>>
    %dma_start3A_267 = tpu.memref_squeeze %dma_start3A_266 : memref<1x1x120xi32, #tpu.memory_space<vmem>> -> memref<120xi32, #tpu.memory_space<vmem>>
    %dma_start3A_268 = arith.constant 0 : i32
    %dma_start3A_269 = tpu.memref_slice %arg4[%arg0, %arg1, %dma_start3A_262, %dma_start3A_268] : memref<2x16x168x120xi32, #tpu.memory_space<hbm>> -> memref<1x1x1x120xi32, #tpu.memory_space<hbm>>
    %dma_start3A_270 = tpu.memref_squeeze %dma_start3A_269 : memref<1x1x1x120xi32, #tpu.memory_space<hbm>> -> memref<120xi32, #tpu.memory_space<hbm>>
    %dma_start3A_271 = arith.constant 0 : i32
    %dma_start3A_272 = tpu.memref_slice %arg7[%dma_start3A_263, %dma_start3A_264, %dma_start3A_271] : memref<2x3x120xi32, #tpu.memory_space<vmem>> -> memref<1x1x120xi32, #tpu.memory_space<vmem>>
    %dma_start3A_273 = tpu.memref_squeeze %dma_start3A_272 : memref<1x1x120xi32, #tpu.memory_space<vmem>> -> memref<120xi32, #tpu.memory_space<vmem>>
    %dma_start3A_274 = arith.constant 0 : i32
    %dma_start3A_275 = tpu.memref_slice %arg4[%arg0, %arg1, %dma_start3A_262, %dma_start3A_274] : memref<2x16x168x120xi32, #tpu.memory_space<hbm>> -> memref<1x1x1x120xi32, #tpu.memory_space<hbm>>
    %dma_start3A_276 = tpu.memref_squeeze %dma_start3A_275 : memref<1x1x1x120xi32, #tpu.memory_space<hbm>> -> memref<120xi32, #tpu.memory_space<hbm>>
    tpu.enqueue_dma source(%dma_start3A_276 : memref<120xi32, #tpu.memory_space<hbm>>) target(%dma_start3A_273 : memref<120xi32, #tpu.memory_space<vmem>>) target_semaphore(%arg15 : memref<!tpu.dma_semaphore, #tpu.memory_space<semaphore_mem>>)
    %scan3A = arith.constant 0 : i32
    %scan3A_277 = arith.constant 0 : i32
    %scan3A_278 = arith.constant 28 : i32
    %scan3A_279 = arith.addi %scan3A_277, %scan3A_278 : i32
    %scan3A_280 = arith.constant 1 : i32
    scf.for %scan3A_293 = %scan3A_277 to %scan3A_279 step %scan3A_280  : i32 {
      %mul3A_294 = arith.constant 2 : i32
      %mul3A_295 = arith.muli %scan3A_293, %mul3A_294 : i32
      %dma_start3A_296 = arith.constant 0 : i32
      %dma_start3A_297 = arith.constant 0 : i32
      %dma_start3A_298 = arith.constant 0 : i32
      %dma_start3A_299 = arith.constant 0 : i32
      %dma_start3A_300 = arith.constant 0 : i32
      %dma_start3A_301 = tpu.memref_slice %arg8[%dma_start3A_298, %dma_start3A_299, %dma_start3A_300] : memref<3x120x128xf32, #tpu.memory_space<vmem>> -> memref<1x120x128xf32, #tpu.memory_space<vmem>>
      %dma_start3A_302 = tpu.memref_squeeze %dma_start3A_301 : memref<1x120x128xf32, #tpu.memory_space<vmem>> -> memref<120x128xf32, #tpu.memory_space<vmem>>
      %dma_start3A_303 = arith.constant 0 : i32
      %dma_start3A_304 = tpu.memref_slice %arg6[%dma_start3A_296, %dma_start3A_297, %dma_start3A_303] : memref<2x3x120xi32, #tpu.memory_space<vmem>> -> memref<1x1x120xi32, #tpu.memory_space<vmem>>
      %dma_start3A_305 = tpu.memref_squeeze %dma_start3A_304 : memref<1x1x120xi32, #tpu.memory_space<vmem>> -> memref<120xi32, #tpu.memory_space<vmem>>
      %dma_start3A_306 = arith.constant 0 : i32
      %dma_start3A_307 = arith.constant 0 : i32
      %dma_start3A_308 = tpu.memref_slice %arg2[%dma_start3A_306, %dma_start3A_307] : memref<20000x128xf32, #tpu.memory_space<hbm>> -> memref<20000x128xf32, #tpu.memory_space<hbm>>
      tpu.enqueue_indirect_dma source(%dma_start3A_308 : memref<20000x128xf32, #tpu.memory_space<hbm>>) target(%dma_start3A_302 : memref<120x128xf32, #tpu.memory_space<vmem>>) offsets(%dma_start3A_305 : memref<120xi32, #tpu.memory_space<vmem>>) semaphore(%arg10 : memref<!tpu.dma_semaphore, #tpu.memory_space<semaphore_mem>>)
      %dma_start3A_309 = arith.constant 0 : i32
      %dma_start3A_310 = arith.constant 1 : i32
      %dma_start3A_311 = arith.constant 1 : i32
      %dma_start3A_312 = arith.constant 0 : i32
      %dma_start3A_313 = arith.constant 0 : i32
      %dma_start3A_314 = tpu.memref_slice %arg8[%dma_start3A_311, %dma_start3A_312, %dma_start3A_313] : memref<3x120x128xf32, #tpu.memory_space<vmem>> -> memref<1x120x128xf32, #tpu.memory_space<vmem>>
      %dma_start3A_315 = tpu.memref_squeeze %dma_start3A_314 : memref<1x120x128xf32, #tpu.memory_space<vmem>> -> memref<120x128xf32, #tpu.memory_space<vmem>>
      %dma_start3A_316 = arith.constant 0 : i32
      %dma_start3A_317 = tpu.memref_slice %arg6[%dma_start3A_309, %dma_start3A_310, %dma_start3A_316] : memref<2x3x120xi32, #tpu.memory_space<vmem>> -> memref<1x1x120xi32, #tpu.memory_space<vmem>>
      %dma_start3A_318 = tpu.memref_squeeze %dma_start3A_317 : memref<1x1x120xi32, #tpu.memory_space<vmem>> -> memref<120xi32, #tpu.memory_space<vmem>>
      %dma_start3A_319 = arith.constant 0 : i32
      %dma_start3A_320 = arith.constant 0 : i32
      %dma_start3A_321 = tpu.memref_slice %arg2[%dma_start3A_319, %dma_start3A_320] : memref<20000x128xf32, #tpu.memory_space<hbm>> -> memref<20000x128xf32, #tpu.memory_space<hbm>>
      tpu.enqueue_indirect_dma source(%dma_start3A_321 : memref<20000x128xf32, #tpu.memory_space<hbm>>) target(%dma_start3A_315 : memref<120x128xf32, #tpu.memory_space<vmem>>) offsets(%dma_start3A_318 : memref<120xi32, #tpu.memory_space<vmem>>) semaphore(%arg11 : memref<!tpu.dma_semaphore, #tpu.memory_space<semaphore_mem>>)
      %dma_start3A_322 = arith.constant 0 : i32
      %dma_start3A_323 = arith.constant 2 : i32
      %dma_start3A_324 = arith.constant 2 : i32
      %dma_start3A_325 = arith.constant 0 : i32
      %dma_start3A_326 = arith.constant 0 : i32
      %dma_start3A_327 = tpu.memref_slice %arg8[%dma_start3A_324, %dma_start3A_325, %dma_start3A_326] : memref<3x120x128xf32, #tpu.memory_space<vmem>> -> memref<1x120x128xf32, #tpu.memory_space<vmem>>
      %dma_start3A_328 = tpu.memref_squeeze %dma_start3A_327 : memref<1x120x128xf32, #tpu.memory_space<vmem>> -> memref<120x128xf32, #tpu.memory_space<vmem>>
      %dma_start3A_329 = arith.constant 0 : i32
      %dma_start3A_330 = tpu.memref_slice %arg6[%dma_start3A_322, %dma_start3A_323, %dma_start3A_329] : memref<2x3x120xi32, #tpu.memory_space<vmem>> -> memref<1x1x120xi32, #tpu.memory_space<vmem>>
      %dma_start3A_331 = tpu.memref_squeeze %dma_start3A_330 : memref<1x1x120xi32, #tpu.memory_space<vmem>> -> memref<120xi32, #tpu.memory_space<vmem>>
      %dma_start3A_332 = arith.constant 0 : i32
      %dma_start3A_333 = arith.constant 0 : i32
      %dma_start3A_334 = tpu.memref_slice %arg2[%dma_start3A_332, %dma_start3A_333] : memref<20000x128xf32, #tpu.memory_space<hbm>> -> memref<20000x128xf32, #tpu.memory_space<hbm>>
      tpu.enqueue_indirect_dma source(%dma_start3A_334 : memref<20000x128xf32, #tpu.memory_space<hbm>>) target(%dma_start3A_328 : memref<120x128xf32, #tpu.memory_space<vmem>>) offsets(%dma_start3A_331 : memref<120xi32, #tpu.memory_space<vmem>>) semaphore(%arg12 : memref<!tpu.dma_semaphore, #tpu.memory_space<semaphore_mem>>)
      %dma_wait3A_335 = arith.constant 0 : i32
      %dma_wait3A_336 = arith.constant 0 : i32
      %dma_wait3A_337 = arith.constant 0 : i32
      %dma_wait3A_338 = arith.constant 0 : i32
      %dma_wait3A_339 = arith.constant 0 : i32
      %dma_wait3A_340 = tpu.memref_slice %arg8[%dma_wait3A_337, %dma_wait3A_338, %dma_wait3A_339] : memref<3x120x128xf32, #tpu.memory_space<vmem>> -> memref<1x120x128xf32, #tpu.memory_space<vmem>>
      %dma_wait3A_341 = tpu.memref_squeeze %dma_wait3A_340 : memref<1x120x128xf32, #tpu.memory_space<vmem>> -> memref<120x128xf32, #tpu.memory_space<vmem>>
      %dma_wait3A_342 = arith.constant 0 : i32
      %dma_wait3A_343 = tpu.memref_slice %arg6[%dma_wait3A_335, %dma_wait3A_336, %dma_wait3A_342] : memref<2x3x120xi32, #tpu.memory_space<vmem>> -> memref<1x1x120xi32, #tpu.memory_space<vmem>>
      %dma_wait3A_344 = tpu.memref_squeeze %dma_wait3A_343 : memref<1x1x120xi32, #tpu.memory_space<vmem>> -> memref<120xi32, #tpu.memory_space<vmem>>
      %dma_wait3A_345 = arith.constant 0 : i32
      %dma_wait3A_346 = arith.constant 0 : i32
      %dma_wait3A_347 = tpu.memref_slice %arg2[%dma_wait3A_345, %dma_wait3A_346] : memref<20000x128xf32, #tpu.memory_space<hbm>> -> memref<20000x128xf32, #tpu.memory_space<hbm>>
      tpu.wait_indirect_dma semaphore(%arg10 : memref<!tpu.dma_semaphore, #tpu.memory_space<semaphore_mem>>) src(%dma_wait3A_347 : memref<20000x128xf32, #tpu.memory_space<hbm>>) dst(%dma_wait3A_341 : memref<120x128xf32, #tpu.memory_space<vmem>>)
      %dma_start3A_348 = arith.constant 0 : i32
      %dma_start3A_349 = arith.constant 0 : i32
      %dma_start3A_350 = arith.constant 0 : i32
      %dma_start3A_351 = arith.constant 0 : i32
      %dma_start3A_352 = arith.constant 0 : i32
      %dma_start3A_353 = tpu.memref_slice %arg8[%dma_start3A_348, %dma_start3A_351, %dma_start3A_352] : memref<3x120x128xf32, #tpu.memory_space<vmem>> -> memref<1x120x128xf32, #tpu.memory_space<vmem>>
      %dma_start3A_354 = tpu.memref_squeeze %dma_start3A_353 : memref<1x120x128xf32, #tpu.memory_space<vmem>> -> memref<120x128xf32, #tpu.memory_space<vmem>>
      %dma_start3A_355 = arith.constant 0 : i32
      %dma_start3A_356 = tpu.memref_slice %arg7[%dma_start3A_349, %dma_start3A_350, %dma_start3A_355] : memref<2x3x120xi32, #tpu.memory_space<vmem>> -> memref<1x1x120xi32, #tpu.memory_space<vmem>>
      %dma_start3A_357 = tpu.memref_squeeze %dma_start3A_356 : memref<1x1x120xi32, #tpu.memory_space<vmem>> -> memref<120xi32, #tpu.memory_space<vmem>>
      %dma_start3A_358 = arith.constant 0 : i32
      %dma_start3A_359 = arith.constant 0 : i32
      %dma_start3A_360 = tpu.memref_slice %arg9[%dma_start3A_358, %dma_start3A_359] : memref<10008x128xf32, #tpu.memory_space<vmem_shared>> -> memref<10008x128xf32, #tpu.memory_space<vmem_shared>>
      tpu.enqueue_indirect_dma source(%dma_start3A_354 : memref<120x128xf32, #tpu.memory_space<vmem>>) target(%dma_start3A_360 : memref<10008x128xf32, #tpu.memory_space<vmem_shared>>) offsets(%dma_start3A_357 : memref<120xi32, #tpu.memory_space<vmem>>) semaphore(%arg13 : memref<!tpu.dma_semaphore, #tpu.memory_space<semaphore_mem>>) {add = true}
      %dma_wait3A_361 = arith.constant 0 : i32
      %dma_wait3A_362 = arith.constant 1 : i32
      %dma_wait3A_363 = arith.constant 1 : i32
      %dma_wait3A_364 = arith.constant 0 : i32
      %dma_wait3A_365 = arith.constant 0 : i32
      %dma_wait3A_366 = tpu.memref_slice %arg8[%dma_wait3A_363, %dma_wait3A_364, %dma_wait3A_365] : memref<3x120x128xf32, #tpu.memory_space<vmem>> -> memref<1x120x128xf32, #tpu.memory_space<vmem>>
      %dma_wait3A_367 = tpu.memref_squeeze %dma_wait3A_366 : memref<1x120x128xf32, #tpu.memory_space<vmem>> -> memref<120x128xf32, #tpu.memory_space<vmem>>
      %dma_wait3A_368 = arith.constant 0 : i32
      %dma_wait3A_369 = tpu.memref_slice %arg6[%dma_wait3A_361, %dma_wait3A_362, %dma_wait3A_368] : memref<2x3x120xi32, #tpu.memory_space<vmem>> -> memref<1x1x120xi32, #tpu.memory_space<vmem>>
      %dma_wait3A_370 = tpu.memref_squeeze %dma_wait3A_369 : memref<1x1x120xi32, #tpu.memory_space<vmem>> -> memref<120xi32, #tpu.memory_space<vmem>>
      %dma_wait3A_371 = arith.constant 0 : i32
      %dma_wait3A_372 = arith.constant 0 : i32
      %dma_wait3A_373 = tpu.memref_slice %arg2[%dma_wait3A_371, %dma_wait3A_372] : memref<20000x128xf32, #tpu.memory_space<hbm>> -> memref<20000x128xf32, #tpu.memory_space<hbm>>
      tpu.wait_indirect_dma semaphore(%arg11 : memref<!tpu.dma_semaphore, #tpu.memory_space<semaphore_mem>>) src(%dma_wait3A_373 : memref<20000x128xf32, #tpu.memory_space<hbm>>) dst(%dma_wait3A_367 : memref<120x128xf32, #tpu.memory_space<vmem>>)
      %dma_start3A_374 = arith.constant 1 : i32
      %dma_start3A_375 = arith.constant 0 : i32
      %dma_start3A_376 = arith.constant 1 : i32
      %dma_start3A_377 = arith.constant 0 : i32
      %dma_start3A_378 = arith.constant 0 : i32
      %dma_start3A_379 = tpu.memref_slice %arg8[%dma_start3A_374, %dma_start3A_377, %dma_start3A_378] : memref<3x120x128xf32, #tpu.memory_space<vmem>> -> memref<1x120x128xf32, #tpu.memory_space<vmem>>
      %dma_start3A_380 = tpu.memref_squeeze %dma_start3A_379 : memref<1x120x128xf32, #tpu.memory_space<vmem>> -> memref<120x128xf32, #tpu.memory_space<vmem>>
      %dma_start3A_381 = arith.constant 0 : i32
      %dma_start3A_382 = tpu.memref_slice %arg7[%dma_start3A_375, %dma_start3A_376, %dma_start3A_381] : memref<2x3x120xi32, #tpu.memory_space<vmem>> -> memref<1x1x120xi32, #tpu.memory_space<vmem>>
      %dma_start3A_383 = tpu.memref_squeeze %dma_start3A_382 : memref<1x1x120xi32, #tpu.memory_space<vmem>> -> memref<120xi32, #tpu.memory_space<vmem>>
      %dma_start3A_384 = arith.constant 0 : i32
      %dma_start3A_385 = arith.constant 0 : i32
      %dma_start3A_386 = tpu.memref_slice %arg9[%dma_start3A_384, %dma_start3A_385] : memref<10008x128xf32, #tpu.memory_space<vmem_shared>> -> memref<10008x128xf32, #tpu.memory_space<vmem_shared>>
      tpu.enqueue_indirect_dma source(%dma_start3A_380 : memref<120x128xf32, #tpu.memory_space<vmem>>) target(%dma_start3A_386 : memref<10008x128xf32, #tpu.memory_space<vmem_shared>>) offsets(%dma_start3A_383 : memref<120xi32, #tpu.memory_space<vmem>>) semaphore(%arg13 : memref<!tpu.dma_semaphore, #tpu.memory_space<semaphore_mem>>) {add = true}
      %dma_wait3A_387 = arith.constant 0 : i32
      %dma_wait3A_388 = arith.constant 2 : i32
      %dma_wait3A_389 = arith.constant 2 : i32
      %dma_wait3A_390 = arith.constant 0 : i32
      %dma_wait3A_391 = arith.constant 0 : i32
      %dma_wait3A_392 = tpu.memref_slice %arg8[%dma_wait3A_389, %dma_wait3A_390, %dma_wait3A_391] : memref<3x120x128xf32, #tpu.memory_space<vmem>> -> memref<1x120x128xf32, #tpu.memory_space<vmem>>
      %dma_wait3A_393 = tpu.memref_squeeze %dma_wait3A_392 : memref<1x120x128xf32, #tpu.memory_space<vmem>> -> memref<120x128xf32, #tpu.memory_space<vmem>>
      %dma_wait3A_394 = arith.constant 0 : i32
      %dma_wait3A_395 = tpu.memref_slice %arg6[%dma_wait3A_387, %dma_wait3A_388, %dma_wait3A_394] : memref<2x3x120xi32, #tpu.memory_space<vmem>> -> memref<1x1x120xi32, #tpu.memory_space<vmem>>
      %dma_wait3A_396 = tpu.memref_squeeze %dma_wait3A_395 : memref<1x1x120xi32, #tpu.memory_space<vmem>> -> memref<120xi32, #tpu.memory_space<vmem>>
      %dma_wait3A_397 = arith.constant 0 : i32
      %dma_wait3A_398 = arith.constant 0 : i32
      %dma_wait3A_399 = tpu.memref_slice %arg2[%dma_wait3A_397, %dma_wait3A_398] : memref<20000x128xf32, #tpu.memory_space<hbm>> -> memref<20000x128xf32, #tpu.memory_space<hbm>>
      tpu.wait_indirect_dma semaphore(%arg12 : memref<!tpu.dma_semaphore, #tpu.memory_space<semaphore_mem>>) src(%dma_wait3A_399 : memref<20000x128xf32, #tpu.memory_space<hbm>>) dst(%dma_wait3A_393 : memref<120x128xf32, #tpu.memory_space<vmem>>)
      %dma_start3A_400 = arith.constant 2 : i32
      %dma_start3A_401 = arith.constant 0 : i32
      %dma_start3A_402 = arith.constant 2 : i32
      %dma_start3A_403 = arith.constant 0 : i32
      %dma_start3A_404 = arith.constant 0 : i32
      %dma_start3A_405 = tpu.memref_slice %arg8[%dma_start3A_400, %dma_start3A_403, %dma_start3A_404] : memref<3x120x128xf32, #tpu.memory_space<vmem>> -> memref<1x120x128xf32, #tpu.memory_space<vmem>>
      %dma_start3A_406 = tpu.memref_squeeze %dma_start3A_405 : memref<1x120x128xf32, #tpu.memory_space<vmem>> -> memref<120x128xf32, #tpu.memory_space<vmem>>
      %dma_start3A_407 = arith.constant 0 : i32
      %dma_start3A_408 = tpu.memref_slice %arg7[%dma_start3A_401, %dma_start3A_402, %dma_start3A_407] : memref<2x3x120xi32, #tpu.memory_space<vmem>> -> memref<1x1x120xi32, #tpu.memory_space<vmem>>
      %dma_start3A_409 = tpu.memref_squeeze %dma_start3A_408 : memref<1x1x120xi32, #tpu.memory_space<vmem>> -> memref<120xi32, #tpu.memory_space<vmem>>
      %dma_start3A_410 = arith.constant 0 : i32
      %dma_start3A_411 = arith.constant 0 : i32
      %dma_start3A_412 = tpu.memref_slice %arg9[%dma_start3A_410, %dma_start3A_411] : memref<10008x128xf32, #tpu.memory_space<vmem_shared>> -> memref<10008x128xf32, #tpu.memory_space<vmem_shared>>
      tpu.enqueue_indirect_dma source(%dma_start3A_406 : memref<120x128xf32, #tpu.memory_space<vmem>>) target(%dma_start3A_412 : memref<10008x128xf32, #tpu.memory_space<vmem_shared>>) offsets(%dma_start3A_409 : memref<120xi32, #tpu.memory_space<vmem>>) semaphore(%arg13 : memref<!tpu.dma_semaphore, #tpu.memory_space<semaphore_mem>>) {add = true}
      %dma_wait3A_413 = arith.constant 0 : i32
      %dma_wait3A_414 = arith.constant 0 : i32
      %dma_wait3A_415 = arith.constant 0 : i32
      %dma_wait3A_416 = arith.constant 0 : i32
      %dma_wait3A_417 = arith.constant 0 : i32
      %dma_wait3A_418 = tpu.memref_slice %arg8[%dma_wait3A_413, %dma_wait3A_416, %dma_wait3A_417] : memref<3x120x128xf32, #tpu.memory_space<vmem>> -> memref<1x120x128xf32, #tpu.memory_space<vmem>>
      %dma_wait3A_419 = tpu.memref_squeeze %dma_wait3A_418 : memref<1x120x128xf32, #tpu.memory_space<vmem>> -> memref<120x128xf32, #tpu.memory_space<vmem>>
      %dma_wait3A_420 = arith.constant 0 : i32
      %dma_wait3A_421 = tpu.memref_slice %arg7[%dma_wait3A_414, %dma_wait3A_415, %dma_wait3A_420] : memref<2x3x120xi32, #tpu.memory_space<vmem>> -> memref<1x1x120xi32, #tpu.memory_space<vmem>>
      %dma_wait3A_422 = tpu.memref_squeeze %dma_wait3A_421 : memref<1x1x120xi32, #tpu.memory_space<vmem>> -> memref<120xi32, #tpu.memory_space<vmem>>
      %dma_wait3A_423 = arith.constant 0 : i32
      %dma_wait3A_424 = arith.constant 0 : i32
      %dma_wait3A_425 = tpu.memref_slice %arg9[%dma_wait3A_423, %dma_wait3A_424] : memref<10008x128xf32, #tpu.memory_space<vmem_shared>> -> memref<10008x128xf32, #tpu.memory_space<vmem_shared>>
      tpu.wait_indirect_dma semaphore(%arg13 : memref<!tpu.dma_semaphore, #tpu.memory_space<semaphore_mem>>) src(%dma_wait3A_419 : memref<120x128xf32, #tpu.memory_space<vmem>>) dst(%dma_wait3A_425 : memref<10008x128xf32, #tpu.memory_space<vmem_shared>>)
      %dma_wait3A_426 = arith.constant 1 : i32
      %dma_wait3A_427 = arith.constant 0 : i32
      %dma_wait3A_428 = arith.constant 1 : i32
      %dma_wait3A_429 = arith.constant 0 : i32
      %dma_wait3A_430 = arith.constant 0 : i32
      %dma_wait3A_431 = tpu.memref_slice %arg8[%dma_wait3A_426, %dma_wait3A_429, %dma_wait3A_430] : memref<3x120x128xf32, #tpu.memory_space<vmem>> -> memref<1x120x128xf32, #tpu.memory_space<vmem>>
      %dma_wait3A_432 = tpu.memref_squeeze %dma_wait3A_431 : memref<1x120x128xf32, #tpu.memory_space<vmem>> -> memref<120x128xf32, #tpu.memory_space<vmem>>
      %dma_wait3A_433 = arith.constant 0 : i32
      %dma_wait3A_434 = tpu.memref_slice %arg7[%dma_wait3A_427, %dma_wait3A_428, %dma_wait3A_433] : memref<2x3x120xi32, #tpu.memory_space<vmem>> -> memref<1x1x120xi32, #tpu.memory_space<vmem>>
      %dma_wait3A_435 = tpu.memref_squeeze %dma_wait3A_434 : memref<1x1x120xi32, #tpu.memory_space<vmem>> -> memref<120xi32, #tpu.memory_space<vmem>>
      %dma_wait3A_436 = arith.constant 0 : i32
      %dma_wait3A_437 = arith.constant 0 : i32
      %dma_wait3A_438 = tpu.memref_slice %arg9[%dma_wait3A_436, %dma_wait3A_437] : memref<10008x128xf32, #tpu.memory_space<vmem_shared>> -> memref<10008x128xf32, #tpu.memory_space<vmem_shared>>
      tpu.wait_indirect_dma semaphore(%arg13 : memref<!tpu.dma_semaphore, #tpu.memory_space<semaphore_mem>>) src(%dma_wait3A_432 : memref<120x128xf32, #tpu.memory_space<vmem>>) dst(%dma_wait3A_438 : memref<10008x128xf32, #tpu.memory_space<vmem_shared>>)
      %dma_wait3A_439 = arith.constant 2 : i32
      %dma_wait3A_440 = arith.constant 0 : i32
      %dma_wait3A_441 = arith.constant 2 : i32
      %dma_wait3A_442 = arith.constant 0 : i32
      %dma_wait3A_443 = arith.constant 0 : i32
      %dma_wait3A_444 = tpu.memref_slice %arg8[%dma_wait3A_439, %dma_wait3A_442, %dma_wait3A_443] : memref<3x120x128xf32, #tpu.memory_space<vmem>> -> memref<1x120x128xf32, #tpu.memory_space<vmem>>
      %dma_wait3A_445 = tpu.memref_squeeze %dma_wait3A_444 : memref<1x120x128xf32, #tpu.memory_space<vmem>> -> memref<120x128xf32, #tpu.memory_space<vmem>>
      %dma_wait3A_446 = arith.constant 0 : i32
      %dma_wait3A_447 = tpu.memref_slice %arg7[%dma_wait3A_440, %dma_wait3A_441, %dma_wait3A_446] : memref<2x3x120xi32, #tpu.memory_space<vmem>> -> memref<1x1x120xi32, #tpu.memory_space<vmem>>
      %dma_wait3A_448 = tpu.memref_squeeze %dma_wait3A_447 : memref<1x1x120xi32, #tpu.memory_space<vmem>> -> memref<120xi32, #tpu.memory_space<vmem>>
      %dma_wait3A_449 = arith.constant 0 : i32
      %dma_wait3A_450 = arith.constant 0 : i32
      %dma_wait3A_451 = tpu.memref_slice %arg9[%dma_wait3A_449, %dma_wait3A_450] : memref<10008x128xf32, #tpu.memory_space<vmem_shared>> -> memref<10008x128xf32, #tpu.memory_space<vmem_shared>>
      tpu.wait_indirect_dma semaphore(%arg13 : memref<!tpu.dma_semaphore, #tpu.memory_space<semaphore_mem>>) src(%dma_wait3A_445 : memref<120x128xf32, #tpu.memory_space<vmem>>) dst(%dma_wait3A_451 : memref<10008x128xf32, #tpu.memory_space<vmem_shared>>)
      %dma_wait3A_452 = arith.constant 0 : i32
      %dma_wait3A_453 = arith.constant 1 : i32
      %dma_wait3A_454 = arith.constant 0 : i32
      %dma_wait3A_455 = arith.constant 0 : i32
      %dma_wait3A_456 = tpu.memref_slice %arg6[%dma_wait3A_453, %dma_wait3A_454, %dma_wait3A_455] : memref<2x3x120xi32, #tpu.memory_space<vmem>> -> memref<1x1x120xi32, #tpu.memory_space<vmem>>
      %dma_wait3A_457 = tpu.memref_squeeze %dma_wait3A_456 : memref<1x1x120xi32, #tpu.memory_space<vmem>> -> memref<120xi32, #tpu.memory_space<vmem>>
      %dma_wait3A_458 = arith.constant 0 : i32
      %dma_wait3A_459 = tpu.memref_slice %arg3[%arg0, %arg1, %dma_wait3A_452, %dma_wait3A_458] : memref<2x16x168x120xi32, #tpu.memory_space<hbm>> -> memref<1x1x1x120xi32, #tpu.memory_space<hbm>>
      %dma_wait3A_460 = tpu.memref_squeeze %dma_wait3A_459 : memref<1x1x1x120xi32, #tpu.memory_space<hbm>> -> memref<120xi32, #tpu.memory_space<hbm>>
      %dma_wait3A_461 = arith.constant 0 : i32
      %dma_wait3A_462 = tpu.memref_slice %arg6[%dma_wait3A_453, %dma_wait3A_454, %dma_wait3A_461] : memref<2x3x120xi32, #tpu.memory_space<vmem>> -> memref<1x1x120xi32, #tpu.memory_space<vmem>>
      %dma_wait3A_463 = tpu.memref_squeeze %dma_wait3A_462 : memref<1x1x120xi32, #tpu.memory_space<vmem>> -> memref<120xi32, #tpu.memory_space<vmem>>
      %dma_wait3A_464 = arith.constant 0 : i32
      %dma_wait3A_465 = tpu.memref_slice %arg3[%arg0, %arg1, %dma_wait3A_452, %dma_wait3A_464] : memref<2x16x168x120xi32, #tpu.memory_space<hbm>> -> memref<1x1x1x120xi32, #tpu.memory_space<hbm>>
      %dma_wait3A_466 = tpu.memref_squeeze %dma_wait3A_465 : memref<1x1x1x120xi32, #tpu.memory_space<hbm>> -> memref<120xi32, #tpu.memory_space<hbm>>
      tpu.wait_dma2 semaphore(%arg15 : memref<!tpu.dma_semaphore, #tpu.memory_space<semaphore_mem>>) src(%dma_wait3A_466 : memref<120xi32, #tpu.memory_space<hbm>>) dst(%dma_wait3A_463 : memref<120xi32, #tpu.memory_space<vmem>>)
      %dma_wait3A_467 = arith.constant 0 : i32
      %dma_wait3A_468 = arith.constant 1 : i32
      %dma_wait3A_469 = arith.constant 0 : i32
      %dma_wait3A_470 = arith.constant 0 : i32
      %dma_wait3A_471 = tpu.memref_slice %arg7[%dma_wait3A_468, %dma_wait3A_469, %dma_wait3A_470] : memref<2x3x120xi32, #tpu.memory_space<vmem>> -> memref<1x1x120xi32, #tpu.memory_space<vmem>>
      %dma_wait3A_472 = tpu.memref_squeeze %dma_wait3A_471 : memref<1x1x120xi32, #tpu.memory_space<vmem>> -> memref<120xi32, #tpu.memory_space<vmem>>
      %dma_wait3A_473 = arith.constant 0 : i32
      %dma_wait3A_474 = tpu.memref_slice %arg4[%arg0, %arg1, %dma_wait3A_467, %dma_wait3A_473] : memref<2x16x168x120xi32, #tpu.memory_space<hbm>> -> memref<1x1x1x120xi32, #tpu.memory_space<hbm>>
      %dma_wait3A_475 = tpu.memref_squeeze %dma_wait3A_474 : memref<1x1x1x120xi32, #tpu.memory_space<hbm>> -> memref<120xi32, #tpu.memory_space<hbm>>
      %dma_wait3A_476 = arith.constant 0 : i32
      %dma_wait3A_477 = tpu.memref_slice %arg7[%dma_wait3A_468, %dma_wait3A_469, %dma_wait3A_476] : memref<2x3x120xi32, #tpu.memory_space<vmem>> -> memref<1x1x120xi32, #tpu.memory_space<vmem>>
      %dma_wait3A_478 = tpu.memref_squeeze %dma_wait3A_477 : memref<1x1x120xi32, #tpu.memory_space<vmem>> -> memref<120xi32, #tpu.memory_space<vmem>>
      %dma_wait3A_479 = arith.constant 0 : i32
      %dma_wait3A_480 = tpu.memref_slice %arg4[%arg0, %arg1, %dma_wait3A_467, %dma_wait3A_479] : memref<2x16x168x120xi32, #tpu.memory_space<hbm>> -> memref<1x1x1x120xi32, #tpu.memory_space<hbm>>
      %dma_wait3A_481 = tpu.memref_squeeze %dma_wait3A_480 : memref<1x1x1x120xi32, #tpu.memory_space<hbm>> -> memref<120xi32, #tpu.memory_space<hbm>>
      tpu.wait_dma2 semaphore(%arg15 : memref<!tpu.dma_semaphore, #tpu.memory_space<semaphore_mem>>) src(%dma_wait3A_481 : memref<120xi32, #tpu.memory_space<hbm>>) dst(%dma_wait3A_478 : memref<120xi32, #tpu.memory_space<vmem>>)
      %dma_wait3A_482 = arith.constant 1 : i32
      %dma_wait3A_483 = arith.constant 1 : i32
      %dma_wait3A_484 = arith.constant 1 : i32
      %dma_wait3A_485 = arith.constant 0 : i32
      %dma_wait3A_486 = tpu.memref_slice %arg6[%dma_wait3A_483, %dma_wait3A_484, %dma_wait3A_485] : memref<2x3x120xi32, #tpu.memory_space<vmem>> -> memref<1x1x120xi32, #tpu.memory_space<vmem>>
      %dma_wait3A_487 = tpu.memref_squeeze %dma_wait3A_486 : memref<1x1x120xi32, #tpu.memory_space<vmem>> -> memref<120xi32, #tpu.memory_space<vmem>>
      %dma_wait3A_488 = arith.constant 0 : i32
      %dma_wait3A_489 = tpu.memref_slice %arg3[%arg0, %arg1, %dma_wait3A_482, %dma_wait3A_488] : memref<2x16x168x120xi32, #tpu.memory_space<hbm>> -> memref<1x1x1x120xi32, #tpu.memory_space<hbm>>
      %dma_wait3A_490 = tpu.memref_squeeze %dma_wait3A_489 : memref<1x1x1x120xi32, #tpu.memory_space<hbm>> -> memref<120xi32, #tpu.memory_space<hbm>>
      %dma_wait3A_491 = arith.constant 0 : i32
      %dma_wait3A_492 = tpu.memref_slice %arg6[%dma_wait3A_483, %dma_wait3A_484, %dma_wait3A_491] : memref<2x3x120xi32, #tpu.memory_space<vmem>> -> memref<1x1x120xi32, #tpu.memory_space<vmem>>
      %dma_wait3A_493 = tpu.memref_squeeze %dma_wait3A_492 : memref<1x1x120xi32, #tpu.memory_space<vmem>> -> memref<120xi32, #tpu.memory_space<vmem>>
      %dma_wait3A_494 = arith.constant 0 : i32
      %dma_wait3A_495 = tpu.memref_slice %arg3[%arg0, %arg1, %dma_wait3A_482, %dma_wait3A_494] : memref<2x16x168x120xi32, #tpu.memory_space<hbm>> -> memref<1x1x1x120xi32, #tpu.memory_space<hbm>>
      %dma_wait3A_496 = tpu.memref_squeeze %dma_wait3A_495 : memref<1x1x1x120xi32, #tpu.memory_space<hbm>> -> memref<120xi32, #tpu.memory_space<hbm>>
      tpu.wait_dma2 semaphore(%arg15 : memref<!tpu.dma_semaphore, #tpu.memory_space<semaphore_mem>>) src(%dma_wait3A_496 : memref<120xi32, #tpu.memory_space<hbm>>) dst(%dma_wait3A_493 : memref<120xi32, #tpu.memory_space<vmem>>)
      %dma_wait3A_497 = arith.constant 1 : i32
      %dma_wait3A_498 = arith.constant 1 : i32
      %dma_wait3A_499 = arith.constant 1 : i32
      %dma_wait3A_500 = arith.constant 0 : i32
      %dma_wait3A_501 = tpu.memref_slice %arg7[%dma_wait3A_498, %dma_wait3A_499, %dma_wait3A_500] : memref<2x3x120xi32, #tpu.memory_space<vmem>> -> memref<1x1x120xi32, #tpu.memory_space<vmem>>
      %dma_wait3A_502 = tpu.memref_squeeze %dma_wait3A_501 : memref<1x1x120xi32, #tpu.memory_space<vmem>> -> memref<120xi32, #tpu.memory_space<vmem>>
      %dma_wait3A_503 = arith.constant 0 : i32
      %dma_wait3A_504 = tpu.memref_slice %arg4[%arg0, %arg1, %dma_wait3A_497, %dma_wait3A_503] : memref<2x16x168x120xi32, #tpu.memory_space<hbm>> -> memref<1x1x1x120xi32, #tpu.memory_space<hbm>>
      %dma_wait3A_505 = tpu.memref_squeeze %dma_wait3A_504 : memref<1x1x1x120xi32, #tpu.memory_space<hbm>> -> memref<120xi32, #tpu.memory_space<hbm>>
      %dma_wait3A_506 = arith.constant 0 : i32
      %dma_wait3A_507 = tpu.memref_slice %arg7[%dma_wait3A_498, %dma_wait3A_499, %dma_wait3A_506] : memref<2x3x120xi32, #tpu.memory_space<vmem>> -> memref<1x1x120xi32, #tpu.memory_space<vmem>>
      %dma_wait3A_508 = tpu.memref_squeeze %dma_wait3A_507 : memref<1x1x120xi32, #tpu.memory_space<vmem>> -> memref<120xi32, #tpu.memory_space<vmem>>
      %dma_wait3A_509 = arith.constant 0 : i32
      %dma_wait3A_510 = tpu.memref_slice %arg4[%arg0, %arg1, %dma_wait3A_497, %dma_wait3A_509] : memref<2x16x168x120xi32, #tpu.memory_space<hbm>> -> memref<1x1x1x120xi32, #tpu.memory_space<hbm>>
      %dma_wait3A_511 = tpu.memref_squeeze %dma_wait3A_510 : memref<1x1x1x120xi32, #tpu.memory_space<hbm>> -> memref<120xi32, #tpu.memory_space<hbm>>
      tpu.wait_dma2 semaphore(%arg15 : memref<!tpu.dma_semaphore, #tpu.memory_space<semaphore_mem>>) src(%dma_wait3A_511 : memref<120xi32, #tpu.memory_space<hbm>>) dst(%dma_wait3A_508 : memref<120xi32, #tpu.memory_space<vmem>>)
      %dma_wait3A_512 = arith.constant 2 : i32
      %dma_wait3A_513 = arith.constant 1 : i32
      %dma_wait3A_514 = arith.constant 2 : i32
      %dma_wait3A_515 = arith.constant 0 : i32
      %dma_wait3A_516 = tpu.memref_slice %arg6[%dma_wait3A_513, %dma_wait3A_514, %dma_wait3A_515] : memref<2x3x120xi32, #tpu.memory_space<vmem>> -> memref<1x1x120xi32, #tpu.memory_space<vmem>>
      %dma_wait3A_517 = tpu.memref_squeeze %dma_wait3A_516 : memref<1x1x120xi32, #tpu.memory_space<vmem>> -> memref<120xi32, #tpu.memory_space<vmem>>
      %dma_wait3A_518 = arith.constant 0 : i32
      %dma_wait3A_519 = tpu.memref_slice %arg3[%arg0, %arg1, %dma_wait3A_512, %dma_wait3A_518] : memref<2x16x168x120xi32, #tpu.memory_space<hbm>> -> memref<1x1x1x120xi32, #tpu.memory_space<hbm>>
      %dma_wait3A_520 = tpu.memref_squeeze %dma_wait3A_519 : memref<1x1x1x120xi32, #tpu.memory_space<hbm>> -> memref<120xi32, #tpu.memory_space<hbm>>
      %dma_wait3A_521 = arith.constant 0 : i32
      %dma_wait3A_522 = tpu.memref_slice %arg6[%dma_wait3A_513, %dma_wait3A_514, %dma_wait3A_521] : memref<2x3x120xi32, #tpu.memory_space<vmem>> -> memref<1x1x120xi32, #tpu.memory_space<vmem>>
      %dma_wait3A_523 = tpu.memref_squeeze %dma_wait3A_522 : memref<1x1x120xi32, #tpu.memory_space<vmem>> -> memref<120xi32, #tpu.memory_space<vmem>>
      %dma_wait3A_524 = arith.constant 0 : i32
      %dma_wait3A_525 = tpu.memref_slice %arg3[%arg0, %arg1, %dma_wait3A_512, %dma_wait3A_524] : memref<2x16x168x120xi32, #tpu.memory_space<hbm>> -> memref<1x1x1x120xi32, #tpu.memory_space<hbm>>
      %dma_wait3A_526 = tpu.memref_squeeze %dma_wait3A_525 : memref<1x1x1x120xi32, #tpu.memory_space<hbm>> -> memref<120xi32, #tpu.memory_space<hbm>>
      tpu.wait_dma2 semaphore(%arg15 : memref<!tpu.dma_semaphore, #tpu.memory_space<semaphore_mem>>) src(%dma_wait3A_526 : memref<120xi32, #tpu.memory_space<hbm>>) dst(%dma_wait3A_523 : memref<120xi32, #tpu.memory_space<vmem>>)
      %dma_wait3A_527 = arith.constant 2 : i32
      %dma_wait3A_528 = arith.constant 1 : i32
      %dma_wait3A_529 = arith.constant 2 : i32
      %dma_wait3A_530 = arith.constant 0 : i32
      %dma_wait3A_531 = tpu.memref_slice %arg7[%dma_wait3A_528, %dma_wait3A_529, %dma_wait3A_530] : memref<2x3x120xi32, #tpu.memory_space<vmem>> -> memref<1x1x120xi32, #tpu.memory_space<vmem>>
      %dma_wait3A_532 = tpu.memref_squeeze %dma_wait3A_531 : memref<1x1x120xi32, #tpu.memory_space<vmem>> -> memref<120xi32, #tpu.memory_space<vmem>>
      %dma_wait3A_533 = arith.constant 0 : i32
      %dma_wait3A_534 = tpu.memref_slice %arg4[%arg0, %arg1, %dma_wait3A_527, %dma_wait3A_533] : memref<2x16x168x120xi32, #tpu.memory_space<hbm>> -> memref<1x1x1x120xi32, #tpu.memory_space<hbm>>
      %dma_wait3A_535 = tpu.memref_squeeze %dma_wait3A_534 : memref<1x1x1x120xi32, #tpu.memory_space<hbm>> -> memref<120xi32, #tpu.memory_space<hbm>>
      %dma_wait3A_536 = arith.constant 0 : i32
      %dma_wait3A_537 = tpu.memref_slice %arg7[%dma_wait3A_528, %dma_wait3A_529, %dma_wait3A_536] : memref<2x3x120xi32, #tpu.memory_space<vmem>> -> memref<1x1x120xi32, #tpu.memory_space<vmem>>
      %dma_wait3A_538 = tpu.memref_squeeze %dma_wait3A_537 : memref<1x1x120xi32, #tpu.memory_space<vmem>> -> memref<120xi32, #tpu.memory_space<vmem>>
      %dma_wait3A_539 = arith.constant 0 : i32
      %dma_wait3A_540 = tpu.memref_slice %arg4[%arg0, %arg1, %dma_wait3A_527, %dma_wait3A_539] : memref<2x16x168x120xi32, #tpu.memory_space<hbm>> -> memref<1x1x1x120xi32, #tpu.memory_space<hbm>>
      %dma_wait3A_541 = tpu.memref_squeeze %dma_wait3A_540 : memref<1x1x1x120xi32, #tpu.memory_space<hbm>> -> memref<120xi32, #tpu.memory_space<hbm>>
      tpu.wait_dma2 semaphore(%arg15 : memref<!tpu.dma_semaphore, #tpu.memory_space<semaphore_mem>>) src(%dma_wait3A_541 : memref<120xi32, #tpu.memory_space<hbm>>) dst(%dma_wait3A_538 : memref<120xi32, #tpu.memory_space<vmem>>)
      %add3A = arith.constant 2 : i32
      %add3A_542 = arith.addi %mul3A_295, %add3A : i32
      %lt3A_543 = arith.constant 56 : i32
      %lt3A_544 = arith.cmpi slt, %add3A_542, %lt3A_543 : i32
      %convert_element_type3A_545 = arith.extui %lt3A_544 : i1 to i32
      %cond3A_546 = arith.constant 0 : i32
      %cond3A_547 = arith.cmpi ne, %convert_element_type3A_545, %cond3A_546 : i32
      scf.if %cond3A_547 {
        %add3A_720 = arith.constant 2 : i32
        %add3A_721 = arith.addi %mul3A_295, %add3A_720 : i32
        %mul3A_722 = arith.constant 3 : i32
        %mul3A_723 = arith.muli %add3A_721, %mul3A_722 : i32
        %add3A_724 = arith.constant 0 : i32
        %add3A_725 = arith.addi %mul3A_723, %add3A_724 : i32
        %dma_start3A_726 = arith.constant 0 : i32
        %dma_start3A_727 = arith.constant 0 : i32
        %dma_start3A_728 = arith.constant 0 : i32
        %dma_start3A_729 = tpu.memref_slice %arg6[%dma_start3A_726, %dma_start3A_727, %dma_start3A_728] : memref<2x3x120xi32, #tpu.memory_space<vmem>> -> memref<1x1x120xi32, #tpu.memory_space<vmem>>
        %dma_start3A_730 = tpu.memref_squeeze %dma_start3A_729 : memref<1x1x120xi32, #tpu.memory_space<vmem>> -> memref<120xi32, #tpu.memory_space<vmem>>
        %dma_start3A_731 = arith.constant 0 : i32
        %dma_start3A_732 = tpu.memref_slice %arg3[%arg0, %arg1, %add3A_725, %dma_start3A_731] : memref<2x16x168x120xi32, #tpu.memory_space<hbm>> -> memref<1x1x1x120xi32, #tpu.memory_space<hbm>>
        %dma_start3A_733 = tpu.memref_squeeze %dma_start3A_732 : memref<1x1x1x120xi32, #tpu.memory_space<hbm>> -> memref<120xi32, #tpu.memory_space<hbm>>
        %dma_start3A_734 = arith.constant 0 : i32
        %dma_start3A_735 = tpu.memref_slice %arg6[%dma_start3A_726, %dma_start3A_727, %dma_start3A_734] : memref<2x3x120xi32, #tpu.memory_space<vmem>> -> memref<1x1x120xi32, #tpu.memory_space<vmem>>
        %dma_start3A_736 = tpu.memref_squeeze %dma_start3A_735 : memref<1x1x120xi32, #tpu.memory_space<vmem>> -> memref<120xi32, #tpu.memory_space<vmem>>
        %dma_start3A_737 = arith.constant 0 : i32
        %dma_start3A_738 = tpu.memref_slice %arg3[%arg0, %arg1, %add3A_725, %dma_start3A_737] : memref<2x16x168x120xi32, #tpu.memory_space<hbm>> -> memref<1x1x1x120xi32, #tpu.memory_space<hbm>>
        %dma_start3A_739 = tpu.memref_squeeze %dma_start3A_738 : memref<1x1x1x120xi32, #tpu.memory_space<hbm>> -> memref<120xi32, #tpu.memory_space<hbm>>
        tpu.enqueue_dma source(%dma_start3A_739 : memref<120xi32, #tpu.memory_space<hbm>>) target(%dma_start3A_736 : memref<120xi32, #tpu.memory_space<vmem>>) target_semaphore(%arg14 : memref<!tpu.dma_semaphore, #tpu.memory_space<semaphore_mem>>)
        %mul3A_740 = arith.constant 3 : i32
        %mul3A_741 = arith.muli %add3A_721, %mul3A_740 : i32
        %add3A_742 = arith.constant 0 : i32
        %add3A_743 = arith.addi %mul3A_741, %add3A_742 : i32
        %dma_start3A_744 = arith.constant 0 : i32
        %dma_start3A_745 = arith.constant 0 : i32
        %dma_start3A_746 = arith.constant 0 : i32
        %dma_start3A_747 = tpu.memref_slice %arg7[%dma_start3A_744, %dma_start3A_745, %dma_start3A_746] : memref<2x3x120xi32, #tpu.memory_space<vmem>> -> memref<1x1x120xi32, #tpu.memory_space<vmem>>
        %dma_start3A_748 = tpu.memref_squeeze %dma_start3A_747 : memref<1x1x120xi32, #tpu.memory_space<vmem>> -> memref<120xi32, #tpu.memory_space<vmem>>
        %dma_start3A_749 = arith.constant 0 : i32
        %dma_start3A_750 = tpu.memref_slice %arg4[%arg0, %arg1, %add3A_743, %dma_start3A_749] : memref<2x16x168x120xi32, #tpu.memory_space<hbm>> -> memref<1x1x1x120xi32, #tpu.memory_space<hbm>>
        %dma_start3A_751 = tpu.memref_squeeze %dma_start3A_750 : memref<1x1x1x120xi32, #tpu.memory_space<hbm>> -> memref<120xi32, #tpu.memory_space<hbm>>
        %dma_start3A_752 = arith.constant 0 : i32
        %dma_start3A_753 = tpu.memref_slice %arg7[%dma_start3A_744, %dma_start3A_745, %dma_start3A_752] : memref<2x3x120xi32, #tpu.memory_space<vmem>> -> memref<1x1x120xi32, #tpu.memory_space<vmem>>
        %dma_start3A_754 = tpu.memref_squeeze %dma_start3A_753 : memref<1x1x120xi32, #tpu.memory_space<vmem>> -> memref<120xi32, #tpu.memory_space<vmem>>
        %dma_start3A_755 = arith.constant 0 : i32
        %dma_start3A_756 = tpu.memref_slice %arg4[%arg0, %arg1, %add3A_743, %dma_start3A_755] : memref<2x16x168x120xi32, #tpu.memory_space<hbm>> -> memref<1x1x1x120xi32, #tpu.memory_space<hbm>>
        %dma_start3A_757 = tpu.memref_squeeze %dma_start3A_756 : memref<1x1x1x120xi32, #tpu.memory_space<hbm>> -> memref<120xi32, #tpu.memory_space<hbm>>
        tpu.enqueue_dma source(%dma_start3A_757 : memref<120xi32, #tpu.memory_space<hbm>>) target(%dma_start3A_754 : memref<120xi32, #tpu.memory_space<vmem>>) target_semaphore(%arg14 : memref<!tpu.dma_semaphore, #tpu.memory_space<semaphore_mem>>)
        %mul3A_758 = arith.constant 3 : i32
        %mul3A_759 = arith.muli %add3A_721, %mul3A_758 : i32
        %add3A_760 = arith.constant 1 : i32
        %add3A_761 = arith.addi %mul3A_759, %add3A_760 : i32
        %dma_start3A_762 = arith.constant 0 : i32
        %dma_start3A_763 = arith.constant 1 : i32
        %dma_start3A_764 = arith.constant 0 : i32
        %dma_start3A_765 = tpu.memref_slice %arg6[%dma_start3A_762, %dma_start3A_763, %dma_start3A_764] : memref<2x3x120xi32, #tpu.memory_space<vmem>> -> memref<1x1x120xi32, #tpu.memory_space<vmem>>
        %dma_start3A_766 = tpu.memref_squeeze %dma_start3A_765 : memref<1x1x120xi32, #tpu.memory_space<vmem>> -> memref<120xi32, #tpu.memory_space<vmem>>
        %dma_start3A_767 = arith.constant 0 : i32
        %dma_start3A_768 = tpu.memref_slice %arg3[%arg0, %arg1, %add3A_761, %dma_start3A_767] : memref<2x16x168x120xi32, #tpu.memory_space<hbm>> -> memref<1x1x1x120xi32, #tpu.memory_space<hbm>>
        %dma_start3A_769 = tpu.memref_squeeze %dma_start3A_768 : memref<1x1x1x120xi32, #tpu.memory_space<hbm>> -> memref<120xi32, #tpu.memory_space<hbm>>
        %dma_start3A_770 = arith.constant 0 : i32
        %dma_start3A_771 = tpu.memref_slice %arg6[%dma_start3A_762, %dma_start3A_763, %dma_start3A_770] : memref<2x3x120xi32, #tpu.memory_space<vmem>> -> memref<1x1x120xi32, #tpu.memory_space<vmem>>
        %dma_start3A_772 = tpu.memref_squeeze %dma_start3A_771 : memref<1x1x120xi32, #tpu.memory_space<vmem>> -> memref<120xi32, #tpu.memory_space<vmem>>
        %dma_start3A_773 = arith.constant 0 : i32
        %dma_start3A_774 = tpu.memref_slice %arg3[%arg0, %arg1, %add3A_761, %dma_start3A_773] : memref<2x16x168x120xi32, #tpu.memory_space<hbm>> -> memref<1x1x1x120xi32, #tpu.memory_space<hbm>>
        %dma_start3A_775 = tpu.memref_squeeze %dma_start3A_774 : memref<1x1x1x120xi32, #tpu.memory_space<hbm>> -> memref<120xi32, #tpu.memory_space<hbm>>
        tpu.enqueue_dma source(%dma_start3A_775 : memref<120xi32, #tpu.memory_space<hbm>>) target(%dma_start3A_772 : memref<120xi32, #tpu.memory_space<vmem>>) target_semaphore(%arg14 : memref<!tpu.dma_semaphore, #tpu.memory_space<semaphore_mem>>)
        %mul3A_776 = arith.constant 3 : i32
        %mul3A_777 = arith.muli %add3A_721, %mul3A_776 : i32
        %add3A_778 = arith.constant 1 : i32
        %add3A_779 = arith.addi %mul3A_777, %add3A_778 : i32
        %dma_start3A_780 = arith.constant 0 : i32
        %dma_start3A_781 = arith.constant 1 : i32
        %dma_start3A_782 = arith.constant 0 : i32
        %dma_start3A_783 = tpu.memref_slice %arg7[%dma_start3A_780, %dma_start3A_781, %dma_start3A_782] : memref<2x3x120xi32, #tpu.memory_space<vmem>> -> memref<1x1x120xi32, #tpu.memory_space<vmem>>
        %dma_start3A_784 = tpu.memref_squeeze %dma_start3A_783 : memref<1x1x120xi32, #tpu.memory_space<vmem>> -> memref<120xi32, #tpu.memory_space<vmem>>
        %dma_start3A_785 = arith.constant 0 : i32
        %dma_start3A_786 = tpu.memref_slice %arg4[%arg0, %arg1, %add3A_779, %dma_start3A_785] : memref<2x16x168x120xi32, #tpu.memory_space<hbm>> -> memref<1x1x1x120xi32, #tpu.memory_space<hbm>>
        %dma_start3A_787 = tpu.memref_squeeze %dma_start3A_786 : memref<1x1x1x120xi32, #tpu.memory_space<hbm>> -> memref<120xi32, #tpu.memory_space<hbm>>
        %dma_start3A_788 = arith.constant 0 : i32
        %dma_start3A_789 = tpu.memref_slice %arg7[%dma_start3A_780, %dma_start3A_781, %dma_start3A_788] : memref<2x3x120xi32, #tpu.memory_space<vmem>> -> memref<1x1x120xi32, #tpu.memory_space<vmem>>
        %dma_start3A_790 = tpu.memref_squeeze %dma_start3A_789 : memref<1x1x120xi32, #tpu.memory_space<vmem>> -> memref<120xi32, #tpu.memory_space<vmem>>
        %dma_start3A_791 = arith.constant 0 : i32
        %dma_start3A_792 = tpu.memref_slice %arg4[%arg0, %arg1, %add3A_779, %dma_start3A_791] : memref<2x16x168x120xi32, #tpu.memory_space<hbm>> -> memref<1x1x1x120xi32, #tpu.memory_space<hbm>>
        %dma_start3A_793 = tpu.memref_squeeze %dma_start3A_792 : memref<1x1x1x120xi32, #tpu.memory_space<hbm>> -> memref<120xi32, #tpu.memory_space<hbm>>
        tpu.enqueue_dma source(%dma_start3A_793 : memref<120xi32, #tpu.memory_space<hbm>>) target(%dma_start3A_790 : memref<120xi32, #tpu.memory_space<vmem>>) target_semaphore(%arg14 : memref<!tpu.dma_semaphore, #tpu.memory_space<semaphore_mem>>)
        %mul3A_794 = arith.constant 3 : i32
        %mul3A_795 = arith.muli %add3A_721, %mul3A_794 : i32
        %add3A_796 = arith.constant 2 : i32
        %add3A_797 = arith.addi %mul3A_795, %add3A_796 : i32
        %dma_start3A_798 = arith.constant 0 : i32
        %dma_start3A_799 = arith.constant 2 : i32
        %dma_start3A_800 = arith.constant 0 : i32
        %dma_start3A_801 = tpu.memref_slice %arg6[%dma_start3A_798, %dma_start3A_799, %dma_start3A_800] : memref<2x3x120xi32, #tpu.memory_space<vmem>> -> memref<1x1x120xi32, #tpu.memory_space<vmem>>
        %dma_start3A_802 = tpu.memref_squeeze %dma_start3A_801 : memref<1x1x120xi32, #tpu.memory_space<vmem>> -> memref<120xi32, #tpu.memory_space<vmem>>
        %dma_start3A_803 = arith.constant 0 : i32
        %dma_start3A_804 = tpu.memref_slice %arg3[%arg0, %arg1, %add3A_797, %dma_start3A_803] : memref<2x16x168x120xi32, #tpu.memory_space<hbm>> -> memref<1x1x1x120xi32, #tpu.memory_space<hbm>>
        %dma_start3A_805 = tpu.memref_squeeze %dma_start3A_804 : memref<1x1x1x120xi32, #tpu.memory_space<hbm>> -> memref<120xi32, #tpu.memory_space<hbm>>
        %dma_start3A_806 = arith.constant 0 : i32
        %dma_start3A_807 = tpu.memref_slice %arg6[%dma_start3A_798, %dma_start3A_799, %dma_start3A_806] : memref<2x3x120xi32, #tpu.memory_space<vmem>> -> memref<1x1x120xi32, #tpu.memory_space<vmem>>
        %dma_start3A_808 = tpu.memref_squeeze %dma_start3A_807 : memref<1x1x120xi32, #tpu.memory_space<vmem>> -> memref<120xi32, #tpu.memory_space<vmem>>
        %dma_start3A_809 = arith.constant 0 : i32
        %dma_start3A_810 = tpu.memref_slice %arg3[%arg0, %arg1, %add3A_797, %dma_start3A_809] : memref<2x16x168x120xi32, #tpu.memory_space<hbm>> -> memref<1x1x1x120xi32, #tpu.memory_space<hbm>>
        %dma_start3A_811 = tpu.memref_squeeze %dma_start3A_810 : memref<1x1x1x120xi32, #tpu.memory_space<hbm>> -> memref<120xi32, #tpu.memory_space<hbm>>
        tpu.enqueue_dma source(%dma_start3A_811 : memref<120xi32, #tpu.memory_space<hbm>>) target(%dma_start3A_808 : memref<120xi32, #tpu.memory_space<vmem>>) target_semaphore(%arg14 : memref<!tpu.dma_semaphore, #tpu.memory_space<semaphore_mem>>)
        %mul3A_812 = arith.constant 3 : i32
        %mul3A_813 = arith.muli %add3A_721, %mul3A_812 : i32
        %add3A_814 = arith.constant 2 : i32
        %add3A_815 = arith.addi %mul3A_813, %add3A_814 : i32
        %dma_start3A_816 = arith.constant 0 : i32
        %dma_start3A_817 = arith.constant 2 : i32
        %dma_start3A_818 = arith.constant 0 : i32
        %dma_start3A_819 = tpu.memref_slice %arg7[%dma_start3A_816, %dma_start3A_817, %dma_start3A_818] : memref<2x3x120xi32, #tpu.memory_space<vmem>> -> memref<1x1x120xi32, #tpu.memory_space<vmem>>
        %dma_start3A_820 = tpu.memref_squeeze %dma_start3A_819 : memref<1x1x120xi32, #tpu.memory_space<vmem>> -> memref<120xi32, #tpu.memory_space<vmem>>
        %dma_start3A_821 = arith.constant 0 : i32
        %dma_start3A_822 = tpu.memref_slice %arg4[%arg0, %arg1, %add3A_815, %dma_start3A_821] : memref<2x16x168x120xi32, #tpu.memory_space<hbm>> -> memref<1x1x1x120xi32, #tpu.memory_space<hbm>>
        %dma_start3A_823 = tpu.memref_squeeze %dma_start3A_822 : memref<1x1x1x120xi32, #tpu.memory_space<hbm>> -> memref<120xi32, #tpu.memory_space<hbm>>
        %dma_start3A_824 = arith.constant 0 : i32
        %dma_start3A_825 = tpu.memref_slice %arg7[%dma_start3A_816, %dma_start3A_817, %dma_start3A_824] : memref<2x3x120xi32, #tpu.memory_space<vmem>> -> memref<1x1x120xi32, #tpu.memory_space<vmem>>
        %dma_start3A_826 = tpu.memref_squeeze %dma_start3A_825 : memref<1x1x120xi32, #tpu.memory_space<vmem>> -> memref<120xi32, #tpu.memory_space<vmem>>
        %dma_start3A_827 = arith.constant 0 : i32
        %dma_start3A_828 = tpu.memref_slice %arg4[%arg0, %arg1, %add3A_815, %dma_start3A_827] : memref<2x16x168x120xi32, #tpu.memory_space<hbm>> -> memref<1x1x1x120xi32, #tpu.memory_space<hbm>>
        %dma_start3A_829 = tpu.memref_squeeze %dma_start3A_828 : memref<1x1x1x120xi32, #tpu.memory_space<hbm>> -> memref<120xi32, #tpu.memory_space<hbm>>
        tpu.enqueue_dma source(%dma_start3A_829 : memref<120xi32, #tpu.memory_space<hbm>>) target(%dma_start3A_826 : memref<120xi32, #tpu.memory_space<vmem>>) target_semaphore(%arg14 : memref<!tpu.dma_semaphore, #tpu.memory_space<semaphore_mem>>)
      } else {
      }
      %add3A_548 = arith.constant 1 : i32
      %add3A_549 = arith.addi %mul3A_295, %add3A_548 : i32
      %dma_start3A_550 = arith.constant 1 : i32
      %dma_start3A_551 = arith.constant 0 : i32
      %dma_start3A_552 = arith.constant 0 : i32
      %dma_start3A_553 = arith.constant 0 : i32
      %dma_start3A_554 = arith.constant 0 : i32
      %dma_start3A_555 = tpu.memref_slice %arg8[%dma_start3A_552, %dma_start3A_553, %dma_start3A_554] : memref<3x120x128xf32, #tpu.memory_space<vmem>> -> memref<1x120x128xf32, #tpu.memory_space<vmem>>
      %dma_start3A_556 = tpu.memref_squeeze %dma_start3A_555 : memref<1x120x128xf32, #tpu.memory_space<vmem>> -> memref<120x128xf32, #tpu.memory_space<vmem>>
      %dma_start3A_557 = arith.constant 0 : i32
      %dma_start3A_558 = tpu.memref_slice %arg6[%dma_start3A_550, %dma_start3A_551, %dma_start3A_557] : memref<2x3x120xi32, #tpu.memory_space<vmem>> -> memref<1x1x120xi32, #tpu.memory_space<vmem>>
      %dma_start3A_559 = tpu.memref_squeeze %dma_start3A_558 : memref<1x1x120xi32, #tpu.memory_space<vmem>> -> memref<120xi32, #tpu.memory_space<vmem>>
      %dma_start3A_560 = arith.constant 0 : i32
      %dma_start3A_561 = arith.constant 0 : i32
      %dma_start3A_562 = tpu.memref_slice %arg2[%dma_start3A_560, %dma_start3A_561] : memref<20000x128xf32, #tpu.memory_space<hbm>> -> memref<20000x128xf32, #tpu.memory_space<hbm>>
      tpu.enqueue_indirect_dma source(%dma_start3A_562 : memref<20000x128xf32, #tpu.memory_space<hbm>>) target(%dma_start3A_556 : memref<120x128xf32, #tpu.memory_space<vmem>>) offsets(%dma_start3A_559 : memref<120xi32, #tpu.memory_space<vmem>>) semaphore(%arg10 : memref<!tpu.dma_semaphore, #tpu.memory_space<semaphore_mem>>)
      %dma_start3A_563 = arith.constant 1 : i32
      %dma_start3A_564 = arith.constant 1 : i32
      %dma_start3A_565 = arith.constant 1 : i32
      %dma_start3A_566 = arith.constant 0 : i32
      %dma_start3A_567 = arith.constant 0 : i32
      %dma_start3A_568 = tpu.memref_slice %arg8[%dma_start3A_565, %dma_start3A_566, %dma_start3A_567] : memref<3x120x128xf32, #tpu.memory_space<vmem>> -> memref<1x120x128xf32, #tpu.memory_space<vmem>>
      %dma_start3A_569 = tpu.memref_squeeze %dma_start3A_568 : memref<1x120x128xf32, #tpu.memory_space<vmem>> -> memref<120x128xf32, #tpu.memory_space<vmem>>
      %dma_start3A_570 = arith.constant 0 : i32
      %dma_start3A_571 = tpu.memref_slice %arg6[%dma_start3A_563, %dma_start3A_564, %dma_start3A_570] : memref<2x3x120xi32, #tpu.memory_space<vmem>> -> memref<1x1x120xi32, #tpu.memory_space<vmem>>
      %dma_start3A_572 = tpu.memref_squeeze %dma_start3A_571 : memref<1x1x120xi32, #tpu.memory_space<vmem>> -> memref<120xi32, #tpu.memory_space<vmem>>
      %dma_start3A_573 = arith.constant 0 : i32
      %dma_start3A_574 = arith.constant 0 : i32
      %dma_start3A_575 = tpu.memref_slice %arg2[%dma_start3A_573, %dma_start3A_574] : memref<20000x128xf32, #tpu.memory_space<hbm>> -> memref<20000x128xf32, #tpu.memory_space<hbm>>
      tpu.enqueue_indirect_dma source(%dma_start3A_575 : memref<20000x128xf32, #tpu.memory_space<hbm>>) target(%dma_start3A_569 : memref<120x128xf32, #tpu.memory_space<vmem>>) offsets(%dma_start3A_572 : memref<120xi32, #tpu.memory_space<vmem>>) semaphore(%arg11 : memref<!tpu.dma_semaphore, #tpu.memory_space<semaphore_mem>>)
      %dma_start3A_576 = arith.constant 1 : i32
      %dma_start3A_577 = arith.constant 2 : i32
      %dma_start3A_578 = arith.constant 2 : i32
      %dma_start3A_579 = arith.constant 0 : i32
      %dma_start3A_580 = arith.constant 0 : i32
      %dma_start3A_581 = tpu.memref_slice %arg8[%dma_start3A_578, %dma_start3A_579, %dma_start3A_580] : memref<3x120x128xf32, #tpu.memory_space<vmem>> -> memref<1x120x128xf32, #tpu.memory_space<vmem>>
      %dma_start3A_582 = tpu.memref_squeeze %dma_start3A_581 : memref<1x120x128xf32, #tpu.memory_space<vmem>> -> memref<120x128xf32, #tpu.memory_space<vmem>>
      %dma_start3A_583 = arith.constant 0 : i32
      %dma_start3A_584 = tpu.memref_slice %arg6[%dma_start3A_576, %dma_start3A_577, %dma_start3A_583] : memref<2x3x120xi32, #tpu.memory_space<vmem>> -> memref<1x1x120xi32, #tpu.memory_space<vmem>>
      %dma_start3A_585 = tpu.memref_squeeze %dma_start3A_584 : memref<1x1x120xi32, #tpu.memory_space<vmem>> -> memref<120xi32, #tpu.memory_space<vmem>>
      %dma_start3A_586 = arith.constant 0 : i32
      %dma_start3A_587 = arith.constant 0 : i32
      %dma_start3A_588 = tpu.memref_slice %arg2[%dma_start3A_586, %dma_start3A_587] : memref<20000x128xf32, #tpu.memory_space<hbm>> -> memref<20000x128xf32, #tpu.memory_space<hbm>>
      tpu.enqueue_indirect_dma source(%dma_start3A_588 : memref<20000x128xf32, #tpu.memory_space<hbm>>) target(%dma_start3A_582 : memref<120x128xf32, #tpu.memory_space<vmem>>) offsets(%dma_start3A_585 : memref<120xi32, #tpu.memory_space<vmem>>) semaphore(%arg12 : memref<!tpu.dma_semaphore, #tpu.memory_space<semaphore_mem>>)
      %dma_wait3A_589 = arith.constant 1 : i32
      %dma_wait3A_590 = arith.constant 0 : i32
      %dma_wait3A_591 = arith.constant 0 : i32
      %dma_wait3A_592 = arith.constant 0 : i32
      %dma_wait3A_593 = arith.constant 0 : i32
      %dma_wait3A_594 = tpu.memref_slice %arg8[%dma_wait3A_591, %dma_wait3A_592, %dma_wait3A_593] : memref<3x120x128xf32, #tpu.memory_space<vmem>> -> memref<1x120x128xf32, #tpu.memory_space<vmem>>
      %dma_wait3A_595 = tpu.memref_squeeze %dma_wait3A_594 : memref<1x120x128xf32, #tpu.memory_space<vmem>> -> memref<120x128xf32, #tpu.memory_space<vmem>>
      %dma_wait3A_596 = arith.constant 0 : i32
      %dma_wait3A_597 = tpu.memref_slice %arg6[%dma_wait3A_589, %dma_wait3A_590, %dma_wait3A_596] : memref<2x3x120xi32, #tpu.memory_space<vmem>> -> memref<1x1x120xi32, #tpu.memory_space<vmem>>
      %dma_wait3A_598 = tpu.memref_squeeze %dma_wait3A_597 : memref<1x1x120xi32, #tpu.memory_space<vmem>> -> memref<120xi32, #tpu.memory_space<vmem>>
      %dma_wait3A_599 = arith.constant 0 : i32
      %dma_wait3A_600 = arith.constant 0 : i32
      %dma_wait3A_601 = tpu.memref_slice %arg2[%dma_wait3A_599, %dma_wait3A_600] : memref<20000x128xf32, #tpu.memory_space<hbm>> -> memref<20000x128xf32, #tpu.memory_space<hbm>>
      tpu.wait_indirect_dma semaphore(%arg10 : memref<!tpu.dma_semaphore, #tpu.memory_space<semaphore_mem>>) src(%dma_wait3A_601 : memref<20000x128xf32, #tpu.memory_space<hbm>>) dst(%dma_wait3A_595 : memref<120x128xf32, #tpu.memory_space<vmem>>)
      %dma_start3A_602 = arith.constant 0 : i32
      %dma_start3A_603 = arith.constant 1 : i32
      %dma_start3A_604 = arith.constant 0 : i32
      %dma_start3A_605 = arith.constant 0 : i32
      %dma_start3A_606 = arith.constant 0 : i32
      %dma_start3A_607 = tpu.memref_slice %arg8[%dma_start3A_602, %dma_start3A_605, %dma_start3A_606] : memref<3x120x128xf32, #tpu.memory_space<vmem>> -> memref<1x120x128xf32, #tpu.memory_space<vmem>>
      %dma_start3A_608 = tpu.memref_squeeze %dma_start3A_607 : memref<1x120x128xf32, #tpu.memory_space<vmem>> -> memref<120x128xf32, #tpu.memory_space<vmem>>
      %dma_start3A_609 = arith.constant 0 : i32
      %dma_start3A_610 = tpu.memref_slice %arg7[%dma_start3A_603, %dma_start3A_604, %dma_start3A_609] : memref<2x3x120xi32, #tpu.memory_space<vmem>> -> memref<1x1x120xi32, #tpu.memory_space<vmem>>
      %dma_start3A_611 = tpu.memref_squeeze %dma_start3A_610 : memref<1x1x120xi32, #tpu.memory_space<vmem>> -> memref<120xi32, #tpu.memory_space<vmem>>
      %dma_start3A_612 = arith.constant 0 : i32
      %dma_start3A_613 = arith.constant 0 : i32
      %dma_start3A_614 = tpu.memref_slice %arg9[%dma_start3A_612, %dma_start3A_613] : memref<10008x128xf32, #tpu.memory_space<vmem_shared>> -> memref<10008x128xf32, #tpu.memory_space<vmem_shared>>
      tpu.enqueue_indirect_dma source(%dma_start3A_608 : memref<120x128xf32, #tpu.memory_space<vmem>>) target(%dma_start3A_614 : memref<10008x128xf32, #tpu.memory_space<vmem_shared>>) offsets(%dma_start3A_611 : memref<120xi32, #tpu.memory_space<vmem>>) semaphore(%arg13 : memref<!tpu.dma_semaphore, #tpu.memory_space<semaphore_mem>>) {add = true}
      %dma_wait3A_615 = arith.constant 1 : i32
      %dma_wait3A_616 = arith.constant 1 : i32
      %dma_wait3A_617 = arith.constant 1 : i32
      %dma_wait3A_618 = arith.constant 0 : i32
      %dma_wait3A_619 = arith.constant 0 : i32
      %dma_wait3A_620 = tpu.memref_slice %arg8[%dma_wait3A_617, %dma_wait3A_618, %dma_wait3A_619] : memref<3x120x128xf32, #tpu.memory_space<vmem>> -> memref<1x120x128xf32, #tpu.memory_space<vmem>>
      %dma_wait3A_621 = tpu.memref_squeeze %dma_wait3A_620 : memref<1x120x128xf32, #tpu.memory_space<vmem>> -> memref<120x128xf32, #tpu.memory_space<vmem>>
      %dma_wait3A_622 = arith.constant 0 : i32
      %dma_wait3A_623 = tpu.memref_slice %arg6[%dma_wait3A_615, %dma_wait3A_616, %dma_wait3A_622] : memref<2x3x120xi32, #tpu.memory_space<vmem>> -> memref<1x1x120xi32, #tpu.memory_space<vmem>>
      %dma_wait3A_624 = tpu.memref_squeeze %dma_wait3A_623 : memref<1x1x120xi32, #tpu.memory_space<vmem>> -> memref<120xi32, #tpu.memory_space<vmem>>
      %dma_wait3A_625 = arith.constant 0 : i32
      %dma_wait3A_626 = arith.constant 0 : i32
      %dma_wait3A_627 = tpu.memref_slice %arg2[%dma_wait3A_625, %dma_wait3A_626] : memref<20000x128xf32, #tpu.memory_space<hbm>> -> memref<20000x128xf32, #tpu.memory_space<hbm>>
      tpu.wait_indirect_dma semaphore(%arg11 : memref<!tpu.dma_semaphore, #tpu.memory_space<semaphore_mem>>) src(%dma_wait3A_627 : memref<20000x128xf32, #tpu.memory_space<hbm>>) dst(%dma_wait3A_621 : memref<120x128xf32, #tpu.memory_space<vmem>>)
      %dma_start3A_628 = arith.constant 1 : i32
      %dma_start3A_629 = arith.constant 1 : i32
      %dma_start3A_630 = arith.constant 1 : i32
      %dma_start3A_631 = arith.constant 0 : i32
      %dma_start3A_632 = arith.constant 0 : i32
      %dma_start3A_633 = tpu.memref_slice %arg8[%dma_start3A_628, %dma_start3A_631, %dma_start3A_632] : memref<3x120x128xf32, #tpu.memory_space<vmem>> -> memref<1x120x128xf32, #tpu.memory_space<vmem>>
      %dma_start3A_634 = tpu.memref_squeeze %dma_start3A_633 : memref<1x120x128xf32, #tpu.memory_space<vmem>> -> memref<120x128xf32, #tpu.memory_space<vmem>>
      %dma_start3A_635 = arith.constant 0 : i32
      %dma_start3A_636 = tpu.memref_slice %arg7[%dma_start3A_629, %dma_start3A_630, %dma_start3A_635] : memref<2x3x120xi32, #tpu.memory_space<vmem>> -> memref<1x1x120xi32, #tpu.memory_space<vmem>>
      %dma_start3A_637 = tpu.memref_squeeze %dma_start3A_636 : memref<1x1x120xi32, #tpu.memory_space<vmem>> -> memref<120xi32, #tpu.memory_space<vmem>>
      %dma_start3A_638 = arith.constant 0 : i32
      %dma_start3A_639 = arith.constant 0 : i32
      %dma_start3A_640 = tpu.memref_slice %arg9[%dma_start3A_638, %dma_start3A_639] : memref<10008x128xf32, #tpu.memory_space<vmem_shared>> -> memref<10008x128xf32, #tpu.memory_space<vmem_shared>>
      tpu.enqueue_indirect_dma source(%dma_start3A_634 : memref<120x128xf32, #tpu.memory_space<vmem>>) target(%dma_start3A_640 : memref<10008x128xf32, #tpu.memory_space<vmem_shared>>) offsets(%dma_start3A_637 : memref<120xi32, #tpu.memory_space<vmem>>) semaphore(%arg13 : memref<!tpu.dma_semaphore, #tpu.memory_space<semaphore_mem>>) {add = true}
      %dma_wait3A_641 = arith.constant 1 : i32
      %dma_wait3A_642 = arith.constant 2 : i32
      %dma_wait3A_643 = arith.constant 2 : i32
      %dma_wait3A_644 = arith.constant 0 : i32
      %dma_wait3A_645 = arith.constant 0 : i32
      %dma_wait3A_646 = tpu.memref_slice %arg8[%dma_wait3A_643, %dma_wait3A_644, %dma_wait3A_645] : memref<3x120x128xf32, #tpu.memory_space<vmem>> -> memref<1x120x128xf32, #tpu.memory_space<vmem>>
      %dma_wait3A_647 = tpu.memref_squeeze %dma_wait3A_646 : memref<1x120x128xf32, #tpu.memory_space<vmem>> -> memref<120x128xf32, #tpu.memory_space<vmem>>
      %dma_wait3A_648 = arith.constant 0 : i32
      %dma_wait3A_649 = tpu.memref_slice %arg6[%dma_wait3A_641, %dma_wait3A_642, %dma_wait3A_648] : memref<2x3x120xi32, #tpu.memory_space<vmem>> -> memref<1x1x120xi32, #tpu.memory_space<vmem>>
      %dma_wait3A_650 = tpu.memref_squeeze %dma_wait3A_649 : memref<1x1x120xi32, #tpu.memory_space<vmem>> -> memref<120xi32, #tpu.memory_space<vmem>>
      %dma_wait3A_651 = arith.constant 0 : i32
      %dma_wait3A_652 = arith.constant 0 : i32
      %dma_wait3A_653 = tpu.memref_slice %arg2[%dma_wait3A_651, %dma_wait3A_652] : memref<20000x128xf32, #tpu.memory_space<hbm>> -> memref<20000x128xf32, #tpu.memory_space<hbm>>
      tpu.wait_indirect_dma semaphore(%arg12 : memref<!tpu.dma_semaphore, #tpu.memory_space<semaphore_mem>>) src(%dma_wait3A_653 : memref<20000x128xf32, #tpu.memory_space<hbm>>) dst(%dma_wait3A_647 : memref<120x128xf32, #tpu.memory_space<vmem>>)
      %dma_start3A_654 = arith.constant 2 : i32
      %dma_start3A_655 = arith.constant 1 : i32
      %dma_start3A_656 = arith.constant 2 : i32
      %dma_start3A_657 = arith.constant 0 : i32
      %dma_start3A_658 = arith.constant 0 : i32
      %dma_start3A_659 = tpu.memref_slice %arg8[%dma_start3A_654, %dma_start3A_657, %dma_start3A_658] : memref<3x120x128xf32, #tpu.memory_space<vmem>> -> memref<1x120x128xf32, #tpu.memory_space<vmem>>
      %dma_start3A_660 = tpu.memref_squeeze %dma_start3A_659 : memref<1x120x128xf32, #tpu.memory_space<vmem>> -> memref<120x128xf32, #tpu.memory_space<vmem>>
      %dma_start3A_661 = arith.constant 0 : i32
      %dma_start3A_662 = tpu.memref_slice %arg7[%dma_start3A_655, %dma_start3A_656, %dma_start3A_661] : memref<2x3x120xi32, #tpu.memory_space<vmem>> -> memref<1x1x120xi32, #tpu.memory_space<vmem>>
      %dma_start3A_663 = tpu.memref_squeeze %dma_start3A_662 : memref<1x1x120xi32, #tpu.memory_space<vmem>> -> memref<120xi32, #tpu.memory_space<vmem>>
      %dma_start3A_664 = arith.constant 0 : i32
      %dma_start3A_665 = arith.constant 0 : i32
      %dma_start3A_666 = tpu.memref_slice %arg9[%dma_start3A_664, %dma_start3A_665] : memref<10008x128xf32, #tpu.memory_space<vmem_shared>> -> memref<10008x128xf32, #tpu.memory_space<vmem_shared>>
      tpu.enqueue_indirect_dma source(%dma_start3A_660 : memref<120x128xf32, #tpu.memory_space<vmem>>) target(%dma_start3A_666 : memref<10008x128xf32, #tpu.memory_space<vmem_shared>>) offsets(%dma_start3A_663 : memref<120xi32, #tpu.memory_space<vmem>>) semaphore(%arg13 : memref<!tpu.dma_semaphore, #tpu.memory_space<semaphore_mem>>) {add = true}
      %dma_wait3A_667 = arith.constant 0 : i32
      %dma_wait3A_668 = arith.constant 1 : i32
      %dma_wait3A_669 = arith.constant 0 : i32
      %dma_wait3A_670 = arith.constant 0 : i32
      %dma_wait3A_671 = arith.constant 0 : i32
      %dma_wait3A_672 = tpu.memref_slice %arg8[%dma_wait3A_667, %dma_wait3A_670, %dma_wait3A_671] : memref<3x120x128xf32, #tpu.memory_space<vmem>> -> memref<1x120x128xf32, #tpu.memory_space<vmem>>
      %dma_wait3A_673 = tpu.memref_squeeze %dma_wait3A_672 : memref<1x120x128xf32, #tpu.memory_space<vmem>> -> memref<120x128xf32, #tpu.memory_space<vmem>>
      %dma_wait3A_674 = arith.constant 0 : i32
      %dma_wait3A_675 = tpu.memref_slice %arg7[%dma_wait3A_668, %dma_wait3A_669, %dma_wait3A_674] : memref<2x3x120xi32, #tpu.memory_space<vmem>> -> memref<1x1x120xi32, #tpu.memory_space<vmem>>
      %dma_wait3A_676 = tpu.memref_squeeze %dma_wait3A_675 : memref<1x1x120xi32, #tpu.memory_space<vmem>> -> memref<120xi32, #tpu.memory_space<vmem>>
      %dma_wait3A_677 = arith.constant 0 : i32
      %dma_wait3A_678 = arith.constant 0 : i32
      %dma_wait3A_679 = tpu.memref_slice %arg9[%dma_wait3A_677, %dma_wait3A_678] : memref<10008x128xf32, #tpu.memory_space<vmem_shared>> -> memref<10008x128xf32, #tpu.memory_space<vmem_shared>>
      tpu.wait_indirect_dma semaphore(%arg13 : memref<!tpu.dma_semaphore, #tpu.memory_space<semaphore_mem>>) src(%dma_wait3A_673 : memref<120x128xf32, #tpu.memory_space<vmem>>) dst(%dma_wait3A_679 : memref<10008x128xf32, #tpu.memory_space<vmem_shared>>)
      %dma_wait3A_680 = arith.constant 1 : i32
      %dma_wait3A_681 = arith.constant 1 : i32
      %dma_wait3A_682 = arith.constant 1 : i32
      %dma_wait3A_683 = arith.constant 0 : i32
      %dma_wait3A_684 = arith.constant 0 : i32
      %dma_wait3A_685 = tpu.memref_slice %arg8[%dma_wait3A_680, %dma_wait3A_683, %dma_wait3A_684] : memref<3x120x128xf32, #tpu.memory_space<vmem>> -> memref<1x120x128xf32, #tpu.memory_space<vmem>>
      %dma_wait3A_686 = tpu.memref_squeeze %dma_wait3A_685 : memref<1x120x128xf32, #tpu.memory_space<vmem>> -> memref<120x128xf32, #tpu.memory_space<vmem>>
      %dma_wait3A_687 = arith.constant 0 : i32
      %dma_wait3A_688 = tpu.memref_slice %arg7[%dma_wait3A_681, %dma_wait3A_682, %dma_wait3A_687] : memref<2x3x120xi32, #tpu.memory_space<vmem>> -> memref<1x1x120xi32, #tpu.memory_space<vmem>>
      %dma_wait3A_689 = tpu.memref_squeeze %dma_wait3A_688 : memref<1x1x120xi32, #tpu.memory_space<vmem>> -> memref<120xi32, #tpu.memory_space<vmem>>
      %dma_wait3A_690 = arith.constant 0 : i32
      %dma_wait3A_691 = arith.constant 0 : i32
      %dma_wait3A_692 = tpu.memref_slice %arg9[%dma_wait3A_690, %dma_wait3A_691] : memref<10008x128xf32, #tpu.memory_space<vmem_shared>> -> memref<10008x128xf32, #tpu.memory_space<vmem_shared>>
      tpu.wait_indirect_dma semaphore(%arg13 : memref<!tpu.dma_semaphore, #tpu.memory_space<semaphore_mem>>) src(%dma_wait3A_686 : memref<120x128xf32, #tpu.memory_space<vmem>>) dst(%dma_wait3A_692 : memref<10008x128xf32, #tpu.memory_space<vmem_shared>>)
      %dma_wait3A_693 = arith.constant 2 : i32
      %dma_wait3A_694 = arith.constant 1 : i32
      %dma_wait3A_695 = arith.constant 2 : i32
      %dma_wait3A_696 = arith.constant 0 : i32
      %dma_wait3A_697 = arith.constant 0 : i32
      %dma_wait3A_698 = tpu.memref_slice %arg8[%dma_wait3A_693, %dma_wait3A_696, %dma_wait3A_697] : memref<3x120x128xf32, #tpu.memory_space<vmem>> -> memref<1x120x128xf32, #tpu.memory_space<vmem>>
      %dma_wait3A_699 = tpu.memref_squeeze %dma_wait3A_698 : memref<1x120x128xf32, #tpu.memory_space<vmem>> -> memref<120x128xf32, #tpu.memory_space<vmem>>
      %dma_wait3A_700 = arith.constant 0 : i32
      %dma_wait3A_701 = tpu.memref_slice %arg7[%dma_wait3A_694, %dma_wait3A_695, %dma_wait3A_700] : memref<2x3x120xi32, #tpu.memory_space<vmem>> -> memref<1x1x120xi32, #tpu.memory_space<vmem>>
      %dma_wait3A_702 = tpu.memref_squeeze %dma_wait3A_701 : memref<1x1x120xi32, #tpu.memory_space<vmem>> -> memref<120xi32, #tpu.memory_space<vmem>>
      %dma_wait3A_703 = arith.constant 0 : i32
      %dma_wait3A_704 = arith.constant 0 : i32
      %dma_wait3A_705 = tpu.memref_slice %arg9[%dma_wait3A_703, %dma_wait3A_704] : memref<10008x128xf32, #tpu.memory_space<vmem_shared>> -> memref<10008x128xf32, #tpu.memory_space<vmem_shared>>
      tpu.wait_indirect_dma semaphore(%arg13 : memref<!tpu.dma_semaphore, #tpu.memory_space<semaphore_mem>>) src(%dma_wait3A_699 : memref<120x128xf32, #tpu.memory_space<vmem>>) dst(%dma_wait3A_705 : memref<10008x128xf32, #tpu.memory_space<vmem_shared>>)
      %add3A_706 = arith.constant 3 : i32
      %add3A_707 = arith.addi %mul3A_295, %add3A_706 : i32
      %lt3A_708 = arith.constant 56 : i32
      %lt3A_709 = arith.cmpi slt, %add3A_707, %lt3A_708 : i32
      %convert_element_type3A_710 = arith.extui %lt3A_709 : i1 to i32
      %cond3A_711 = arith.constant 0 : i32
      %cond3A_712 = arith.cmpi ne, %convert_element_type3A_710, %cond3A_711 : i32
      scf.if %cond3A_712 {
        %add3A_720 = arith.constant 3 : i32
        %add3A_721 = arith.addi %mul3A_295, %add3A_720 : i32
        %mul3A_722 = arith.constant 3 : i32
        %mul3A_723 = arith.muli %add3A_721, %mul3A_722 : i32
        %add3A_724 = arith.constant 0 : i32
        %add3A_725 = arith.addi %mul3A_723, %add3A_724 : i32
        %dma_start3A_726 = arith.constant 1 : i32
        %dma_start3A_727 = arith.constant 0 : i32
        %dma_start3A_728 = arith.constant 0 : i32
        %dma_start3A_729 = tpu.memref_slice %arg6[%dma_start3A_726, %dma_start3A_727, %dma_start3A_728] : memref<2x3x120xi32, #tpu.memory_space<vmem>> -> memref<1x1x120xi32, #tpu.memory_space<vmem>>
        %dma_start3A_730 = tpu.memref_squeeze %dma_start3A_729 : memref<1x1x120xi32, #tpu.memory_space<vmem>> -> memref<120xi32, #tpu.memory_space<vmem>>
        %dma_start3A_731 = arith.constant 0 : i32
        %dma_start3A_732 = tpu.memref_slice %arg3[%arg0, %arg1, %add3A_725, %dma_start3A_731] : memref<2x16x168x120xi32, #tpu.memory_space<hbm>> -> memref<1x1x1x120xi32, #tpu.memory_space<hbm>>
        %dma_start3A_733 = tpu.memref_squeeze %dma_start3A_732 : memref<1x1x1x120xi32, #tpu.memory_space<hbm>> -> memref<120xi32, #tpu.memory_space<hbm>>
        %dma_start3A_734 = arith.constant 0 : i32
        %dma_start3A_735 = tpu.memref_slice %arg6[%dma_start3A_726, %dma_start3A_727, %dma_start3A_734] : memref<2x3x120xi32, #tpu.memory_space<vmem>> -> memref<1x1x120xi32, #tpu.memory_space<vmem>>
        %dma_start3A_736 = tpu.memref_squeeze %dma_start3A_735 : memref<1x1x120xi32, #tpu.memory_space<vmem>> -> memref<120xi32, #tpu.memory_space<vmem>>
        %dma_start3A_737 = arith.constant 0 : i32
        %dma_start3A_738 = tpu.memref_slice %arg3[%arg0, %arg1, %add3A_725, %dma_start3A_737] : memref<2x16x168x120xi32, #tpu.memory_space<hbm>> -> memref<1x1x1x120xi32, #tpu.memory_space<hbm>>
        %dma_start3A_739 = tpu.memref_squeeze %dma_start3A_738 : memref<1x1x1x120xi32, #tpu.memory_space<hbm>> -> memref<120xi32, #tpu.memory_space<hbm>>
        tpu.enqueue_dma source(%dma_start3A_739 : memref<120xi32, #tpu.memory_space<hbm>>) target(%dma_start3A_736 : memref<120xi32, #tpu.memory_space<vmem>>) target_semaphore(%arg15 : memref<!tpu.dma_semaphore, #tpu.memory_space<semaphore_mem>>)
        %mul3A_740 = arith.constant 3 : i32
        %mul3A_741 = arith.muli %add3A_721, %mul3A_740 : i32
        %add3A_742 = arith.constant 0 : i32
        %add3A_743 = arith.addi %mul3A_741, %add3A_742 : i32
        %dma_start3A_744 = arith.constant 1 : i32
        %dma_start3A_745 = arith.constant 0 : i32
        %dma_start3A_746 = arith.constant 0 : i32
        %dma_start3A_747 = tpu.memref_slice %arg7[%dma_start3A_744, %dma_start3A_745, %dma_start3A_746] : memref<2x3x120xi32, #tpu.memory_space<vmem>> -> memref<1x1x120xi32, #tpu.memory_space<vmem>>
        %dma_start3A_748 = tpu.memref_squeeze %dma_start3A_747 : memref<1x1x120xi32, #tpu.memory_space<vmem>> -> memref<120xi32, #tpu.memory_space<vmem>>
        %dma_start3A_749 = arith.constant 0 : i32
        %dma_start3A_750 = tpu.memref_slice %arg4[%arg0, %arg1, %add3A_743, %dma_start3A_749] : memref<2x16x168x120xi32, #tpu.memory_space<hbm>> -> memref<1x1x1x120xi32, #tpu.memory_space<hbm>>
        %dma_start3A_751 = tpu.memref_squeeze %dma_start3A_750 : memref<1x1x1x120xi32, #tpu.memory_space<hbm>> -> memref<120xi32, #tpu.memory_space<hbm>>
        %dma_start3A_752 = arith.constant 0 : i32
        %dma_start3A_753 = tpu.memref_slice %arg7[%dma_start3A_744, %dma_start3A_745, %dma_start3A_752] : memref<2x3x120xi32, #tpu.memory_space<vmem>> -> memref<1x1x120xi32, #tpu.memory_space<vmem>>
        %dma_start3A_754 = tpu.memref_squeeze %dma_start3A_753 : memref<1x1x120xi32, #tpu.memory_space<vmem>> -> memref<120xi32, #tpu.memory_space<vmem>>
        %dma_start3A_755 = arith.constant 0 : i32
        %dma_start3A_756 = tpu.memref_slice %arg4[%arg0, %arg1, %add3A_743, %dma_start3A_755] : memref<2x16x168x120xi32, #tpu.memory_space<hbm>> -> memref<1x1x1x120xi32, #tpu.memory_space<hbm>>
        %dma_start3A_757 = tpu.memref_squeeze %dma_start3A_756 : memref<1x1x1x120xi32, #tpu.memory_space<hbm>> -> memref<120xi32, #tpu.memory_space<hbm>>
        tpu.enqueue_dma source(%dma_start3A_757 : memref<120xi32, #tpu.memory_space<hbm>>) target(%dma_start3A_754 : memref<120xi32, #tpu.memory_space<vmem>>) target_semaphore(%arg15 : memref<!tpu.dma_semaphore, #tpu.memory_space<semaphore_mem>>)
        %mul3A_758 = arith.constant 3 : i32
        %mul3A_759 = arith.muli %add3A_721, %mul3A_758 : i32
        %add3A_760 = arith.constant 1 : i32
        %add3A_761 = arith.addi %mul3A_759, %add3A_760 : i32
        %dma_start3A_762 = arith.constant 1 : i32
        %dma_start3A_763 = arith.constant 1 : i32
        %dma_start3A_764 = arith.constant 0 : i32
        %dma_start3A_765 = tpu.memref_slice %arg6[%dma_start3A_762, %dma_start3A_763, %dma_start3A_764] : memref<2x3x120xi32, #tpu.memory_space<vmem>> -> memref<1x1x120xi32, #tpu.memory_space<vmem>>
        %dma_start3A_766 = tpu.memref_squeeze %dma_start3A_765 : memref<1x1x120xi32, #tpu.memory_space<vmem>> -> memref<120xi32, #tpu.memory_space<vmem>>
        %dma_start3A_767 = arith.constant 0 : i32
        %dma_start3A_768 = tpu.memref_slice %arg3[%arg0, %arg1, %add3A_761, %dma_start3A_767] : memref<2x16x168x120xi32, #tpu.memory_space<hbm>> -> memref<1x1x1x120xi32, #tpu.memory_space<hbm>>
        %dma_start3A_769 = tpu.memref_squeeze %dma_start3A_768 : memref<1x1x1x120xi32, #tpu.memory_space<hbm>> -> memref<120xi32, #tpu.memory_space<hbm>>
        %dma_start3A_770 = arith.constant 0 : i32
        %dma_start3A_771 = tpu.memref_slice %arg6[%dma_start3A_762, %dma_start3A_763, %dma_start3A_770] : memref<2x3x120xi32, #tpu.memory_space<vmem>> -> memref<1x1x120xi32, #tpu.memory_space<vmem>>
        %dma_start3A_772 = tpu.memref_squeeze %dma_start3A_771 : memref<1x1x120xi32, #tpu.memory_space<vmem>> -> memref<120xi32, #tpu.memory_space<vmem>>
        %dma_start3A_773 = arith.constant 0 : i32
        %dma_start3A_774 = tpu.memref_slice %arg3[%arg0, %arg1, %add3A_761, %dma_start3A_773] : memref<2x16x168x120xi32, #tpu.memory_space<hbm>> -> memref<1x1x1x120xi32, #tpu.memory_space<hbm>>
        %dma_start3A_775 = tpu.memref_squeeze %dma_start3A_774 : memref<1x1x1x120xi32, #tpu.memory_space<hbm>> -> memref<120xi32, #tpu.memory_space<hbm>>
        tpu.enqueue_dma source(%dma_start3A_775 : memref<120xi32, #tpu.memory_space<hbm>>) target(%dma_start3A_772 : memref<120xi32, #tpu.memory_space<vmem>>) target_semaphore(%arg15 : memref<!tpu.dma_semaphore, #tpu.memory_space<semaphore_mem>>)
        %mul3A_776 = arith.constant 3 : i32
        %mul3A_777 = arith.muli %add3A_721, %mul3A_776 : i32
        %add3A_778 = arith.constant 1 : i32
        %add3A_779 = arith.addi %mul3A_777, %add3A_778 : i32
        %dma_start3A_780 = arith.constant 1 : i32
        %dma_start3A_781 = arith.constant 1 : i32
        %dma_start3A_782 = arith.constant 0 : i32
        %dma_start3A_783 = tpu.memref_slice %arg7[%dma_start3A_780, %dma_start3A_781, %dma_start3A_782] : memref<2x3x120xi32, #tpu.memory_space<vmem>> -> memref<1x1x120xi32, #tpu.memory_space<vmem>>
        %dma_start3A_784 = tpu.memref_squeeze %dma_start3A_783 : memref<1x1x120xi32, #tpu.memory_space<vmem>> -> memref<120xi32, #tpu.memory_space<vmem>>
        %dma_start3A_785 = arith.constant 0 : i32
        %dma_start3A_786 = tpu.memref_slice %arg4[%arg0, %arg1, %add3A_779, %dma_start3A_785] : memref<2x16x168x120xi32, #tpu.memory_space<hbm>> -> memref<1x1x1x120xi32, #tpu.memory_space<hbm>>
        %dma_start3A_787 = tpu.memref_squeeze %dma_start3A_786 : memref<1x1x1x120xi32, #tpu.memory_space<hbm>> -> memref<120xi32, #tpu.memory_space<hbm>>
        %dma_start3A_788 = arith.constant 0 : i32
        %dma_start3A_789 = tpu.memref_slice %arg7[%dma_start3A_780, %dma_start3A_781, %dma_start3A_788] : memref<2x3x120xi32, #tpu.memory_space<vmem>> -> memref<1x1x120xi32, #tpu.memory_space<vmem>>
        %dma_start3A_790 = tpu.memref_squeeze %dma_start3A_789 : memref<1x1x120xi32, #tpu.memory_space<vmem>> -> memref<120xi32, #tpu.memory_space<vmem>>
        %dma_start3A_791 = arith.constant 0 : i32
        %dma_start3A_792 = tpu.memref_slice %arg4[%arg0, %arg1, %add3A_779, %dma_start3A_791] : memref<2x16x168x120xi32, #tpu.memory_space<hbm>> -> memref<1x1x1x120xi32, #tpu.memory_space<hbm>>
        %dma_start3A_793 = tpu.memref_squeeze %dma_start3A_792 : memref<1x1x1x120xi32, #tpu.memory_space<hbm>> -> memref<120xi32, #tpu.memory_space<hbm>>
        tpu.enqueue_dma source(%dma_start3A_793 : memref<120xi32, #tpu.memory_space<hbm>>) target(%dma_start3A_790 : memref<120xi32, #tpu.memory_space<vmem>>) target_semaphore(%arg15 : memref<!tpu.dma_semaphore, #tpu.memory_space<semaphore_mem>>)
        %mul3A_794 = arith.constant 3 : i32
        %mul3A_795 = arith.muli %add3A_721, %mul3A_794 : i32
        %add3A_796 = arith.constant 2 : i32
        %add3A_797 = arith.addi %mul3A_795, %add3A_796 : i32
        %dma_start3A_798 = arith.constant 1 : i32
        %dma_start3A_799 = arith.constant 2 : i32
        %dma_start3A_800 = arith.constant 0 : i32
        %dma_start3A_801 = tpu.memref_slice %arg6[%dma_start3A_798, %dma_start3A_799, %dma_start3A_800] : memref<2x3x120xi32, #tpu.memory_space<vmem>> -> memref<1x1x120xi32, #tpu.memory_space<vmem>>
        %dma_start3A_802 = tpu.memref_squeeze %dma_start3A_801 : memref<1x1x120xi32, #tpu.memory_space<vmem>> -> memref<120xi32, #tpu.memory_space<vmem>>
        %dma_start3A_803 = arith.constant 0 : i32
        %dma_start3A_804 = tpu.memref_slice %arg3[%arg0, %arg1, %add3A_797, %dma_start3A_803] : memref<2x16x168x120xi32, #tpu.memory_space<hbm>> -> memref<1x1x1x120xi32, #tpu.memory_space<hbm>>
        %dma_start3A_805 = tpu.memref_squeeze %dma_start3A_804 : memref<1x1x1x120xi32, #tpu.memory_space<hbm>> -> memref<120xi32, #tpu.memory_space<hbm>>
        %dma_start3A_806 = arith.constant 0 : i32
        %dma_start3A_807 = tpu.memref_slice %arg6[%dma_start3A_798, %dma_start3A_799, %dma_start3A_806] : memref<2x3x120xi32, #tpu.memory_space<vmem>> -> memref<1x1x120xi32, #tpu.memory_space<vmem>>
        %dma_start3A_808 = tpu.memref_squeeze %dma_start3A_807 : memref<1x1x120xi32, #tpu.memory_space<vmem>> -> memref<120xi32, #tpu.memory_space<vmem>>
        %dma_start3A_809 = arith.constant 0 : i32
        %dma_start3A_810 = tpu.memref_slice %arg3[%arg0, %arg1, %add3A_797, %dma_start3A_809] : memref<2x16x168x120xi32, #tpu.memory_space<hbm>> -> memref<1x1x1x120xi32, #tpu.memory_space<hbm>>
        %dma_start3A_811 = tpu.memref_squeeze %dma_start3A_810 : memref<1x1x1x120xi32, #tpu.memory_space<hbm>> -> memref<120xi32, #tpu.memory_space<hbm>>
        tpu.enqueue_dma source(%dma_start3A_811 : memref<120xi32, #tpu.memory_space<hbm>>) target(%dma_start3A_808 : memref<120xi32, #tpu.memory_space<vmem>>) target_semaphore(%arg15 : memref<!tpu.dma_semaphore, #tpu.memory_space<semaphore_mem>>)
        %mul3A_812 = arith.constant 3 : i32
        %mul3A_813 = arith.muli %add3A_721, %mul3A_812 : i32
        %add3A_814 = arith.constant 2 : i32
        %add3A_815 = arith.addi %mul3A_813, %add3A_814 : i32
        %dma_start3A_816 = arith.constant 1 : i32
        %dma_start3A_817 = arith.constant 2 : i32
        %dma_start3A_818 = arith.constant 0 : i32
        %dma_start3A_819 = tpu.memref_slice %arg7[%dma_start3A_816, %dma_start3A_817, %dma_start3A_818] : memref<2x3x120xi32, #tpu.memory_space<vmem>> -> memref<1x1x120xi32, #tpu.memory_space<vmem>>
        %dma_start3A_820 = tpu.memref_squeeze %dma_start3A_819 : memref<1x1x120xi32, #tpu.memory_space<vmem>> -> memref<120xi32, #tpu.memory_space<vmem>>
        %dma_start3A_821 = arith.constant 0 : i32
        %dma_start3A_822 = tpu.memref_slice %arg4[%arg0, %arg1, %add3A_815, %dma_start3A_821] : memref<2x16x168x120xi32, #tpu.memory_space<hbm>> -> memref<1x1x1x120xi32, #tpu.memory_space<hbm>>
        %dma_start3A_823 = tpu.memref_squeeze %dma_start3A_822 : memref<1x1x1x120xi32, #tpu.memory_space<hbm>> -> memref<120xi32, #tpu.memory_space<hbm>>
        %dma_start3A_824 = arith.constant 0 : i32
        %dma_start3A_825 = tpu.memref_slice %arg7[%dma_start3A_816, %dma_start3A_817, %dma_start3A_824] : memref<2x3x120xi32, #tpu.memory_space<vmem>> -> memref<1x1x120xi32, #tpu.memory_space<vmem>>
        %dma_start3A_826 = tpu.memref_squeeze %dma_start3A_825 : memref<1x1x120xi32, #tpu.memory_space<vmem>> -> memref<120xi32, #tpu.memory_space<vmem>>
        %dma_start3A_827 = arith.constant 0 : i32
        %dma_start3A_828 = tpu.memref_slice %arg4[%arg0, %arg1, %add3A_815, %dma_start3A_827] : memref<2x16x168x120xi32, #tpu.memory_space<hbm>> -> memref<1x1x1x120xi32, #tpu.memory_space<hbm>>
        %dma_start3A_829 = tpu.memref_squeeze %dma_start3A_828 : memref<1x1x1x120xi32, #tpu.memory_space<hbm>> -> memref<120xi32, #tpu.memory_space<hbm>>
        tpu.enqueue_dma source(%dma_start3A_829 : memref<120xi32, #tpu.memory_space<hbm>>) target(%dma_start3A_826 : memref<120xi32, #tpu.memory_space<vmem>>) target_semaphore(%arg15 : memref<!tpu.dma_semaphore, #tpu.memory_space<semaphore_mem>>)
      } else {
      }
      %add3A_713 = arith.constant 2 : i32
      %add3A_714 = arith.addi %mul3A_295, %add3A_713 : i32
      %lt3A_715 = arith.constant 56 : i32
      %lt3A_716 = arith.cmpi slt, %add3A_714, %lt3A_715 : i32
      %convert_element_type3A_717 = arith.extui %lt3A_716 : i1 to i32
      %cond3A_718 = arith.constant 0 : i32
      %cond3A_719 = arith.cmpi ne, %convert_element_type3A_717, %cond3A_718 : i32
      scf.if %cond3A_719 {
        %dma_wait3A_720 = arith.constant 0 : i32
        %dma_wait3A_721 = arith.constant 0 : i32
        %dma_wait3A_722 = arith.constant 0 : i32
        %dma_wait3A_723 = arith.constant 0 : i32
        %dma_wait3A_724 = tpu.memref_slice %arg6[%dma_wait3A_721, %dma_wait3A_722, %dma_wait3A_723] : memref<2x3x120xi32, #tpu.memory_space<vmem>> -> memref<1x1x120xi32, #tpu.memory_space<vmem>>
        %dma_wait3A_725 = tpu.memref_squeeze %dma_wait3A_724 : memref<1x1x120xi32, #tpu.memory_space<vmem>> -> memref<120xi32, #tpu.memory_space<vmem>>
        %dma_wait3A_726 = arith.constant 0 : i32
        %dma_wait3A_727 = tpu.memref_slice %arg3[%arg0, %arg1, %dma_wait3A_720, %dma_wait3A_726] : memref<2x16x168x120xi32, #tpu.memory_space<hbm>> -> memref<1x1x1x120xi32, #tpu.memory_space<hbm>>
        %dma_wait3A_728 = tpu.memref_squeeze %dma_wait3A_727 : memref<1x1x1x120xi32, #tpu.memory_space<hbm>> -> memref<120xi32, #tpu.memory_space<hbm>>
        %dma_wait3A_729 = arith.constant 0 : i32
        %dma_wait3A_730 = tpu.memref_slice %arg6[%dma_wait3A_721, %dma_wait3A_722, %dma_wait3A_729] : memref<2x3x120xi32, #tpu.memory_space<vmem>> -> memref<1x1x120xi32, #tpu.memory_space<vmem>>
        %dma_wait3A_731 = tpu.memref_squeeze %dma_wait3A_730 : memref<1x1x120xi32, #tpu.memory_space<vmem>> -> memref<120xi32, #tpu.memory_space<vmem>>
        %dma_wait3A_732 = arith.constant 0 : i32
        %dma_wait3A_733 = tpu.memref_slice %arg3[%arg0, %arg1, %dma_wait3A_720, %dma_wait3A_732] : memref<2x16x168x120xi32, #tpu.memory_space<hbm>> -> memref<1x1x1x120xi32, #tpu.memory_space<hbm>>
        %dma_wait3A_734 = tpu.memref_squeeze %dma_wait3A_733 : memref<1x1x1x120xi32, #tpu.memory_space<hbm>> -> memref<120xi32, #tpu.memory_space<hbm>>
        tpu.wait_dma2 semaphore(%arg14 : memref<!tpu.dma_semaphore, #tpu.memory_space<semaphore_mem>>) src(%dma_wait3A_734 : memref<120xi32, #tpu.memory_space<hbm>>) dst(%dma_wait3A_731 : memref<120xi32, #tpu.memory_space<vmem>>)
        %dma_wait3A_735 = arith.constant 0 : i32
        %dma_wait3A_736 = arith.constant 0 : i32
        %dma_wait3A_737 = arith.constant 0 : i32
        %dma_wait3A_738 = arith.constant 0 : i32
        %dma_wait3A_739 = tpu.memref_slice %arg7[%dma_wait3A_736, %dma_wait3A_737, %dma_wait3A_738] : memref<2x3x120xi32, #tpu.memory_space<vmem>> -> memref<1x1x120xi32, #tpu.memory_space<vmem>>
        %dma_wait3A_740 = tpu.memref_squeeze %dma_wait3A_739 : memref<1x1x120xi32, #tpu.memory_space<vmem>> -> memref<120xi32, #tpu.memory_space<vmem>>
        %dma_wait3A_741 = arith.constant 0 : i32
        %dma_wait3A_742 = tpu.memref_slice %arg4[%arg0, %arg1, %dma_wait3A_735, %dma_wait3A_741] : memref<2x16x168x120xi32, #tpu.memory_space<hbm>> -> memref<1x1x1x120xi32, #tpu.memory_space<hbm>>
        %dma_wait3A_743 = tpu.memref_squeeze %dma_wait3A_742 : memref<1x1x1x120xi32, #tpu.memory_space<hbm>> -> memref<120xi32, #tpu.memory_space<hbm>>
        %dma_wait3A_744 = arith.constant 0 : i32
        %dma_wait3A_745 = tpu.memref_slice %arg7[%dma_wait3A_736, %dma_wait3A_737, %dma_wait3A_744] : memref<2x3x120xi32, #tpu.memory_space<vmem>> -> memref<1x1x120xi32, #tpu.memory_space<vmem>>
        %dma_wait3A_746 = tpu.memref_squeeze %dma_wait3A_745 : memref<1x1x120xi32, #tpu.memory_space<vmem>> -> memref<120xi32, #tpu.memory_space<vmem>>
        %dma_wait3A_747 = arith.constant 0 : i32
        %dma_wait3A_748 = tpu.memref_slice %arg4[%arg0, %arg1, %dma_wait3A_735, %dma_wait3A_747] : memref<2x16x168x120xi32, #tpu.memory_space<hbm>> -> memref<1x1x1x120xi32, #tpu.memory_space<hbm>>
        %dma_wait3A_749 = tpu.memref_squeeze %dma_wait3A_748 : memref<1x1x1x120xi32, #tpu.memory_space<hbm>> -> memref<120xi32, #tpu.memory_space<hbm>>
        tpu.wait_dma2 semaphore(%arg14 : memref<!tpu.dma_semaphore, #tpu.memory_space<semaphore_mem>>) src(%dma_wait3A_749 : memref<120xi32, #tpu.memory_space<hbm>>) dst(%dma_wait3A_746 : memref<120xi32, #tpu.memory_space<vmem>>)
        %dma_wait3A_750 = arith.constant 1 : i32
        %dma_wait3A_751 = arith.constant 0 : i32
        %dma_wait3A_752 = arith.constant 1 : i32
        %dma_wait3A_753 = arith.constant 0 : i32
        %dma_wait3A_754 = tpu.memref_slice %arg6[%dma_wait3A_751, %dma_wait3A_752, %dma_wait3A_753] : memref<2x3x120xi32, #tpu.memory_space<vmem>> -> memref<1x1x120xi32, #tpu.memory_space<vmem>>
        %dma_wait3A_755 = tpu.memref_squeeze %dma_wait3A_754 : memref<1x1x120xi32, #tpu.memory_space<vmem>> -> memref<120xi32, #tpu.memory_space<vmem>>
        %dma_wait3A_756 = arith.constant 0 : i32
        %dma_wait3A_757 = tpu.memref_slice %arg3[%arg0, %arg1, %dma_wait3A_750, %dma_wait3A_756] : memref<2x16x168x120xi32, #tpu.memory_space<hbm>> -> memref<1x1x1x120xi32, #tpu.memory_space<hbm>>
        %dma_wait3A_758 = tpu.memref_squeeze %dma_wait3A_757 : memref<1x1x1x120xi32, #tpu.memory_space<hbm>> -> memref<120xi32, #tpu.memory_space<hbm>>
        %dma_wait3A_759 = arith.constant 0 : i32
        %dma_wait3A_760 = tpu.memref_slice %arg6[%dma_wait3A_751, %dma_wait3A_752, %dma_wait3A_759] : memref<2x3x120xi32, #tpu.memory_space<vmem>> -> memref<1x1x120xi32, #tpu.memory_space<vmem>>
        %dma_wait3A_761 = tpu.memref_squeeze %dma_wait3A_760 : memref<1x1x120xi32, #tpu.memory_space<vmem>> -> memref<120xi32, #tpu.memory_space<vmem>>
        %dma_wait3A_762 = arith.constant 0 : i32
        %dma_wait3A_763 = tpu.memref_slice %arg3[%arg0, %arg1, %dma_wait3A_750, %dma_wait3A_762] : memref<2x16x168x120xi32, #tpu.memory_space<hbm>> -> memref<1x1x1x120xi32, #tpu.memory_space<hbm>>
        %dma_wait3A_764 = tpu.memref_squeeze %dma_wait3A_763 : memref<1x1x1x120xi32, #tpu.memory_space<hbm>> -> memref<120xi32, #tpu.memory_space<hbm>>
        tpu.wait_dma2 semaphore(%arg14 : memref<!tpu.dma_semaphore, #tpu.memory_space<semaphore_mem>>) src(%dma_wait3A_764 : memref<120xi32, #tpu.memory_space<hbm>>) dst(%dma_wait3A_761 : memref<120xi32, #tpu.memory_space<vmem>>)
        %dma_wait3A_765 = arith.constant 1 : i32
        %dma_wait3A_766 = arith.constant 0 : i32
        %dma_wait3A_767 = arith.constant 1 : i32
        %dma_wait3A_768 = arith.constant 0 : i32
        %dma_wait3A_769 = tpu.memref_slice %arg7[%dma_wait3A_766, %dma_wait3A_767, %dma_wait3A_768] : memref<2x3x120xi32, #tpu.memory_space<vmem>> -> memref<1x1x120xi32, #tpu.memory_space<vmem>>
        %dma_wait3A_770 = tpu.memref_squeeze %dma_wait3A_769 : memref<1x1x120xi32, #tpu.memory_space<vmem>> -> memref<120xi32, #tpu.memory_space<vmem>>
        %dma_wait3A_771 = arith.constant 0 : i32
        %dma_wait3A_772 = tpu.memref_slice %arg4[%arg0, %arg1, %dma_wait3A_765, %dma_wait3A_771] : memref<2x16x168x120xi32, #tpu.memory_space<hbm>> -> memref<1x1x1x120xi32, #tpu.memory_space<hbm>>
        %dma_wait3A_773 = tpu.memref_squeeze %dma_wait3A_772 : memref<1x1x1x120xi32, #tpu.memory_space<hbm>> -> memref<120xi32, #tpu.memory_space<hbm>>
        %dma_wait3A_774 = arith.constant 0 : i32
        %dma_wait3A_775 = tpu.memref_slice %arg7[%dma_wait3A_766, %dma_wait3A_767, %dma_wait3A_774] : memref<2x3x120xi32, #tpu.memory_space<vmem>> -> memref<1x1x120xi32, #tpu.memory_space<vmem>>
        %dma_wait3A_776 = tpu.memref_squeeze %dma_wait3A_775 : memref<1x1x120xi32, #tpu.memory_space<vmem>> -> memref<120xi32, #tpu.memory_space<vmem>>
        %dma_wait3A_777 = arith.constant 0 : i32
        %dma_wait3A_778 = tpu.memref_slice %arg4[%arg0, %arg1, %dma_wait3A_765, %dma_wait3A_777] : memref<2x16x168x120xi32, #tpu.memory_space<hbm>> -> memref<1x1x1x120xi32, #tpu.memory_space<hbm>>
        %dma_wait3A_779 = tpu.memref_squeeze %dma_wait3A_778 : memref<1x1x1x120xi32, #tpu.memory_space<hbm>> -> memref<120xi32, #tpu.memory_space<hbm>>
        tpu.wait_dma2 semaphore(%arg14 : memref<!tpu.dma_semaphore, #tpu.memory_space<semaphore_mem>>) src(%dma_wait3A_779 : memref<120xi32, #tpu.memory_space<hbm>>) dst(%dma_wait3A_776 : memref<120xi32, #tpu.memory_space<vmem>>)
        %dma_wait3A_780 = arith.constant 2 : i32
        %dma_wait3A_781 = arith.constant 0 : i32
        %dma_wait3A_782 = arith.constant 2 : i32
        %dma_wait3A_783 = arith.constant 0 : i32
        %dma_wait3A_784 = tpu.memref_slice %arg6[%dma_wait3A_781, %dma_wait3A_782, %dma_wait3A_783] : memref<2x3x120xi32, #tpu.memory_space<vmem>> -> memref<1x1x120xi32, #tpu.memory_space<vmem>>
        %dma_wait3A_785 = tpu.memref_squeeze %dma_wait3A_784 : memref<1x1x120xi32, #tpu.memory_space<vmem>> -> memref<120xi32, #tpu.memory_space<vmem>>
        %dma_wait3A_786 = arith.constant 0 : i32
        %dma_wait3A_787 = tpu.memref_slice %arg3[%arg0, %arg1, %dma_wait3A_780, %dma_wait3A_786] : memref<2x16x168x120xi32, #tpu.memory_space<hbm>> -> memref<1x1x1x120xi32, #tpu.memory_space<hbm>>
        %dma_wait3A_788 = tpu.memref_squeeze %dma_wait3A_787 : memref<1x1x1x120xi32, #tpu.memory_space<hbm>> -> memref<120xi32, #tpu.memory_space<hbm>>
        %dma_wait3A_789 = arith.constant 0 : i32
        %dma_wait3A_790 = tpu.memref_slice %arg6[%dma_wait3A_781, %dma_wait3A_782, %dma_wait3A_789] : memref<2x3x120xi32, #tpu.memory_space<vmem>> -> memref<1x1x120xi32, #tpu.memory_space<vmem>>
        %dma_wait3A_791 = tpu.memref_squeeze %dma_wait3A_790 : memref<1x1x120xi32, #tpu.memory_space<vmem>> -> memref<120xi32, #tpu.memory_space<vmem>>
        %dma_wait3A_792 = arith.constant 0 : i32
        %dma_wait3A_793 = tpu.memref_slice %arg3[%arg0, %arg1, %dma_wait3A_780, %dma_wait3A_792] : memref<2x16x168x120xi32, #tpu.memory_space<hbm>> -> memref<1x1x1x120xi32, #tpu.memory_space<hbm>>
        %dma_wait3A_794 = tpu.memref_squeeze %dma_wait3A_793 : memref<1x1x1x120xi32, #tpu.memory_space<hbm>> -> memref<120xi32, #tpu.memory_space<hbm>>
        tpu.wait_dma2 semaphore(%arg14 : memref<!tpu.dma_semaphore, #tpu.memory_space<semaphore_mem>>) src(%dma_wait3A_794 : memref<120xi32, #tpu.memory_space<hbm>>) dst(%dma_wait3A_791 : memref<120xi32, #tpu.memory_space<vmem>>)
        %dma_wait3A_795 = arith.constant 2 : i32
        %dma_wait3A_796 = arith.constant 0 : i32
        %dma_wait3A_797 = arith.constant 2 : i32
        %dma_wait3A_798 = arith.constant 0 : i32
        %dma_wait3A_799 = tpu.memref_slice %arg7[%dma_wait3A_796, %dma_wait3A_797, %dma_wait3A_798] : memref<2x3x120xi32, #tpu.memory_space<vmem>> -> memref<1x1x120xi32, #tpu.memory_space<vmem>>
        %dma_wait3A_800 = tpu.memref_squeeze %dma_wait3A_799 : memref<1x1x120xi32, #tpu.memory_space<vmem>> -> memref<120xi32, #tpu.memory_space<vmem>>
        %dma_wait3A_801 = arith.constant 0 : i32
        %dma_wait3A_802 = tpu.memref_slice %arg4[%arg0, %arg1, %dma_wait3A_795, %dma_wait3A_801] : memref<2x16x168x120xi32, #tpu.memory_space<hbm>> -> memref<1x1x1x120xi32, #tpu.memory_space<hbm>>
        %dma_wait3A_803 = tpu.memref_squeeze %dma_wait3A_802 : memref<1x1x1x120xi32, #tpu.memory_space<hbm>> -> memref<120xi32, #tpu.memory_space<hbm>>
        %dma_wait3A_804 = arith.constant 0 : i32
        %dma_wait3A_805 = tpu.memref_slice %arg7[%dma_wait3A_796, %dma_wait3A_797, %dma_wait3A_804] : memref<2x3x120xi32, #tpu.memory_space<vmem>> -> memref<1x1x120xi32, #tpu.memory_space<vmem>>
        %dma_wait3A_806 = tpu.memref_squeeze %dma_wait3A_805 : memref<1x1x120xi32, #tpu.memory_space<vmem>> -> memref<120xi32, #tpu.memory_space<vmem>>
        %dma_wait3A_807 = arith.constant 0 : i32
        %dma_wait3A_808 = tpu.memref_slice %arg4[%arg0, %arg1, %dma_wait3A_795, %dma_wait3A_807] : memref<2x16x168x120xi32, #tpu.memory_space<hbm>> -> memref<1x1x1x120xi32, #tpu.memory_space<hbm>>
        %dma_wait3A_809 = tpu.memref_squeeze %dma_wait3A_808 : memref<1x1x1x120xi32, #tpu.memory_space<hbm>> -> memref<120xi32, #tpu.memory_space<hbm>>
        tpu.wait_dma2 semaphore(%arg14 : memref<!tpu.dma_semaphore, #tpu.memory_space<semaphore_mem>>) src(%dma_wait3A_809 : memref<120xi32, #tpu.memory_space<hbm>>) dst(%dma_wait3A_806 : memref<120xi32, #tpu.memory_space<vmem>>)
      } else {
      }
    }
    %scan3A_281 = arith.constant 28 : i32
    %barrier3A_282 = arith.constant 0 : index
    tpu.barrier barrier_id(%barrier3A_282)
    %lt3A_283 = arith.constant 15 : i32
    %lt3A_284 = arith.cmpi slt, %arg1, %lt3A_283 : i32
    %convert_element_type3A_285 = arith.extui %lt3A_284 : i1 to i32
    %cond3A_286 = arith.constant 0 : i32
    %cond3A_287 = arith.cmpi ne, %convert_element_type3A_285, %cond3A_286 : i32
    scf.if %cond3A_287 {
      "tpu.region"() ({
        %run_scoped3A = tpu.sem_alloc : memref<!tpu.dma_semaphore, #tpu.memory_space<semaphore_mem>>
        %dma_start3A_293 = arith.constant 0 : i32
        %dma_start3A_294 = tpu.memref_slice %arg5[%arg0, %multiple_of3A, %dma_start3A_293] : memref<2x10000x128xf32, #tpu.memory_space<hbm>> -> memref<1x624x128xf32, #tpu.memory_space<hbm>>
        %dma_start3A_295 = tpu.memref_squeeze %dma_start3A_294 : memref<1x624x128xf32, #tpu.memory_space<hbm>> -> memref<624x128xf32, #tpu.memory_space<hbm>>
        %dma_start3A_296 = arith.constant 0 : i32
        %dma_start3A_297 = tpu.memref_slice %arg9[%multiple_of3A, %dma_start3A_296] : memref<10008x128xf32, #tpu.memory_space<vmem_shared>> -> memref<624x128xf32, #tpu.memory_space<vmem_shared>>
        tpu.enqueue_dma source(%dma_start3A_297 : memref<624x128xf32, #tpu.memory_space<vmem_shared>>) target(%dma_start3A_295 : memref<624x128xf32, #tpu.memory_space<hbm>>) target_semaphore(%run_scoped3A : memref<!tpu.dma_semaphore, #tpu.memory_space<semaphore_mem>>)
        %dma_wait3A_298 = arith.constant 0 : i32
        %dma_wait3A_299 = tpu.memref_slice %arg5[%arg0, %multiple_of3A, %dma_wait3A_298] : memref<2x10000x128xf32, #tpu.memory_space<hbm>> -> memref<1x624x128xf32, #tpu.memory_space<hbm>>
        %dma_wait3A_300 = tpu.memref_squeeze %dma_wait3A_299 : memref<1x624x128xf32, #tpu.memory_space<hbm>> -> memref<624x128xf32, #tpu.memory_space<hbm>>
        %dma_wait3A_301 = arith.constant 0 : i32
        %dma_wait3A_302 = tpu.memref_slice %arg9[%multiple_of3A, %dma_wait3A_301] : memref<10008x128xf32, #tpu.memory_space<vmem_shared>> -> memref<624x128xf32, #tpu.memory_space<vmem_shared>>
        tpu.wait_dma2 semaphore(%run_scoped3A : memref<!tpu.dma_semaphore, #tpu.memory_space<semaphore_mem>>) src(%dma_wait3A_302 : memref<624x128xf32, #tpu.memory_space<vmem_shared>>) dst(%dma_wait3A_300 : memref<624x128xf32, #tpu.memory_space<hbm>>)
        tpu.yield
      }) : () -> ()
    } else {
    }
    %eq3A_288 = arith.constant 15 : i32
    %eq3A_289 = arith.cmpi eq, %arg1, %eq3A_288 : i32
    %convert_element_type3A_290 = arith.extui %eq3A_289 : i1 to i32
    %cond3A_291 = arith.constant 0 : i32
    %cond3A_292 = arith.cmpi ne, %convert_element_type3A_290, %cond3A_291 : i32
    scf.if %cond3A_292 {
      "tpu.region"() ({
        %run_scoped3A = tpu.sem_alloc : memref<!tpu.dma_semaphore, #tpu.memory_space<semaphore_mem>>
        %dma_start3A_293 = arith.constant 0 : i32
        %dma_start3A_294 = tpu.memref_slice %arg5[%arg0, %multiple_of3A_2, %dma_start3A_293] : memref<2x10000x128xf32, #tpu.memory_space<hbm>> -> memref<1x640x128xf32, #tpu.memory_space<hbm>>
        %dma_start3A_295 = tpu.memref_squeeze %dma_start3A_294 : memref<1x640x128xf32, #tpu.memory_space<hbm>> -> memref<640x128xf32, #tpu.memory_space<hbm>>
        %dma_start3A_296 = arith.constant 0 : i32
        %dma_start3A_297 = tpu.memref_slice %arg9[%multiple_of3A_2, %dma_start3A_296] : memref<10008x128xf32, #tpu.memory_space<vmem_shared>> -> memref<640x128xf32, #tpu.memory_space<vmem_shared>>
        tpu.enqueue_dma source(%dma_start3A_297 : memref<640x128xf32, #tpu.memory_space<vmem_shared>>) target(%dma_start3A_295 : memref<640x128xf32, #tpu.memory_space<hbm>>) target_semaphore(%run_scoped3A : memref<!tpu.dma_semaphore, #tpu.memory_space<semaphore_mem>>)
        %dma_wait3A_298 = arith.constant 0 : i32
        %dma_wait3A_299 = tpu.memref_slice %arg5[%arg0, %multiple_of3A_2, %dma_wait3A_298] : memref<2x10000x128xf32, #tpu.memory_space<hbm>> -> memref<1x640x128xf32, #tpu.memory_space<hbm>>
        %dma_wait3A_300 = tpu.memref_squeeze %dma_wait3A_299 : memref<1x640x128xf32, #tpu.memory_space<hbm>> -> memref<640x128xf32, #tpu.memory_space<hbm>>
        %dma_wait3A_301 = arith.constant 0 : i32
        %dma_wait3A_302 = tpu.memref_slice %arg9[%multiple_of3A_2, %dma_wait3A_301] : memref<10008x128xf32, #tpu.memory_space<vmem_shared>> -> memref<640x128xf32, #tpu.memory_space<vmem_shared>>
        tpu.wait_dma2 semaphore(%run_scoped3A : memref<!tpu.dma_semaphore, #tpu.memory_space<semaphore_mem>>) src(%dma_wait3A_302 : memref<640x128xf32, #tpu.memory_space<vmem_shared>>) dst(%dma_wait3A_300 : memref<640x128xf32, #tpu.memory_space<hbm>>)
        tpu.yield
      }) : () -> ()
    } else {
    }
    return
  }
}

module attributes {stable_mosaic.version = 14 : i64} {
  func.func @_enc_body(%arg0: i32, %arg1: i32, %arg2: memref<1x2000x128xf32, #tpu.memory_space<vmem>>, %arg3: memref<128x128xf32, #tpu.memory_space<vmem>>, %arg4: memref<1x128x128xf32, #tpu.memory_space<vmem>>, %arg5: memref<1x2000x128xf32, #tpu.memory_space<vmem>>, %arg6: memref<1xf32, #tpu.memory_space<smem>>, %arg7: memref<1x2000x128xf32, #tpu.memory_space<vmem>>) attributes {dimension_semantics = [#tpu.dimension_semantics<arbitrary>, #tpu.dimension_semantics<arbitrary>], iteration_bounds = array<i64: 2, 5>, scalar_prefetch = 0 : i64, scratch_operands = 0 : i64, tpu.core_type = #tpu.core_type<tc>, window_params = [{transform_indices = @transform_0, window_bounds = array<i64: 1, 2000, 128>}, {pipeline_mode = #tpu.pipeline_mode<synchronous>, transform_indices = @transform_1, window_bounds = array<i64: 128, 128>}, {transform_indices = @transform_2, window_bounds = array<i64: 1, 128, 128>}, {transform_indices = @transform_3, window_bounds = array<i64: 1, 2000, 128>}, {transform_indices = @transform_4, window_bounds = array<i64: 1>}, {transform_indices = @transform_5, window_bounds = array<i64: 1, 2000, 128>}]} {
    %get3A = arith.constant 0 : index
    %get3A_0 = arith.constant 0 : index
    %get3A_1 = arith.constant 0 : index
    %get3A_2 = vector.load %arg2[%get3A, %get3A_0, %get3A_1] : memref<1x2000x128xf32, #tpu.memory_space<vmem>>, vector<1x2000x128xf32>
    %get3A_3 = vector.shape_cast %get3A_2 : vector<1x2000x128xf32> to vector<2000x128xf32>
    %get3A_4 = arith.constant 0 : index
    %get3A_5 = arith.constant 0 : index
    %get3A_6 = vector.load %arg3[%get3A_4, %get3A_5] : memref<128x128xf32, #tpu.memory_space<vmem>>, vector<128x128xf32>
    %dot_general3A = arith.constant dense<0.000000e+00> : vector<2000x128xf32>
    %dot_general3A_7 = tpu.matmul %get3A_3, %get3A_6, %dot_general3A {dimension_numbers = #tpu.dot_dimension_numbers<[1], [0], [0], [1], [0, 0, 1, 1], [], []>, transpose_lhs_hint = false} : vector<2000x128xf32>, vector<128x128xf32>, vector<2000x128xf32> -> vector<2000x128xf32>
    %get3A_8 = arith.constant 0 : index
    %get3A_9 = memref.load %arg6[%get3A_8] : memref<1xf32, #tpu.memory_space<smem>>
    %ge3A = arith.constant 0.000000e+00 : f32
    %ge3A_10 = vector.broadcast %ge3A : f32 to vector<2000x128xf32>
    %ge3A_11 = arith.cmpf oge, %dot_general3A_7, %ge3A_10 : vector<2000x128xf32>
    %mul3A = vector.broadcast %get3A_9 : f32 to vector<2000x128xf32>
    %mul3A_12 = arith.mulf %mul3A, %dot_general3A_7 : vector<2000x128xf32>
    %select_n3A = arith.select %ge3A_11, %dot_general3A_7, %mul3A_12 : vector<2000x128xi1>, vector<2000x128xf32>
    %get3A_13 = arith.constant 0 : index
    %get3A_14 = arith.constant 0 : index
    %get3A_15 = arith.constant 0 : index
    %get3A_16 = vector.load %arg5[%get3A_13, %get3A_14, %get3A_15] : memref<1x2000x128xf32, #tpu.memory_space<vmem>>, vector<1x2000x1xf32>
    %get3A_17 = vector.shape_cast %get3A_16 : vector<1x2000x1xf32> to vector<2000x1xf32>
    %rsqrt3A = math.rsqrt %get3A_17 : vector<2000x1xf32>
    %get3A_18 = arith.constant 0 : index
    %get3A_19 = arith.constant 0 : index
    %get3A_20 = arith.constant 0 : index
    %get3A_21 = vector.load %arg4[%get3A_18, %get3A_19, %get3A_20] : memref<1x128x128xf32, #tpu.memory_space<vmem>>, vector<1x128x128xf32>
    %get3A_22 = vector.shape_cast %get3A_21 : vector<1x128x128xf32> to vector<128x128xf32>
    %dot_general3A_23 = arith.constant dense<0.000000e+00> : vector<2000x128xf32>
    %dot_general3A_24 = tpu.matmul %select_n3A, %get3A_22, %dot_general3A_23 {dimension_numbers = #tpu.dot_dimension_numbers<[1], [0], [0], [1], [0, 0, 1, 1], [], []>, transpose_lhs_hint = false} : vector<2000x128xf32>, vector<128x128xf32>, vector<2000x128xf32> -> vector<2000x128xf32>
    %mul3A_25 = vector.broadcast %rsqrt3A : vector<2000x1xf32> to vector<2000x128xf32>
    %mul3A_26 = arith.mulf %dot_general3A_24, %mul3A_25 : vector<2000x128xf32>
    %swap3A = arith.constant 0 : index
    %swap3A_27 = arith.constant 0 : index
    %swap3A_28 = arith.constant 0 : index
    %swap3A_29 = vector.load %arg7[%swap3A, %swap3A_27, %swap3A_28] : memref<1x2000x128xf32, #tpu.memory_space<vmem>>, vector<1x2000x128xf32>
    %swap3A_30 = vector.shape_cast %swap3A_29 : vector<1x2000x128xf32> to vector<2000x128xf32>
    %swap3A_31 = vector.shape_cast %mul3A_26 : vector<2000x128xf32> to vector<1x2000x128xf32>
    tpu.vector_store %arg7[%swap3A, %swap3A_27, %swap3A_28], %swap3A_31 {strides = array<i32>} : memref<1x2000x128xf32, #tpu.memory_space<vmem>>, vector<1x2000x128xf32>,
    return
  }
  func.func @transform_0(%arg0: i32, %arg1: i32) -> (i32, i32, i32) {
    %c0_i32 = arith.constant 0 : i32
    %c0_i32_0 = arith.constant 0 : i32
    return %arg0, %arg1, %c0_i32 : i32, i32, i32
  }
  func.func @transform_1(%arg0: i32, %arg1: i32) -> (i32, i32) {
    %c0_i32 = arith.constant 0 : i32
    %c0_i32_0 = arith.constant 0 : i32
    %c0_i32_1 = arith.constant 0 : i32
    return %c0_i32, %c0_i32_0 : i32, i32
  }
  func.func @transform_2(%arg0: i32, %arg1: i32) -> (i32, i32, i32) {
    %c0_i32 = arith.constant 0 : i32
    %c0_i32_0 = arith.constant 0 : i32
    %c0_i32_1 = arith.constant 0 : i32
    return %arg0, %c0_i32, %c0_i32_0 : i32, i32, i32
  }
  func.func @transform_3(%arg0: i32, %arg1: i32) -> (i32, i32, i32) {
    %c0_i32 = arith.constant 0 : i32
    %c0_i32_0 = arith.constant 0 : i32
    return %arg0, %arg1, %c0_i32 : i32, i32, i32
  }
  func.func @transform_4(%arg0: i32, %arg1: i32) -> i32 {
    %c0_i32 = arith.constant 0 : i32
    %c0_i32_0 = arith.constant 0 : i32
    return %c0_i32 : i32
  }
  func.func @transform_5(%arg0: i32, %arg1: i32) -> (i32, i32, i32) {
    %c0_i32 = arith.constant 0 : i32
    %c0_i32_0 = arith.constant 0 : i32
    return %arg0, %arg1, %c0_i32 : i32, i32, i32
  }
}

module attributes {stable_mosaic.version = 14 : i64} {
  func.func @_mid_body(%arg0: i32, %arg1: i32, %arg2: memref<1x2000x128xf32, #tpu.memory_space<vmem>>, %arg3: memref<1x2000x128xf32, #tpu.memory_space<vmem>>, %arg4: memref<1x1x128xf32, #tpu.memory_space<vmem>>, %arg5: memref<1x1x128xf32, #tpu.memory_space<vmem>>, %arg6: memref<1x128x128xf32, #tpu.memory_space<vmem>>, %arg7: memref<1x2000x128xf32, #tpu.memory_space<vmem>>, %arg8: memref<1x2000x128xf32, #tpu.memory_space<vmem>>) attributes {dimension_semantics = [#tpu.dimension_semantics<arbitrary>, #tpu.dimension_semantics<arbitrary>], iteration_bounds = array<i64: 2, 5>, scalar_prefetch = 0 : i64, scratch_operands = 0 : i64, tpu.core_type = #tpu.core_type<tc>, window_params = [{transform_indices = @transform_0, window_bounds = array<i64: 1, 2000, 128>}, {transform_indices = @transform_1, window_bounds = array<i64: 1, 2000, 128>}, {transform_indices = @transform_2, window_bounds = array<i64: 1, 1, 128>}, {transform_indices = @transform_3, window_bounds = array<i64: 1, 1, 128>}, {transform_indices = @transform_4, window_bounds = array<i64: 1, 128, 128>}, {transform_indices = @transform_5, window_bounds = array<i64: 1, 2000, 128>}, {transform_indices = @transform_6, window_bounds = array<i64: 1, 2000, 128>}]} {
    %get3A = arith.constant 0 : index
    %get3A_0 = arith.constant 0 : index
    %get3A_1 = arith.constant 0 : index
    %get3A_2 = vector.load %arg3[%get3A, %get3A_0, %get3A_1] : memref<1x2000x128xf32, #tpu.memory_space<vmem>>, vector<1x2000x1xf32>
    %get3A_3 = vector.shape_cast %get3A_2 : vector<1x2000x1xf32> to vector<2000x1xf32>
    %rsqrt3A = math.rsqrt %get3A_3 : vector<2000x1xf32>
    %get3A_4 = arith.constant 0 : index
    %get3A_5 = arith.constant 0 : index
    %get3A_6 = arith.constant 0 : index
    %get3A_7 = vector.load %arg2[%get3A_4, %get3A_5, %get3A_6] : memref<1x2000x128xf32, #tpu.memory_space<vmem>>, vector<1x2000x128xf32>
    %get3A_8 = vector.shape_cast %get3A_7 : vector<1x2000x128xf32> to vector<2000x128xf32>
    %mul3A = vector.broadcast %rsqrt3A : vector<2000x1xf32> to vector<2000x128xf32>
    %mul3A_9 = arith.mulf %get3A_8, %mul3A : vector<2000x128xf32>
    %get3A_10 = arith.constant 0 : index
    %get3A_11 = arith.constant 0 : index
    %get3A_12 = arith.constant 0 : index
    %get3A_13 = vector.load %arg4[%get3A_10, %get3A_11, %get3A_12] : memref<1x1x128xf32, #tpu.memory_space<vmem>>, vector<1x1x128xf32>
    %get3A_14 = vector.shape_cast %get3A_13 : vector<1x1x128xf32> to vector<1x128xf32>
    %add3A = vector.broadcast %get3A_14 : vector<1x128xf32> to vector<2000x128xf32>
    %add3A_15 = arith.addf %mul3A_9, %add3A : vector<2000x128xf32>
    %get3A_16 = arith.constant 0 : index
    %get3A_17 = arith.constant 0 : index
    %get3A_18 = arith.constant 0 : index
    %get3A_19 = vector.load %arg5[%get3A_16, %get3A_17, %get3A_18] : memref<1x1x128xf32, #tpu.memory_space<vmem>>, vector<1x1x128xf32>
    %get3A_20 = vector.shape_cast %get3A_19 : vector<1x1x128xf32> to vector<1x128xf32>
    %ge3A = arith.constant 0.000000e+00 : f32
    %ge3A_21 = vector.broadcast %ge3A : f32 to vector<2000x128xf32>
    %ge3A_22 = arith.cmpf oge, %add3A_15, %ge3A_21 : vector<2000x128xf32>
    %mul3A_23 = vector.broadcast %get3A_20 : vector<1x128xf32> to vector<2000x128xf32>
    %mul3A_24 = arith.mulf %mul3A_23, %add3A_15 : vector<2000x128xf32>
    %select_n3A = arith.select %ge3A_22, %add3A_15, %mul3A_24 : vector<2000x128xi1>, vector<2000x128xf32>
    %swap3A = arith.constant 0 : index
    %swap3A_25 = arith.constant 0 : index
    %swap3A_26 = arith.constant 0 : index
    %swap3A_27 = vector.load %arg7[%swap3A, %swap3A_25, %swap3A_26] : memref<1x2000x128xf32, #tpu.memory_space<vmem>>, vector<1x2000x128xf32>
    %swap3A_28 = vector.shape_cast %swap3A_27 : vector<1x2000x128xf32> to vector<2000x128xf32>
    %swap3A_29 = vector.shape_cast %select_n3A : vector<2000x128xf32> to vector<1x2000x128xf32>
    tpu.vector_store %arg7[%swap3A, %swap3A_25, %swap3A_26], %swap3A_29 {strides = array<i32>} : memref<1x2000x128xf32, #tpu.memory_space<vmem>>, vector<1x2000x128xf32>,
    %get3A_30 = arith.constant 0 : index
    %get3A_31 = arith.constant 0 : index
    %get3A_32 = arith.constant 0 : index
    %get3A_33 = vector.load %arg6[%get3A_30, %get3A_31, %get3A_32] : memref<1x128x128xf32, #tpu.memory_space<vmem>>, vector<1x128x128xf32>
    %get3A_34 = vector.shape_cast %get3A_33 : vector<1x128x128xf32> to vector<128x128xf32>
    %dot_general3A = arith.constant dense<0.000000e+00> : vector<2000x128xf32>
    %dot_general3A_35 = tpu.matmul %select_n3A, %get3A_34, %dot_general3A {dimension_numbers = #tpu.dot_dimension_numbers<[1], [0], [0], [1], [0, 0, 1, 1], [], []>, transpose_lhs_hint = false} : vector<2000x128xf32>, vector<128x128xf32>, vector<2000x128xf32> -> vector<2000x128xf32>
    %mul3A_36 = vector.broadcast %rsqrt3A : vector<2000x1xf32> to vector<2000x128xf32>
    %mul3A_37 = arith.mulf %dot_general3A_35, %mul3A_36 : vector<2000x128xf32>
    %swap3A_38 = arith.constant 0 : index
    %swap3A_39 = arith.constant 0 : index
    %swap3A_40 = arith.constant 0 : index
    %swap3A_41 = vector.load %arg8[%swap3A_38, %swap3A_39, %swap3A_40] : memref<1x2000x128xf32, #tpu.memory_space<vmem>>, vector<1x2000x128xf32>
    %swap3A_42 = vector.shape_cast %swap3A_41 : vector<1x2000x128xf32> to vector<2000x128xf32>
    %swap3A_43 = vector.shape_cast %mul3A_37 : vector<2000x128xf32> to vector<1x2000x128xf32>
    tpu.vector_store %arg8[%swap3A_38, %swap3A_39, %swap3A_40], %swap3A_43 {strides = array<i32>} : memref<1x2000x128xf32, #tpu.memory_space<vmem>>, vector<1x2000x128xf32>,
    return
  }
  func.func @transform_0(%arg0: i32, %arg1: i32) -> (i32, i32, i32) {
    %c0_i32 = arith.constant 0 : i32
    %c0_i32_0 = arith.constant 0 : i32
    return %arg0, %arg1, %c0_i32 : i32, i32, i32
  }
  func.func @transform_1(%arg0: i32, %arg1: i32) -> (i32, i32, i32) {
    %c0_i32 = arith.constant 0 : i32
    %c0_i32_0 = arith.constant 0 : i32
    return %arg0, %arg1, %c0_i32 : i32, i32, i32
  }
  func.func @transform_2(%arg0: i32, %arg1: i32) -> (i32, i32, i32) {
    %c0_i32 = arith.constant 0 : i32
    %c0_i32_0 = arith.constant 0 : i32
    %c0_i32_1 = arith.constant 0 : i32
    return %arg0, %c0_i32, %c0_i32_0 : i32, i32, i32
  }
  func.func @transform_3(%arg0: i32, %arg1: i32) -> (i32, i32, i32) {
    %c0_i32 = arith.constant 0 : i32
    %c0_i32_0 = arith.constant 0 : i32
    %c0_i32_1 = arith.constant 0 : i32
    return %arg0, %c0_i32, %c0_i32_0 : i32, i32, i32
  }
  func.func @transform_4(%arg0: i32, %arg1: i32) -> (i32, i32, i32) {
    %c0_i32 = arith.constant 0 : i32
    %c0_i32_0 = arith.constant 0 : i32
    %c0_i32_1 = arith.constant 0 : i32
    return %arg0, %c0_i32, %c0_i32_0 : i32, i32, i32
  }
  func.func @transform_5(%arg0: i32, %arg1: i32) -> (i32, i32, i32) {
    %c0_i32 = arith.constant 0 : i32
    %c0_i32_0 = arith.constant 0 : i32
    return %arg0, %arg1, %c0_i32 : i32, i32, i32
  }
  func.func @transform_6(%arg0: i32, %arg1: i32) -> (i32, i32, i32) {
    %c0_i32 = arith.constant 0 : i32
    %c0_i32_0 = arith.constant 0 : i32
    return %arg0, %arg1, %c0_i32 : i32, i32, i32
  }
}

module attributes {stable_mosaic.version = 14 : i64} {
  func.func @_pool_body(%arg0: i32, %arg1: memref<1x10000x128xf32, #tpu.memory_space<vmem>>, %arg2: memref<1x10000x128xf32, #tpu.memory_space<vmem>>, %arg3: memref<1x1x128xf32, #tpu.memory_space<vmem>>, %arg4: memref<1x1x128xf32, #tpu.memory_space<vmem>>, %arg5: memref<1x10000x128xf32, #tpu.memory_space<vmem>>, %arg6: memref<1x1x10000xi32, #tpu.memory_space<vmem>>, %arg7: memref<1x10000x128xf32, #tpu.memory_space<vmem>>, %arg8: memref<1x64x256xf32, #tpu.memory_space<vmem>>) attributes {dimension_semantics = [#tpu.dimension_semantics<arbitrary>], iteration_bounds = array<i64: 2>, scalar_prefetch = 0 : i64, scratch_operands = 0 : i64, tpu.core_type = #tpu.core_type<tc>, window_params = [{transform_indices = @transform_0, window_bounds = array<i64: 1, 10000, 128>}, {transform_indices = @transform_1, window_bounds = array<i64: 1, 10000, 128>}, {transform_indices = @transform_2, window_bounds = array<i64: 1, 1, 128>}, {transform_indices = @transform_3, window_bounds = array<i64: 1, 1, 128>}, {transform_indices = @transform_4, window_bounds = array<i64: 1, 10000, 128>}, {transform_indices = @transform_5, window_bounds = array<i64: 1, 1, 10000>}, {transform_indices = @transform_6, window_bounds = array<i64: 1, 10000, 128>}, {transform_indices = @transform_7, window_bounds = array<i64: 1, 64, 256>}]} {
    %get3A = arith.constant 0 : index
    %get3A_0 = arith.constant 0 : index
    %get3A_1 = arith.constant 0 : index
    %get3A_2 = vector.load %arg2[%get3A, %get3A_0, %get3A_1] : memref<1x10000x128xf32, #tpu.memory_space<vmem>>, vector<1x10000x1xf32>
    %get3A_3 = vector.shape_cast %get3A_2 : vector<1x10000x1xf32> to vector<10000x1xf32>
    %rsqrt3A = math.rsqrt %get3A_3 : vector<10000x1xf32>
    %get3A_4 = arith.constant 0 : index
    %get3A_5 = arith.constant 0 : index
    %get3A_6 = arith.constant 0 : index
    %get3A_7 = vector.load %arg1[%get3A_4, %get3A_5, %get3A_6] : memref<1x10000x128xf32, #tpu.memory_space<vmem>>, vector<1x10000x128xf32>
    %get3A_8 = vector.shape_cast %get3A_7 : vector<1x10000x128xf32> to vector<10000x128xf32>
    %mul3A = vector.broadcast %rsqrt3A : vector<10000x1xf32> to vector<10000x128xf32>
    %mul3A_9 = arith.mulf %get3A_8, %mul3A : vector<10000x128xf32>
    %get3A_10 = arith.constant 0 : index
    %get3A_11 = arith.constant 0 : index
    %get3A_12 = arith.constant 0 : index
    %get3A_13 = vector.load %arg3[%get3A_10, %get3A_11, %get3A_12] : memref<1x1x128xf32, #tpu.memory_space<vmem>>, vector<1x1x128xf32>
    %get3A_14 = vector.shape_cast %get3A_13 : vector<1x1x128xf32> to vector<1x128xf32>
    %add3A = vector.broadcast %get3A_14 : vector<1x128xf32> to vector<10000x128xf32>
    %add3A_15 = arith.addf %mul3A_9, %add3A : vector<10000x128xf32>
    %get3A_16 = arith.constant 0 : index
    %get3A_17 = arith.constant 0 : index
    %get3A_18 = arith.constant 0 : index
    %get3A_19 = vector.load %arg4[%get3A_16, %get3A_17, %get3A_18] : memref<1x1x128xf32, #tpu.memory_space<vmem>>, vector<1x1x128xf32>
    %get3A_20 = vector.shape_cast %get3A_19 : vector<1x1x128xf32> to vector<1x128xf32>
    %ge3A = arith.constant 0.000000e+00 : f32
    %ge3A_21 = vector.broadcast %ge3A : f32 to vector<10000x128xf32>
    %ge3A_22 = arith.cmpf oge, %add3A_15, %ge3A_21 : vector<10000x128xf32>
    %mul3A_23 = vector.broadcast %get3A_20 : vector<1x128xf32> to vector<10000x128xf32>
    %mul3A_24 = arith.mulf %mul3A_23, %add3A_15 : vector<10000x128xf32>
    %select_n3A = arith.select %ge3A_22, %add3A_15, %mul3A_24 : vector<10000x128xi1>, vector<10000x128xf32>
    %swap3A = arith.constant 0 : index
    %swap3A_25 = arith.constant 0 : index
    %swap3A_26 = arith.constant 0 : index
    %swap3A_27 = vector.load %arg7[%swap3A, %swap3A_25, %swap3A_26] : memref<1x10000x128xf32, #tpu.memory_space<vmem>>, vector<1x10000x128xf32>
    %swap3A_28 = vector.shape_cast %swap3A_27 : vector<1x10000x128xf32> to vector<10000x128xf32>
    %swap3A_29 = vector.shape_cast %select_n3A : vector<10000x128xf32> to vector<1x10000x128xf32>
    tpu.vector_store %arg7[%swap3A, %swap3A_25, %swap3A_26], %swap3A_29 {strides = array<i32>} : memref<1x10000x128xf32, #tpu.memory_space<vmem>>, vector<1x10000x128xf32>,
    %get3A_30 = arith.constant 0 : index
    %get3A_31 = arith.constant 0 : index
    %get3A_32 = arith.constant 0 : index
    %get3A_33 = vector.load %arg6[%get3A_30, %get3A_31, %get3A_32] : memref<1x1x10000xi32, #tpu.memory_space<vmem>>, vector<1x1x10000xi32>
    %get3A_34 = vector.shape_cast %get3A_33 : vector<1x1x10000xi32> to vector<1x10000xi32>
    %iota3A = tpu.iota {dimensions = array<i32: 0>} : vector<64x10000xi32>
    %eq3A = vector.broadcast %get3A_34 : vector<1x10000xi32> to vector<64x10000xi32>
    %eq3A_35 = arith.cmpi eq, %eq3A, %iota3A : vector<64x10000xi32>
    %convert_element_type3A = arith.extui %eq3A_35 : vector<64x10000xi1> to vector<64x10000xi32>
    %convert_element_type3A_36 = arith.sitofp %convert_element_type3A : vector<64x10000xi32> to vector<64x10000xf32>
    %reduce_sum3A = arith.constant dense<0.000000e+00> : vector<64xf32>
    %reduce_sum3A_37 = vector.multi_reduction <add>, %convert_element_type3A_36, %reduce_sum3A [1] : vector<64x10000xf32> to vector<64xf32>
    %broadcast_in_dim3A = vector.shape_cast %reduce_sum3A_37 : vector<64xf32> to vector<64x1xf32>
    %max3A = arith.constant 1.000000e+00 : f32
    %max3A_38 = vector.broadcast %max3A : f32 to vector<64x1xf32>
    %max3A_39 = arith.maximumf %broadcast_in_dim3A, %max3A_38 : vector<64x1xf32>
    %get3A_40 = arith.constant 0 : index
    %get3A_41 = arith.constant 0 : index
    %get3A_42 = arith.constant 0 : index
    %get3A_43 = vector.load %arg5[%get3A_40, %get3A_41, %get3A_42] : memref<1x10000x128xf32, #tpu.memory_space<vmem>>, vector<1x10000x128xf32>
    %get3A_44 = vector.shape_cast %get3A_43 : vector<1x10000x128xf32> to vector<10000x128xf32>
    %dot_general3A = arith.constant dense<0.000000e+00> : vector<64x128xf32>
    %dot_general3A_45 = tpu.matmul %convert_element_type3A_36, %get3A_44, %dot_general3A {dimension_numbers = #tpu.dot_dimension_numbers<[1], [0], [0], [1], [0, 0, 1, 1], [], []>, transpose_lhs_hint = false} : vector<64x10000xf32>, vector<10000x128xf32>, vector<64x128xf32> -> vector<64x128xf32>
    %dot_general3A_46 = arith.constant dense<0.000000e+00> : vector<64x128xf32>
    %dot_general3A_47 = tpu.matmul %convert_element_type3A_36, %select_n3A, %dot_general3A_46 {dimension_numbers = #tpu.dot_dimension_numbers<[1], [0], [0], [1], [0, 0, 1, 1], [], []>, transpose_lhs_hint = false} : vector<64x10000xf32>, vector<10000x128xf32>, vector<64x128xf32> -> vector<64x128xf32>
    %div3A = vector.broadcast %max3A_39 : vector<64x1xf32> to vector<64x128xf32>
    %div3A_48 = arith.divf %dot_general3A_45, %div3A : vector<64x128xf32>
    %div3A_49 = vector.broadcast %max3A_39 : vector<64x1xf32> to vector<64x128xf32>
    %div3A_50 = arith.divf %dot_general3A_47, %div3A_49 : vector<64x128xf32>
    %concatenate3A = tpu.concatenate %div3A_48, %div3A_50 in 1 : vector<64x128xf32>, vector<64x128xf32> -> vector<64x256xf32>
    %swap3A_51 = arith.constant 0 : index
    %swap3A_52 = arith.constant 0 : index
    %swap3A_53 = arith.constant 0 : index
    %swap3A_54 = vector.load %arg8[%swap3A_51, %swap3A_52, %swap3A_53] : memref<1x64x256xf32, #tpu.memory_space<vmem>>, vector<1x64x256xf32>
    %swap3A_55 = vector.shape_cast %swap3A_54 : vector<1x64x256xf32> to vector<64x256xf32>
    %swap3A_56 = vector.shape_cast %concatenate3A : vector<64x256xf32> to vector<1x64x256xf32>
    tpu.vector_store %arg8[%swap3A_51, %swap3A_52, %swap3A_53], %swap3A_56 {strides = array<i32>} : memref<1x64x256xf32, #tpu.memory_space<vmem>>, vector<1x64x256xf32>,
    return
  }
  func.func @transform_0(%arg0: i32) -> (i32, i32, i32) {
    %c0_i32 = arith.constant 0 : i32
    %c0_i32_0 = arith.constant 0 : i32
    %c0_i32_1 = arith.constant 0 : i32
    return %arg0, %c0_i32, %c0_i32_0 : i32, i32, i32
  }
  func.func @transform_1(%arg0: i32) -> (i32, i32, i32) {
    %c0_i32 = arith.constant 0 : i32
    %c0_i32_0 = arith.constant 0 : i32
    %c0_i32_1 = arith.constant 0 : i32
    return %arg0, %c0_i32, %c0_i32_0 : i32, i32, i32
  }
  func.func @transform_2(%arg0: i32) -> (i32, i32, i32) {
    %c0_i32 = arith.constant 0 : i32
    %c0_i32_0 = arith.constant 0 : i32
    %c0_i32_1 = arith.constant 0 : i32
    return %arg0, %c0_i32, %c0_i32_0 : i32, i32, i32
  }
  func.func @transform_3(%arg0: i32) -> (i32, i32, i32) {
    %c0_i32 = arith.constant 0 : i32
    %c0_i32_0 = arith.constant 0 : i32
    %c0_i32_1 = arith.constant 0 : i32
    return %arg0, %c0_i32, %c0_i32_0 : i32, i32, i32
  }
  func.func @transform_4(%arg0: i32) -> (i32, i32, i32) {
    %c0_i32 = arith.constant 0 : i32
    %c0_i32_0 = arith.constant 0 : i32
    %c0_i32_1 = arith.constant 0 : i32
    return %arg0, %c0_i32, %c0_i32_0 : i32, i32, i32
  }
  func.func @transform_5(%arg0: i32) -> (i32, i32, i32) {
    %c0_i32 = arith.constant 0 : i32
    %c0_i32_0 = arith.constant 0 : i32
    %c0_i32_1 = arith.constant 0 : i32
    return %arg0, %c0_i32, %c0_i32_0 : i32, i32, i32
  }
  func.func @transform_6(%arg0: i32) -> (i32, i32, i32) {
    %c0_i32 = arith.constant 0 : i32
    %c0_i32_0 = arith.constant 0 : i32
    %c0_i32_1 = arith.constant 0 : i32
    return %arg0, %c0_i32, %c0_i32_0 : i32, i32, i32
  }
  func.func @transform_7(%arg0: i32) -> (i32, i32, i32) {
    %c0_i32 = arith.constant 0 : i32
    %c0_i32_0 = arith.constant 0 : i32
    %c0_i32_1 = arith.constant 0 : i32
    return %arg0, %c0_i32, %c0_i32_0 : i32, i32, i32
  }
}

module attributes {stable_mosaic.version = 14 : i64} {
  func.func @_mlp1_body(%arg0: i32, %arg1: memref<2000x128xf32, #tpu.memory_space<vmem>>, %arg2: memref<4x128x128xf32, #tpu.memory_space<vmem>>, %arg3: memref<4x128xf32, #tpu.memory_space<vmem>>, %arg4: memref<3xf32, #tpu.memory_space<smem>>, %arg5: memref<2000x128xf32, #tpu.memory_space<vmem>>) attributes {dimension_semantics = [#tpu.dimension_semantics<arbitrary>], iteration_bounds = array<i64: 10>, scalar_prefetch = 0 : i64, scratch_operands = 0 : i64, tpu.core_type = #tpu.core_type<tc>, window_params = [{transform_indices = @transform_0, window_bounds = array<i64: 2000, 128>}, {pipeline_mode = #tpu.pipeline_mode<synchronous>, transform_indices = @transform_1, window_bounds = array<i64: 4, 128, 128>}, {pipeline_mode = #tpu.pipeline_mode<synchronous>, transform_indices = @transform_2, window_bounds = array<i64: 4, 128>}, {transform_indices = @transform_3, window_bounds = array<i64: 3>}, {transform_indices = @transform_4, window_bounds = array<i64: 2000, 128>}]} {
    %get3A = arith.constant 0 : index
    %get3A_0 = arith.constant 0 : index
    %get3A_1 = vector.load %arg1[%get3A, %get3A_0] : memref<2000x128xf32, #tpu.memory_space<vmem>>, vector<2000x128xf32>
    %get3A_2 = arith.constant 0 : index
    %get3A_3 = arith.constant 0 : index
    %get3A_4 = arith.constant 0 : index
    %get3A_5 = vector.load %arg2[%get3A_2, %get3A_3, %get3A_4] : memref<4x128x128xf32, #tpu.memory_space<vmem>>, vector<1x128x128xf32>
    %get3A_6 = vector.shape_cast %get3A_5 : vector<1x128x128xf32> to vector<128x128xf32>
    %dot_general3A = arith.constant dense<0.000000e+00> : vector<2000x128xf32>
    %dot_general3A_7 = tpu.matmul %get3A_1, %get3A_6, %dot_general3A {dimension_numbers = #tpu.dot_dimension_numbers<[1], [0], [0], [1], [0, 0, 1, 1], [], []>, transpose_lhs_hint = false} : vector<2000x128xf32>, vector<128x128xf32>, vector<2000x128xf32> -> vector<2000x128xf32>
    %get3A_8 = arith.constant 0 : index
    %get3A_9 = arith.constant 0 : index
    %get3A_10 = vector.load %arg3[%get3A_8, %get3A_9] : memref<4x128xf32, #tpu.memory_space<vmem>>, vector<1x128xf32>
    %add3A = vector.broadcast %get3A_10 : vector<1x128xf32> to vector<2000x128xf32>
    %add3A_11 = arith.addf %dot_general3A_7, %add3A : vector<2000x128xf32>
    %get3A_12 = arith.constant 0 : index
    %get3A_13 = memref.load %arg4[%get3A_12] : memref<3xf32, #tpu.memory_space<smem>>
    %ge3A = arith.constant 0.000000e+00 : f32
    %ge3A_14 = vector.broadcast %ge3A : f32 to vector<2000x128xf32>
    %ge3A_15 = arith.cmpf oge, %add3A_11, %ge3A_14 : vector<2000x128xf32>
    %mul3A = vector.broadcast %get3A_13 : f32 to vector<2000x128xf32>
    %mul3A_16 = arith.mulf %mul3A, %add3A_11 : vector<2000x128xf32>
    %select_n3A = arith.select %ge3A_15, %add3A_11, %mul3A_16 : vector<2000x128xi1>, vector<2000x128xf32>
    %get3A_17 = arith.constant 1 : index
    %get3A_18 = arith.constant 0 : index
    %get3A_19 = arith.constant 0 : index
    %get3A_20 = vector.load %arg2[%get3A_17, %get3A_18, %get3A_19] : memref<4x128x128xf32, #tpu.memory_space<vmem>>, vector<1x128x128xf32>
    %get3A_21 = vector.shape_cast %get3A_20 : vector<1x128x128xf32> to vector<128x128xf32>
    %dot_general3A_22 = arith.constant dense<0.000000e+00> : vector<2000x128xf32>
    %dot_general3A_23 = tpu.matmul %select_n3A, %get3A_21, %dot_general3A_22 {dimension_numbers = #tpu.dot_dimension_numbers<[1], [0], [0], [1], [0, 0, 1, 1], [], []>, transpose_lhs_hint = false} : vector<2000x128xf32>, vector<128x128xf32>, vector<2000x128xf32> -> vector<2000x128xf32>
    %get3A_24 = arith.constant 1 : index
    %get3A_25 = arith.constant 0 : index
    %get3A_26 = vector.load %arg3[%get3A_24, %get3A_25] : memref<4x128xf32, #tpu.memory_space<vmem>>, vector<1x128xf32>
    %add3A_27 = vector.broadcast %get3A_26 : vector<1x128xf32> to vector<2000x128xf32>
    %add3A_28 = arith.addf %dot_general3A_23, %add3A_27 : vector<2000x128xf32>
    %get3A_29 = arith.constant 1 : index
    %get3A_30 = memref.load %arg4[%get3A_29] : memref<3xf32, #tpu.memory_space<smem>>
    %ge3A_31 = arith.constant 0.000000e+00 : f32
    %ge3A_32 = vector.broadcast %ge3A_31 : f32 to vector<2000x128xf32>
    %ge3A_33 = arith.cmpf oge, %add3A_28, %ge3A_32 : vector<2000x128xf32>
    %mul3A_34 = vector.broadcast %get3A_30 : f32 to vector<2000x128xf32>
    %mul3A_35 = arith.mulf %mul3A_34, %add3A_28 : vector<2000x128xf32>
    %select_n3A_36 = arith.select %ge3A_33, %add3A_28, %mul3A_35 : vector<2000x128xi1>, vector<2000x128xf32>
    %get3A_37 = arith.constant 2 : index
    %get3A_38 = arith.constant 0 : index
    %get3A_39 = arith.constant 0 : index
    %get3A_40 = vector.load %arg2[%get3A_37, %get3A_38, %get3A_39] : memref<4x128x128xf32, #tpu.memory_space<vmem>>, vector<1x128x128xf32>
    %get3A_41 = vector.shape_cast %get3A_40 : vector<1x128x128xf32> to vector<128x128xf32>
    %dot_general3A_42 = arith.constant dense<0.000000e+00> : vector<2000x128xf32>
    %dot_general3A_43 = tpu.matmul %select_n3A_36, %get3A_41, %dot_general3A_42 {dimension_numbers = #tpu.dot_dimension_numbers<[1], [0], [0], [1], [0, 0, 1, 1], [], []>, transpose_lhs_hint = false} : vector<2000x128xf32>, vector<128x128xf32>, vector<2000x128xf32> -> vector<2000x128xf32>
    %get3A_44 = arith.constant 2 : index
    %get3A_45 = arith.constant 0 : index
    %get3A_46 = vector.load %arg3[%get3A_44, %get3A_45] : memref<4x128xf32, #tpu.memory_space<vmem>>, vector<1x128xf32>
    %add3A_47 = vector.broadcast %get3A_46 : vector<1x128xf32> to vector<2000x128xf32>
    %add3A_48 = arith.addf %dot_general3A_43, %add3A_47 : vector<2000x128xf32>
    %get3A_49 = arith.constant 2 : index
    %get3A_50 = memref.load %arg4[%get3A_49] : memref<3xf32, #tpu.memory_space<smem>>
    %ge3A_51 = arith.constant 0.000000e+00 : f32
    %ge3A_52 = vector.broadcast %ge3A_51 : f32 to vector<2000x128xf32>
    %ge3A_53 = arith.cmpf oge, %add3A_48, %ge3A_52 : vector<2000x128xf32>
    %mul3A_54 = vector.broadcast %get3A_50 : f32 to vector<2000x128xf32>
    %mul3A_55 = arith.mulf %mul3A_54, %add3A_48 : vector<2000x128xf32>
    %select_n3A_56 = arith.select %ge3A_53, %add3A_48, %mul3A_55 : vector<2000x128xi1>, vector<2000x128xf32>
    %get3A_57 = arith.constant 3 : index
    %get3A_58 = arith.constant 0 : index
    %get3A_59 = arith.constant 0 : index
    %get3A_60 = vector.load %arg2[%get3A_57, %get3A_58, %get3A_59] : memref<4x128x128xf32, #tpu.memory_space<vmem>>, vector<1x128x128xf32>
    %get3A_61 = vector.shape_cast %get3A_60 : vector<1x128x128xf32> to vector<128x128xf32>
    %dot_general3A_62 = arith.constant dense<0.000000e+00> : vector<2000x128xf32>
    %dot_general3A_63 = tpu.matmul %get3A_1, %get3A_61, %dot_general3A_62 {dimension_numbers = #tpu.dot_dimension_numbers<[1], [0], [0], [1], [0, 0, 1, 1], [], []>, transpose_lhs_hint = false} : vector<2000x128xf32>, vector<128x128xf32>, vector<2000x128xf32> -> vector<2000x128xf32>
    %get3A_64 = arith.constant 3 : index
    %get3A_65 = arith.constant 0 : index
    %get3A_66 = vector.load %arg3[%get3A_64, %get3A_65] : memref<4x128xf32, #tpu.memory_space<vmem>>, vector<1x128xf32>
    %add3A_67 = vector.broadcast %get3A_66 : vector<1x128xf32> to vector<2000x128xf32>
    %add3A_68 = arith.addf %dot_general3A_63, %add3A_67 : vector<2000x128xf32>
    %add3A_69 = arith.addf %select_n3A_56, %add3A_68 : vector<2000x128xf32>
    %swap3A = arith.constant 0 : index
    %swap3A_70 = arith.constant 0 : index
    %swap3A_71 = vector.load %arg5[%swap3A, %swap3A_70] : memref<2000x128xf32, #tpu.memory_space<vmem>>, vector<2000x128xf32>
    tpu.vector_store %arg5[%swap3A, %swap3A_70], %add3A_69 {strides = array<i32>} : memref<2000x128xf32, #tpu.memory_space<vmem>>, vector<2000x128xf32>,
    return
  }
  func.func @transform_0(%arg0: i32) -> (i32, i32) {
    %c0_i32 = arith.constant 0 : i32
    %c0_i32_0 = arith.constant 0 : i32
    return %arg0, %c0_i32 : i32, i32
  }
  func.func @transform_1(%arg0: i32) -> (i32, i32, i32) {
    %c0_i32 = arith.constant 0 : i32
    %c0_i32_0 = arith.constant 0 : i32
    %c0_i32_1 = arith.constant 0 : i32
    %c0_i32_2 = arith.constant 0 : i32
    return %c0_i32, %c0_i32_0, %c0_i32_1 : i32, i32, i32
  }
  func.func @transform_2(%arg0: i32) -> (i32, i32) {
    %c0_i32 = arith.constant 0 : i32
    %c0_i32_0 = arith.constant 0 : i32
    %c0_i32_1 = arith.constant 0 : i32
    return %c0_i32, %c0_i32_0 : i32, i32
  }
  func.func @transform_3(%arg0: i32) -> i32 {
    %c0_i32 = arith.constant 0 : i32
    %c0_i32_0 = arith.constant 0 : i32
    return %c0_i32 : i32
  }
  func.func @transform_4(%arg0: i32) -> (i32, i32) {
    %c0_i32 = arith.constant 0 : i32
    %c0_i32_0 = arith.constant 0 : i32
    return %arg0, %c0_i32 : i32, i32
  }
}

module attributes {stable_mosaic.version = 14 : i64} {
  func.func @_mlp2_body(%arg0: memref<128x256xf32, #tpu.memory_space<vmem>>, %arg1: memref<256x128xf32, #tpu.memory_space<vmem>>, %arg2: memref<2x128x128xf32, #tpu.memory_space<vmem>>, %arg3: memref<256x128xf32, #tpu.memory_space<vmem>>, %arg4: memref<4x128xf32, #tpu.memory_space<vmem>>, %arg5: memref<3xf32, #tpu.memory_space<smem>>, %arg6: memref<128x128xf32, #tpu.memory_space<vmem>>) attributes {dimension_semantics = [], scalar_prefetch = 0 : i64, scratch_operands = 0 : i64, tpu.core_type = #tpu.core_type<tc>} {
    %get3A = arith.constant 0 : index
    %get3A_0 = arith.constant 0 : index
    %get3A_1 = vector.load %arg0[%get3A, %get3A_0] : memref<128x256xf32, #tpu.memory_space<vmem>>, vector<128x256xf32>
    %get3A_2 = arith.constant 0 : index
    %get3A_3 = arith.constant 0 : index
    %get3A_4 = vector.load %arg1[%get3A_2, %get3A_3] : memref<256x128xf32, #tpu.memory_space<vmem>>, vector<256x128xf32>
    %dot_general3A = arith.constant dense<0.000000e+00> : vector<128x128xf32>
    %dot_general3A_5 = tpu.matmul %get3A_1, %get3A_4, %dot_general3A {dimension_numbers = #tpu.dot_dimension_numbers<[1], [0], [0], [1], [0, 0, 1, 1], [], []>, transpose_lhs_hint = false} : vector<128x256xf32>, vector<256x128xf32>, vector<128x128xf32> -> vector<128x128xf32>
    %get3A_6 = arith.constant 0 : index
    %get3A_7 = arith.constant 0 : index
    %get3A_8 = vector.load %arg4[%get3A_6, %get3A_7] : memref<4x128xf32, #tpu.memory_space<vmem>>, vector<1x128xf32>
    %add3A = vector.broadcast %get3A_8 : vector<1x128xf32> to vector<128x128xf32>
    %add3A_9 = arith.addf %dot_general3A_5, %add3A : vector<128x128xf32>
    %get3A_10 = arith.constant 0 : index
    %get3A_11 = memref.load %arg5[%get3A_10] : memref<3xf32, #tpu.memory_space<smem>>
    %ge3A = arith.constant 0.000000e+00 : f32
    %ge3A_12 = vector.broadcast %ge3A : f32 to vector<128x128xf32>
    %ge3A_13 = arith.cmpf oge, %add3A_9, %ge3A_12 : vector<128x128xf32>
    %mul3A = vector.broadcast %get3A_11 : f32 to vector<128x128xf32>
    %mul3A_14 = arith.mulf %mul3A, %add3A_9 : vector<128x128xf32>
    %select_n3A = arith.select %ge3A_13, %add3A_9, %mul3A_14 : vector<128x128xi1>, vector<128x128xf32>
    %get3A_15 = arith.constant 0 : index
    %get3A_16 = arith.constant 0 : index
    %get3A_17 = arith.constant 0 : index
    %get3A_18 = vector.load %arg2[%get3A_15, %get3A_16, %get3A_17] : memref<2x128x128xf32, #tpu.memory_space<vmem>>, vector<1x128x128xf32>
    %get3A_19 = vector.shape_cast %get3A_18 : vector<1x128x128xf32> to vector<128x128xf32>
    %dot_general3A_20 = arith.constant dense<0.000000e+00> : vector<128x128xf32>
    %dot_general3A_21 = tpu.matmul %select_n3A, %get3A_19, %dot_general3A_20 {dimension_numbers = #tpu.dot_dimension_numbers<[1], [0], [0], [1], [0, 0, 1, 1], [], []>, transpose_lhs_hint = false} : vector<128x128xf32>, vector<128x128xf32>, vector<128x128xf32> -> vector<128x128xf32>
    %get3A_22 = arith.constant 1 : index
    %get3A_23 = arith.constant 0 : index
    %get3A_24 = vector.load %arg4[%get3A_22, %get3A_23] : memref<4x128xf32, #tpu.memory_space<vmem>>, vector<1x128xf32>
    %add3A_25 = vector.broadcast %get3A_24 : vector<1x128xf32> to vector<128x128xf32>
    %add3A_26 = arith.addf %dot_general3A_21, %add3A_25 : vector<128x128xf32>
    %get3A_27 = arith.constant 1 : index
    %get3A_28 = memref.load %arg5[%get3A_27] : memref<3xf32, #tpu.memory_space<smem>>
    %ge3A_29 = arith.constant 0.000000e+00 : f32
    %ge3A_30 = vector.broadcast %ge3A_29 : f32 to vector<128x128xf32>
    %ge3A_31 = arith.cmpf oge, %add3A_26, %ge3A_30 : vector<128x128xf32>
    %mul3A_32 = vector.broadcast %get3A_28 : f32 to vector<128x128xf32>
    %mul3A_33 = arith.mulf %mul3A_32, %add3A_26 : vector<128x128xf32>
    %select_n3A_34 = arith.select %ge3A_31, %add3A_26, %mul3A_33 : vector<128x128xi1>, vector<128x128xf32>
    %get3A_35 = arith.constant 1 : index
    %get3A_36 = arith.constant 0 : index
    %get3A_37 = arith.constant 0 : index
    %get3A_38 = vector.load %arg2[%get3A_35, %get3A_36, %get3A_37] : memref<2x128x128xf32, #tpu.memory_space<vmem>>, vector<1x128x128xf32>
    %get3A_39 = vector.shape_cast %get3A_38 : vector<1x128x128xf32> to vector<128x128xf32>
    %dot_general3A_40 = arith.constant dense<0.000000e+00> : vector<128x128xf32>
    %dot_general3A_41 = tpu.matmul %select_n3A_34, %get3A_39, %dot_general3A_40 {dimension_numbers = #tpu.dot_dimension_numbers<[1], [0], [0], [1], [0, 0, 1, 1], [], []>, transpose_lhs_hint = false} : vector<128x128xf32>, vector<128x128xf32>, vector<128x128xf32> -> vector<128x128xf32>
    %get3A_42 = arith.constant 2 : index
    %get3A_43 = arith.constant 0 : index
    %get3A_44 = vector.load %arg4[%get3A_42, %get3A_43] : memref<4x128xf32, #tpu.memory_space<vmem>>, vector<1x128xf32>
    %add3A_45 = vector.broadcast %get3A_44 : vector<1x128xf32> to vector<128x128xf32>
    %add3A_46 = arith.addf %dot_general3A_41, %add3A_45 : vector<128x128xf32>
    %get3A_47 = arith.constant 2 : index
    %get3A_48 = memref.load %arg5[%get3A_47] : memref<3xf32, #tpu.memory_space<smem>>
    %ge3A_49 = arith.constant 0.000000e+00 : f32
    %ge3A_50 = vector.broadcast %ge3A_49 : f32 to vector<128x128xf32>
    %ge3A_51 = arith.cmpf oge, %add3A_46, %ge3A_50 : vector<128x128xf32>
    %mul3A_52 = vector.broadcast %get3A_48 : f32 to vector<128x128xf32>
    %mul3A_53 = arith.mulf %mul3A_52, %add3A_46 : vector<128x128xf32>
    %select_n3A_54 = arith.select %ge3A_51, %add3A_46, %mul3A_53 : vector<128x128xi1>, vector<128x128xf32>
    %get3A_55 = arith.constant 0 : index
    %get3A_56 = arith.constant 0 : index
    %get3A_57 = vector.load %arg3[%get3A_55, %get3A_56] : memref<256x128xf32, #tpu.memory_space<vmem>>, vector<256x128xf32>
    %dot_general3A_58 = arith.constant dense<0.000000e+00> : vector<128x128xf32>
    %dot_general3A_59 = tpu.matmul %get3A_1, %get3A_57, %dot_general3A_58 {dimension_numbers = #tpu.dot_dimension_numbers<[1], [0], [0], [1], [0, 0, 1, 1], [], []>, transpose_lhs_hint = false} : vector<128x256xf32>, vector<256x128xf32>, vector<128x128xf32> -> vector<128x128xf32>
    %get3A_60 = arith.constant 3 : index
    %get3A_61 = arith.constant 0 : index
    %get3A_62 = vector.load %arg4[%get3A_60, %get3A_61] : memref<4x128xf32, #tpu.memory_space<vmem>>, vector<1x128xf32>
    %add3A_63 = vector.broadcast %get3A_62 : vector<1x128xf32> to vector<128x128xf32>
    %add3A_64 = arith.addf %dot_general3A_59, %add3A_63 : vector<128x128xf32>
    %add3A_65 = arith.addf %select_n3A_54, %add3A_64 : vector<128x128xf32>
    %swap3A = arith.constant 0 : index
    %swap3A_66 = arith.constant 0 : index
    %swap3A_67 = vector.load %arg6[%swap3A, %swap3A_66] : memref<128x128xf32, #tpu.memory_space<vmem>>, vector<128x128xf32>
    tpu.vector_store %arg6[%swap3A, %swap3A_66], %add3A_65 {strides = array<i32>} : memref<128x128xf32, #tpu.memory_space<vmem>>, vector<128x128xf32>,
    return
  }
}

</mosaic_0001>

<sc_bundles>
// kernel: kernel.10.cloned.1.call-start
scs
__scs_entry_jumppad:
0x0: {  	(pc) =	sbr.rel $0x88, $3  }
0x1: {  	(tag) =	ssettag $0x0;
	lr =	simm.s32 $0x1  }
0x2: {  	[smem:$0x3F79] =	sst lr;
	_ =	strace $0xD0000000  }
0x3: {  	_ = 	snop  }
0x4: {  	_ = 	snop  }
0x5: {  	_ = 	snop  }
0x6: {  	_ = 	snop  }
0x7: {  	_ = 	snop  }
__scs_overlays_trampoline_lowered:
0x8: {  	[smem:$0x3F88] =	sst s0  }
0x9: {  	[smem:$0x3F89] =	sst s1  }
0xa: {  	[smem:$0x3F8A] =	sst s2  }
0xb: {  	[smem:$0x3F8B] =	sst s3  }
0xc: {  	[smem:$0x3F8C] =	sst s4  }
0xd: {  	[smem:$0x3F8D] =	sst s5  }
0xe: {  	[smem:$0x3F8E] =	sst s6  }
0xf: {  	[smem:$0x3F8F] =	sst s7  }
0x10: {  	[smem:$0x3F90] =	sst s8  }
0x11: {  	[smem:$0x3F91] =	sst s9;
	s0 =	simm.s32 @!p0 $0x0  }
0x12: {  	s1 =	sld [smem:$0x3F77];
	s0 =	simm.s32 @p0 $0x1  }
0x13: {  	[smem:$0x3F92] =	sst s0;
	s0 =	simm.s32 @!p1 $0x0  }
0x14: {  	s2 =	sld [smem:$0x3F76];
	s0 =	simm.s32 @p1 $0x1  }
0x15: {  	[smem:$0x3F93] =	sst s0;
	s0 =	simm.s32 @!p2 $0x0  }
0x16: {  	s3 =	sld [smem:$0x3FDB];
	s0 =	simm.s32 @p2 $0x1  }
0x17: {  	s4 =	simm.s32 $0x1BF5;
	[smem:$0x3F95] =	sst s0  }
0x18: {  	s0 =	sld [smem:$0x3F78];
	_ =	swait.ge [sflag:s4], $0x0  }
0x19: {  	s7 =	sld [smem:$0x3F79]  }
0x1a: {  	s8 =	sadd.s32 $0xFFFFE003, lr  }
0x1b: {  	s9 =	sadd.s32 $0xFFFFFEF7, lr;
	s5 =	simm.s32 $0xFFFFFFFF;
	p2 =	slt.u32 s8, $0xFFFFF086  }
0x1c: {  	p1 =	slt.u32 s9, $0xF7A;
	s5 =	simm.s32 @!p2 $0x0  }
0x1d: {  	s5 =	simm.s32 @p1 $0x1;
	p0 =	seq.s32 s7, s2  }
0x1e: {  	s7 =	smul.u32 @!p0 $0xF7A, s2;
	p2 =	seq.s32 @!p0 s5, $0x0  }
0x1f: {  	s9 =	smul.u32 $0xF7A, s1;
	s8 =	simm.s32 @!p0 $0x1BF5;
	p2 =	por !p2, p0  }
0x20: {  	[sflag:s8] =	ssyncset.s32 @!p0 $0xFFFFF086;
	s6 =	sadd.s32 @!p0 s3, s7;
	s7 =	simm.s32 @!p0 $0x108  }
0x21: {  	s3 =	sadd.s32 s3, s9;
	s6 =	sadd.s32 @!p0 $0x88, s6;
	s7 =	simm.s32 @p2 $0x1082  }
0x22: {  	[simem:s7], [sflag:s8] =	dma.local @!p0 [hbm:s6], $0xF7A  }
0x23: {  	s9 =	sor.u32 $0xD0000000, s2;
	s6 =	simm.s32 $0x108;
	_ =	swait.ge @!p0 [sflag:s8], $0x0  }
0x24: {  	s3 =	sadd.s32 $0x88, s3;
	s6 =	simm.s32 @!p1 $0x1082;
	[sflag:s4] =	ssyncset.s32 $0xFFFFF086  }
0x25: {  	[simem:s6], [sflag:s4] =	dma.local [hbm:s3], $0xF7A  }
0x26: {  	[smem:$0x3F79] =	sst s1;
	(tag) =	ssettag s2;
	_ =	strace s9  }
0x27: {  	s1 =	sld [smem:$0x3F89]  }
0x28: {  	s2 =	sld [smem:$0x3F8A]  }
0x29: {  	s4 =	sld [smem:$0x3F8C]  }
0x2a: {  	p0 =	seq.s32 s5, $0x0;
	s5 =	sld [smem:$0x3F8D]  }
0x2b: {  	s6 =	sld [smem:$0x3F8E]  }
0x2c: {  	s7 =	sld [smem:$0x3F8F]  }
0x2d: {  	s3 =	simm.s32 $0x108;
	s8 =	sld [smem:$0x3F90]  }
0x2e: {  	s3 =	simm.s32 @!p0 $0x1082;
	s9 =	sld [smem:$0x3F91]  }
0x2f: {  	lr =	sadd.s32 s0, s3;
	s0 =	sld [smem:$0x3F88]  }
0x30: {  	s3 =	sld [smem:$0x3F8B]  }
0x31: {  	[smem:$0x3F94] =	sst s10  }
0x32: {  	s10 =	sld [smem:$0x3F92];
	_ =	sdelay $0x3  }
0x33: {  	p0 =	seq.s32 s10, $0x1;
	s10 =	sld [smem:$0x3F94];
	_ =	sdelay $0x3  }
0x34: {  	[smem:$0x3F94] =	sst s10  }
0x35: {  	s10 =	sld [smem:$0x3F93];
	_ =	sdelay $0x3  }
0x36: {  	p1 =	seq.s32 s10, $0x1;
	s10 =	sld [smem:$0x3F94];
	_ =	sdelay $0x3  }
0x37: {  	[smem:$0x3F94] =	sst s10  }
0x38: {  	s10 =	sld [smem:$0x3F95]  }
0x39: {  	_ = 	snop;
	(pc) =	sbr.ind lr, $3  }
0x3a: {  	_ = 	snop  }
0x3b: {  	_ = 	snop  }
0x3c: {  	p2 =	seq.s32 s10, $0x1;
	s10 =	sld [smem:$0x3F94]  }
0x3d: {  	_ =	shalt  }
0x3e: {  	_ =	shalt  }
0x3f: {  	_ =	shalt  }
0x40: {  	_ =	shalt  }
0x41: {  	_ =	shalt  }
0x42: {  	_ =	shalt  }
0x43: {  	_ =	shalt  }
0x44: {  	_ =	shalt  }
0x45: {  	_ =	shalt  }
0x46: {  	_ =	shalt  }
0x47: {  	_ =	shalt  }
0x48: {  	_ =	shalt  }
0x49: {  	_ =	shalt  }
0x4a: {  	_ =	shalt  }
0x4b: {  	_ =	shalt  }
0x4c: {  	_ =	shalt  }
0x4d: {  	_ =	shalt  }
0x4e: {  	_ =	shalt  }
0x4f: {  	_ =	shalt  }
0x50: {  	_ =	shalt  }
0x51: {  	_ =	shalt  }
0x52: {  	_ =	shalt  }
0x53: {  	_ =	shalt  }
0x54: {  	_ =	shalt  }
0x55: {  	_ =	shalt  }
0x56: {  	_ =	shalt  }
0x57: {  	_ =	shalt  }
0x58: {  	_ =	shalt  }
0x59: {  	_ =	shalt  }
0x5a: {  	_ =	shalt  }
0x5b: {  	_ =	shalt  }
0x5c: {  	_ =	shalt  }
0x5d: {  	_ =	shalt  }
0x5e: {  	_ =	shalt  }
0x5f: {  	_ =	shalt  }
0x60: {  	_ =	shalt  }
0x61: {  	_ =	shalt  }
0x62: {  	_ =	shalt  }
0x63: {  	_ =	shalt  }
0x64: {  	_ =	shalt  }
0x65: {  	_ =	shalt  }
0x66: {  	_ =	shalt  }
0x67: {  	_ =	shalt  }
0x68: {  	_ =	shalt  }
0x69: {  	_ =	shalt  }
0x6a: {  	_ =	shalt  }
0x6b: {  	_ =	shalt  }
0x6c: {  	_ =	shalt  }
0x6d: {  	_ =	shalt  }
0x6e: {  	_ =	shalt  }
0x6f: {  	_ =	shalt  }
0x70: {  	_ =	shalt  }
0x71: {  	_ =	shalt  }
0x72: {  	_ =	shalt  }
0x73: {  	_ =	shalt  }
0x74: {  	_ =	shalt  }
0x75: {  	_ =	shalt  }
0x76: {  	_ =	shalt  }
0x77: {  	_ =	shalt  }
0x78: {  	_ =	shalt  }
0x79: {  	_ =	shalt  }
0x7a: {  	_ =	shalt  }
0x7b: {  	_ =	shalt  }
0x7c: {  	_ =	shalt  }
0x7d: {  	_ =	shalt  }
0x7e: {  	_ =	shalt  }
0x7f: {  	_ =	shalt  }
0x80: {  	_ =	shalt  }
0x81: {  	_ =	shalt  }
0x82: {  	_ =	shalt  }
0x83: {  	_ =	shalt  }
0x84: {  	_ =	shalt  }
0x85: {  	_ =	shalt  }
0x86: {  	_ =	shalt  }
0x87: {  	_ =	shalt  }
.Lfunc_end0:
.L_simem_size_0:
called_computation_lowered:
.L_overlay_start_0:
0x88: {  	s2 =	sld [smem:$0x3FD9]  }
0x89: {  	s3 =	sld [smem:$0x3FFE];
	_ =	sdelay $0x1  }
0x8a: {  	s1 =	srdreg.scid  }
0x8b: {  	s0 =	sand.u32 $0x1, s1  }
0x8c: {  	s14 =	sshll.u32 s0, $0xA;
	s2 =	sadd.s32 s3, s2  }
0x8d: {  	s2 =	sadd.s32 s2, s14  }
0x8e: {  	[smem:$0x3FA0] =	sst s2  }
0x8f: {  	_ = 	snop  }
0x90: {  	s2 =	sld [smem:$0x3FD0];
	_ =	sdelay $0x2  }
0x91: {  	s15 =	simm.s32 $0xA;
	s4 =	simm.s32 $0x10  }
0x92: {  	[smem:s4], [sflag:s15] =	dma.local [hbm:s2], $0x1  }
0x93: {  	_ =	swait.eq [sflag:s15], $0x1  }
0x94: {  	[sflag:s15] =	ssyncset.done $0x0  }
0x95: {  	[sflag:s15] =	ssyncadd.s32 $0xFFFFFFFF  }
0x96: {  	s16 =	sld [smem:$0x10];
	(tm) =	ssettm $0x1  }
0x97: {  	s17 =	sld [smem:$0x3FFB];
	_ =	sdelay $0x3  }
0x98: {  	_ =	strace s17  }
0x99: {  	s3 =	sld [smem:$0x3FFC];
	_ =	sdelay $0x3  }
0x9a: {  	_ =	strace s3  }
0x9b: {  	s3 =	sld [smem:$0x3FFD];
	_ =	sdelay $0x3  }
0x9c: {  	_ =	strace s3  }
0x9d: {  	_ =	strace $0x8FFFFFFF  }
0x9e: {  	s18 =	sld [smem:$0x3FDB];
	_ =	sdelay $0x1  }
0x9f: {  	s19 =	simm.s32 $_scs_section_size  }
0xa0: {  	s5 =	simm.s32 $_size__tile_overlayer_lowered;
	s6 =	simm.s32 $_tile_overlayer_lowered  }
0xa1: {  	s22 =	simm.s32 $0x1BFF;
	s21 =	sshll.u32 s6, $0x1;
	s3 =	sadd.s32 s19, s18  }
0xa2: {  	s7 =	simm.s32 $0x0;
	s20 =	sshll.u32 s5, $0x1;
	s5 =	sadd.s32 s21, s3  }
0xa3: {  	[timem:s7], [sflag:s22] =	dma.local [hbm:s5], s20  }
0xa4: {  	_ =	swait.ge [sflag:s22], s20  }
0xa5: {  	s4 =	ssub.s32 $0x0, s20;
	[sflag:s22] =	ssyncset.done $0x0  }
0xa6: {  	[sflag:s22] =	ssyncadd.s32 s4;
	_ =	sdelay $0x1  }
0xa7: {  	s23 =	simm.s32 $0x1B8B  }
0xa8: {  	_ =	swait.ge [sflag:s23], $0x1  }
0xa9: {  	[sflag:s23] =	ssyncset.done $0x0  }
0xaa: {  	s25 =	simm.s32 $0x1B8E;
	s24 =	sld [smem:$0x3FFE];
	[sflag:s23] =	ssyncadd.s32 $0xFFFFFFFF  }
0xab: {  	s26 =	simm.s32 $execute0_lowered;
	[smem:$0x3FD2] =	sst s25  }
0xac: {  	s5 =	sshll.u32 s26, $0x1;
	_ =	strace $0x80000046;
	[dreg:$0x1] =	wrdreg $0xFFFFFFFF  }
0xad: {  	s28 =	simm.s32 $_size_execute0_lowered;
	s3 =	sadd.s32 s3, s5;
	[dreg:$0x0] =	wrdreg $0x0  }
0xae: {  	s5 =	sshll.u32 s28, $0x1;
	[dreg:$0x2] =	wrdreg s3  }
0xaf: {  	[dreg:$0x3] =	wrdreg s5  }
0xb0: {  	[dreg:$0x4] =	wrdreg $0xC0  }
0xb1: {  	_ =	task [dreg:s7], $0x5FFFF  }
0xb2: {  	[dreg:$0x1] =	wrdreg $0xFFFFFFFF  }
0xb3: {  	[dreg:$0x0] =	wrdreg $0x60  }
0xb4: {  	[dreg:$0x2] =	wrdreg s16  }
0xb5: {  	[dreg:$0x3] =	wrdreg s24  }
0xb6: {  	[dreg:$0x4] =	wrdreg $0x90000  }
0xb7: {  	[dreg:$0x5] =	wrdreg $0x9  }
0xb8: {  	_ =	task.clear_ibuf [dreg:s7], $0x6FFFF;
	_ =	strace $0x90000046  }
0xb9: {  	s29 =	simm.s32 $0x9;
	_ =	strace $0x80000048  }
0xba: {  	_ =	swait.ge [sflag:s29], $0x1  }
0xbb: {  	[sflag:s29] =	ssyncadd.s32 $0xFFFFFFFF  }
0xbc: {  	_ =	strace $0x90000048  }
0xbd: {  	_ =	sfence  }
0xbe: {  	s30 =	sld [smem:$0x0];
	_ =	sdelay $0x2  }
0xbf: {  	s31 =	sshll.u32 s1, $0xD;
	s1 =	sshrl.u32 s1, $0x2  }
0xc0: {  	s3 =	sand.u32 $0x4000, s31;
	s1 =	sadd.s32 s1, s30  }
0xc1: {  	s0 =	sor.u32 s3, s0;
	s1 =	sshll.u32 s1, $0x11  }
0xc2: {  	s0 =	sor.u32 s1, s0  }
0xc3: {  	s0 =	sadd.s32 $0x8F2B, s0  }
0xc4: {  	[sflag:s0] =	ssyncadd.remote.s32 $0x1  }
0xc5: {  	_ =	sfence.sel $0xFFFF  }
0xc6: {  	[dreg:$0x0] =	wrdreg $0xFFFFFFFF;
	(pc) =	sbr.abs _section_cstart, $3  }
0xc7: {  	[dreg:$0x1] =	wrdreg $0xFFFFFFFF  }
0xc8: {  	_ =	task.clear_ibuf [dreg:s7], $0x2FFFF;
	_ =	strace $0x9FFFFFFF  }
0xc9: {  	(tm) =	ssettm $0x7FFFFFFF  }
tec
execute0_lowered:
.L_overlay_start_1:
0x0: {  	(tag) =	ssettag $0x1  }
0x1: {  	s7 =	rddreg [dreg:$0x0]  }
0x2: {  	s6 =	rddreg [dreg:$0x1]  }
0x3: {  	s2 =	rddreg [dreg:$0x2]  }
0x4: {  	s0 =	rddreg [dreg:$0x3]  }
0x5: {  	s3 =	simm.s32 $0x0;
	s1 =	stileid.u32;
	s5 =	srdreg.scid  }
0x6: {  	s15 =	simm.s32 $0x2;
	s16 =	simm.s32 $0x78;
	s8 =	smul.u32 $0x4E000, s1  }
0x7: {  	s17 =	simm.s32 $0x1;
	s18 =	simm.s32 $0x0;
	s9 =	smul.u32 $0x2700, s1  }
0x8: {  	[smem:$0x7FF] =	sst s3;
	s4 =	sadd.s32 $0x5C00, s6;
	s14 =	smul.u32 $0x5400, s1  }
0x9: {  	s5 =	sand.u32 $0x1, s5;
	s10 =	sadd.s32 $0x2CE00, s6;
	s29 =	smul.u32 $0x13800, s1  }
0xa: {  	s6 =	sadd.s32 $0x2A500, s6;
	p0 =	seq.s32 s1, $0xF;
	s12 =	smul.u32 $0x54000, s5  }
0xb: {  	_ =	strace $0x80000047;
	s11 =	ssub.s32 $0x2, s5;
	s26 =	smul.u32 $0x138800, s5  }
0xc: {  	s13 =	sshrl.u32 s11, $0x1;
	s8 =	sshrl.u32 s8, $0x2;
	s5 =	sadd.s32 s4, s9  }
0xd: {  	s11 =	ssub.s32 s11, s13;
	s13 =	sadd.s32 s8, s2;
	s28 =	sadd.s32 s14, s12  }
0xe: {  	s14 =	sadd.s32 $0x124800, s2;
	s30 =	sadd.s32 s29, s26;
	s8 =	sshrl.u32 s26, $0x3  }
0xf: {  	s12 =	sshll.u32 @!p0 s1, $0x6;
	s9 =	sshrl.u32 s28, $0x3;
	s31 =	sadd.s32 s10, s8  }
0x10: {  	s12 =	sor.u32 @!p0 $0x1C02, s12;
	s7 =	sadd.s32 s7, s9;
	s9 =	sshrl.u32 s30, $0x3  }
0x11: {  	s13 =	sshrl.u32 @!p0 s13, $0x3;
	s8 =	sadd.s32 s10, s9;
	s9 =	sadd.s32 $0x24900, s31  }
0x12: {  	s10 =	smax.u32 s11, $0x1;
	s11 =	sshrl.u32 @p0 s14, $0x3;
	s14 =	simm.s32 $0x5400  }
.LBB2_1:
0x13: {  	s19 =	simm.s32 @p0 $0x1FC2  }
0x14: {  	[spmem:s11], [sflag:s19] =	dma.local @p0 [hbm:s6], $0x2800  }
0x15: {  	s19 =	simm.s32 @p0 $0x2  }
0x16: {  	_ =	swait.ge @p0 [sflag:s19], $0x2800  }
0x17: {  	[sflag:s19] =	ssyncset.done @p0 $0x0  }
0x18: {  	[sflag:s19] =	ssyncadd.s32 @p0 $0xFFFFD800;
	s19 =	simm.s32 @!p0 $0x2  }
0x19: {  	[spmem:s13], [sflag:s12] =	dma.local @!p0 [hbm:s5], $0x2700  }
0x1a: {  	_ =	swait.ge @!p0 [sflag:s19], $0x2700  }
0x1b: {  	[sflag:s19] =	ssyncset.done @!p0 $0x0  }
0x1c: {  	[sflag:s19] =	ssyncadd.s32 @!p0 $0xFFFFD900  }
0x1d: {  	[tilespmem:s14], [sflag:$0x2] =	stream.linear.gather [hbm4b:s4+s3], $0x3C00, $0x38;
	[tilespmem:$0x1C8C0] =	vst v63  }
0x1e: {  	_ =	swait.ge [sflag:s15], $0x3C00  }
0x1f: {  	[sflag:s15] =	ssyncset.done $0x0  }
0x20: {  	[sflag:s15] =	ssyncadd.s32 $0xFFFFC400  }
0x21: {  	[tilespmem:s3], [sflag:$0x2] =	stream.linear.gather [hbm4b:s7+s3], $0x5400, $0x38;
	[tilespmem:$0x1C8C0] =	vst v63  }
0x22: {  	_ =	swait.ge [sflag:s15], $0x5400  }
0x23: {  	[sflag:s15] =	ssyncset.done $0x0  }
0x24: {  	[sflag:s15] =	ssyncadd.s32 $0xFFFFAC00  }
0x25: {  	s29 =	simm.s32 $0x0;
	[bflag:$0x0] =	sbarrier.arrive $0xFFFF  }
0x26: {  	[spmem:s2] =	stream.indirect.scatter.add.f32 [tilespmem:s14], [sflag:$0x1], $0x80, s29, s16, $0xb8;
	[tilespmem:$0x1C8C0] =	vst v63  }
0x27: {  	s30 =	simm.s32 $0x80  }
0x28: {  	[spmem:s2] =	stream.indirect.scatter.add.f32 [tilespmem:s14], [sflag:$0x1], $0x80, s30, s16, $0xb8;
	[tilespmem:$0x1C8C0] =	vst v63  }
0x29: {  	s31 =	simm.s32 $0x100  }
0x2a: {  	[spmem:s2] =	stream.indirect.scatter.add.f32 [tilespmem:s14], [sflag:$0x1], $0x80, s31, s16, $0xb8;
	[tilespmem:$0x1C8C0] =	vst v63  }
0x2b: {  	_ =	swait.ge [sflag:s17], $0x3C00  }
0x2c: {  	[sflag:s17] =	ssyncset.done $0x0  }
0x2d: {  	[sflag:s17] =	ssyncadd.s32 $0xFFFFC400  }
0x2e: {  	_ =	swait.ge [sflag:s17], $0x3C00  }
0x2f: {  	[sflag:s17] =	ssyncset.done $0x0  }
0x30: {  	[sflag:s17] =	ssyncadd.s32 $0xFFFFC400  }
0x31: {  	_ =	swait.ge [sflag:s17], $0x3C00  }
0x32: {  	s20 =	simm.s32 $0xC00;
	s19 =	simm.s32 $0x600;
	[sflag:s17] =	ssyncset.done $0x0  }
.LBB2_2:
0x33: {  	s21 =	sshra.s32 s19, $0x2  }
0x34: {  	[sflag:s17] =	ssyncadd.s32 $0xFFFFC400;
	s19 =	smov.u32 s20;
	s22 =	sadd.s32 $0x600, s20  }
0x35: {  	[spmem:s2] =	stream.indirect.scatter.add.f32 [tilespmem:s14], [sflag:$0x1], $0x80, s21, s16, $0xb8;
	[tilespmem:$0x1C8C0] =	vst v63  }
0x36: {  	p1 =	sne.s32 s20, $0x14A00;
	s20 =	sadd.s32 $0x80, s21  }
0x37: {  	[spmem:s2] =	stream.indirect.scatter.add.f32 [tilespmem:s14], [sflag:$0x1], $0x80, s20, s16, $0xb8;
	[tilespmem:$0x1C8C0] =	vst v63  }
0x38: {  	s20 =	sadd.s32 $0x100, s21  }
0x39: {  	[spmem:s2] =	stream.indirect.scatter.add.f32 [tilespmem:s14], [sflag:$0x1], $0x80, s20, s16, $0xb8;
	[tilespmem:$0x1C8C0] =	vst v63  }
0x3a: {  	_ =	swait.ge [sflag:s17], $0x3C00  }
0x3b: {  	[sflag:s17] =	ssyncset.done $0x0  }
0x3c: {  	[sflag:s17] =	ssyncadd.s32 $0xFFFFC400  }
.Ltmp0:
0x3d: {  	_ =	swait.ge [sflag:s17], $0x3C00;
	(pc) =	sbr.rel @p1 .LBB2_2-.Ltmp0, $4  }
0x3e: {  	[sflag:s17] =	ssyncset.done $0x0  }
0x3f: {  	[sflag:s17] =	ssyncadd.s32 $0xFFFFC400  }
0x40: {  	_ =	swait.ge [sflag:s17], $0x3C00  }
0x41: {  	s20 =	smov.u32 s22;
	[sflag:s17] =	ssyncset.done $0x0  }
0x42: {  	s19 =	sshra.s32 s19, $0x2;
	[sflag:s17] =	ssyncadd.s32 $0xFFFFC400  }
0x43: {  	[spmem:s2] =	stream.indirect.scatter.add.f32 [tilespmem:s14], [sflag:$0x1], $0x80, s19, s16, $0xb8;
	[tilespmem:$0x1C8C0] =	vst v63  }
0x44: {  	s20 =	sadd.s32 $0x80, s19  }
0x45: {  	[spmem:s2] =	stream.indirect.scatter.add.f32 [tilespmem:s14], [sflag:$0x1], $0x80, s20, s16, $0xb8;
	[tilespmem:$0x1C8C0] =	vst v63  }
0x46: {  	s19 =	sadd.s32 $0x100, s19  }
0x47: {  	[spmem:s2] =	stream.indirect.scatter.add.f32 [tilespmem:s14], [sflag:$0x1], $0x80, s19, s16, $0xb8;
	[tilespmem:$0x1C8C0] =	vst v63  }
0x48: {  	_ =	swait.ge [sflag:s17], $0x3C00  }
0x49: {  	[sflag:s17] =	ssyncset.done $0x0  }
0x4a: {  	[sflag:s17] =	ssyncadd.s32 $0xFFFFC400  }
0x4b: {  	_ =	swait.ge [sflag:s17], $0x3C00  }
0x4c: {  	[sflag:s17] =	ssyncset.done $0x0  }
0x4d: {  	[sflag:s17] =	ssyncadd.s32 $0xFFFFC400  }
0x4e: {  	_ =	swait.ge [sflag:s17], $0x3C00  }
0x4f: {  	[sflag:s17] =	ssyncset.done $0x0  }
0x50: {  	[sflag:s17] =	ssyncadd.s32 $0xFFFFC400  }
0x51: {  	s19 =	simm.s32 @p0 $0x1FC2;
	[bflag:$0x0] =	sbarrier.arrive $0xFFFF  }
0x52: {  	[hbm:s9], [sflag:s19] =	dma.local @p0 [spmem:s11], $0x2800  }
0x53: {  	s19 =	simm.s32 @p0 $0x2  }
0x54: {  	s18 =	sadd.s32 $0x1, s18;
	_ =	swait.ge @p0 [sflag:s19], $0x2800  }
0x55: {  	p1 =	sne.s32 s18, s10;
	[sflag:s19] =	ssyncset.done @p0 $0x0  }
.Ltmp1:
0x56: {  	[sflag:s19] =	ssyncadd.s32 @p0 $0xFFFFD800;
	s19 =	simm.s32 @!p0 $0x2;
	(pc) =	sbr.rel @p1 .LBB2_1-.Ltmp1, $4  }
0x57: {  	[hbm:s8], [sflag:s12] =	dma.local @!p0 [spmem:s13], $0x2700  }
0x58: {  	_ =	swait.ge @!p0 [sflag:s19], $0x2700  }
0x59: {  	[sflag:s19] =	ssyncset.done @!p0 $0x0  }
0x5a: {  	[sflag:s19] =	ssyncadd.s32 @!p0 $0xFFFFD900  }
0x5b: {  	_ =	sfence.sel $0x180000  }
0x5c: {  	[bflag:$0x0] =	sbarrier.arrive $0xFFFF  }
0x5d: {  	p0 =	sne.s32 s1, $0x0;
	_ =	strace $0x90000047  }
0x5e: {  	s0 =	sadd.s32 @!p0 $0x100000, s0;
	[bflag:$0x2] =	sbarrier.arrive $0xFFFF  }
0x5f: {  	[sflag:s0] =	ssyncadd.tile.s32 @!p0 $0x1;
	_ =	shalt  }
.Lfunc_end2:
_tile_overlayer_lowered:
.L_overlay_start_2:
0x60: {  	(tag) =	ssettag $0x2  }
0x61: {  	s0 =	rddreg [dreg:$0x0];
	s2 =	stileid.u32  }
0x62: {  	s1 =	rddreg [dreg:$0x1];
	p0 =	sne.s32 s2, $0x0  }
0x63: {  	s3 =	rddreg [dreg:$0x2];
	[bflag:$0x3] =	sbarrier.arrive $0xFFFF;
	s2 =	simm.s32 @!p0 $0x1C02  }
0x64: {  	[timem:s3], [sflag:s2] =	dma.local @!p0 [hbm:s0], s1  }
0x65: {  	s0 =	simm.s32 @!p0 $0x2  }
0x66: {  	_ =	swait.ge @!p0 [sflag:s0], s1  }
0x67: {  	s1 =	ssub.s32 @!p0 $0x0, s1;
	[sflag:s0] =	ssyncset.done @!p0 $0x0  }
0x68: {  	[sflag:s0] =	ssyncadd.s32 @!p0 s1  }
0x69: {  	[bflag:$0x3] =	sbarrier.arrive $0xFFFF  }
0x6a: {  	_ =	shalt  }

// kernel: kernel.13.cloned.1.call-start
scs
__scs_entry_jumppad:
0x0: {  	(pc) =	sbr.rel $0x88, $3  }
0x1: {  	(tag) =	ssettag $0x0;
	lr =	simm.s32 $0x1  }
0x2: {  	[smem:$0x3F79] =	sst lr;
	_ =	strace $0xD0000000  }
0x3: {  	_ = 	snop  }
0x4: {  	_ = 	snop  }
0x5: {  	_ = 	snop  }
0x6: {  	_ = 	snop  }
0x7: {  	_ = 	snop  }
__scs_overlays_trampoline_lowered:
0x8: {  	[smem:$0x3F88] =	sst s0  }
0x9: {  	[smem:$0x3F89] =	sst s1  }
0xa: {  	[smem:$0x3F8A] =	sst s2  }
0xb: {  	[smem:$0x3F8B] =	sst s3  }
0xc: {  	[smem:$0x3F8C] =	sst s4  }
0xd: {  	[smem:$0x3F8D] =	sst s5  }
0xe: {  	[smem:$0x3F8E] =	sst s6  }
0xf: {  	[smem:$0x3F8F] =	sst s7  }
0x10: {  	[smem:$0x3F90] =	sst s8  }
0x11: {  	[smem:$0x3F91] =	sst s9;
	s0 =	simm.s32 @!p0 $0x0  }
0x12: {  	s1 =	sld [smem:$0x3F77];
	s0 =	simm.s32 @p0 $0x1  }
0x13: {  	[smem:$0x3F92] =	sst s0;
	s0 =	simm.s32 @!p1 $0x0  }
0x14: {  	s2 =	sld [smem:$0x3F76];
	s0 =	simm.s32 @p1 $0x1  }
0x15: {  	[smem:$0x3F93] =	sst s0;
	s0 =	simm.s32 @!p2 $0x0  }
0x16: {  	s3 =	sld [smem:$0x3FDB];
	s0 =	simm.s32 @p2 $0x1  }
0x17: {  	s4 =	simm.s32 $0x1BF5;
	[smem:$0x3F95] =	sst s0  }
0x18: {  	s0 =	sld [smem:$0x3F78];
	_ =	swait.ge [sflag:s4], $0x0  }
0x19: {  	s7 =	sld [smem:$0x3F79]  }
0x1a: {  	s8 =	sadd.s32 $0xFFFFE003, lr  }
0x1b: {  	s9 =	sadd.s32 $0xFFFFFEF7, lr;
	s5 =	simm.s32 $0xFFFFFFFF;
	p2 =	slt.u32 s8, $0xFFFFF086  }
0x1c: {  	p1 =	slt.u32 s9, $0xF7A;
	s5 =	simm.s32 @!p2 $0x0  }
0x1d: {  	s5 =	simm.s32 @p1 $0x1;
	p0 =	seq.s32 s7, s2  }
0x1e: {  	s7 =	smul.u32 @!p0 $0xF7A, s2;
	p2 =	seq.s32 @!p0 s5, $0x0  }
0x1f: {  	s9 =	smul.u32 $0xF7A, s1;
	s8 =	simm.s32 @!p0 $0x1BF5;
	p2 =	por !p2, p0  }
0x20: {  	[sflag:s8] =	ssyncset.s32 @!p0 $0xFFFFF086;
	s6 =	sadd.s32 @!p0 s3, s7;
	s7 =	simm.s32 @!p0 $0x108  }
0x21: {  	s3 =	sadd.s32 s3, s9;
	s6 =	sadd.s32 @!p0 $0x88, s6;
	s7 =	simm.s32 @p2 $0x1082  }
0x22: {  	[simem:s7], [sflag:s8] =	dma.local @!p0 [hbm:s6], $0xF7A  }
0x23: {  	s9 =	sor.u32 $0xD0000000, s2;
	s6 =	simm.s32 $0x108;
	_ =	swait.ge @!p0 [sflag:s8], $0x0  }
0x24: {  	s3 =	sadd.s32 $0x88, s3;
	s6 =	simm.s32 @!p1 $0x1082;
	[sflag:s4] =	ssyncset.s32 $0xFFFFF086  }
0x25: {  	[simem:s6], [sflag:s4] =	dma.local [hbm:s3], $0xF7A  }
0x26: {  	[smem:$0x3F79] =	sst s1;
	(tag) =	ssettag s2;
	_ =	strace s9  }
0x27: {  	s1 =	sld [smem:$0x3F89]  }
0x28: {  	s2 =	sld [smem:$0x3F8A]  }
0x29: {  	s4 =	sld [smem:$0x3F8C]  }
0x2a: {  	p0 =	seq.s32 s5, $0x0;
	s5 =	sld [smem:$0x3F8D]  }
0x2b: {  	s6 =	sld [smem:$0x3F8E]  }
0x2c: {  	s7 =	sld [smem:$0x3F8F]  }
0x2d: {  	s3 =	simm.s32 $0x108;
	s8 =	sld [smem:$0x3F90]  }
0x2e: {  	s3 =	simm.s32 @!p0 $0x1082;
	s9 =	sld [smem:$0x3F91]  }
0x2f: {  	lr =	sadd.s32 s0, s3;
	s0 =	sld [smem:$0x3F88]  }
0x30: {  	s3 =	sld [smem:$0x3F8B]  }
0x31: {  	[smem:$0x3F94] =	sst s10  }
0x32: {  	s10 =	sld [smem:$0x3F92];
	_ =	sdelay $0x3  }
0x33: {  	p0 =	seq.s32 s10, $0x1;
	s10 =	sld [smem:$0x3F94];
	_ =	sdelay $0x3  }
0x34: {  	[smem:$0x3F94] =	sst s10  }
0x35: {  	s10 =	sld [smem:$0x3F93];
	_ =	sdelay $0x3  }
0x36: {  	p1 =	seq.s32 s10, $0x1;
	s10 =	sld [smem:$0x3F94];
	_ =	sdelay $0x3  }
0x37: {  	[smem:$0x3F94] =	sst s10  }
0x38: {  	s10 =	sld [smem:$0x3F95]  }
0x39: {  	_ = 	snop;
	(pc) =	sbr.ind lr, $3  }
0x3a: {  	_ = 	snop  }
0x3b: {  	_ = 	snop  }
0x3c: {  	p2 =	seq.s32 s10, $0x1;
	s10 =	sld [smem:$0x3F94]  }
0x3d: {  	_ =	shalt  }
0x3e: {  	_ =	shalt  }
0x3f: {  	_ =	shalt  }
0x40: {  	_ =	shalt  }
0x41: {  	_ =	shalt  }
0x42: {  	_ =	shalt  }
0x43: {  	_ =	shalt  }
0x44: {  	_ =	shalt  }
0x45: {  	_ =	shalt  }
0x46: {  	_ =	shalt  }
0x47: {  	_ =	shalt  }
0x48: {  	_ =	shalt  }
0x49: {  	_ =	shalt  }
0x4a: {  	_ =	shalt  }
0x4b: {  	_ =	shalt  }
0x4c: {  	_ =	shalt  }
0x4d: {  	_ =	shalt  }
0x4e: {  	_ =	shalt  }
0x4f: {  	_ =	shalt  }
0x50: {  	_ =	shalt  }
0x51: {  	_ =	shalt  }
0x52: {  	_ =	shalt  }
0x53: {  	_ =	shalt  }
0x54: {  	_ =	shalt  }
0x55: {  	_ =	shalt  }
0x56: {  	_ =	shalt  }
0x57: {  	_ =	shalt  }
0x58: {  	_ =	shalt  }
0x59: {  	_ =	shalt  }
0x5a: {  	_ =	shalt  }
0x5b: {  	_ =	shalt  }
0x5c: {  	_ =	shalt  }
0x5d: {  	_ =	shalt  }
0x5e: {  	_ =	shalt  }
0x5f: {  	_ =	shalt  }
0x60: {  	_ =	shalt  }
0x61: {  	_ =	shalt  }
0x62: {  	_ =	shalt  }
0x63: {  	_ =	shalt  }
0x64: {  	_ =	shalt  }
0x65: {  	_ =	shalt  }
0x66: {  	_ =	shalt  }
0x67: {  	_ =	shalt  }
0x68: {  	_ =	shalt  }
0x69: {  	_ =	shalt  }
0x6a: {  	_ =	shalt  }
0x6b: {  	_ =	shalt  }
0x6c: {  	_ =	shalt  }
0x6d: {  	_ =	shalt  }
0x6e: {  	_ =	shalt  }
0x6f: {  	_ =	shalt  }
0x70: {  	_ =	shalt  }
0x71: {  	_ =	shalt  }
0x72: {  	_ =	shalt  }
0x73: {  	_ =	shalt  }
0x74: {  	_ =	shalt  }
0x75: {  	_ =	shalt  }
0x76: {  	_ =	shalt  }
0x77: {  	_ =	shalt  }
0x78: {  	_ =	shalt  }
0x79: {  	_ =	shalt  }
0x7a: {  	_ =	shalt  }
0x7b: {  	_ =	shalt  }
0x7c: {  	_ =	shalt  }
0x7d: {  	_ =	shalt  }
0x7e: {  	_ =	shalt  }
0x7f: {  	_ =	shalt  }
0x80: {  	_ =	shalt  }
0x81: {  	_ =	shalt  }
0x82: {  	_ =	shalt  }
0x83: {  	_ =	shalt  }
0x84: {  	_ =	shalt  }
0x85: {  	_ =	shalt  }
0x86: {  	_ =	shalt  }
0x87: {  	_ =	shalt  }
.Lfunc_end0:
.L_simem_size_0:
called_computation.1_lowered:
.L_overlay_start_0:
0x88: {  	s2 =	sld [smem:$0x3FD9]  }
0x89: {  	s3 =	sld [smem:$0x3FFE];
	_ =	sdelay $0x1  }
0x8a: {  	s1 =	srdreg.scid  }
0x8b: {  	s0 =	sand.u32 $0x1, s1  }
0x8c: {  	s14 =	sshll.u32 s0, $0xA;
	s2 =	sadd.s32 s3, s2  }
0x8d: {  	s2 =	sadd.s32 s2, s14  }
0x8e: {  	[smem:$0x3FA0] =	sst s2  }
0x8f: {  	_ = 	snop  }
0x90: {  	s2 =	sld [smem:$0x3FD0];
	_ =	sdelay $0x2  }
0x91: {  	s15 =	simm.s32 $0xA;
	s4 =	simm.s32 $0x10  }
0x92: {  	[smem:s4], [sflag:s15] =	dma.local [hbm:s2], $0x1  }
0x93: {  	_ =	swait.eq [sflag:s15], $0x1  }
0x94: {  	[sflag:s15] =	ssyncset.done $0x0  }
0x95: {  	s16 =	sld [smem:$0x10];
	[sflag:s15] =	ssyncadd.s32 $0xFFFFFFFF  }
0x96: {  	s17 =	sld [smem:$0x12];
	(tm) =	ssettm $0x1  }
0x97: {  	s18 =	sld [smem:$0x3FFB];
	_ =	sdelay $0x3  }
0x98: {  	_ =	strace s18  }
0x99: {  	s4 =	sld [smem:$0x3FFC];
	_ =	sdelay $0x3  }
0x9a: {  	_ =	strace s4  }
0x9b: {  	s4 =	sld [smem:$0x3FFD];
	_ =	sdelay $0x3  }
0x9c: {  	_ =	strace s4  }
0x9d: {  	_ =	strace $0x8FFFFFFF  }
0x9e: {  	s19 =	sld [smem:$0x3FDB];
	_ =	sdelay $0x1  }
0x9f: {  	s5 =	simm.s32 $_scs_section_size  }
0xa0: {  	s6 =	simm.s32 $_size__tile_overlayer_lowered;
	s7 =	simm.s32 $_tile_overlayer_lowered  }
0xa1: {  	s22 =	simm.s32 $0x1BFF;
	s21 =	sshll.u32 s7, $0x1;
	s4 =	sadd.s32 s5, s19  }
0xa2: {  	s8 =	simm.s32 $0x0;
	s20 =	sshll.u32 s6, $0x1;
	s6 =	sadd.s32 s21, s4  }
0xa3: {  	[timem:s8], [sflag:s22] =	dma.local [hbm:s6], s20  }
0xa4: {  	_ =	swait.ge [sflag:s22], s20  }
0xa5: {  	s5 =	ssub.s32 $0x0, s20;
	[sflag:s22] =	ssyncset.done $0x0  }
0xa6: {  	[sflag:s22] =	ssyncadd.s32 s5;
	_ =	sdelay $0x1  }
0xa7: {  	s23 =	simm.s32 $0x1B8B  }
0xa8: {  	_ =	swait.ge [sflag:s23], $0x1  }
0xa9: {  	[sflag:s23] =	ssyncset.done $0x0  }
0xaa: {  	s25 =	simm.s32 $0x1B8E;
	s24 =	sld [smem:$0x3FFE];
	[sflag:s23] =	ssyncadd.s32 $0xFFFFFFFF  }
0xab: {  	s26 =	simm.s32 $execute0_lowered;
	[smem:$0x3FD2] =	sst s25  }
0xac: {  	s6 =	sshll.u32 s26, $0x1;
	_ =	strace $0x80000049;
	[dreg:$0x1] =	wrdreg $0xFFFFFFFF  }
0xad: {  	s28 =	simm.s32 $_size_execute0_lowered;
	s4 =	sadd.s32 s4, s6;
	[dreg:$0x0] =	wrdreg $0x0  }
0xae: {  	s6 =	sshll.u32 s28, $0x1;
	[dreg:$0x2] =	wrdreg s4  }
0xaf: {  	[dreg:$0x3] =	wrdreg s6  }
0xb0: {  	[dreg:$0x4] =	wrdreg $0xC0  }
0xb1: {  	_ =	task [dreg:s8], $0x5FFFF  }
0xb2: {  	[dreg:$0x1] =	wrdreg $0xFFFFFFFF  }
0xb3: {  	[dreg:$0x0] =	wrdreg $0x60  }
0xb4: {  	[dreg:$0x2] =	wrdreg s24  }
0xb5: {  	[dreg:$0x3] =	wrdreg s17  }
0xb6: {  	[dreg:$0x4] =	wrdreg s16  }
0xb7: {  	[dreg:$0x5] =	wrdreg $0xBC000  }
0xb8: {  	[dreg:$0x6] =	wrdreg $0x9  }
0xb9: {  	_ =	task.clear_ibuf [dreg:s8], $0x7FFFF;
	_ =	strace $0x90000049  }
0xba: {  	s29 =	simm.s32 $0x9;
	_ =	strace $0x8000004B  }
0xbb: {  	_ =	swait.ge [sflag:s29], $0x1  }
0xbc: {  	[sflag:s29] =	ssyncadd.s32 $0xFFFFFFFF  }
0xbd: {  	_ =	strace $0x9000004B  }
0xbe: {  	_ =	sfence  }
0xbf: {  	s30 =	sld [smem:$0x0];
	_ =	sdelay $0x2  }
0xc0: {  	s31 =	sshll.u32 s1, $0xD;
	s1 =	sshrl.u32 s1, $0x2  }
0xc1: {  	s3 =	sand.u32 $0x4000, s31;
	s1 =	sadd.s32 s1, s30  }
0xc2: {  	s0 =	sor.u32 s3, s0;
	s1 =	sshll.u32 s1, $0x11  }
0xc3: {  	s0 =	sor.u32 s1, s0  }
0xc4: {  	s0 =	sadd.s32 $0x8F2B, s0  }
0xc5: {  	[sflag:s0] =	ssyncadd.remote.s32 $0x1  }
0xc6: {  	_ =	sfence.sel $0xFFFF  }
0xc7: {  	[dreg:$0x0] =	wrdreg $0xFFFFFFFF;
	(pc) =	sbr.abs _section_cstart, $3  }
0xc8: {  	[dreg:$0x1] =	wrdreg $0xFFFFFFFF  }
0xc9: {  	_ =	task.clear_ibuf [dreg:s8], $0x2FFFF;
	_ =	strace $0x9FFFFFFF  }
0xca: {  	(tm) =	ssettm $0x7FFFFFFF  }
0xcb: {  	_ =	shalt  }
tec
execute0_lowered:
.L_overlay_start_1:
0x0: {  	(tag) =	ssettag $0x1  }
0x1: {  	s0 =	rddreg [dreg:$0x0]  }
0x2: {  	s1 =	rddreg [dreg:$0x1]  }
0x3: {  	s3 =	rddreg [dreg:$0x2];
	s2 =	srdreg.scid  }
0x4: {  	s14 =	stileid.u32;
	s4 =	rddreg [dreg:$0x3]  }
0x5: {  	s5 =	simm.s32 $0x0;
	s29 =	simm.s32 $0x80;
	s7 =	smul.u32 $0x4E000, s14  }
0x6: {  	s30 =	simm.s32 $0x480;
	s31 =	simm.s32 $0x100;
	s9 =	smul.u32 $0x2700, s14  }
0x7: {  	s2 =	sand.u32 $0x1, s2;
	[smem:$0x7FF] =	sst s5;
	s13 =	smul.u32 $0x5400, s14  }
0x8: {  	s6 =	sadd.s32 $0x7B000, s0;
	s0 =	sadd.s32 $0xC9200, s0;
	s18 =	smul.u32 $0x13800, s14  }
0x9: {  	p0 =	seq.s32 s14, $0xF;
	s14 =	simm.s32 $0x78;
	s8 =	smul.u32 $0x27100, s2  }
0xa: {  	_ =	strace $0x8000004A;
	s10 =	smul.u32 $0x138800, s2;
	s11 =	ssub.s32 $0x2, s2  }
0xb: {  	s2 =	smul.u32 $0x54000, s2;
	s12 =	sshrl.u32 s11, $0x1;
	s7 =	sshrl.u32 s7, $0x2  }
0xc: {  	s11 =	ssub.s32 s11, s12;
	s7 =	sadd.s32 s7, s4;
	s21 =	sadd.s32 s9, s8  }
0xd: {  	s22 =	sshrl.u32 s10, $0x3;
	s8 =	sadd.s32 s13, s2;
	s10 =	sadd.s32 s18, s10  }
0xe: {  	s2 =	simm.s32 $0x500;
	s12 =	simm.s32 $0x300;
	s18 =	simm.s32 $0x1  }
0xf: {  	[dreg:$0x5] =	wrdreg s7;
	s23 =	sadd.s32 s6, s21;
	s24 =	sadd.s32 $0x24900, s22  }
0x10: {  	s25 =	sshrl.u32 s8, $0x3;
	[dreg:$0x6] =	wrdreg s23;
	s9 =	sadd.s32 s6, s24  }
0x11: {  	s26 =	sadd.s32 s1, s25;
	s28 =	sor.u32 $0x10, s25;
	[dreg:$0x7] =	wrdreg s9  }
0x12: {  	s13 =	sadd.s32 s3, s25;
	s16 =	sor.u32 $0x20, s25;
	[dreg:$0x8] =	wrdreg s26  }
0x13: {  	s17 =	sor.u32 $0x30, s25;
	[dreg:$0x9] =	wrdreg s13;
	s15 =	sadd.s32 s1, s28  }
0x14: {  	s21 =	sor.u32 $0x40, s25;
	s9 =	sadd.s32 s3, s28;
	[dreg:$0xa] =	wrdreg s15  }
0x15: {  	s23 =	sshrl.u32 s10, $0x3;
	s19 =	sadd.s32 s1, s17;
	[dreg:$0xb] =	wrdreg s9  }
0x16: {  	s7 =	sor.u32 $0x50, s25;
	s20 =	sadd.s32 s3, s17;
	[dreg:$0xe] =	wrdreg s19  }
0x17: {  	s10 =	simm.s32 $0x280;
	s22 =	sadd.s32 s1, s21;
	[dreg:$0xf] =	wrdreg s20  }
0x18: {  	s25 =	sadd.s32 s3, s7;
	s26 =	smax.u32 s11, $0x1;
	[dreg:$0x10] =	wrdreg s22  }
0x19: {  	s28 =	sadd.s32 $0x124800, s4;
	s11 =	simm.s32 $0x680;
	[dreg:$0x15] =	wrdreg s25  }
0x1a: {  	s13 =	simm.s32 $0x700;
	s17 =	simm.s32 $0x8000;
	[dreg:$0x16] =	wrdreg s26  }
0x1b: {  	s15 =	sadd.s32 s1, s16;
	s9 =	sadd.s32 s3, s16;
	[dreg:$0x17] =	wrdreg s28  }
0x1c: {  	s16 =	simm.s32 $0x4400;
	s19 =	simm.s32 $0x2;
	s20 =	simm.s32 $0x3  }
0x1d: {  	s22 =	simm.s32 $0x6;
	s25 =	simm.s32 $0x0;
	[dreg:$0xc] =	wrdreg s15  }
.Ltmp0:
0x1e: {  	[dreg:$0xd] =	wrdreg s9;
	s9 =	sadd.s32 s3, s21;
	(pc) =	sbr.rel .LBB2_1-.Ltmp0, $4  }
0x1f: {  	s15 =	simm.s32 $0x800;
	[dreg:$0x11] =	wrdreg s9;
	s9 =	sadd.s32 s0, s23  }
0x20: {  	s21 =	simm.s32 $0x4;
	s0 =	sadd.s32 s0, s24;
	[dreg:$0x12] =	wrdreg s9  }
0x21: {  	s24 =	sadd.s32 s1, s7;
	s7 =	simm.s32 $0x200;
	[dreg:$0x13] =	wrdreg s0  }
0x22: {  	[dreg:$0x14] =	wrdreg s24;
	s0 =	simm.s32 $0x5;
	s9 =	simm.s32 $0x600  }
.LBB2_4:
0x23: {  	[bflag:$0x0] =	sbarrier.arrive $0xFFFF  }
0x24: {  	s24 =	rddreg [dreg:$0x13]  }
0x25: {  	s23 =	simm.s32 @p0 $0x1FC7;
	s25 =	rddreg [dreg:$0x19]  }
0x26: {  	[hbm:s24], [sflag:s23] =	dma.local @p0 [spmem:s25], $0x2800  }
0x27: {  	s23 =	simm.s32 @p0 $0x7  }
0x28: {  	_ =	swait.ge @p0 [sflag:s23], $0x2800  }
0x29: {  	s24 =	rddreg [dreg:$0x1a]  }
0x2a: {  	[sflag:s23] =	ssyncset.done @p0 $0x0;
	s25 =	rddreg [dreg:$0x1b]  }
0x2b: {  	[sflag:s23] =	ssyncadd.s32 @p0 $0xFFFFD800;
	s23 =	rddreg [dreg:$0x12]  }
0x2c: {  	[hbm:s23], [sflag:s24] =	dma.local @!p0 [spmem:s25], $0x2700  }
0x2d: {  	s23 =	simm.s32 @!p0 $0x7  }
0x2e: {  	_ =	swait.ge @!p0 [sflag:s23], $0x2700  }
0x2f: {  	s26 =	rddreg [dreg:$0x18]  }
0x30: {  	s28 =	rddreg [dreg:$0x16];
	s25 =	sadd.s32 $0x1, s26  }
0x31: {  	p1 =	sne.s32 s25, s28  }
.Ltmp1:
0x32: {  	_ = 	snop;
	(pc) =	sbr.rel @!p1 .LBB2_5-.Ltmp1, $3  }
0x33: {  	_ =	sdelay $0x1  }
0x34: {  	[sflag:s23] =	ssyncset.done @!p0 $0x0  }
0x35: {  	[sflag:s23] =	ssyncadd.s32 @!p0 $0xFFFFD900  }
.LBB2_1:
0x36: {  	[dreg:$0x18] =	wrdreg s25  }
0x37: {  	s23 =	rddreg [dreg:$0x17]  }
0x38: {  	s25 =	sshrl.u32 @p0 s23, $0x3;
	s23 =	rddreg [dreg:$0x7]  }
0x39: {  	s24 =	simm.s32 @p0 $0x1FC7;
	[dreg:$0x19] =	wrdreg s25  }
0x3a: {  	[spmem:s25], [sflag:s24] =	dma.local @p0 [hbm:s23], $0x2800  }
0x3b: {  	s24 =	simm.s32 @p0 $0x7  }
0x3c: {  	_ =	swait.ge @p0 [sflag:s24], $0x2800  }
0x3d: {  	s23 =	stileid.u32;
	[sflag:s24] =	ssyncset.done @p0 $0x0  }
0x3e: {  	s25 =	sshll.u32 @!p0 s23, $0x6;
	s23 =	rddreg [dreg:$0x5];
	[sflag:s24] =	ssyncadd.s32 @p0 $0xFFFFD800  }
0x3f: {  	s24 =	sor.u32 @!p0 $0x1C07, s25;
	s25 =	sshrl.u32 @!p0 s23, $0x3;
	s23 =	rddreg [dreg:$0x6]  }
0x40: {  	[dreg:$0x1a] =	wrdreg s24  }
0x41: {  	[dreg:$0x1b] =	wrdreg s25  }
0x42: {  	[spmem:s25], [sflag:s24] =	dma.local @!p0 [hbm:s23], $0x2700  }
0x43: {  	s24 =	simm.s32 @!p0 $0x7  }
0x44: {  	_ =	swait.ge @!p0 [sflag:s24], $0x2700  }
0x45: {  	[sflag:s24] =	ssyncset.done @!p0 $0x0  }
0x46: {  	[sflag:s24] =	ssyncadd.s32 @!p0 $0xFFFFD900  }
0x47: {  	[bflag:$0x0] =	sbarrier.arrive $0xFFFF  }
0x48: {  	s28 =	rddreg [dreg:$0x8]  }
0x49: {  	[tilespmem:s5], [sflag:$0x5] =	stream.linear.gather [hbm4b:s28+s5], $0x80, $0x38;
	[tilespmem:$0x1F4C0] =	vst v63  }
0x4a: {  	s25 =	simm.s32 $0x400;
	s24 =	rddreg [dreg:$0x9]  }
0x4b: {  	[tilespmem:s25], [sflag:$0x5] =	stream.linear.gather [hbm4b:s24+s5], $0x80, $0x38;
	[tilespmem:$0x1F4C0] =	vst v63  }
0x4c: {  	s26 =	rddreg [dreg:$0xa]  }
0x4d: {  	[tilespmem:s29], [sflag:$0x5] =	stream.linear.gather [hbm4b:s26+s5], $0x80, $0x38;
	[tilespmem:$0x1F4C0] =	vst v63  }
0x4e: {  	s28 =	rddreg [dreg:$0xb]  }
0x4f: {  	[tilespmem:s30], [sflag:$0x5] =	stream.linear.gather [hbm4b:s28+s5], $0x80, $0x38;
	[tilespmem:$0x1F4C0] =	vst v63  }
0x50: {  	s24 =	rddreg [dreg:$0xc]  }
0x51: {  	[tilespmem:s31], [sflag:$0x5] =	stream.linear.gather [hbm4b:s24+s5], $0x80, $0x38;
	[tilespmem:$0x1F4C0] =	vst v63  }
0x52: {  	s25 =	rddreg [dreg:$0xd]  }
0x53: {  	[tilespmem:s2], [sflag:$0x5] =	stream.linear.gather [hbm4b:s25+s5], $0x80, $0x38;
	[tilespmem:$0x1F4C0] =	vst v63  }
0x54: {  	_ =	swait.ge [sflag:s0], $0x80  }
0x55: {  	[sflag:s0] =	ssyncset.done $0x0  }
0x56: {  	[sflag:s0] =	ssyncadd.s32 $0xFFFFFF80  }
0x57: {  	_ =	swait.ge [sflag:s0], $0x80  }
0x58: {  	[sflag:s0] =	ssyncset.done $0x0  }
0x59: {  	[sflag:s0] =	ssyncadd.s32 $0xFFFFFF80  }
0x5a: {  	_ =	swait.ge [sflag:s0], $0x80  }
0x5b: {  	[sflag:s0] =	ssyncset.done $0x0  }
0x5c: {  	[sflag:s0] =	ssyncadd.s32 $0xFFFFFF80  }
0x5d: {  	_ =	swait.ge [sflag:s0], $0x80  }
0x5e: {  	[sflag:s0] =	ssyncset.done $0x0  }
0x5f: {  	[sflag:s0] =	ssyncadd.s32 $0xFFFFFF80  }
0x60: {  	_ =	swait.ge [sflag:s0], $0x80  }
0x61: {  	[sflag:s0] =	ssyncset.done $0x0  }
0x62: {  	[sflag:s0] =	ssyncadd.s32 $0xFFFFFF80  }
0x63: {  	_ =	swait.ge [sflag:s0], $0x80  }
0x64: {  	[sflag:s0] =	ssyncset.done $0x0  }
0x65: {  	s26 =	rddreg [dreg:$0xe];
	[sflag:s0] =	ssyncadd.s32 $0xFFFFFF80  }
0x66: {  	[tilespmem:s7], [sflag:$0x6] =	stream.linear.gather [hbm4b:s26+s5], $0x80, $0x38;
	[tilespmem:$0x1F4C0] =	vst v63  }
0x67: {  	s28 =	rddreg [dreg:$0xf]  }
0x68: {  	[tilespmem:s9], [sflag:$0x6] =	stream.linear.gather [hbm4b:s28+s5], $0x80, $0x38;
	[tilespmem:$0x1F4C0] =	vst v63  }
0x69: {  	s24 =	rddreg [dreg:$0x10]  }
0x6a: {  	[tilespmem:s10], [sflag:$0x6] =	stream.linear.gather [hbm4b:s24+s5], $0x80, $0x38;
	[tilespmem:$0x1F4C0] =	vst v63  }
0x6b: {  	s25 =	rddreg [dreg:$0x11]  }
0x6c: {  	[tilespmem:s11], [sflag:$0x6] =	stream.linear.gather [hbm4b:s25+s5], $0x80, $0x38;
	[tilespmem:$0x1F4C0] =	vst v63  }
0x6d: {  	s26 =	rddreg [dreg:$0x14]  }
0x6e: {  	[tilespmem:s12], [sflag:$0x6] =	stream.linear.gather [hbm4b:s26+s5], $0x80, $0x38;
	[tilespmem:$0x1F4C0] =	vst v63  }
0x6f: {  	s28 =	rddreg [dreg:$0x15];
	s24 =	simm.s32 $0x580  }
0x70: {  	[tilespmem:s13], [sflag:$0x6] =	stream.linear.gather [hbm4b:s28+s5], $0x80, $0x38;
	[tilespmem:$0x1F4C0] =	vst v63  }
.LBB2_2:
0x71: {  	[tilespmem:s15], [sflag:$0x1] =	stream.indirect.gather [hbm4b:s6+s14], $0x80, s5, s14, $0xb8;
	[tilespmem:$0x1F4C0] =	vst v63  }
0x72: {  	_ = 	snop  }
0x73: {  	[tilespmem:s16], [sflag:$0x2] =	stream.indirect.gather [hbm4b:s6+s14], $0x80, s29, s14, $0xb8;
	[tilespmem:$0x1F4C0] =	vst v63  }
0x74: {  	_ = 	snop  }
0x75: {  	[tilespmem:s17], [sflag:$0x3] =	stream.indirect.gather [hbm4b:s6+s14], $0x80, s31, s14, $0xb8;
	[tilespmem:$0x1F4C0] =	vst v63  }
0x76: {  	_ =	swait.ge [sflag:s18], $0x3C00  }
0x77: {  	[sflag:s18] =	ssyncset.done $0x0  }
0x78: {  	s23 =	simm.s32 $0x400;
	[sflag:s18] =	ssyncadd.s32 $0xFFFFC400  }
0x79: {  	[spmem:s4] =	stream.indirect.scatter.add.f32 [tilespmem:s15], [sflag:$0x4], $0x80, s23, s14, $0xb8;
	[tilespmem:$0x1F4C0] =	vst v63  }
0x7a: {  	_ =	swait.ge [sflag:s19], $0x3C00  }
0x7b: {  	[sflag:s19] =	ssyncset.done $0x0  }
0x7c: {  	[sflag:s19] =	ssyncadd.s32 $0xFFFFC400  }
0x7d: {  	[spmem:s4] =	stream.indirect.scatter.add.f32 [tilespmem:s16], [sflag:$0x4], $0x80, s30, s14, $0xb8;
	[tilespmem:$0x1F4C0] =	vst v63  }
0x7e: {  	_ =	swait.ge [sflag:s20], $0x3C00  }
0x7f: {  	[sflag:s20] =	ssyncset.done $0x0  }
0x80: {  	[sflag:s20] =	ssyncadd.s32 $0xFFFFC400  }
0x81: {  	[spmem:s4] =	stream.indirect.scatter.add.f32 [tilespmem:s17], [sflag:$0x4], $0x80, s2, s14, $0xb8;
	[tilespmem:$0x1F4C0] =	vst v63  }
0x82: {  	_ =	swait.ge [sflag:s21], $0x3C00  }
0x83: {  	[sflag:s21] =	ssyncset.done $0x0  }
0x84: {  	[sflag:s21] =	ssyncadd.s32 $0xFFFFC400  }
0x85: {  	_ =	swait.ge [sflag:s21], $0x3C00  }
0x86: {  	[sflag:s21] =	ssyncset.done $0x0  }
0x87: {  	[sflag:s21] =	ssyncadd.s32 $0xFFFFC400  }
0x88: {  	_ =	swait.ge [sflag:s21], $0x3C00  }
0x89: {  	[sflag:s21] =	ssyncset.done $0x0  }
0x8a: {  	[sflag:s21] =	ssyncadd.s32 $0xFFFFC400  }
0x8b: {  	_ =	swait.ge [sflag:s22], $0x80  }
0x8c: {  	[sflag:s22] =	ssyncset.done $0x0  }
0x8d: {  	[sflag:s22] =	ssyncadd.s32 $0xFFFFFF80  }
0x8e: {  	_ =	swait.ge [sflag:s22], $0x80  }
0x8f: {  	[sflag:s22] =	ssyncset.done $0x0  }
0x90: {  	[sflag:s22] =	ssyncadd.s32 $0xFFFFFF80  }
0x91: {  	_ =	swait.ge [sflag:s22], $0x80  }
0x92: {  	[sflag:s22] =	ssyncset.done $0x0  }
0x93: {  	[sflag:s22] =	ssyncadd.s32 $0xFFFFFF80  }
0x94: {  	_ =	swait.ge [sflag:s22], $0x80  }
0x95: {  	[sflag:s22] =	ssyncset.done $0x0  }
0x96: {  	p1 =	seq.s32 s24, $0x5680;
	[sflag:s22] =	ssyncadd.s32 $0xFFFFFF80  }
0x97: {  	s25 =	sadd.s32 @!p1 $0xFFFFFD80, s24;
	_ =	swait.ge [sflag:s22], $0x80  }
0x98: {  	s26 =	sand.u32 @!p1 $0xFC00, s25;
	[sflag:s22] =	ssyncset.done $0x0  }
0x99: {  	s25 =	sand.u32 @!p1 $0x300, s25;
	s26 =	sadd.s32 @!p1 s8, s26;
	[sflag:s22] =	ssyncadd.s32 $0xFFFFFF80  }
0x9a: {  	s25 =	sor.u32 @!p1 s25, s26;
	_ =	swait.ge [sflag:s22], $0x80  }
0x9b: {  	s25 =	sshrl.u32 @!p1 s25, $0x3;
	[sflag:s22] =	ssyncset.done $0x0  }
0x9c: {  	s26 =	sadd.s32 @!p1 s1, s25;
	s23 =	simm.s32 @!p1 $0x0;
	[sflag:s22] =	ssyncadd.s32 $0xFFFFFF80  }
0x9d: {  	[tilespmem:s23], [sflag:$0x5] =	stream.linear.gather @!p1 [hbm4b:s26+s23], $0x80, $0x38;
	[tilespmem:$0x1F4C0] =	vst v63  }
0x9e: {  	s28 =	simm.s32 @!p1 $0x400;
	s26 =	sadd.s32 @!p1 s3, s25;
	s25 =	sor.u32 @!p1 $0x10, s25  }
0x9f: {  	[tilespmem:s28], [sflag:$0x5] =	stream.linear.gather @!p1 [hbm4b:s26+s23], $0x80, $0x38;
	[tilespmem:$0x1F4C0] =	vst v63  }
0xa0: {  	s26 =	sadd.s32 @!p1 s1, s25;
	s28 =	simm.s32 @!p1 $0x80  }
0xa1: {  	[tilespmem:s28], [sflag:$0x5] =	stream.linear.gather @!p1 [hbm4b:s26+s23], $0x80, $0x38;
	[tilespmem:$0x1F4C0] =	vst v63  }
0xa2: {  	s25 =	sadd.s32 @!p1 s3, s25;
	s26 =	simm.s32 @!p1 $0x480  }
0xa3: {  	[tilespmem:s26], [sflag:$0x5] =	stream.linear.gather @!p1 [hbm4b:s25+s23], $0x80, $0x38;
	[tilespmem:$0x1F4C0] =	vst v63  }
0xa4: {  	s25 =	sadd.s32 @!p1 $0xFFFFFE80, s24  }
0xa5: {  	s26 =	sadd.s32 @!p1 $0xFFFFFA80, s24;
	s25 =	sand.u32 @!p1 $0x1FC00, s25  }
0xa6: {  	s26 =	sand.u32 @!p1 $0x300, s26;
	s25 =	sadd.s32 @!p1 s8, s25  }
0xa7: {  	s25 =	sor.u32 @!p1 s26, s25  }
0xa8: {  	s25 =	sshrl.u32 @!p1 s25, $0x3  }
0xa9: {  	s28 =	simm.s32 @!p1 $0x100;
	s26 =	sadd.s32 @!p1 s1, s25  }
0xaa: {  	[tilespmem:s28], [sflag:$0x5] =	stream.linear.gather @!p1 [hbm4b:s26+s23], $0x80, $0x38;
	[tilespmem:$0x1F4C0] =	vst v63  }
0xab: {  	s25 =	sadd.s32 @!p1 s3, s25;
	s26 =	simm.s32 @!p1 $0x500  }
0xac: {  	[tilespmem:s26], [sflag:$0x5] =	stream.linear.gather @!p1 [hbm4b:s25+s23], $0x80, $0x38;
	[tilespmem:$0x1F4C0] =	vst v63  }
0xad: {  	_ = 	snop  }
0xae: {  	[tilespmem:s15], [sflag:$0x1] =	stream.indirect.gather [hbm4b:s6+s14], $0x80, s7, s14, $0xb8;
	[tilespmem:$0x1F4C0] =	vst v63  }
0xaf: {  	_ = 	snop  }
0xb0: {  	[tilespmem:s16], [sflag:$0x2] =	stream.indirect.gather [hbm4b:s6+s14], $0x80, s10, s14, $0xb8;
	[tilespmem:$0x1F4C0] =	vst v63  }
0xb1: {  	_ = 	snop  }
0xb2: {  	[tilespmem:s17], [sflag:$0x3] =	stream.indirect.gather [hbm4b:s6+s14], $0x80, s12, s14, $0xb8;
	[tilespmem:$0x1F4C0] =	vst v63  }
0xb3: {  	_ =	swait.ge [sflag:s18], $0x3C00  }
0xb4: {  	[sflag:s18] =	ssyncset.done $0x0  }
0xb5: {  	[sflag:s18] =	ssyncadd.s32 $0xFFFFC400  }
0xb6: {  	[spmem:s4] =	stream.indirect.scatter.add.f32 [tilespmem:s15], [sflag:$0x4], $0x80, s9, s14, $0xb8;
	[tilespmem:$0x1F4C0] =	vst v63  }
0xb7: {  	_ =	swait.ge [sflag:s19], $0x3C00  }
0xb8: {  	[sflag:s19] =	ssyncset.done $0x0  }
0xb9: {  	[sflag:s19] =	ssyncadd.s32 $0xFFFFC400  }
0xba: {  	[spmem:s4] =	stream.indirect.scatter.add.f32 [tilespmem:s16], [sflag:$0x4], $0x80, s11, s14, $0xb8;
	[tilespmem:$0x1F4C0] =	vst v63  }
0xbb: {  	_ =	swait.ge [sflag:s20], $0x3C00  }
0xbc: {  	[sflag:s20] =	ssyncset.done $0x0  }
0xbd: {  	[sflag:s20] =	ssyncadd.s32 $0xFFFFC400  }
0xbe: {  	[spmem:s4] =	stream.indirect.scatter.add.f32 [tilespmem:s17], [sflag:$0x4], $0x80, s13, s14, $0xb8;
	[tilespmem:$0x1F4C0] =	vst v63  }
0xbf: {  	_ =	swait.ge [sflag:s21], $0x3C00  }
0xc0: {  	[sflag:s21] =	ssyncset.done $0x0  }
0xc1: {  	[sflag:s21] =	ssyncadd.s32 $0xFFFFC400  }
0xc2: {  	_ =	swait.ge [sflag:s21], $0x3C00  }
.Ltmp2:
0xc3: {  	[sflag:s21] =	ssyncset.done $0x0;
	(pc) =	sbr.rel @p1 .LBB2_4-.Ltmp2, $4  }
0xc4: {  	[sflag:s21] =	ssyncadd.s32 $0xFFFFC400  }
0xc5: {  	_ =	swait.ge [sflag:s21], $0x3C00  }
0xc6: {  	[sflag:s21] =	ssyncset.done $0x0  }
0xc7: {  	[sflag:s21] =	ssyncadd.s32 $0xFFFFC400  }
0xc8: {  	s23 =	sadd.s32 $0xFFFFFF00, s24  }
0xc9: {  	s25 =	sand.u32 $0xFC00, s23  }
0xca: {  	s23 =	sand.u32 $0x380, s23;
	s25 =	sadd.s32 s8, s25  }
0xcb: {  	s23 =	sor.u32 s23, s25  }
0xcc: {  	s23 =	sshrl.u32 s23, $0x3  }
0xcd: {  	s28 =	sadd.s32 $0xFFFFFF80, s24;
	s26 =	sadd.s32 s1, s23  }
0xce: {  	[tilespmem:s7], [sflag:$0x6] =	stream.linear.gather [hbm4b:s26+s5], $0x80, $0x38;
	[tilespmem:$0x1F4C0] =	vst v63  }
0xcf: {  	s23 =	sadd.s32 s3, s23;
	s26 =	sand.u32 $0x1FC00, s28  }
0xd0: {  	[tilespmem:s9], [sflag:$0x6] =	stream.linear.gather [hbm4b:s23+s5], $0x80, $0x38;
	[tilespmem:$0x1F4C0] =	vst v63  }
0xd1: {  	s25 =	sadd.s32 s8, s26;
	s23 =	sand.u32 $0x300, s28  }
0xd2: {  	s23 =	sor.u32 s23, s25  }
0xd3: {  	s23 =	sshrl.u32 s23, $0x3  }
0xd4: {  	s28 =	sadd.s32 s1, s23  }
0xd5: {  	[tilespmem:s10], [sflag:$0x6] =	stream.linear.gather [hbm4b:s28+s5], $0x80, $0x38;
	[tilespmem:$0x1F4C0] =	vst v63  }
0xd6: {  	s25 =	sand.u32 $0x1FC00, s24;
	s23 =	sadd.s32 s3, s23  }
0xd7: {  	[tilespmem:s11], [sflag:$0x6] =	stream.linear.gather [hbm4b:s23+s5], $0x80, $0x38;
	[tilespmem:$0x1F4C0] =	vst v63  }
0xd8: {  	s26 =	sand.u32 $0x380, s24;
	s23 =	sadd.s32 s8, s25  }
0xd9: {  	s23 =	sor.u32 s26, s23  }
0xda: {  	s23 =	sshrl.u32 s23, $0x3  }
0xdb: {  	s28 =	sadd.s32 s1, s23  }
0xdc: {  	[tilespmem:s12], [sflag:$0x6] =	stream.linear.gather [hbm4b:s28+s5], $0x80, $0x38;
	[tilespmem:$0x1F4C0] =	vst v63  }
0xdd: {  	s23 =	sadd.s32 s3, s23  }
0xde: {  	[tilespmem:s13], [sflag:$0x6] =	stream.linear.gather [hbm4b:s23+s5], $0x80, $0x38;
	[tilespmem:$0x1F4C0] =	vst v63  }
0xdf: {  	_ =	swait.ge [sflag:s0], $0x80  }
0xe0: {  	[sflag:s0] =	ssyncset.done $0x0  }
0xe1: {  	[sflag:s0] =	ssyncadd.s32 $0xFFFFFF80  }
0xe2: {  	_ =	swait.ge [sflag:s0], $0x80  }
0xe3: {  	[sflag:s0] =	ssyncset.done $0x0  }
0xe4: {  	[sflag:s0] =	ssyncadd.s32 $0xFFFFFF80  }
0xe5: {  	_ =	swait.ge [sflag:s0], $0x80  }
0xe6: {  	[sflag:s0] =	ssyncset.done $0x0  }
0xe7: {  	[sflag:s0] =	ssyncadd.s32 $0xFFFFFF80  }
0xe8: {  	_ =	swait.ge [sflag:s0], $0x80  }
0xe9: {  	[sflag:s0] =	ssyncset.done $0x0  }
0xea: {  	[sflag:s0] =	ssyncadd.s32 $0xFFFFFF80  }
0xeb: {  	_ =	swait.ge [sflag:s0], $0x80  }
.Ltmp3:
0xec: {  	[sflag:s0] =	ssyncset.done $0x0;
	(pc) =	sbr.rel .LBB2_2-.Ltmp3, $4  }
0xed: {  	[sflag:s0] =	ssyncadd.s32 $0xFFFFFF80  }
0xee: {  	_ =	swait.ge [sflag:s0], $0x80  }
0xef: {  	[sflag:s0] =	ssyncset.done $0x0  }
0xf0: {  	s24 =	sadd.s32 $0x300, s24;
	[sflag:s0] =	ssyncadd.s32 $0xFFFFFF80  }
.LBB2_5:
0xf1: {  	_ =	sfence.sel $0x180000  }
0xf2: {  	[bflag:$0x0] =	sbarrier.arrive $0xFFFF  }
0xf3: {  	_ =	strace $0x9000004A  }
0xf4: {  	s0 =	stileid.u32;
	[bflag:$0x2] =	sbarrier.arrive $0xFFFF  }
0xf5: {  	p0 =	sne.s32 s0, $0x0;
	s0 =	rddreg [dreg:$0x4]  }
0xf6: {  	s0 =	sadd.s32 @!p0 $0x100000, s0  }
0xf7: {  	[sflag:s0] =	ssyncadd.tile.s32 @!p0 $0x1;
	_ =	shalt  }
.Lfunc_end2:
_tile_overlayer_lowered:
.L_overlay_start_2:
0xf8: {  	(tag) =	ssettag $0x2  }
0xf9: {  	s0 =	rddreg [dreg:$0x0];
	s2 =	stileid.u32  }
0xfa: {  	s1 =	rddreg [dreg:$0x1];
	p0 =	sne.s32 s2, $0x0  }
0xfb: {  	s3 =	rddreg [dreg:$0x2];
	[bflag:$0x3] =	sbarrier.arrive $0xFFFF;
	s2 =	simm.s32 @!p0 $0x1C07  }
0xfc: {  	[timem:s3], [sflag:s2] =	dma.local @!p0 [hbm:s0], s1  }
0xfd: {  	s0 =	simm.s32 @!p0 $0x7  }
0xfe: {  	_ =	swait.ge @!p0 [sflag:s0], s1  }
0xff: {  	s1 =	ssub.s32 @!p0 $0x0, s1;
	[sflag:s0] =	ssyncset.done @!p0 $0x0  }
0x100: {  	[sflag:s0] =	ssyncadd.s32 @!p0 s1  }
0x101: {  	[bflag:$0x3] =	sbarrier.arrive $0xFFFF  }
0x102: {  	_ =	shalt  }

// kernel: kernel.16.cloned.1.call-start
scs
__scs_entry_jumppad:
0x0: {  	(pc) =	sbr.rel $0x88, $3  }
0x1: {  	(tag) =	ssettag $0x0;
	lr =	simm.s32 $0x1  }
0x2: {  	[smem:$0x3F79] =	sst lr;
	_ =	strace $0xD0000000  }
0x3: {  	_ = 	snop  }
0x4: {  	_ = 	snop  }
0x5: {  	_ = 	snop  }
0x6: {  	_ = 	snop  }
0x7: {  	_ = 	snop  }
__scs_overlays_trampoline_lowered:
0x8: {  	[smem:$0x3F88] =	sst s0  }
0x9: {  	[smem:$0x3F89] =	sst s1  }
0xa: {  	[smem:$0x3F8A] =	sst s2  }
0xb: {  	[smem:$0x3F8B] =	sst s3  }
0xc: {  	[smem:$0x3F8C] =	sst s4  }
0xd: {  	[smem:$0x3F8D] =	sst s5  }
0xe: {  	[smem:$0x3F8E] =	sst s6  }
0xf: {  	[smem:$0x3F8F] =	sst s7  }
0x10: {  	[smem:$0x3F90] =	sst s8  }
0x11: {  	[smem:$0x3F91] =	sst s9;
	s0 =	simm.s32 @!p0 $0x0  }
0x12: {  	s1 =	sld [smem:$0x3F77];
	s0 =	simm.s32 @p0 $0x1  }
0x13: {  	[smem:$0x3F92] =	sst s0;
	s0 =	simm.s32 @!p1 $0x0  }
0x14: {  	s2 =	sld [smem:$0x3F76];
	s0 =	simm.s32 @p1 $0x1  }
0x15: {  	[smem:$0x3F93] =	sst s0;
	s0 =	simm.s32 @!p2 $0x0  }
0x16: {  	s3 =	sld [smem:$0x3FDB];
	s0 =	simm.s32 @p2 $0x1  }
0x17: {  	s4 =	simm.s32 $0x1BF5;
	[smem:$0x3F95] =	sst s0  }
0x18: {  	s0 =	sld [smem:$0x3F78];
	_ =	swait.ge [sflag:s4], $0x0  }
0x19: {  	s7 =	sld [smem:$0x3F79]  }
0x1a: {  	s8 =	sadd.s32 $0xFFFFE003, lr  }
0x1b: {  	s9 =	sadd.s32 $0xFFFFFEF7, lr;
	s5 =	simm.s32 $0xFFFFFFFF;
	p2 =	slt.u32 s8, $0xFFFFF086  }
0x1c: {  	p1 =	slt.u32 s9, $0xF7A;
	s5 =	simm.s32 @!p2 $0x0  }
0x1d: {  	s5 =	simm.s32 @p1 $0x1;
	p0 =	seq.s32 s7, s2  }
0x1e: {  	s7 =	smul.u32 @!p0 $0xF7A, s2;
	p2 =	seq.s32 @!p0 s5, $0x0  }
0x1f: {  	s9 =	smul.u32 $0xF7A, s1;
	s8 =	simm.s32 @!p0 $0x1BF5;
	p2 =	por !p2, p0  }
0x20: {  	[sflag:s8] =	ssyncset.s32 @!p0 $0xFFFFF086;
	s6 =	sadd.s32 @!p0 s3, s7;
	s7 =	simm.s32 @!p0 $0x108  }
0x21: {  	s3 =	sadd.s32 s3, s9;
	s6 =	sadd.s32 @!p0 $0x88, s6;
	s7 =	simm.s32 @p2 $0x1082  }
0x22: {  	[simem:s7], [sflag:s8] =	dma.local @!p0 [hbm:s6], $0xF7A  }
0x23: {  	s9 =	sor.u32 $0xD0000000, s2;
	s6 =	simm.s32 $0x108;
	_ =	swait.ge @!p0 [sflag:s8], $0x0  }
0x24: {  	s3 =	sadd.s32 $0x88, s3;
	s6 =	simm.s32 @!p1 $0x1082;
	[sflag:s4] =	ssyncset.s32 $0xFFFFF086  }
0x25: {  	[simem:s6], [sflag:s4] =	dma.local [hbm:s3], $0xF7A  }
0x26: {  	[smem:$0x3F79] =	sst s1;
	(tag) =	ssettag s2;
	_ =	strace s9  }
0x27: {  	s1 =	sld [smem:$0x3F89]  }
0x28: {  	s2 =	sld [smem:$0x3F8A]  }
0x29: {  	s4 =	sld [smem:$0x3F8C]  }
0x2a: {  	p0 =	seq.s32 s5, $0x0;
	s5 =	sld [smem:$0x3F8D]  }
0x2b: {  	s6 =	sld [smem:$0x3F8E]  }
0x2c: {  	s7 =	sld [smem:$0x3F8F]  }
0x2d: {  	s3 =	simm.s32 $0x108;
	s8 =	sld [smem:$0x3F90]  }
0x2e: {  	s3 =	simm.s32 @!p0 $0x1082;
	s9 =	sld [smem:$0x3F91]  }
0x2f: {  	lr =	sadd.s32 s0, s3;
	s0 =	sld [smem:$0x3F88]  }
0x30: {  	s3 =	sld [smem:$0x3F8B]  }
0x31: {  	[smem:$0x3F94] =	sst s10  }
0x32: {  	s10 =	sld [smem:$0x3F92];
	_ =	sdelay $0x3  }
0x33: {  	p0 =	seq.s32 s10, $0x1;
	s10 =	sld [smem:$0x3F94];
	_ =	sdelay $0x3  }
0x34: {  	[smem:$0x3F94] =	sst s10  }
0x35: {  	s10 =	sld [smem:$0x3F93];
	_ =	sdelay $0x3  }
0x36: {  	p1 =	seq.s32 s10, $0x1;
	s10 =	sld [smem:$0x3F94];
	_ =	sdelay $0x3  }
0x37: {  	[smem:$0x3F94] =	sst s10  }
0x38: {  	s10 =	sld [smem:$0x3F95]  }
0x39: {  	_ = 	snop;
	(pc) =	sbr.ind lr, $3  }
0x3a: {  	_ = 	snop  }
0x3b: {  	_ = 	snop  }
0x3c: {  	p2 =	seq.s32 s10, $0x1;
	s10 =	sld [smem:$0x3F94]  }
0x3d: {  	_ =	shalt  }
0x3e: {  	_ =	shalt  }
0x3f: {  	_ =	shalt  }
0x40: {  	_ =	shalt  }
0x41: {  	_ =	shalt  }
0x42: {  	_ =	shalt  }
0x43: {  	_ =	shalt  }
0x44: {  	_ =	shalt  }
0x45: {  	_ =	shalt  }
0x46: {  	_ =	shalt  }
0x47: {  	_ =	shalt  }
0x48: {  	_ =	shalt  }
0x49: {  	_ =	shalt  }
0x4a: {  	_ =	shalt  }
0x4b: {  	_ =	shalt  }
0x4c: {  	_ =	shalt  }
0x4d: {  	_ =	shalt  }
0x4e: {  	_ =	shalt  }
0x4f: {  	_ =	shalt  }
0x50: {  	_ =	shalt  }
0x51: {  	_ =	shalt  }
0x52: {  	_ =	shalt  }
0x53: {  	_ =	shalt  }
0x54: {  	_ =	shalt  }
0x55: {  	_ =	shalt  }
0x56: {  	_ =	shalt  }
0x57: {  	_ =	shalt  }
0x58: {  	_ =	shalt  }
0x59: {  	_ =	shalt  }
0x5a: {  	_ =	shalt  }
0x5b: {  	_ =	shalt  }
0x5c: {  	_ =	shalt  }
0x5d: {  	_ =	shalt  }
0x5e: {  	_ =	shalt  }
0x5f: {  	_ =	shalt  }
0x60: {  	_ =	shalt  }
0x61: {  	_ =	shalt  }
0x62: {  	_ =	shalt  }
0x63: {  	_ =	shalt  }
0x64: {  	_ =	shalt  }
0x65: {  	_ =	shalt  }
0x66: {  	_ =	shalt  }
0x67: {  	_ =	shalt  }
0x68: {  	_ =	shalt  }
0x69: {  	_ =	shalt  }
0x6a: {  	_ =	shalt  }
0x6b: {  	_ =	shalt  }
0x6c: {  	_ =	shalt  }
0x6d: {  	_ =	shalt  }
0x6e: {  	_ =	shalt  }
0x6f: {  	_ =	shalt  }
0x70: {  	_ =	shalt  }
0x71: {  	_ =	shalt  }
0x72: {  	_ =	shalt  }
0x73: {  	_ =	shalt  }
0x74: {  	_ =	shalt  }
0x75: {  	_ =	shalt  }
0x76: {  	_ =	shalt  }
0x77: {  	_ =	shalt  }
0x78: {  	_ =	shalt  }
0x79: {  	_ =	shalt  }
0x7a: {  	_ =	shalt  }
0x7b: {  	_ =	shalt  }
0x7c: {  	_ =	shalt  }
0x7d: {  	_ =	shalt  }
0x7e: {  	_ =	shalt  }
0x7f: {  	_ =	shalt  }
0x80: {  	_ =	shalt  }
0x81: {  	_ =	shalt  }
0x82: {  	_ =	shalt  }
0x83: {  	_ =	shalt  }
0x84: {  	_ =	shalt  }
0x85: {  	_ =	shalt  }
0x86: {  	_ =	shalt  }
0x87: {  	_ =	shalt  }
.Lfunc_end0:
.L_simem_size_0:
called_computation.2_lowered:
.L_overlay_start_0:
0x88: {  	s2 =	sld [smem:$0x3FD9]  }
0x89: {  	s3 =	sld [smem:$0x3FFE];
	_ =	sdelay $0x1  }
0x8a: {  	s1 =	srdreg.scid  }
0x8b: {  	s0 =	sand.u32 $0x1, s1  }
0x8c: {  	s14 =	sshll.u32 s0, $0xA;
	s2 =	sadd.s32 s3, s2  }
0x8d: {  	s2 =	sadd.s32 s2, s14  }
0x8e: {  	[smem:$0x3FA0] =	sst s2  }
0x8f: {  	_ = 	snop  }
0x90: {  	s2 =	sld [smem:$0x3FD0];
	_ =	sdelay $0x2  }
0x91: {  	s15 =	simm.s32 $0xA;
	s4 =	simm.s32 $0x10  }
0x92: {  	[smem:s4], [sflag:s15] =	dma.local [hbm:s2], $0x1  }
0x93: {  	_ =	swait.eq [sflag:s15], $0x1  }
0x94: {  	[sflag:s15] =	ssyncset.done $0x0  }
0x95: {  	s16 =	sld [smem:$0x10];
	[sflag:s15] =	ssyncadd.s32 $0xFFFFFFFF  }
0x96: {  	s17 =	sld [smem:$0x12];
	(tm) =	ssettm $0x1  }
0x97: {  	s18 =	sld [smem:$0x3FFB];
	_ =	sdelay $0x3  }
0x98: {  	_ =	strace s18  }
0x99: {  	s4 =	sld [smem:$0x3FFC];
	_ =	sdelay $0x3  }
0x9a: {  	_ =	strace s4  }
0x9b: {  	s4 =	sld [smem:$0x3FFD];
	_ =	sdelay $0x3  }
0x9c: {  	_ =	strace s4  }
0x9d: {  	_ =	strace $0x8FFFFFFF  }
0x9e: {  	s19 =	sld [smem:$0x3FDB];
	_ =	sdelay $0x1  }
0x9f: {  	s5 =	simm.s32 $_scs_section_size  }
0xa0: {  	s6 =	simm.s32 $_size__tile_overlayer_lowered;
	s7 =	simm.s32 $_tile_overlayer_lowered  }
0xa1: {  	s22 =	simm.s32 $0x1BFF;
	s21 =	sshll.u32 s7, $0x1;
	s4 =	sadd.s32 s5, s19  }
0xa2: {  	s8 =	simm.s32 $0x0;
	s20 =	sshll.u32 s6, $0x1;
	s6 =	sadd.s32 s21, s4  }
0xa3: {  	[timem:s8], [sflag:s22] =	dma.local [hbm:s6], s20  }
0xa4: {  	_ =	swait.ge [sflag:s22], s20  }
0xa5: {  	s5 =	ssub.s32 $0x0, s20;
	[sflag:s22] =	ssyncset.done $0x0  }
0xa6: {  	[sflag:s22] =	ssyncadd.s32 s5;
	_ =	sdelay $0x1  }
0xa7: {  	s23 =	simm.s32 $0x1B8B  }
0xa8: {  	_ =	swait.ge [sflag:s23], $0x1  }
0xa9: {  	[sflag:s23] =	ssyncset.done $0x0  }
0xaa: {  	s25 =	simm.s32 $0x1B8E;
	s24 =	sld [smem:$0x3FFE];
	[sflag:s23] =	ssyncadd.s32 $0xFFFFFFFF  }
0xab: {  	s26 =	simm.s32 $execute0_lowered;
	[smem:$0x3FD2] =	sst s25  }
0xac: {  	s6 =	sshll.u32 s26, $0x1;
	_ =	strace $0x8000004C;
	[dreg:$0x1] =	wrdreg $0xFFFFFFFF  }
0xad: {  	s28 =	simm.s32 $_size_execute0_lowered;
	s4 =	sadd.s32 s4, s6;
	[dreg:$0x0] =	wrdreg $0x0  }
0xae: {  	s6 =	sshll.u32 s28, $0x1;
	[dreg:$0x2] =	wrdreg s4  }
0xaf: {  	[dreg:$0x3] =	wrdreg s6  }
0xb0: {  	[dreg:$0x4] =	wrdreg $0xC0  }
0xb1: {  	_ =	task [dreg:s8], $0x5FFFF  }
0xb2: {  	[dreg:$0x1] =	wrdreg $0xFFFFFFFF  }
0xb3: {  	[dreg:$0x0] =	wrdreg $0x60  }
0xb4: {  	[dreg:$0x2] =	wrdreg s24  }
0xb5: {  	[dreg:$0x3] =	wrdreg s17  }
0xb6: {  	[dreg:$0x4] =	wrdreg s16  }
0xb7: {  	[dreg:$0x5] =	wrdreg $0xBC000  }
0xb8: {  	[dreg:$0x6] =	wrdreg $0x9  }
0xb9: {  	_ =	task.clear_ibuf [dreg:s8], $0x7FFFF;
	_ =	strace $0x9000004C  }
0xba: {  	s29 =	simm.s32 $0x9;
	_ =	strace $0x8000004E  }
0xbb: {  	_ =	swait.ge [sflag:s29], $0x1  }
0xbc: {  	[sflag:s29] =	ssyncadd.s32 $0xFFFFFFFF  }
0xbd: {  	_ =	strace $0x9000004E  }
0xbe: {  	_ =	sfence  }
0xbf: {  	s30 =	sld [smem:$0x0];
	_ =	sdelay $0x2  }
0xc0: {  	s31 =	sshll.u32 s1, $0xD;
	s1 =	sshrl.u32 s1, $0x2  }
0xc1: {  	s3 =	sand.u32 $0x4000, s31;
	s1 =	sadd.s32 s1, s30  }
0xc2: {  	s0 =	sor.u32 s3, s0;
	s1 =	sshll.u32 s1, $0x11  }
0xc3: {  	s0 =	sor.u32 s1, s0  }
0xc4: {  	s0 =	sadd.s32 $0x8F2B, s0  }
0xc5: {  	[sflag:s0] =	ssyncadd.remote.s32 $0x1  }
0xc6: {  	_ =	sfence.sel $0xFFFF  }
0xc7: {  	[dreg:$0x0] =	wrdreg $0xFFFFFFFF;
	(pc) =	sbr.abs _section_cstart, $3  }
0xc8: {  	[dreg:$0x1] =	wrdreg $0xFFFFFFFF  }
0xc9: {  	_ =	task.clear_ibuf [dreg:s8], $0x2FFFF;
	_ =	strace $0x9FFFFFFF  }
0xca: {  	(tm) =	ssettm $0x7FFFFFFF  }
0xcb: {  	_ =	shalt  }
tec
execute0_lowered:
.L_overlay_start_1:
0x0: {  	(tag) =	ssettag $0x1  }
0x1: {  	s0 =	rddreg [dreg:$0x0]  }
0x2: {  	s1 =	rddreg [dreg:$0x1]  }
0x3: {  	s3 =	rddreg [dreg:$0x2];
	s2 =	srdreg.scid  }
0x4: {  	s14 =	stileid.u32;
	s4 =	rddreg [dreg:$0x3]  }
0x5: {  	s5 =	simm.s32 $0x0;
	s29 =	simm.s32 $0x80;
	s7 =	smul.u32 $0x4E000, s14  }
0x6: {  	s30 =	simm.s32 $0x480;
	s31 =	simm.s32 $0x100;
	s9 =	smul.u32 $0x2700, s14  }
0x7: {  	s2 =	sand.u32 $0x1, s2;
	[smem:$0x7FF] =	sst s5;
	s13 =	smul.u32 $0x5400, s14  }
0x8: {  	s6 =	sadd.s32 $0x7B000, s0;
	s0 =	sadd.s32 $0x117400, s0;
	s18 =	smul.u32 $0x13800, s14  }
0x9: {  	p0 =	seq.s32 s14, $0xF;
	s14 =	simm.s32 $0x78;
	s8 =	smul.u32 $0x27100, s2  }
0xa: {  	_ =	strace $0x8000004D;
	s10 =	smul.u32 $0x138800, s2;
	s11 =	ssub.s32 $0x2, s2  }
0xb: {  	s2 =	smul.u32 $0x54000, s2;
	s12 =	sshrl.u32 s11, $0x1;
	s7 =	sshrl.u32 s7, $0x2  }
0xc: {  	s11 =	ssub.s32 s11, s12;
	s7 =	sadd.s32 s7, s4;
	s21 =	sadd.s32 s9, s8  }
0xd: {  	s22 =	sshrl.u32 s10, $0x3;
	s8 =	sadd.s32 s13, s2;
	s10 =	sadd.s32 s18, s10  }
0xe: {  	s2 =	simm.s32 $0x500;
	s12 =	simm.s32 $0x300;
	s18 =	simm.s32 $0x1  }
0xf: {  	[dreg:$0x5] =	wrdreg s7;
	s23 =	sadd.s32 s6, s21;
	s24 =	sadd.s32 $0x24900, s22  }
0x10: {  	s25 =	sshrl.u32 s8, $0x3;
	[dreg:$0x6] =	wrdreg s23;
	s9 =	sadd.s32 s6, s24  }
0x11: {  	s26 =	sadd.s32 s1, s25;
	s28 =	sor.u32 $0x10, s25;
	[dreg:$0x7] =	wrdreg s9  }
0x12: {  	s13 =	sadd.s32 s3, s25;
	s16 =	sor.u32 $0x20, s25;
	[dreg:$0x8] =	wrdreg s26  }
0x13: {  	s17 =	sor.u32 $0x30, s25;
	[dreg:$0x9] =	wrdreg s13;
	s15 =	sadd.s32 s1, s28  }
0x14: {  	s21 =	sor.u32 $0x40, s25;
	s9 =	sadd.s32 s3, s28;
	[dreg:$0xa] =	wrdreg s15  }
0x15: {  	s23 =	sshrl.u32 s10, $0x3;
	s19 =	sadd.s32 s1, s17;
	[dreg:$0xb] =	wrdreg s9  }
0x16: {  	s7 =	sor.u32 $0x50, s25;
	s20 =	sadd.s32 s3, s17;
	[dreg:$0xe] =	wrdreg s19  }
0x17: {  	s10 =	simm.s32 $0x280;
	s22 =	sadd.s32 s1, s21;
	[dreg:$0xf] =	wrdreg s20  }
0x18: {  	s25 =	sadd.s32 s3, s7;
	s26 =	smax.u32 s11, $0x1;
	[dreg:$0x10] =	wrdreg s22  }
0x19: {  	s28 =	sadd.s32 $0x124800, s4;
	s11 =	simm.s32 $0x680;
	[dreg:$0x15] =	wrdreg s25  }
0x1a: {  	s13 =	simm.s32 $0x700;
	s17 =	simm.s32 $0x8000;
	[dreg:$0x16] =	wrdreg s26  }
0x1b: {  	s15 =	sadd.s32 s1, s16;
	s9 =	sadd.s32 s3, s16;
	[dreg:$0x17] =	wrdreg s28  }
0x1c: {  	s16 =	simm.s32 $0x4400;
	s19 =	simm.s32 $0x2;
	s20 =	simm.s32 $0x3  }
0x1d: {  	s22 =	simm.s32 $0x6;
	s25 =	simm.s32 $0x0;
	[dreg:$0xc] =	wrdreg s15  }
.Ltmp0:
0x1e: {  	[dreg:$0xd] =	wrdreg s9;
	s9 =	sadd.s32 s3, s21;
	(pc) =	sbr.rel .LBB2_1-.Ltmp0, $4  }
0x1f: {  	s15 =	simm.s32 $0x800;
	[dreg:$0x11] =	wrdreg s9;
	s9 =	sadd.s32 s0, s23  }
0x20: {  	s21 =	simm.s32 $0x4;
	s0 =	sadd.s32 s0, s24;
	[dreg:$0x12] =	wrdreg s9  }
0x21: {  	s24 =	sadd.s32 s1, s7;
	s7 =	simm.s32 $0x200;
	[dreg:$0x13] =	wrdreg s0  }
0x22: {  	[dreg:$0x14] =	wrdreg s24;
	s0 =	simm.s32 $0x5;
	s9 =	simm.s32 $0x600  }
.LBB2_4:
0x23: {  	[bflag:$0x0] =	sbarrier.arrive $0xFFFF  }
0x24: {  	s24 =	rddreg [dreg:$0x13]  }
0x25: {  	s23 =	simm.s32 @p0 $0x1FC7;
	s25 =	rddreg [dreg:$0x19]  }
0x26: {  	[hbm:s24], [sflag:s23] =	dma.local @p0 [spmem:s25], $0x2800  }
0x27: {  	s23 =	simm.s32 @p0 $0x7  }
0x28: {  	_ =	swait.ge @p0 [sflag:s23], $0x2800  }
0x29: {  	s24 =	rddreg [dreg:$0x1a]  }
0x2a: {  	[sflag:s23] =	ssyncset.done @p0 $0x0;
	s25 =	rddreg [dreg:$0x1b]  }
0x2b: {  	[sflag:s23] =	ssyncadd.s32 @p0 $0xFFFFD800;
	s23 =	rddreg [dreg:$0x12]  }
0x2c: {  	[hbm:s23], [sflag:s24] =	dma.local @!p0 [spmem:s25], $0x2700  }
0x2d: {  	s23 =	simm.s32 @!p0 $0x7  }
0x2e: {  	_ =	swait.ge @!p0 [sflag:s23], $0x2700  }
0x2f: {  	s26 =	rddreg [dreg:$0x18]  }
0x30: {  	s28 =	rddreg [dreg:$0x16];
	s25 =	sadd.s32 $0x1, s26  }
0x31: {  	p1 =	sne.s32 s25, s28  }
.Ltmp1:
0x32: {  	_ = 	snop;
	(pc) =	sbr.rel @!p1 .LBB2_5-.Ltmp1, $3  }
0x33: {  	_ =	sdelay $0x1  }
0x34: {  	[sflag:s23] =	ssyncset.done @!p0 $0x0  }
0x35: {  	[sflag:s23] =	ssyncadd.s32 @!p0 $0xFFFFD900  }
.LBB2_1:
0x36: {  	[dreg:$0x18] =	wrdreg s25  }
0x37: {  	s23 =	rddreg [dreg:$0x17]  }
0x38: {  	s25 =	sshrl.u32 @p0 s23, $0x3;
	s23 =	rddreg [dreg:$0x7]  }
0x39: {  	s24 =	simm.s32 @p0 $0x1FC7;
	[dreg:$0x19] =	wrdreg s25  }
0x3a: {  	[spmem:s25], [sflag:s24] =	dma.local @p0 [hbm:s23], $0x2800  }
0x3b: {  	s24 =	simm.s32 @p0 $0x7  }
0x3c: {  	_ =	swait.ge @p0 [sflag:s24], $0x2800  }
0x3d: {  	s23 =	stileid.u32;
	[sflag:s24] =	ssyncset.done @p0 $0x0  }
0x3e: {  	s25 =	sshll.u32 @!p0 s23, $0x6;
	s23 =	rddreg [dreg:$0x5];
	[sflag:s24] =	ssyncadd.s32 @p0 $0xFFFFD800  }
0x3f: {  	s24 =	sor.u32 @!p0 $0x1C07, s25;
	s25 =	sshrl.u32 @!p0 s23, $0x3;
	s23 =	rddreg [dreg:$0x6]  }
0x40: {  	[dreg:$0x1a] =	wrdreg s24  }
0x41: {  	[dreg:$0x1b] =	wrdreg s25  }
0x42: {  	[spmem:s25], [sflag:s24] =	dma.local @!p0 [hbm:s23], $0x2700  }
0x43: {  	s24 =	simm.s32 @!p0 $0x7  }
0x44: {  	_ =	swait.ge @!p0 [sflag:s24], $0x2700  }
0x45: {  	[sflag:s24] =	ssyncset.done @!p0 $0x0  }
0x46: {  	[sflag:s24] =	ssyncadd.s32 @!p0 $0xFFFFD900  }
0x47: {  	[bflag:$0x0] =	sbarrier.arrive $0xFFFF  }
0x48: {  	s28 =	rddreg [dreg:$0x8]  }
0x49: {  	[tilespmem:s5], [sflag:$0x5] =	stream.linear.gather [hbm4b:s28+s5], $0x80, $0x38;
	[tilespmem:$0x1F4C0] =	vst v63  }
0x4a: {  	s25 =	simm.s32 $0x400;
	s24 =	rddreg [dreg:$0x9]  }
0x4b: {  	[tilespmem:s25], [sflag:$0x5] =	stream.linear.gather [hbm4b:s24+s5], $0x80, $0x38;
	[tilespmem:$0x1F4C0] =	vst v63  }
0x4c: {  	s26 =	rddreg [dreg:$0xa]  }
0x4d: {  	[tilespmem:s29], [sflag:$0x5] =	stream.linear.gather [hbm4b:s26+s5], $0x80, $0x38;
	[tilespmem:$0x1F4C0] =	vst v63  }
0x4e: {  	s28 =	rddreg [dreg:$0xb]  }
0x4f: {  	[tilespmem:s30], [sflag:$0x5] =	stream.linear.gather [hbm4b:s28+s5], $0x80, $0x38;
	[tilespmem:$0x1F4C0] =	vst v63  }
0x50: {  	s24 =	rddreg [dreg:$0xc]  }
0x51: {  	[tilespmem:s31], [sflag:$0x5] =	stream.linear.gather [hbm4b:s24+s5], $0x80, $0x38;
	[tilespmem:$0x1F4C0] =	vst v63  }
0x52: {  	s25 =	rddreg [dreg:$0xd]  }
0x53: {  	[tilespmem:s2], [sflag:$0x5] =	stream.linear.gather [hbm4b:s25+s5], $0x80, $0x38;
	[tilespmem:$0x1F4C0] =	vst v63  }
0x54: {  	_ =	swait.ge [sflag:s0], $0x80  }
0x55: {  	[sflag:s0] =	ssyncset.done $0x0  }
0x56: {  	[sflag:s0] =	ssyncadd.s32 $0xFFFFFF80  }
0x57: {  	_ =	swait.ge [sflag:s0], $0x80  }
0x58: {  	[sflag:s0] =	ssyncset.done $0x0  }
0x59: {  	[sflag:s0] =	ssyncadd.s32 $0xFFFFFF80  }
0x5a: {  	_ =	swait.ge [sflag:s0], $0x80  }
0x5b: {  	[sflag:s0] =	ssyncset.done $0x0  }
0x5c: {  	[sflag:s0] =	ssyncadd.s32 $0xFFFFFF80  }
0x5d: {  	_ =	swait.ge [sflag:s0], $0x80  }
0x5e: {  	[sflag:s0] =	ssyncset.done $0x0  }
0x5f: {  	[sflag:s0] =	ssyncadd.s32 $0xFFFFFF80  }
0x60: {  	_ =	swait.ge [sflag:s0], $0x80  }
0x61: {  	[sflag:s0] =	ssyncset.done $0x0  }
0x62: {  	[sflag:s0] =	ssyncadd.s32 $0xFFFFFF80  }
0x63: {  	_ =	swait.ge [sflag:s0], $0x80  }
0x64: {  	[sflag:s0] =	ssyncset.done $0x0  }
0x65: {  	s26 =	rddreg [dreg:$0xe];
	[sflag:s0] =	ssyncadd.s32 $0xFFFFFF80  }
0x66: {  	[tilespmem:s7], [sflag:$0x6] =	stream.linear.gather [hbm4b:s26+s5], $0x80, $0x38;
	[tilespmem:$0x1F4C0] =	vst v63  }
0x67: {  	s28 =	rddreg [dreg:$0xf]  }
0x68: {  	[tilespmem:s9], [sflag:$0x6] =	stream.linear.gather [hbm4b:s28+s5], $0x80, $0x38;
	[tilespmem:$0x1F4C0] =	vst v63  }
0x69: {  	s24 =	rddreg [dreg:$0x10]  }
0x6a: {  	[tilespmem:s10], [sflag:$0x6] =	stream.linear.gather [hbm4b:s24+s5], $0x80, $0x38;
	[tilespmem:$0x1F4C0] =	vst v63  }
0x6b: {  	s25 =	rddreg [dreg:$0x11]  }
0x6c: {  	[tilespmem:s11], [sflag:$0x6] =	stream.linear.gather [hbm4b:s25+s5], $0x80, $0x38;
	[tilespmem:$0x1F4C0] =	vst v63  }
0x6d: {  	s26 =	rddreg [dreg:$0x14]  }
0x6e: {  	[tilespmem:s12], [sflag:$0x6] =	stream.linear.gather [hbm4b:s26+s5], $0x80, $0x38;
	[tilespmem:$0x1F4C0] =	vst v63  }
0x6f: {  	s28 =	rddreg [dreg:$0x15];
	s24 =	simm.s32 $0x580  }
0x70: {  	[tilespmem:s13], [sflag:$0x6] =	stream.linear.gather [hbm4b:s28+s5], $0x80, $0x38;
	[tilespmem:$0x1F4C0] =	vst v63  }
.LBB2_2:
0x71: {  	[tilespmem:s15], [sflag:$0x1] =	stream.indirect.gather [hbm4b:s6+s14], $0x80, s5, s14, $0xb8;
	[tilespmem:$0x1F4C0] =	vst v63  }
0x72: {  	_ = 	snop  }
0x73: {  	[tilespmem:s16], [sflag:$0x2] =	stream.indirect.gather [hbm4b:s6+s14], $0x80, s29, s14, $0xb8;
	[tilespmem:$0x1F4C0] =	vst v63  }
0x74: {  	_ = 	snop  }
0x75: {  	[tilespmem:s17], [sflag:$0x3] =	stream.indirect.gather [hbm4b:s6+s14], $0x80, s31, s14, $0xb8;
	[tilespmem:$0x1F4C0] =	vst v63  }
0x76: {  	_ =	swait.ge [sflag:s18], $0x3C00  }
0x77: {  	[sflag:s18] =	ssyncset.done $0x0  }
0x78: {  	s23 =	simm.s32 $0x400;
	[sflag:s18] =	ssyncadd.s32 $0xFFFFC400  }
0x79: {  	[spmem:s4] =	stream.indirect.scatter.add.f32 [tilespmem:s15], [sflag:$0x4], $0x80, s23, s14, $0xb8;
	[tilespmem:$0x1F4C0] =	vst v63  }
0x7a: {  	_ =	swait.ge [sflag:s19], $0x3C00  }
0x7b: {  	[sflag:s19] =	ssyncset.done $0x0  }
0x7c: {  	[sflag:s19] =	ssyncadd.s32 $0xFFFFC400  }
0x7d: {  	[spmem:s4] =	stream.indirect.scatter.add.f32 [tilespmem:s16], [sflag:$0x4], $0x80, s30, s14, $0xb8;
	[tilespmem:$0x1F4C0] =	vst v63  }
0x7e: {  	_ =	swait.ge [sflag:s20], $0x3C00  }
0x7f: {  	[sflag:s20] =	ssyncset.done $0x0  }
0x80: {  	[sflag:s20] =	ssyncadd.s32 $0xFFFFC400  }
0x81: {  	[spmem:s4] =	stream.indirect.scatter.add.f32 [tilespmem:s17], [sflag:$0x4], $0x80, s2, s14, $0xb8;
	[tilespmem:$0x1F4C0] =	vst v63  }
0x82: {  	_ =	swait.ge [sflag:s21], $0x3C00  }
0x83: {  	[sflag:s21] =	ssyncset.done $0x0  }
0x84: {  	[sflag:s21] =	ssyncadd.s32 $0xFFFFC400  }
0x85: {  	_ =	swait.ge [sflag:s21], $0x3C00  }
0x86: {  	[sflag:s21] =	ssyncset.done $0x0  }
0x87: {  	[sflag:s21] =	ssyncadd.s32 $0xFFFFC400  }
0x88: {  	_ =	swait.ge [sflag:s21], $0x3C00  }
0x89: {  	[sflag:s21] =	ssyncset.done $0x0  }
0x8a: {  	[sflag:s21] =	ssyncadd.s32 $0xFFFFC400  }
0x8b: {  	_ =	swait.ge [sflag:s22], $0x80  }
0x8c: {  	[sflag:s22] =	ssyncset.done $0x0  }
0x8d: {  	[sflag:s22] =	ssyncadd.s32 $0xFFFFFF80  }
0x8e: {  	_ =	swait.ge [sflag:s22], $0x80  }
0x8f: {  	[sflag:s22] =	ssyncset.done $0x0  }
0x90: {  	[sflag:s22] =	ssyncadd.s32 $0xFFFFFF80  }
0x91: {  	_ =	swait.ge [sflag:s22], $0x80  }
0x92: {  	[sflag:s22] =	ssyncset.done $0x0  }
0x93: {  	[sflag:s22] =	ssyncadd.s32 $0xFFFFFF80  }
0x94: {  	_ =	swait.ge [sflag:s22], $0x80  }
0x95: {  	[sflag:s22] =	ssyncset.done $0x0  }
0x96: {  	p1 =	seq.s32 s24, $0x5680;
	[sflag:s22] =	ssyncadd.s32 $0xFFFFFF80  }
0x97: {  	s25 =	sadd.s32 @!p1 $0xFFFFFD80, s24;
	_ =	swait.ge [sflag:s22], $0x80  }
0x98: {  	s26 =	sand.u32 @!p1 $0xFC00, s25;
	[sflag:s22] =	ssyncset.done $0x0  }
0x99: {  	s25 =	sand.u32 @!p1 $0x300, s25;
	s26 =	sadd.s32 @!p1 s8, s26;
	[sflag:s22] =	ssyncadd.s32 $0xFFFFFF80  }
0x9a: {  	s25 =	sor.u32 @!p1 s25, s26;
	_ =	swait.ge [sflag:s22], $0x80  }
0x9b: {  	s25 =	sshrl.u32 @!p1 s25, $0x3;
	[sflag:s22] =	ssyncset.done $0x0  }
0x9c: {  	s26 =	sadd.s32 @!p1 s1, s25;
	s23 =	simm.s32 @!p1 $0x0;
	[sflag:s22] =	ssyncadd.s32 $0xFFFFFF80  }
0x9d: {  	[tilespmem:s23], [sflag:$0x5] =	stream.linear.gather @!p1 [hbm4b:s26+s23], $0x80, $0x38;
	[tilespmem:$0x1F4C0] =	vst v63  }
0x9e: {  	s28 =	simm.s32 @!p1 $0x400;
	s26 =	sadd.s32 @!p1 s3, s25;
	s25 =	sor.u32 @!p1 $0x10, s25  }
0x9f: {  	[tilespmem:s28], [sflag:$0x5] =	stream.linear.gather @!p1 [hbm4b:s26+s23], $0x80, $0x38;
	[tilespmem:$0x1F4C0] =	vst v63  }
0xa0: {  	s26 =	sadd.s32 @!p1 s1, s25;
	s28 =	simm.s32 @!p1 $0x80  }
0xa1: {  	[tilespmem:s28], [sflag:$0x5] =	stream.linear.gather @!p1 [hbm4b:s26+s23], $0x80, $0x38;
	[tilespmem:$0x1F4C0] =	vst v63  }
0xa2: {  	s25 =	sadd.s32 @!p1 s3, s25;
	s26 =	simm.s32 @!p1 $0x480  }
0xa3: {  	[tilespmem:s26], [sflag:$0x5] =	stream.linear.gather @!p1 [hbm4b:s25+s23], $0x80, $0x38;
	[tilespmem:$0x1F4C0] =	vst v63  }
0xa4: {  	s25 =	sadd.s32 @!p1 $0xFFFFFE80, s24  }
0xa5: {  	s26 =	sadd.s32 @!p1 $0xFFFFFA80, s24;
	s25 =	sand.u32 @!p1 $0x1FC00, s25  }
0xa6: {  	s26 =	sand.u32 @!p1 $0x300, s26;
	s25 =	sadd.s32 @!p1 s8, s25  }
0xa7: {  	s25 =	sor.u32 @!p1 s26, s25  }
0xa8: {  	s25 =	sshrl.u32 @!p1 s25, $0x3  }
0xa9: {  	s28 =	simm.s32 @!p1 $0x100;
	s26 =	sadd.s32 @!p1 s1, s25  }
0xaa: {  	[tilespmem:s28], [sflag:$0x5] =	stream.linear.gather @!p1 [hbm4b:s26+s23], $0x80, $0x38;
	[tilespmem:$0x1F4C0] =	vst v63  }
0xab: {  	s25 =	sadd.s32 @!p1 s3, s25;
	s26 =	simm.s32 @!p1 $0x500  }
0xac: {  	[tilespmem:s26], [sflag:$0x5] =	stream.linear.gather @!p1 [hbm4b:s25+s23], $0x80, $0x38;
	[tilespmem:$0x1F4C0] =	vst v63  }
0xad: {  	_ = 	snop  }
0xae: {  	[tilespmem:s15], [sflag:$0x1] =	stream.indirect.gather [hbm4b:s6+s14], $0x80, s7, s14, $0xb8;
	[tilespmem:$0x1F4C0] =	vst v63  }
0xaf: {  	_ = 	snop  }
0xb0: {  	[tilespmem:s16], [sflag:$0x2] =	stream.indirect.gather [hbm4b:s6+s14], $0x80, s10, s14, $0xb8;
	[tilespmem:$0x1F4C0] =	vst v63  }
0xb1: {  	_ = 	snop  }
0xb2: {  	[tilespmem:s17], [sflag:$0x3] =	stream.indirect.gather [hbm4b:s6+s14], $0x80, s12, s14, $0xb8;
	[tilespmem:$0x1F4C0] =	vst v63  }
0xb3: {  	_ =	swait.ge [sflag:s18], $0x3C00  }
0xb4: {  	[sflag:s18] =	ssyncset.done $0x0  }
0xb5: {  	[sflag:s18] =	ssyncadd.s32 $0xFFFFC400  }
0xb6: {  	[spmem:s4] =	stream.indirect.scatter.add.f32 [tilespmem:s15], [sflag:$0x4], $0x80, s9, s14, $0xb8;
	[tilespmem:$0x1F4C0] =	vst v63  }
0xb7: {  	_ =	swait.ge [sflag:s19], $0x3C00  }
0xb8: {  	[sflag:s19] =	ssyncset.done $0x0  }
0xb9: {  	[sflag:s19] =	ssyncadd.s32 $0xFFFFC400  }
0xba: {  	[spmem:s4] =	stream.indirect.scatter.add.f32 [tilespmem:s16], [sflag:$0x4], $0x80, s11, s14, $0xb8;
	[tilespmem:$0x1F4C0] =	vst v63  }
0xbb: {  	_ =	swait.ge [sflag:s20], $0x3C00  }
0xbc: {  	[sflag:s20] =	ssyncset.done $0x0  }
0xbd: {  	[sflag:s20] =	ssyncadd.s32 $0xFFFFC400  }
0xbe: {  	[spmem:s4] =	stream.indirect.scatter.add.f32 [tilespmem:s17], [sflag:$0x4], $0x80, s13, s14, $0xb8;
	[tilespmem:$0x1F4C0] =	vst v63  }
0xbf: {  	_ =	swait.ge [sflag:s21], $0x3C00  }
0xc0: {  	[sflag:s21] =	ssyncset.done $0x0  }
0xc1: {  	[sflag:s21] =	ssyncadd.s32 $0xFFFFC400  }
0xc2: {  	_ =	swait.ge [sflag:s21], $0x3C00  }
.Ltmp2:
0xc3: {  	[sflag:s21] =	ssyncset.done $0x0;
	(pc) =	sbr.rel @p1 .LBB2_4-.Ltmp2, $4  }
0xc4: {  	[sflag:s21] =	ssyncadd.s32 $0xFFFFC400  }
0xc5: {  	_ =	swait.ge [sflag:s21], $0x3C00  }
0xc6: {  	[sflag:s21] =	ssyncset.done $0x0  }
0xc7: {  	[sflag:s21] =	ssyncadd.s32 $0xFFFFC400  }
0xc8: {  	s23 =	sadd.s32 $0xFFFFFF00, s24  }
0xc9: {  	s25 =	sand.u32 $0xFC00, s23  }
0xca: {  	s23 =	sand.u32 $0x380, s23;
	s25 =	sadd.s32 s8, s25  }
0xcb: {  	s23 =	sor.u32 s23, s25  }
0xcc: {  	s23 =	sshrl.u32 s23, $0x3  }
0xcd: {  	s28 =	sadd.s32 $0xFFFFFF80, s24;
	s26 =	sadd.s32 s1, s23  }
0xce: {  	[tilespmem:s7], [sflag:$0x6] =	stream.linear.gather [hbm4b:s26+s5], $0x80, $0x38;
	[tilespmem:$0x1F4C0] =	vst v63  }
0xcf: {  	s23 =	sadd.s32 s3, s23;
	s26 =	sand.u32 $0x1FC00, s28  }
0xd0: {  	[tilespmem:s9], [sflag:$0x6] =	stream.linear.gather [hbm4b:s23+s5], $0x80, $0x38;
	[tilespmem:$0x1F4C0] =	vst v63  }
0xd1: {  	s25 =	sadd.s32 s8, s26;
	s23 =	sand.u32 $0x300, s28  }
0xd2: {  	s23 =	sor.u32 s23, s25  }
0xd3: {  	s23 =	sshrl.u32 s23, $0x3  }
0xd4: {  	s28 =	sadd.s32 s1, s23  }
0xd5: {  	[tilespmem:s10], [sflag:$0x6] =	stream.linear.gather [hbm4b:s28+s5], $0x80, $0x38;
	[tilespmem:$0x1F4C0] =	vst v63  }
0xd6: {  	s25 =	sand.u32 $0x1FC00, s24;
	s23 =	sadd.s32 s3, s23  }
0xd7: {  	[tilespmem:s11], [sflag:$0x6] =	stream.linear.gather [hbm4b:s23+s5], $0x80, $0x38;
	[tilespmem:$0x1F4C0] =	vst v63  }
0xd8: {  	s26 =	sand.u32 $0x380, s24;
	s23 =	sadd.s32 s8, s25  }
0xd9: {  	s23 =	sor.u32 s26, s23  }
0xda: {  	s23 =	sshrl.u32 s23, $0x3  }
0xdb: {  	s28 =	sadd.s32 s1, s23  }
0xdc: {  	[tilespmem:s12], [sflag:$0x6] =	stream.linear.gather [hbm4b:s28+s5], $0x80, $0x38;
	[tilespmem:$0x1F4C0] =	vst v63  }
0xdd: {  	s23 =	sadd.s32 s3, s23  }
0xde: {  	[tilespmem:s13], [sflag:$0x6] =	stream.linear.gather [hbm4b:s23+s5], $0x80, $0x38;
	[tilespmem:$0x1F4C0] =	vst v63  }
0xdf: {  	_ =	swait.ge [sflag:s0], $0x80  }
0xe0: {  	[sflag:s0] =	ssyncset.done $0x0  }
0xe1: {  	[sflag:s0] =	ssyncadd.s32 $0xFFFFFF80  }
0xe2: {  	_ =	swait.ge [sflag:s0], $0x80  }
0xe3: {  	[sflag:s0] =	ssyncset.done $0x0  }
0xe4: {  	[sflag:s0] =	ssyncadd.s32 $0xFFFFFF80  }
0xe5: {  	_ =	swait.ge [sflag:s0], $0x80  }
0xe6: {  	[sflag:s0] =	ssyncset.done $0x0  }
0xe7: {  	[sflag:s0] =	ssyncadd.s32 $0xFFFFFF80  }
0xe8: {  	_ =	swait.ge [sflag:s0], $0x80  }
0xe9: {  	[sflag:s0] =	ssyncset.done $0x0  }
0xea: {  	[sflag:s0] =	ssyncadd.s32 $0xFFFFFF80  }
0xeb: {  	_ =	swait.ge [sflag:s0], $0x80  }
.Ltmp3:
0xec: {  	[sflag:s0] =	ssyncset.done $0x0;
	(pc) =	sbr.rel .LBB2_2-.Ltmp3, $4  }
0xed: {  	[sflag:s0] =	ssyncadd.s32 $0xFFFFFF80  }
0xee: {  	_ =	swait.ge [sflag:s0], $0x80  }
0xef: {  	[sflag:s0] =	ssyncset.done $0x0  }
0xf0: {  	s24 =	sadd.s32 $0x300, s24;
	[sflag:s0] =	ssyncadd.s32 $0xFFFFFF80  }
.LBB2_5:
0xf1: {  	_ =	sfence.sel $0x180000  }
0xf2: {  	[bflag:$0x0] =	sbarrier.arrive $0xFFFF  }
0xf3: {  	_ =	strace $0x9000004D  }
0xf4: {  	s0 =	stileid.u32;
	[bflag:$0x2] =	sbarrier.arrive $0xFFFF  }
0xf5: {  	p0 =	sne.s32 s0, $0x0;
	s0 =	rddreg [dreg:$0x4]  }
0xf6: {  	s0 =	sadd.s32 @!p0 $0x100000, s0  }
0xf7: {  	[sflag:s0] =	ssyncadd.tile.s32 @!p0 $0x1;
	_ =	shalt  }
.Lfunc_end2:
_tile_overlayer_lowered:
.L_overlay_start_2:
0xf8: {  	(tag) =	ssettag $0x2  }
0xf9: {  	s0 =	rddreg [dreg:$0x0];
	s2 =	stileid.u32  }
0xfa: {  	s1 =	rddreg [dreg:$0x1];
	p0 =	sne.s32 s2, $0x0  }
0xfb: {  	s3 =	rddreg [dreg:$0x2];
	[bflag:$0x3] =	sbarrier.arrive $0xFFFF;
	s2 =	simm.s32 @!p0 $0x1C07  }
0xfc: {  	[timem:s3], [sflag:s2] =	dma.local @!p0 [hbm:s0], s1  }
0xfd: {  	s0 =	simm.s32 @!p0 $0x7  }
0xfe: {  	_ =	swait.ge @!p0 [sflag:s0], s1  }
0xff: {  	s1 =	ssub.s32 @!p0 $0x0, s1;
	[sflag:s0] =	ssyncset.done @!p0 $0x0  }
0x100: {  	[sflag:s0] =	ssyncadd.s32 @!p0 s1  }
0x101: {  	[bflag:$0x3] =	sbarrier.arrive $0xFFFF  }
0x102: {  	_ =	shalt  }

</sc_bundles>
